<compile_context>
chip_gen: v7x
topology: tpu7x:2x2x1
jax: 0.10.2.dev20260603
libtpu: 0.0.44.dev20260713+nightly
codegen_flags: <defaults>
</compile_context>

<pallas_src>
import functools

import jax
import jax.numpy as jnp
from jax import lax
from jax.experimental import pallas as pl
from jax.experimental.pallas import tpu as pltpu
from jax.experimental.pallas import tpu_sc as plsc

EPS = 1e-5
NC = 2
NS = 16
NW = NC * NS
CHUNK = 128

SHIFT = 14
MASK = (1 << SHIFT) - 1

_mesh = functools.partial(
    plsc.VectorSubcoreMesh, core_axis_name="c", subcore_axis_name="s")


def _unpack_chunk(pidx_v, j, sidx, didx):
  for t in range(CHUNK // 16):
    v = pidx_v[j, pl.ds(16 * t, 16)]
    sidx[pl.ds(16 * t, 16)] = lax.shift_right_logical(v, SHIFT)
    didx[pl.ds(16 * t, 16)] = lax.bitwise_and(v, MASK)


def _make_sc_deg(n, n_pad, ct, d):
  zr = n_pad // NS

  @functools.partial(
      pl.kernel,
      mesh=_mesh(),
      out_type=jax.ShapeDtypeStruct((NC, n_pad, d), jnp.float32),
      scratch_types=[
          pltpu.VMEM((ct + 2, CHUNK), jnp.int32),
          pltpu.VMEM((CHUNK,), jnp.int32),
          pltpu.VMEM((CHUNK,), jnp.int32),
          pltpu.VMEM((CHUNK,), jnp.int32),
          pltpu.VMEM((CHUNK, d), jnp.float32),
          pltpu.VMEM_SHARED((n_pad, d), jnp.float32),
          pltpu.SemaphoreType.DMA,
          pltpu.SemaphoreType.DMA,
      ],
  )
  def sc_deg(pidx_hbm, ones_hbm, zeros_hbm, out_hbm,
             pidx_v, sidx, didx0, didx1, ones_v, deg_sh, sem0, sem1):
    c = lax.axis_index("c")
    s = lax.axis_index("s")
    wid = c * NS + s
    pltpu.sync_copy(zeros_hbm.at[pl.ds(s * zr, zr)],
                    deg_sh.at[pl.ds(s * zr, zr)])
    pltpu.sync_copy(pidx_hbm.at[wid], pidx_v)
    pltpu.sync_copy(ones_hbm, ones_v)
    plsc.subcore_barrier()
    _unpack_chunk(pidx_v, 0, sidx, didx0)
    pltpu.async_copy(ones_v, deg_sh.at[didx0], sem0, add=True)
    _unpack_chunk(pidx_v, 1, sidx, didx1)
    pltpu.async_copy(ones_v, deg_sh.at[didx1], sem1, add=True)

    def body(k, carry):
      j = 2 * k
      pltpu.make_async_copy(ones_v, deg_sh.at[didx0], sem0).wait()
      _unpack_chunk(pidx_v, j + 2, sidx, didx0)
      pltpu.async_copy(ones_v, deg_sh.at[didx0], sem0, add=True)
      pltpu.make_async_copy(ones_v, deg_sh.at[didx1], sem1).wait()
      _unpack_chunk(pidx_v, j + 3, sidx, didx1)
      pltpu.async_copy(ones_v, deg_sh.at[didx1], sem1, add=True)
      return carry

    lax.fori_loop(0, ct // 2 - 1, body, 0)
    pltpu.make_async_copy(ones_v, deg_sh.at[didx0], sem0).wait()
    pltpu.make_async_copy(ones_v, deg_sh.at[didx1], sem1).wait()
    plsc.subcore_barrier()
    pltpu.sync_copy(deg_sh.at[pl.ds(s * zr, zr)],
                    out_hbm.at[c, pl.ds(s * zr, zr)])

  return sc_deg


def _make_sc_scatter(n, n_pad, ct, d):
  zr = n_pad // NS
  assert ct % 2 == 0

  @functools.partial(
      pl.kernel,
      mesh=_mesh(),
      out_type=jax.ShapeDtypeStruct((NC, n_pad, d), jnp.float32),
      scratch_types=[
          pltpu.VMEM((ct + 2, CHUNK), jnp.int32),
          pltpu.VMEM((CHUNK,), jnp.int32),
          pltpu.VMEM((CHUNK,), jnp.int32),
          pltpu.VMEM((CHUNK,), jnp.int32),
          pltpu.VMEM((CHUNK,), jnp.int32),
          pltpu.VMEM((CHUNK, d), jnp.float32),
          pltpu.VMEM((CHUNK, d), jnp.float32),
          pltpu.VMEM_SHARED((n_pad, d), jnp.float32),
          pltpu.SemaphoreType.DMA,
          pltpu.SemaphoreType.DMA,
      ],
  )
  def sc_scatter(y_hbm, pidx_hbm, zeros_hbm, out_hbm,
                 pidx_v, sidx0, didx0, sidx1, didx1, buf0, buf1, acc_sh,
                 sem0, sem1):
    c = lax.axis_index("c")
    s = lax.axis_index("s")
    wid = c * NS + s
    pltpu.sync_copy(zeros_hbm.at[pl.ds(s * zr, zr)],
                    acc_sh.at[pl.ds(s * zr, zr)])
    pltpu.sync_copy(pidx_hbm.at[wid], pidx_v)
    plsc.subcore_barrier()
    _unpack_chunk(pidx_v, 0, sidx0, didx0)
    pltpu.async_copy(y_hbm.at[sidx0], buf0, sem0)

    def body(k, carry):
      j = 2 * k
      _unpack_chunk(pidx_v, j + 1, sidx1, didx1)
      pltpu.async_copy(y_hbm.at[sidx1], buf1, sem1)
      pltpu.make_async_copy(y_hbm.at[sidx0], buf0, sem0).wait()
      pltpu.sync_copy(buf0, acc_sh.at[didx0], add=True)
      _unpack_chunk(pidx_v, j + 2, sidx0, didx0)
      pltpu.async_copy(y_hbm.at[sidx0], buf0, sem0)
      pltpu.make_async_copy(y_hbm.at[sidx1], buf1, sem1).wait()
      pltpu.sync_copy(buf1, acc_sh.at[didx1], add=True)
      return carry

    lax.fori_loop(0, ct // 2, body, 0)
    pltpu.make_async_copy(y_hbm.at[sidx0], buf0, sem0).wait()
    plsc.subcore_barrier()
    pltpu.sync_copy(acc_sh.at[pl.ds(s * zr, zr)],
                    out_hbm.at[c, pl.ds(s * zr, zr)])

  return sc_scatter


def _tc_proj(x_ref, wp_ref, bp_ref, h_ref):
  h_ref[...] = jnp.maximum(
      jnp.dot(x_ref[...], wp_ref[...], preferred_element_type=jnp.float32)
      + bp_ref[...], 0.0)


def _tc_first(h_ref, w0_ref, degp_ref, xt_ref, y_ref, dinv_ref):
  n = h_ref.shape[0]
  deg = degp_ref[0, :n, 0:1] + degp_ref[1, :n, 0:1] + 1.0
  dinv = lax.rsqrt(deg)
  xt = jnp.dot(h_ref[...], w0_ref[...], preferred_element_type=jnp.float32)
  xt_ref[...] = xt
  y_ref[...] = xt * dinv
  dinv_ref[...] = dinv


def _tc_layer(p_ref, xt_ref, h_ref, dinv_ref, b_ref, g_ref, be_ref, wn_ref,
              hn_ref, xtn_ref, yn_ref):
  n = xt_ref.shape[0]
  dinv = dinv_ref[...]
  xt = xt_ref[...]
  conv = dinv * (p_ref[0, :n] + p_ref[1, :n]) + (dinv * dinv) * xt + b_ref[...]
  mu = jnp.mean(conv, axis=0, keepdims=True)
  var = jnp.mean((conv - mu) ** 2, axis=0, keepdims=True)
  bn = g_ref[...] * (conv - mu) * lax.rsqrt(var + EPS) + be_ref[...]
  hn = jnp.maximum(bn, 0.0) + h_ref[...]
  hn_ref[...] = hn
  if wn_ref is not None:
    xtn = jnp.dot(hn, wn_ref[...], preferred_element_type=jnp.float32)
    xtn_ref[...] = xtn
    yn_ref[...] = xtn * dinv


def _tc_last(p_ref, xt_ref, h_ref, dinv_ref, b_ref, g_ref, be_ref, hn_ref):
  _tc_layer(p_ref, xt_ref, h_ref, dinv_ref, b_ref, g_ref, be_ref, None,
            hn_ref, None, None)


def kernel(x, edge_index, Wp, bp, Ws, bs, gammas, betas):
  n, d = x.shape
  num_layers = Ws.shape[0]
  e = edge_index.shape[1]
  ct = -(-e // (NW * CHUNK))
  ct = ct + (ct % 2)
  e_pad = ct * NW * CHUNK
  n_pad = -(-(n + 1) // (NS * 8)) * (NS * 8)
  assert n_pad <= (1 << SHIFT)

  pad = e_pad - e
  pad_src = (jnp.arange(pad, dtype=jnp.int32) * 37) % n
  pad_dst = n + (jnp.arange(pad, dtype=jnp.int32) % (n_pad - n))
  src = jnp.concatenate([edge_index[0], pad_src])
  dst = jnp.concatenate([edge_index[1], pad_dst])
  pidx = ((src << SHIFT) | dst).reshape(NW, ct, CHUNK)
  pidx = jnp.concatenate([pidx, jnp.zeros((NW, 2, CHUNK), jnp.int32)], axis=1)

  ones_d = jnp.ones((CHUNK, d), jnp.float32)
  zeros_d = jnp.zeros((n_pad, d), jnp.float32)

  f32 = jnp.float32
  nd = jax.ShapeDtypeStruct((n, d), f32)

  degp = _make_sc_deg(n, n_pad, ct, d)(pidx, ones_d, zeros_d)
  h = pl.pallas_call(_tc_proj, out_shape=nd)(x, Wp, bp.reshape(1, d))
  xt, y, dinv = pl.pallas_call(
      _tc_first,
      out_shape=(nd, nd, jax.ShapeDtypeStruct((n, 1), f32)),
  )(h, Ws[0], degp)

  sc_scatter = _make_sc_scatter(n, n_pad, ct, d)
  for i in range(num_layers):
    p = sc_scatter(y, pidx, zeros_d)
    if i + 1 < num_layers:
      h, xt, y = pl.pallas_call(
          _tc_layer, out_shape=(nd, nd, nd),
      )(p, xt, h, dinv, bs[i].reshape(1, d), gammas[i].reshape(1, d),
        betas[i].reshape(1, d), Ws[i + 1])
    else:
      h = pl.pallas_call(
          _tc_last, out_shape=nd,
      )(p, xt, h, dinv, bs[i].reshape(1, d), gammas[i].reshape(1, d),
        betas[i].reshape(1, d))
  return h

# --- scband reference (transcript-rebuilt; emitter-appended) ---
"""Pipeline reference for scband-pretrain-gnnencoder-46480136077495 (READ-ONLY COPY).

The authoritative reference and input builder live on the scoring server;
editing this copy changes nothing except your own understanding.
"""

import jax, jax.numpy as jnp
import numpy as np

N = 10000
E = 320000
D = 128
L = 4
EPS = 1e-5


def setup_inputs(seed: int = 0) -> dict:
    key = jax.random.key(seed)
    ks = jax.random.split(key, 8)
    x = jax.random.normal(ks[0], (N, D), dtype=jnp.float32)
    edge_index = jax.random.randint(ks[1], (2, E), 0, N, dtype=jnp.int32)
    Wp = jax.random.normal(ks[2], (D, D), dtype=jnp.float32) * 0.05
    bp = jnp.zeros((D,), dtype=jnp.float32)
    Ws = jax.random.normal(ks[3], (L, D, D), dtype=jnp.float32) * 0.05
    bs = jnp.zeros((L, D), dtype=jnp.float32)
    gammas = jnp.ones((L, D), dtype=jnp.float32)
    betas = jnp.zeros((L, D), dtype=jnp.float32)
    return {"x": x, "edge_index": edge_index, "Wp": Wp, "bp": bp,
            "Ws": Ws, "bs": bs, "gammas": gammas, "betas": betas}


def _gcn_conv(x, edge_index, W, b):
    # PyG GCNConv: linear transform, add self-loops, symmetric normalization, scatter-add, bias
    n = x.shape[0]
    xt = x @ W
    loop = jnp.arange(n, dtype=edge_index.dtype)
    src = jnp.concatenate([edge_index[0], loop])
    dst = jnp.concatenate([edge_index[1], loop])
    deg = jnp.zeros((n,), dtype=x.dtype).at[dst].add(1.0)
    dinv = jnp.where(deg > 0, deg ** -0.5, 0.0)
    norm = dinv[src] * dinv[dst]
    msg = jnp.take(xt, src, axis=0) * norm[:, None]
    out = jax.ops.segment_sum(msg, dst, num_segments=n)
    return out + b


def _batch_norm(x, gamma, beta):
    # BatchNorm1d in training mode: batch statistics over node dimension
    mu = jnp.mean(x, axis=0)
    var = jnp.var(x, axis=0)
    return gamma * (x - mu) / jnp.sqrt(var + EPS) + beta


def reference(x, edge_index, Wp, bp, Ws, bs, gammas, betas):
    h = jax.nn.relu(x @ Wp + bp)
    for i in range(L):
        r = h
        h = _gcn_conv(h, edge_index, Ws[i], bs[i])
        h = _batch_norm(h, gammas[i], betas[i])
        h = jax.nn.relu(h)
        # dropout is identity in deterministic/eval reference
        h = h + r
    return h

if __name__ == "__main__":
    import jax
    _d = setup_inputs()
    print(jax.jit(kernel)(*tuple(_d.values())))

</pallas_src>

<mosaic_0001>
#map = affine_map<(d0, d1) -> (0, 0)>
#map1 = affine_map<(d0, d1) -> (0, 0, 0)>
module attributes {stable_mosaic.version = 14 : i64} {
  func.func @sc_scatter(%arg0: i32, %arg1: i32, %arg2: memref<10000x128xf32, #tpu.memory_space<hbm>>, %arg3: memref<32x82x128xi32, #tpu.memory_space<hbm>>, %arg4: memref<10112x128xf32, #tpu.memory_space<hbm>>, %arg5: memref<2x10112x128xf32, #tpu.memory_space<hbm>>, %arg6: memref<82x128xi32, #tpu.memory_space<vmem>>, %arg7: memref<128xi32, #tpu.memory_space<vmem>>, %arg8: memref<128xi32, #tpu.memory_space<vmem>>, %arg9: memref<128xi32, #tpu.memory_space<vmem>>, %arg10: memref<128xi32, #tpu.memory_space<vmem>>, %arg11: memref<128x128xf32, #tpu.memory_space<vmem>>, %arg12: memref<128x128xf32, #tpu.memory_space<vmem>>, %arg13: memref<10112x128xf32, #tpu.memory_space<vmem_shared>>, %arg14: memref<!tpu.dma_semaphore, #tpu.memory_space<semaphore_mem>>, %arg15: memref<!tpu.dma_semaphore, #tpu.memory_space<semaphore_mem>>) attributes {dimension_semantics = [#tpu.dimension_semantics<core_parallel>, #tpu.dimension_semantics<subcore_parallel>], iteration_bounds = array<i64: 2, 16>, scalar_prefetch = 0 : i64, scratch_operands = 10 : i64, tpu.core_type = #tpu.core_type<sc_vector_subcore>, window_params = [{transform_indices = #map}, {transform_indices = #map1}, {transform_indices = #map}, {transform_indices = #map1}]} {
    %mul3A = arith.constant 16 : i32
    %mul3A_0 = arith.muli %arg0, %mul3A : i32
    %add3A = arith.addi %mul3A_0, %arg1 : i32
    %mul3A_1 = arith.constant 632 : i32
    %mul3A_2 = arith.muli %arg1, %mul3A_1 : i32
    %mul3A_3 = arith.constant 632 : i32
    %mul3A_4 = arith.muli %arg1, %mul3A_3 : i32
    "tpu.region"() ({
      %run_scoped3A = tpu.sem_alloc : memref<!tpu.dma_semaphore, #tpu.memory_space<semaphore_mem>>
      %dma_start3A_167 = arith.constant 0 : i32
      %dma_start3A_168 = tpu.memref_slice %arg13[%mul3A_4, %dma_start3A_167] : memref<10112x128xf32, #tpu.memory_space<vmem_shared>> -> memref<632x128xf32, #tpu.memory_space<vmem_shared>>
      %dma_start3A_169 = arith.constant 0 : i32
      %dma_start3A_170 = tpu.memref_slice %arg4[%mul3A_2, %dma_start3A_169] : memref<10112x128xf32, #tpu.memory_space<hbm>> -> memref<632x128xf32, #tpu.memory_space<hbm>>
      tpu.enqueue_dma source(%dma_start3A_170 : memref<632x128xf32, #tpu.memory_space<hbm>>) target(%dma_start3A_168 : memref<632x128xf32, #tpu.memory_space<vmem_shared>>) target_semaphore(%run_scoped3A : memref<!tpu.dma_semaphore, #tpu.memory_space<semaphore_mem>>)
      %dma_wait3A_171 = arith.constant 0 : i32
      %dma_wait3A_172 = tpu.memref_slice %arg13[%mul3A_4, %dma_wait3A_171] : memref<10112x128xf32, #tpu.memory_space<vmem_shared>> -> memref<632x128xf32, #tpu.memory_space<vmem_shared>>
      %dma_wait3A_173 = arith.constant 0 : i32
      %dma_wait3A_174 = tpu.memref_slice %arg4[%mul3A_2, %dma_wait3A_173] : memref<10112x128xf32, #tpu.memory_space<hbm>> -> memref<632x128xf32, #tpu.memory_space<hbm>>
      tpu.wait_dma2 semaphore(%run_scoped3A : memref<!tpu.dma_semaphore, #tpu.memory_space<semaphore_mem>>) src(%dma_wait3A_174 : memref<632x128xf32, #tpu.memory_space<hbm>>) dst(%dma_wait3A_172 : memref<632x128xf32, #tpu.memory_space<vmem_shared>>)
      tpu.yield
    }) : () -> ()
    "tpu.region"() ({
      %run_scoped3A = tpu.sem_alloc : memref<!tpu.dma_semaphore, #tpu.memory_space<semaphore_mem>>
      %dma_start3A_167 = arith.constant 0 : i32
      %dma_start3A_168 = arith.constant 0 : i32
      %dma_start3A_169 = tpu.memref_slice %arg3[%add3A, %dma_start3A_167, %dma_start3A_168] : memref<32x82x128xi32, #tpu.memory_space<hbm>> -> memref<1x82x128xi32, #tpu.memory_space<hbm>>
      %dma_start3A_170 = tpu.memref_squeeze %dma_start3A_169 : memref<1x82x128xi32, #tpu.memory_space<hbm>> -> memref<82x128xi32, #tpu.memory_space<hbm>>
      %dma_start3A_171 = arith.constant 0 : i32
      %dma_start3A_172 = arith.constant 0 : i32
      %dma_start3A_173 = tpu.memref_slice %arg3[%add3A, %dma_start3A_171, %dma_start3A_172] : memref<32x82x128xi32, #tpu.memory_space<hbm>> -> memref<1x82x128xi32, #tpu.memory_space<hbm>>
      %dma_start3A_174 = tpu.memref_squeeze %dma_start3A_173 : memref<1x82x128xi32, #tpu.memory_space<hbm>> -> memref<82x128xi32, #tpu.memory_space<hbm>>
      tpu.enqueue_dma source(%dma_start3A_174 : memref<82x128xi32, #tpu.memory_space<hbm>>) target(%arg6 : memref<82x128xi32, #tpu.memory_space<vmem>>) target_semaphore(%run_scoped3A : memref<!tpu.dma_semaphore, #tpu.memory_space<semaphore_mem>>)
      %dma_wait3A_175 = arith.constant 0 : i32
      %dma_wait3A_176 = arith.constant 0 : i32
      %dma_wait3A_177 = tpu.memref_slice %arg3[%add3A, %dma_wait3A_175, %dma_wait3A_176] : memref<32x82x128xi32, #tpu.memory_space<hbm>> -> memref<1x82x128xi32, #tpu.memory_space<hbm>>
      %dma_wait3A_178 = tpu.memref_squeeze %dma_wait3A_177 : memref<1x82x128xi32, #tpu.memory_space<hbm>> -> memref<82x128xi32, #tpu.memory_space<hbm>>
      %dma_wait3A_179 = arith.constant 0 : i32
      %dma_wait3A_180 = arith.constant 0 : i32
      %dma_wait3A_181 = tpu.memref_slice %arg3[%add3A, %dma_wait3A_179, %dma_wait3A_180] : memref<32x82x128xi32, #tpu.memory_space<hbm>> -> memref<1x82x128xi32, #tpu.memory_space<hbm>>
      %dma_wait3A_182 = tpu.memref_squeeze %dma_wait3A_181 : memref<1x82x128xi32, #tpu.memory_space<hbm>> -> memref<82x128xi32, #tpu.memory_space<hbm>>
      tpu.wait_dma2 semaphore(%run_scoped3A : memref<!tpu.dma_semaphore, #tpu.memory_space<semaphore_mem>>) src(%dma_wait3A_182 : memref<82x128xi32, #tpu.memory_space<hbm>>) dst(%arg6 : memref<82x128xi32, #tpu.memory_space<vmem>>)
      tpu.yield
    }) : () -> ()
    %barrier3A = arith.constant 0 : index
    tpu.barrier barrier_id(%barrier3A)
    %get3A = arith.constant 0 : i32
    %get3A_5 = arith.index_cast %get3A : i32 to index
    %get3A_6 = arith.constant 0 : index
    %get3A_7 = tpu.vector_load %arg6[%get3A_5, %get3A_6] {strides = array<i32>} : memref<82x128xi32, #tpu.memory_space<vmem>>, vector<1x16xi32>,
    %get3A_8 = vector.shape_cast %get3A_7 : vector<1x16xi32> to vector<16xi32>
    %shift_right_logical3A = arith.constant 14 : i32
    %shift_right_logical3A_9 = vector.broadcast %shift_right_logical3A : i32 to vector<16xi32>
    %shift_right_logical3A_10 = arith.shrui %get3A_8, %shift_right_logical3A_9 : vector<16xi32>
    %swap3A = arith.constant 0 : index
    %swap3A_11 = tpu.vector_load %arg7[%swap3A] {strides = array<i32>} : memref<128xi32, #tpu.memory_space<vmem>>, vector<16xi32>,
    %swap3A_12 = vector.shape_cast %swap3A_11 : vector<16xi32> to vector<16xi32>
    %swap3A_13 = vector.shape_cast %shift_right_logical3A_10 : vector<16xi32> to vector<16xi32>
    tpu.vector_store %arg7[%swap3A], %swap3A_13 {strides = array<i32>} : memref<128xi32, #tpu.memory_space<vmem>>, vector<16xi32>,
    %and3A = arith.constant 16383 : i32
    %and3A_14 = vector.broadcast %and3A : i32 to vector<16xi32>
    %and3A_15 = arith.andi %get3A_8, %and3A_14 : vector<16xi32>
    %swap3A_16 = arith.constant 0 : index
    %swap3A_17 = tpu.vector_load %arg8[%swap3A_16] {strides = array<i32>} : memref<128xi32, #tpu.memory_space<vmem>>, vector<16xi32>,
    %swap3A_18 = vector.shape_cast %swap3A_17 : vector<16xi32> to vector<16xi32>
    %swap3A_19 = vector.shape_cast %and3A_15 : vector<16xi32> to vector<16xi32>
    tpu.vector_store %arg8[%swap3A_16], %swap3A_19 {strides = array<i32>} : memref<128xi32, #tpu.memory_space<vmem>>, vector<16xi32>,
    %get3A_20 = arith.constant 0 : i32
    %get3A_21 = arith.index_cast %get3A_20 : i32 to index
    %get3A_22 = arith.constant 16 : index
    %get3A_23 = tpu.vector_load %arg6[%get3A_21, %get3A_22] {strides = array<i32>} : memref<82x128xi32, #tpu.memory_space<vmem>>, vector<1x16xi32>,
    %get3A_24 = vector.shape_cast %get3A_23 : vector<1x16xi32> to vector<16xi32>
    %shift_right_logical3A_25 = arith.constant 14 : i32
    %shift_right_logical3A_26 = vector.broadcast %shift_right_logical3A_25 : i32 to vector<16xi32>
    %shift_right_logical3A_27 = arith.shrui %get3A_24, %shift_right_logical3A_26 : vector<16xi32>
    %swap3A_28 = arith.constant 16 : index
    %swap3A_29 = tpu.vector_load %arg7[%swap3A_28] {strides = array<i32>} : memref<128xi32, #tpu.memory_space<vmem>>, vector<16xi32>,
    %swap3A_30 = vector.shape_cast %swap3A_29 : vector<16xi32> to vector<16xi32>
    %swap3A_31 = vector.shape_cast %shift_right_logical3A_27 : vector<16xi32> to vector<16xi32>
    tpu.vector_store %arg7[%swap3A_28], %swap3A_31 {strides = array<i32>} : memref<128xi32, #tpu.memory_space<vmem>>, vector<16xi32>,
    %and3A_32 = arith.constant 16383 : i32
    %and3A_33 = vector.broadcast %and3A_32 : i32 to vector<16xi32>
    %and3A_34 = arith.andi %get3A_24, %and3A_33 : vector<16xi32>
    %swap3A_35 = arith.constant 16 : index
    %swap3A_36 = tpu.vector_load %arg8[%swap3A_35] {strides = array<i32>} : memref<128xi32, #tpu.memory_space<vmem>>, vector<16xi32>,
    %swap3A_37 = vector.shape_cast %swap3A_36 : vector<16xi32> to vector<16xi32>
    %swap3A_38 = vector.shape_cast %and3A_34 : vector<16xi32> to vector<16xi32>
    tpu.vector_store %arg8[%swap3A_35], %swap3A_38 {strides = array<i32>} : memref<128xi32, #tpu.memory_space<vmem>>, vector<16xi32>,
    %get3A_39 = arith.constant 0 : i32
    %get3A_40 = arith.index_cast %get3A_39 : i32 to index
    %get3A_41 = arith.constant 32 : index
    %get3A_42 = tpu.vector_load %arg6[%get3A_40, %get3A_41] {strides = array<i32>} : memref<82x128xi32, #tpu.memory_space<vmem>>, vector<1x16xi32>,
    %get3A_43 = vector.shape_cast %get3A_42 : vector<1x16xi32> to vector<16xi32>
    %shift_right_logical3A_44 = arith.constant 14 : i32
    %shift_right_logical3A_45 = vector.broadcast %shift_right_logical3A_44 : i32 to vector<16xi32>
    %shift_right_logical3A_46 = arith.shrui %get3A_43, %shift_right_logical3A_45 : vector<16xi32>
    %swap3A_47 = arith.constant 32 : index
    %swap3A_48 = tpu.vector_load %arg7[%swap3A_47] {strides = array<i32>} : memref<128xi32, #tpu.memory_space<vmem>>, vector<16xi32>,
    %swap3A_49 = vector.shape_cast %swap3A_48 : vector<16xi32> to vector<16xi32>
    %swap3A_50 = vector.shape_cast %shift_right_logical3A_46 : vector<16xi32> to vector<16xi32>
    tpu.vector_store %arg7[%swap3A_47], %swap3A_50 {strides = array<i32>} : memref<128xi32, #tpu.memory_space<vmem>>, vector<16xi32>,
    %and3A_51 = arith.constant 16383 : i32
    %and3A_52 = vector.broadcast %and3A_51 : i32 to vector<16xi32>
    %and3A_53 = arith.andi %get3A_43, %and3A_52 : vector<16xi32>
    %swap3A_54 = arith.constant 32 : index
    %swap3A_55 = tpu.vector_load %arg8[%swap3A_54] {strides = array<i32>} : memref<128xi32, #tpu.memory_space<vmem>>, vector<16xi32>,
    %swap3A_56 = vector.shape_cast %swap3A_55 : vector<16xi32> to vector<16xi32>
    %swap3A_57 = vector.shape_cast %and3A_53 : vector<16xi32> to vector<16xi32>
    tpu.vector_store %arg8[%swap3A_54], %swap3A_57 {strides = array<i32>} : memref<128xi32, #tpu.memory_space<vmem>>, vector<16xi32>,
    %get3A_58 = arith.constant 0 : i32
    %get3A_59 = arith.index_cast %get3A_58 : i32 to index
    %get3A_60 = arith.constant 48 : index
    %get3A_61 = tpu.vector_load %arg6[%get3A_59, %get3A_60] {strides = array<i32>} : memref<82x128xi32, #tpu.memory_space<vmem>>, vector<1x16xi32>,
    %get3A_62 = vector.shape_cast %get3A_61 : vector<1x16xi32> to vector<16xi32>
    %shift_right_logical3A_63 = arith.constant 14 : i32
    %shift_right_logical3A_64 = vector.broadcast %shift_right_logical3A_63 : i32 to vector<16xi32>
    %shift_right_logical3A_65 = arith.shrui %get3A_62, %shift_right_logical3A_64 : vector<16xi32>
    %swap3A_66 = arith.constant 48 : index
    %swap3A_67 = tpu.vector_load %arg7[%swap3A_66] {strides = array<i32>} : memref<128xi32, #tpu.memory_space<vmem>>, vector<16xi32>,
    %swap3A_68 = vector.shape_cast %swap3A_67 : vector<16xi32> to vector<16xi32>
    %swap3A_69 = vector.shape_cast %shift_right_logical3A_65 : vector<16xi32> to vector<16xi32>
    tpu.vector_store %arg7[%swap3A_66], %swap3A_69 {strides = array<i32>} : memref<128xi32, #tpu.memory_space<vmem>>, vector<16xi32>,
    %and3A_70 = arith.constant 16383 : i32
    %and3A_71 = vector.broadcast %and3A_70 : i32 to vector<16xi32>
    %and3A_72 = arith.andi %get3A_62, %and3A_71 : vector<16xi32>
    %swap3A_73 = arith.constant 48 : index
    %swap3A_74 = tpu.vector_load %arg8[%swap3A_73] {strides = array<i32>} : memref<128xi32, #tpu.memory_space<vmem>>, vector<16xi32>,
    %swap3A_75 = vector.shape_cast %swap3A_74 : vector<16xi32> to vector<16xi32>
    %swap3A_76 = vector.shape_cast %and3A_72 : vector<16xi32> to vector<16xi32>
    tpu.vector_store %arg8[%swap3A_73], %swap3A_76 {strides = array<i32>} : memref<128xi32, #tpu.memory_space<vmem>>, vector<16xi32>,
    %get3A_77 = arith.constant 0 : i32
    %get3A_78 = arith.index_cast %get3A_77 : i32 to index
    %get3A_79 = arith.constant 64 : index
    %get3A_80 = tpu.vector_load %arg6[%get3A_78, %get3A_79] {strides = array<i32>} : memref<82x128xi32, #tpu.memory_space<vmem>>, vector<1x16xi32>,
    %get3A_81 = vector.shape_cast %get3A_80 : vector<1x16xi32> to vector<16xi32>
    %shift_right_logical3A_82 = arith.constant 14 : i32
    %shift_right_logical3A_83 = vector.broadcast %shift_right_logical3A_82 : i32 to vector<16xi32>
    %shift_right_logical3A_84 = arith.shrui %get3A_81, %shift_right_logical3A_83 : vector<16xi32>
    %swap3A_85 = arith.constant 64 : index
    %swap3A_86 = tpu.vector_load %arg7[%swap3A_85] {strides = array<i32>} : memref<128xi32, #tpu.memory_space<vmem>>, vector<16xi32>,
    %swap3A_87 = vector.shape_cast %swap3A_86 : vector<16xi32> to vector<16xi32>
    %swap3A_88 = vector.shape_cast %shift_right_logical3A_84 : vector<16xi32> to vector<16xi32>
    tpu.vector_store %arg7[%swap3A_85], %swap3A_88 {strides = array<i32>} : memref<128xi32, #tpu.memory_space<vmem>>, vector<16xi32>,
    %and3A_89 = arith.constant 16383 : i32
    %and3A_90 = vector.broadcast %and3A_89 : i32 to vector<16xi32>
    %and3A_91 = arith.andi %get3A_81, %and3A_90 : vector<16xi32>
    %swap3A_92 = arith.constant 64 : index
    %swap3A_93 = tpu.vector_load %arg8[%swap3A_92] {strides = array<i32>} : memref<128xi32, #tpu.memory_space<vmem>>, vector<16xi32>,
    %swap3A_94 = vector.shape_cast %swap3A_93 : vector<16xi32> to vector<16xi32>
    %swap3A_95 = vector.shape_cast %and3A_91 : vector<16xi32> to vector<16xi32>
    tpu.vector_store %arg8[%swap3A_92], %swap3A_95 {strides = array<i32>} : memref<128xi32, #tpu.memory_space<vmem>>, vector<16xi32>,
    %get3A_96 = arith.constant 0 : i32
    %get3A_97 = arith.index_cast %get3A_96 : i32 to index
    %get3A_98 = arith.constant 80 : index
    %get3A_99 = tpu.vector_load %arg6[%get3A_97, %get3A_98] {strides = array<i32>} : memref<82x128xi32, #tpu.memory_space<vmem>>, vector<1x16xi32>,
    %get3A_100 = vector.shape_cast %get3A_99 : vector<1x16xi32> to vector<16xi32>
    %shift_right_logical3A_101 = arith.constant 14 : i32
    %shift_right_logical3A_102 = vector.broadcast %shift_right_logical3A_101 : i32 to vector<16xi32>
    %shift_right_logical3A_103 = arith.shrui %get3A_100, %shift_right_logical3A_102 : vector<16xi32>
    %swap3A_104 = arith.constant 80 : index
    %swap3A_105 = tpu.vector_load %arg7[%swap3A_104] {strides = array<i32>} : memref<128xi32, #tpu.memory_space<vmem>>, vector<16xi32>,
    %swap3A_106 = vector.shape_cast %swap3A_105 : vector<16xi32> to vector<16xi32>
    %swap3A_107 = vector.shape_cast %shift_right_logical3A_103 : vector<16xi32> to vector<16xi32>
    tpu.vector_store %arg7[%swap3A_104], %swap3A_107 {strides = array<i32>} : memref<128xi32, #tpu.memory_space<vmem>>, vector<16xi32>,
    %and3A_108 = arith.constant 16383 : i32
    %and3A_109 = vector.broadcast %and3A_108 : i32 to vector<16xi32>
    %and3A_110 = arith.andi %get3A_100, %and3A_109 : vector<16xi32>
    %swap3A_111 = arith.constant 80 : index
    %swap3A_112 = tpu.vector_load %arg8[%swap3A_111] {strides = array<i32>} : memref<128xi32, #tpu.memory_space<vmem>>, vector<16xi32>,
    %swap3A_113 = vector.shape_cast %swap3A_112 : vector<16xi32> to vector<16xi32>
    %swap3A_114 = vector.shape_cast %and3A_110 : vector<16xi32> to vector<16xi32>
    tpu.vector_store %arg8[%swap3A_111], %swap3A_114 {strides = array<i32>} : memref<128xi32, #tpu.memory_space<vmem>>, vector<16xi32>,
    %get3A_115 = arith.constant 0 : i32
    %get3A_116 = arith.index_cast %get3A_115 : i32 to index
    %get3A_117 = arith.constant 96 : index
    %get3A_118 = tpu.vector_load %arg6[%get3A_116, %get3A_117] {strides = array<i32>} : memref<82x128xi32, #tpu.memory_space<vmem>>, vector<1x16xi32>,
    %get3A_119 = vector.shape_cast %get3A_118 : vector<1x16xi32> to vector<16xi32>
    %shift_right_logical3A_120 = arith.constant 14 : i32
    %shift_right_logical3A_121 = vector.broadcast %shift_right_logical3A_120 : i32 to vector<16xi32>
    %shift_right_logical3A_122 = arith.shrui %get3A_119, %shift_right_logical3A_121 : vector<16xi32>
    %swap3A_123 = arith.constant 96 : index
    %swap3A_124 = tpu.vector_load %arg7[%swap3A_123] {strides = array<i32>} : memref<128xi32, #tpu.memory_space<vmem>>, vector<16xi32>,
    %swap3A_125 = vector.shape_cast %swap3A_124 : vector<16xi32> to vector<16xi32>
    %swap3A_126 = vector.shape_cast %shift_right_logical3A_122 : vector<16xi32> to vector<16xi32>
    tpu.vector_store %arg7[%swap3A_123], %swap3A_126 {strides = array<i32>} : memref<128xi32, #tpu.memory_space<vmem>>, vector<16xi32>,
    %and3A_127 = arith.constant 16383 : i32
    %and3A_128 = vector.broadcast %and3A_127 : i32 to vector<16xi32>
    %and3A_129 = arith.andi %get3A_119, %and3A_128 : vector<16xi32>
    %swap3A_130 = arith.constant 96 : index
    %swap3A_131 = tpu.vector_load %arg8[%swap3A_130] {strides = array<i32>} : memref<128xi32, #tpu.memory_space<vmem>>, vector<16xi32>,
    %swap3A_132 = vector.shape_cast %swap3A_131 : vector<16xi32> to vector<16xi32>
    %swap3A_133 = vector.shape_cast %and3A_129 : vector<16xi32> to vector<16xi32>
    tpu.vector_store %arg8[%swap3A_130], %swap3A_133 {strides = array<i32>} : memref<128xi32, #tpu.memory_space<vmem>>, vector<16xi32>,
    %get3A_134 = arith.constant 0 : i32
    %get3A_135 = arith.index_cast %get3A_134 : i32 to index
    %get3A_136 = arith.constant 112 : index
    %get3A_137 = tpu.vector_load %arg6[%get3A_135, %get3A_136] {strides = array<i32>} : memref<82x128xi32, #tpu.memory_space<vmem>>, vector<1x16xi32>,
    %get3A_138 = vector.shape_cast %get3A_137 : vector<1x16xi32> to vector<16xi32>
    %shift_right_logical3A_139 = arith.constant 14 : i32
    %shift_right_logical3A_140 = vector.broadcast %shift_right_logical3A_139 : i32 to vector<16xi32>
    %shift_right_logical3A_141 = arith.shrui %get3A_138, %shift_right_logical3A_140 : vector<16xi32>
    %swap3A_142 = arith.constant 112 : index
    %swap3A_143 = tpu.vector_load %arg7[%swap3A_142] {strides = array<i32>} : memref<128xi32, #tpu.memory_space<vmem>>, vector<16xi32>,
    %swap3A_144 = vector.shape_cast %swap3A_143 : vector<16xi32> to vector<16xi32>
    %swap3A_145 = vector.shape_cast %shift_right_logical3A_141 : vector<16xi32> to vector<16xi32>
    tpu.vector_store %arg7[%swap3A_142], %swap3A_145 {strides = array<i32>} : memref<128xi32, #tpu.memory_space<vmem>>, vector<16xi32>,
    %and3A_146 = arith.constant 16383 : i32
    %and3A_147 = vector.broadcast %and3A_146 : i32 to vector<16xi32>
    %and3A_148 = arith.andi %get3A_138, %and3A_147 : vector<16xi32>
    %swap3A_149 = arith.constant 112 : index
    %swap3A_150 = tpu.vector_load %arg8[%swap3A_149] {strides = array<i32>} : memref<128xi32, #tpu.memory_space<vmem>>, vector<16xi32>,
    %swap3A_151 = vector.shape_cast %swap3A_150 : vector<16xi32> to vector<16xi32>
    %swap3A_152 = vector.shape_cast %and3A_148 : vector<16xi32> to vector<16xi32>
    tpu.vector_store %arg8[%swap3A_149], %swap3A_152 {strides = array<i32>} : memref<128xi32, #tpu.memory_space<vmem>>, vector<16xi32>,
    %dma_start3A = arith.constant 0 : i32
    %dma_start3A_153 = arith.constant 0 : i32
    %dma_start3A_154 = tpu.memref_slice %arg2[%dma_start3A, %dma_start3A_153] : memref<10000x128xf32, #tpu.memory_space<hbm>> -> memref<10000x128xf32, #tpu.memory_space<hbm>>
    tpu.enqueue_indirect_dma source(%dma_start3A_154 : memref<10000x128xf32, #tpu.memory_space<hbm>>) target(%arg11 : memref<128x128xf32, #tpu.memory_space<vmem>>) offsets(%arg7 : memref<128xi32, #tpu.memory_space<vmem>>) semaphore(%arg14 : memref<!tpu.dma_semaphore, #tpu.memory_space<semaphore_mem>>)
    %scan3A = arith.constant 0 : i32
    %scan3A_155 = arith.constant 0 : i32
    %scan3A_156 = arith.constant 40 : i32
    %scan3A_157 = arith.addi %scan3A_155, %scan3A_156 : i32
    %scan3A_158 = arith.constant 1 : i32
    scf.for %scan3A_167 = %scan3A_155 to %scan3A_157 step %scan3A_158  : i32 {
      %mul3A_168 = arith.constant 2 : i32
      %mul3A_169 = arith.muli %mul3A_168, %scan3A_167 : i32
      %add3A_170 = arith.constant 1 : i32
      %add3A_171 = arith.addi %mul3A_169, %add3A_170 : i32
      %get3A_172 = arith.index_cast %add3A_171 : i32 to index
      %get3A_173 = arith.constant 0 : index
      %get3A_174 = tpu.vector_load %arg6[%get3A_172, %get3A_173] {strides = array<i32>} : memref<82x128xi32, #tpu.memory_space<vmem>>, vector<1x16xi32>,
      %get3A_175 = vector.shape_cast %get3A_174 : vector<1x16xi32> to vector<16xi32>
      %shift_right_logical3A_176 = arith.constant 14 : i32
      %shift_right_logical3A_177 = vector.broadcast %shift_right_logical3A_176 : i32 to vector<16xi32>
      %shift_right_logical3A_178 = arith.shrui %get3A_175, %shift_right_logical3A_177 : vector<16xi32>
      %swap3A_179 = arith.constant 0 : index
      %swap3A_180 = tpu.vector_load %arg9[%swap3A_179] {strides = array<i32>} : memref<128xi32, #tpu.memory_space<vmem>>, vector<16xi32>,
      %swap3A_181 = vector.shape_cast %swap3A_180 : vector<16xi32> to vector<16xi32>
      %swap3A_182 = vector.shape_cast %shift_right_logical3A_178 : vector<16xi32> to vector<16xi32>
      tpu.vector_store %arg9[%swap3A_179], %swap3A_182 {strides = array<i32>} : memref<128xi32, #tpu.memory_space<vmem>>, vector<16xi32>,
      %and3A_183 = arith.constant 16383 : i32
      %and3A_184 = vector.broadcast %and3A_183 : i32 to vector<16xi32>
      %and3A_185 = arith.andi %get3A_175, %and3A_184 : vector<16xi32>
      %swap3A_186 = arith.constant 0 : index
      %swap3A_187 = tpu.vector_load %arg10[%swap3A_186] {strides = array<i32>} : memref<128xi32, #tpu.memory_space<vmem>>, vector<16xi32>,
      %swap3A_188 = vector.shape_cast %swap3A_187 : vector<16xi32> to vector<16xi32>
      %swap3A_189 = vector.shape_cast %and3A_185 : vector<16xi32> to vector<16xi32>
      tpu.vector_store %arg10[%swap3A_186], %swap3A_189 {strides = array<i32>} : memref<128xi32, #tpu.memory_space<vmem>>, vector<16xi32>,
      %get3A_190 = arith.index_cast %add3A_171 : i32 to index
      %get3A_191 = arith.constant 16 : index
      %get3A_192 = tpu.vector_load %arg6[%get3A_190, %get3A_191] {strides = array<i32>} : memref<82x128xi32, #tpu.memory_space<vmem>>, vector<1x16xi32>,
      %get3A_193 = vector.shape_cast %get3A_192 : vector<1x16xi32> to vector<16xi32>
      %shift_right_logical3A_194 = arith.constant 14 : i32
      %shift_right_logical3A_195 = vector.broadcast %shift_right_logical3A_194 : i32 to vector<16xi32>
      %shift_right_logical3A_196 = arith.shrui %get3A_193, %shift_right_logical3A_195 : vector<16xi32>
      %swap3A_197 = arith.constant 16 : index
      %swap3A_198 = tpu.vector_load %arg9[%swap3A_197] {strides = array<i32>} : memref<128xi32, #tpu.memory_space<vmem>>, vector<16xi32>,
      %swap3A_199 = vector.shape_cast %swap3A_198 : vector<16xi32> to vector<16xi32>
      %swap3A_200 = vector.shape_cast %shift_right_logical3A_196 : vector<16xi32> to vector<16xi32>
      tpu.vector_store %arg9[%swap3A_197], %swap3A_200 {strides = array<i32>} : memref<128xi32, #tpu.memory_space<vmem>>, vector<16xi32>,
      %and3A_201 = arith.constant 16383 : i32
      %and3A_202 = vector.broadcast %and3A_201 : i32 to vector<16xi32>
      %and3A_203 = arith.andi %get3A_193, %and3A_202 : vector<16xi32>
      %swap3A_204 = arith.constant 16 : index
      %swap3A_205 = tpu.vector_load %arg10[%swap3A_204] {strides = array<i32>} : memref<128xi32, #tpu.memory_space<vmem>>, vector<16xi32>,
      %swap3A_206 = vector.shape_cast %swap3A_205 : vector<16xi32> to vector<16xi32>
      %swap3A_207 = vector.shape_cast %and3A_203 : vector<16xi32> to vector<16xi32>
      tpu.vector_store %arg10[%swap3A_204], %swap3A_207 {strides = array<i32>} : memref<128xi32, #tpu.memory_space<vmem>>, vector<16xi32>,
      %get3A_208 = arith.index_cast %add3A_171 : i32 to index
      %get3A_209 = arith.constant 32 : index
      %get3A_210 = tpu.vector_load %arg6[%get3A_208, %get3A_209] {strides = array<i32>} : memref<82x128xi32, #tpu.memory_space<vmem>>, vector<1x16xi32>,
      %get3A_211 = vector.shape_cast %get3A_210 : vector<1x16xi32> to vector<16xi32>
      %shift_right_logical3A_212 = arith.constant 14 : i32
      %shift_right_logical3A_213 = vector.broadcast %shift_right_logical3A_212 : i32 to vector<16xi32>
      %shift_right_logical3A_214 = arith.shrui %get3A_211, %shift_right_logical3A_213 : vector<16xi32>
      %swap3A_215 = arith.constant 32 : index
      %swap3A_216 = tpu.vector_load %arg9[%swap3A_215] {strides = array<i32>} : memref<128xi32, #tpu.memory_space<vmem>>, vector<16xi32>,
      %swap3A_217 = vector.shape_cast %swap3A_216 : vector<16xi32> to vector<16xi32>
      %swap3A_218 = vector.shape_cast %shift_right_logical3A_214 : vector<16xi32> to vector<16xi32>
      tpu.vector_store %arg9[%swap3A_215], %swap3A_218 {strides = array<i32>} : memref<128xi32, #tpu.memory_space<vmem>>, vector<16xi32>,
      %and3A_219 = arith.constant 16383 : i32
      %and3A_220 = vector.broadcast %and3A_219 : i32 to vector<16xi32>
      %and3A_221 = arith.andi %get3A_211, %and3A_220 : vector<16xi32>
      %swap3A_222 = arith.constant 32 : index
      %swap3A_223 = tpu.vector_load %arg10[%swap3A_222] {strides = array<i32>} : memref<128xi32, #tpu.memory_space<vmem>>, vector<16xi32>,
      %swap3A_224 = vector.shape_cast %swap3A_223 : vector<16xi32> to vector<16xi32>
      %swap3A_225 = vector.shape_cast %and3A_221 : vector<16xi32> to vector<16xi32>
      tpu.vector_store %arg10[%swap3A_222], %swap3A_225 {strides = array<i32>} : memref<128xi32, #tpu.memory_space<vmem>>, vector<16xi32>,
      %get3A_226 = arith.index_cast %add3A_171 : i32 to index
      %get3A_227 = arith.constant 48 : index
      %get3A_228 = tpu.vector_load %arg6[%get3A_226, %get3A_227] {strides = array<i32>} : memref<82x128xi32, #tpu.memory_space<vmem>>, vector<1x16xi32>,
      %get3A_229 = vector.shape_cast %get3A_228 : vector<1x16xi32> to vector<16xi32>
      %shift_right_logical3A_230 = arith.constant 14 : i32
      %shift_right_logical3A_231 = vector.broadcast %shift_right_logical3A_230 : i32 to vector<16xi32>
      %shift_right_logical3A_232 = arith.shrui %get3A_229, %shift_right_logical3A_231 : vector<16xi32>
      %swap3A_233 = arith.constant 48 : index
      %swap3A_234 = tpu.vector_load %arg9[%swap3A_233] {strides = array<i32>} : memref<128xi32, #tpu.memory_space<vmem>>, vector<16xi32>,
      %swap3A_235 = vector.shape_cast %swap3A_234 : vector<16xi32> to vector<16xi32>
      %swap3A_236 = vector.shape_cast %shift_right_logical3A_232 : vector<16xi32> to vector<16xi32>
      tpu.vector_store %arg9[%swap3A_233], %swap3A_236 {strides = array<i32>} : memref<128xi32, #tpu.memory_space<vmem>>, vector<16xi32>,
      %and3A_237 = arith.constant 16383 : i32
      %and3A_238 = vector.broadcast %and3A_237 : i32 to vector<16xi32>
      %and3A_239 = arith.andi %get3A_229, %and3A_238 : vector<16xi32>
      %swap3A_240 = arith.constant 48 : index
      %swap3A_241 = tpu.vector_load %arg10[%swap3A_240] {strides = array<i32>} : memref<128xi32, #tpu.memory_space<vmem>>, vector<16xi32>,
      %swap3A_242 = vector.shape_cast %swap3A_241 : vector<16xi32> to vector<16xi32>
      %swap3A_243 = vector.shape_cast %and3A_239 : vector<16xi32> to vector<16xi32>
      tpu.vector_store %arg10[%swap3A_240], %swap3A_243 {strides = array<i32>} : memref<128xi32, #tpu.memory_space<vmem>>, vector<16xi32>,
      %get3A_244 = arith.index_cast %add3A_171 : i32 to index
      %get3A_245 = arith.constant 64 : index
      %get3A_246 = tpu.vector_load %arg6[%get3A_244, %get3A_245] {strides = array<i32>} : memref<82x128xi32, #tpu.memory_space<vmem>>, vector<1x16xi32>,
      %get3A_247 = vector.shape_cast %get3A_246 : vector<1x16xi32> to vector<16xi32>
      %shift_right_logical3A_248 = arith.constant 14 : i32
      %shift_right_logical3A_249 = vector.broadcast %shift_right_logical3A_248 : i32 to vector<16xi32>
      %shift_right_logical3A_250 = arith.shrui %get3A_247, %shift_right_logical3A_249 : vector<16xi32>
      %swap3A_251 = arith.constant 64 : index
      %swap3A_252 = tpu.vector_load %arg9[%swap3A_251] {strides = array<i32>} : memref<128xi32, #tpu.memory_space<vmem>>, vector<16xi32>,
      %swap3A_253 = vector.shape_cast %swap3A_252 : vector<16xi32> to vector<16xi32>
      %swap3A_254 = vector.shape_cast %shift_right_logical3A_250 : vector<16xi32> to vector<16xi32>
      tpu.vector_store %arg9[%swap3A_251], %swap3A_254 {strides = array<i32>} : memref<128xi32, #tpu.memory_space<vmem>>, vector<16xi32>,
      %and3A_255 = arith.constant 16383 : i32
      %and3A_256 = vector.broadcast %and3A_255 : i32 to vector<16xi32>
      %and3A_257 = arith.andi %get3A_247, %and3A_256 : vector<16xi32>
      %swap3A_258 = arith.constant 64 : index
      %swap3A_259 = tpu.vector_load %arg10[%swap3A_258] {strides = array<i32>} : memref<128xi32, #tpu.memory_space<vmem>>, vector<16xi32>,
      %swap3A_260 = vector.shape_cast %swap3A_259 : vector<16xi32> to vector<16xi32>
      %swap3A_261 = vector.shape_cast %and3A_257 : vector<16xi32> to vector<16xi32>
      tpu.vector_store %arg10[%swap3A_258], %swap3A_261 {strides = array<i32>} : memref<128xi32, #tpu.memory_space<vmem>>, vector<16xi32>,
      %get3A_262 = arith.index_cast %add3A_171 : i32 to index
      %get3A_263 = arith.constant 80 : index
      %get3A_264 = tpu.vector_load %arg6[%get3A_262, %get3A_263] {strides = array<i32>} : memref<82x128xi32, #tpu.memory_space<vmem>>, vector<1x16xi32>,
      %get3A_265 = vector.shape_cast %get3A_264 : vector<1x16xi32> to vector<16xi32>
      %shift_right_logical3A_266 = arith.constant 14 : i32
      %shift_right_logical3A_267 = vector.broadcast %shift_right_logical3A_266 : i32 to vector<16xi32>
      %shift_right_logical3A_268 = arith.shrui %get3A_265, %shift_right_logical3A_267 : vector<16xi32>
      %swap3A_269 = arith.constant 80 : index
      %swap3A_270 = tpu.vector_load %arg9[%swap3A_269] {strides = array<i32>} : memref<128xi32, #tpu.memory_space<vmem>>, vector<16xi32>,
      %swap3A_271 = vector.shape_cast %swap3A_270 : vector<16xi32> to vector<16xi32>
      %swap3A_272 = vector.shape_cast %shift_right_logical3A_268 : vector<16xi32> to vector<16xi32>
      tpu.vector_store %arg9[%swap3A_269], %swap3A_272 {strides = array<i32>} : memref<128xi32, #tpu.memory_space<vmem>>, vector<16xi32>,
      %and3A_273 = arith.constant 16383 : i32
      %and3A_274 = vector.broadcast %and3A_273 : i32 to vector<16xi32>
      %and3A_275 = arith.andi %get3A_265, %and3A_274 : vector<16xi32>
      %swap3A_276 = arith.constant 80 : index
      %swap3A_277 = tpu.vector_load %arg10[%swap3A_276] {strides = array<i32>} : memref<128xi32, #tpu.memory_space<vmem>>, vector<16xi32>,
      %swap3A_278 = vector.shape_cast %swap3A_277 : vector<16xi32> to vector<16xi32>
      %swap3A_279 = vector.shape_cast %and3A_275 : vector<16xi32> to vector<16xi32>
      tpu.vector_store %arg10[%swap3A_276], %swap3A_279 {strides = array<i32>} : memref<128xi32, #tpu.memory_space<vmem>>, vector<16xi32>,
      %get3A_280 = arith.index_cast %add3A_171 : i32 to index
      %get3A_281 = arith.constant 96 : index
      %get3A_282 = tpu.vector_load %arg6[%get3A_280, %get3A_281] {strides = array<i32>} : memref<82x128xi32, #tpu.memory_space<vmem>>, vector<1x16xi32>,
      %get3A_283 = vector.shape_cast %get3A_282 : vector<1x16xi32> to vector<16xi32>
      %shift_right_logical3A_284 = arith.constant 14 : i32
      %shift_right_logical3A_285 = vector.broadcast %shift_right_logical3A_284 : i32 to vector<16xi32>
      %shift_right_logical3A_286 = arith.shrui %get3A_283, %shift_right_logical3A_285 : vector<16xi32>
      %swap3A_287 = arith.constant 96 : index
      %swap3A_288 = tpu.vector_load %arg9[%swap3A_287] {strides = array<i32>} : memref<128xi32, #tpu.memory_space<vmem>>, vector<16xi32>,
      %swap3A_289 = vector.shape_cast %swap3A_288 : vector<16xi32> to vector<16xi32>
      %swap3A_290 = vector.shape_cast %shift_right_logical3A_286 : vector<16xi32> to vector<16xi32>
      tpu.vector_store %arg9[%swap3A_287], %swap3A_290 {strides = array<i32>} : memref<128xi32, #tpu.memory_space<vmem>>, vector<16xi32>,
      %and3A_291 = arith.constant 16383 : i32
      %and3A_292 = vector.broadcast %and3A_291 : i32 to vector<16xi32>
      %and3A_293 = arith.andi %get3A_283, %and3A_292 : vector<16xi32>
      %swap3A_294 = arith.constant 96 : index
      %swap3A_295 = tpu.vector_load %arg10[%swap3A_294] {strides = array<i32>} : memref<128xi32, #tpu.memory_space<vmem>>, vector<16xi32>,
      %swap3A_296 = vector.shape_cast %swap3A_295 : vector<16xi32> to vector<16xi32>
      %swap3A_297 = vector.shape_cast %and3A_293 : vector<16xi32> to vector<16xi32>
      tpu.vector_store %arg10[%swap3A_294], %swap3A_297 {strides = array<i32>} : memref<128xi32, #tpu.memory_space<vmem>>, vector<16xi32>,
      %get3A_298 = arith.index_cast %add3A_171 : i32 to index
      %get3A_299 = arith.constant 112 : index
      %get3A_300 = tpu.vector_load %arg6[%get3A_298, %get3A_299] {strides = array<i32>} : memref<82x128xi32, #tpu.memory_space<vmem>>, vector<1x16xi32>,
      %get3A_301 = vector.shape_cast %get3A_300 : vector<1x16xi32> to vector<16xi32>
      %shift_right_logical3A_302 = arith.constant 14 : i32
      %shift_right_logical3A_303 = vector.broadcast %shift_right_logical3A_302 : i32 to vector<16xi32>
      %shift_right_logical3A_304 = arith.shrui %get3A_301, %shift_right_logical3A_303 : vector<16xi32>
      %swap3A_305 = arith.constant 112 : index
      %swap3A_306 = tpu.vector_load %arg9[%swap3A_305] {strides = array<i32>} : memref<128xi32, #tpu.memory_space<vmem>>, vector<16xi32>,
      %swap3A_307 = vector.shape_cast %swap3A_306 : vector<16xi32> to vector<16xi32>
      %swap3A_308 = vector.shape_cast %shift_right_logical3A_304 : vector<16xi32> to vector<16xi32>
      tpu.vector_store %arg9[%swap3A_305], %swap3A_308 {strides = array<i32>} : memref<128xi32, #tpu.memory_space<vmem>>, vector<16xi32>,
      %and3A_309 = arith.constant 16383 : i32
      %and3A_310 = vector.broadcast %and3A_309 : i32 to vector<16xi32>
      %and3A_311 = arith.andi %get3A_301, %and3A_310 : vector<16xi32>
      %swap3A_312 = arith.constant 112 : index
      %swap3A_313 = tpu.vector_load %arg10[%swap3A_312] {strides = array<i32>} : memref<128xi32, #tpu.memory_space<vmem>>, vector<16xi32>,
      %swap3A_314 = vector.shape_cast %swap3A_313 : vector<16xi32> to vector<16xi32>
      %swap3A_315 = vector.shape_cast %and3A_311 : vector<16xi32> to vector<16xi32>
      tpu.vector_store %arg10[%swap3A_312], %swap3A_315 {strides = array<i32>} : memref<128xi32, #tpu.memory_space<vmem>>, vector<16xi32>,
      %dma_start3A_316 = arith.constant 0 : i32
      %dma_start3A_317 = arith.constant 0 : i32
      %dma_start3A_318 = tpu.memref_slice %arg2[%dma_start3A_316, %dma_start3A_317] : memref<10000x128xf32, #tpu.memory_space<hbm>> -> memref<10000x128xf32, #tpu.memory_space<hbm>>
      tpu.enqueue_indirect_dma source(%dma_start3A_318 : memref<10000x128xf32, #tpu.memory_space<hbm>>) target(%arg12 : memref<128x128xf32, #tpu.memory_space<vmem>>) offsets(%arg9 : memref<128xi32, #tpu.memory_space<vmem>>) semaphore(%arg15 : memref<!tpu.dma_semaphore, #tpu.memory_space<semaphore_mem>>)
      %dma_wait3A_319 = arith.constant 0 : i32
      %dma_wait3A_320 = arith.constant 0 : i32
      %dma_wait3A_321 = tpu.memref_slice %arg2[%dma_wait3A_319, %dma_wait3A_320] : memref<10000x128xf32, #tpu.memory_space<hbm>> -> memref<10000x128xf32, #tpu.memory_space<hbm>>
      tpu.wait_indirect_dma semaphore(%arg14 : memref<!tpu.dma_semaphore, #tpu.memory_space<semaphore_mem>>) src(%dma_wait3A_321 : memref<10000x128xf32, #tpu.memory_space<hbm>>) dst(%arg11 : memref<128x128xf32, #tpu.memory_space<vmem>>)
      "tpu.region"() ({
        %run_scoped3A = tpu.sem_alloc : memref<!tpu.dma_semaphore, #tpu.memory_space<semaphore_mem>>
        %dma_start3A_474 = arith.constant 0 : i32
        %dma_start3A_475 = arith.constant 0 : i32
        %dma_start3A_476 = tpu.memref_slice %arg13[%dma_start3A_474, %dma_start3A_475] : memref<10112x128xf32, #tpu.memory_space<vmem_shared>> -> memref<10112x128xf32, #tpu.memory_space<vmem_shared>>
        tpu.enqueue_indirect_dma source(%arg11 : memref<128x128xf32, #tpu.memory_space<vmem>>) target(%dma_start3A_476 : memref<10112x128xf32, #tpu.memory_space<vmem_shared>>) offsets(%arg8 : memref<128xi32, #tpu.memory_space<vmem>>) semaphore(%run_scoped3A : memref<!tpu.dma_semaphore, #tpu.memory_space<semaphore_mem>>) {add = true}
        %dma_wait3A_477 = arith.constant 0 : i32
        %dma_wait3A_478 = arith.constant 0 : i32
        %dma_wait3A_479 = tpu.memref_slice %arg13[%dma_wait3A_477, %dma_wait3A_478] : memref<10112x128xf32, #tpu.memory_space<vmem_shared>> -> memref<10112x128xf32, #tpu.memory_space<vmem_shared>>
        tpu.wait_indirect_dma semaphore(%run_scoped3A : memref<!tpu.dma_semaphore, #tpu.memory_space<semaphore_mem>>) src(%arg11 : memref<128x128xf32, #tpu.memory_space<vmem>>) dst(%dma_wait3A_479 : memref<10112x128xf32, #tpu.memory_space<vmem_shared>>)
        tpu.yield
      }) : () -> ()
      %add3A_322 = arith.constant 2 : i32
      %add3A_323 = arith.addi %mul3A_169, %add3A_322 : i32
      %get3A_324 = arith.index_cast %add3A_323 : i32 to index
      %get3A_325 = arith.constant 0 : index
      %get3A_326 = tpu.vector_load %arg6[%get3A_324, %get3A_325] {strides = array<i32>} : memref<82x128xi32, #tpu.memory_space<vmem>>, vector<1x16xi32>,
      %get3A_327 = vector.shape_cast %get3A_326 : vector<1x16xi32> to vector<16xi32>
      %shift_right_logical3A_328 = arith.constant 14 : i32
      %shift_right_logical3A_329 = vector.broadcast %shift_right_logical3A_328 : i32 to vector<16xi32>
      %shift_right_logical3A_330 = arith.shrui %get3A_327, %shift_right_logical3A_329 : vector<16xi32>
      %swap3A_331 = arith.constant 0 : index
      %swap3A_332 = tpu.vector_load %arg7[%swap3A_331] {strides = array<i32>} : memref<128xi32, #tpu.memory_space<vmem>>, vector<16xi32>,
      %swap3A_333 = vector.shape_cast %swap3A_332 : vector<16xi32> to vector<16xi32>
      %swap3A_334 = vector.shape_cast %shift_right_logical3A_330 : vector<16xi32> to vector<16xi32>
      tpu.vector_store %arg7[%swap3A_331], %swap3A_334 {strides = array<i32>} : memref<128xi32, #tpu.memory_space<vmem>>, vector<16xi32>,
      %and3A_335 = arith.constant 16383 : i32
      %and3A_336 = vector.broadcast %and3A_335 : i32 to vector<16xi32>
      %and3A_337 = arith.andi %get3A_327, %and3A_336 : vector<16xi32>
      %swap3A_338 = arith.constant 0 : index
      %swap3A_339 = tpu.vector_load %arg8[%swap3A_338] {strides = array<i32>} : memref<128xi32, #tpu.memory_space<vmem>>, vector<16xi32>,
      %swap3A_340 = vector.shape_cast %swap3A_339 : vector<16xi32> to vector<16xi32>
      %swap3A_341 = vector.shape_cast %and3A_337 : vector<16xi32> to vector<16xi32>
      tpu.vector_store %arg8[%swap3A_338], %swap3A_341 {strides = array<i32>} : memref<128xi32, #tpu.memory_space<vmem>>, vector<16xi32>,
      %get3A_342 = arith.index_cast %add3A_323 : i32 to index
      %get3A_343 = arith.constant 16 : index
      %get3A_344 = tpu.vector_load %arg6[%get3A_342, %get3A_343] {strides = array<i32>} : memref<82x128xi32, #tpu.memory_space<vmem>>, vector<1x16xi32>,
      %get3A_345 = vector.shape_cast %get3A_344 : vector<1x16xi32> to vector<16xi32>
      %shift_right_logical3A_346 = arith.constant 14 : i32
      %shift_right_logical3A_347 = vector.broadcast %shift_right_logical3A_346 : i32 to vector<16xi32>
      %shift_right_logical3A_348 = arith.shrui %get3A_345, %shift_right_logical3A_347 : vector<16xi32>
      %swap3A_349 = arith.constant 16 : index
      %swap3A_350 = tpu.vector_load %arg7[%swap3A_349] {strides = array<i32>} : memref<128xi32, #tpu.memory_space<vmem>>, vector<16xi32>,
      %swap3A_351 = vector.shape_cast %swap3A_350 : vector<16xi32> to vector<16xi32>
      %swap3A_352 = vector.shape_cast %shift_right_logical3A_348 : vector<16xi32> to vector<16xi32>
      tpu.vector_store %arg7[%swap3A_349], %swap3A_352 {strides = array<i32>} : memref<128xi32, #tpu.memory_space<vmem>>, vector<16xi32>,
      %and3A_353 = arith.constant 16383 : i32
      %and3A_354 = vector.broadcast %and3A_353 : i32 to vector<16xi32>
      %and3A_355 = arith.andi %get3A_345, %and3A_354 : vector<16xi32>
      %swap3A_356 = arith.constant 16 : index
      %swap3A_357 = tpu.vector_load %arg8[%swap3A_356] {strides = array<i32>} : memref<128xi32, #tpu.memory_space<vmem>>, vector<16xi32>,
      %swap3A_358 = vector.shape_cast %swap3A_357 : vector<16xi32> to vector<16xi32>
      %swap3A_359 = vector.shape_cast %and3A_355 : vector<16xi32> to vector<16xi32>
      tpu.vector_store %arg8[%swap3A_356], %swap3A_359 {strides = array<i32>} : memref<128xi32, #tpu.memory_space<vmem>>, vector<16xi32>,
      %get3A_360 = arith.index_cast %add3A_323 : i32 to index
      %get3A_361 = arith.constant 32 : index
      %get3A_362 = tpu.vector_load %arg6[%get3A_360, %get3A_361] {strides = array<i32>} : memref<82x128xi32, #tpu.memory_space<vmem>>, vector<1x16xi32>,
      %get3A_363 = vector.shape_cast %get3A_362 : vector<1x16xi32> to vector<16xi32>
      %shift_right_logical3A_364 = arith.constant 14 : i32
      %shift_right_logical3A_365 = vector.broadcast %shift_right_logical3A_364 : i32 to vector<16xi32>
      %shift_right_logical3A_366 = arith.shrui %get3A_363, %shift_right_logical3A_365 : vector<16xi32>
      %swap3A_367 = arith.constant 32 : index
      %swap3A_368 = tpu.vector_load %arg7[%swap3A_367] {strides = array<i32>} : memref<128xi32, #tpu.memory_space<vmem>>, vector<16xi32>,
      %swap3A_369 = vector.shape_cast %swap3A_368 : vector<16xi32> to vector<16xi32>
      %swap3A_370 = vector.shape_cast %shift_right_logical3A_366 : vector<16xi32> to vector<16xi32>
      tpu.vector_store %arg7[%swap3A_367], %swap3A_370 {strides = array<i32>} : memref<128xi32, #tpu.memory_space<vmem>>, vector<16xi32>,
      %and3A_371 = arith.constant 16383 : i32
      %and3A_372 = vector.broadcast %and3A_371 : i32 to vector<16xi32>
      %and3A_373 = arith.andi %get3A_363, %and3A_372 : vector<16xi32>
      %swap3A_374 = arith.constant 32 : index
      %swap3A_375 = tpu.vector_load %arg8[%swap3A_374] {strides = array<i32>} : memref<128xi32, #tpu.memory_space<vmem>>, vector<16xi32>,
      %swap3A_376 = vector.shape_cast %swap3A_375 : vector<16xi32> to vector<16xi32>
      %swap3A_377 = vector.shape_cast %and3A_373 : vector<16xi32> to vector<16xi32>
      tpu.vector_store %arg8[%swap3A_374], %swap3A_377 {strides = array<i32>} : memref<128xi32, #tpu.memory_space<vmem>>, vector<16xi32>,
      %get3A_378 = arith.index_cast %add3A_323 : i32 to index
      %get3A_379 = arith.constant 48 : index
      %get3A_380 = tpu.vector_load %arg6[%get3A_378, %get3A_379] {strides = array<i32>} : memref<82x128xi32, #tpu.memory_space<vmem>>, vector<1x16xi32>,
      %get3A_381 = vector.shape_cast %get3A_380 : vector<1x16xi32> to vector<16xi32>
      %shift_right_logical3A_382 = arith.constant 14 : i32
      %shift_right_logical3A_383 = vector.broadcast %shift_right_logical3A_382 : i32 to vector<16xi32>
      %shift_right_logical3A_384 = arith.shrui %get3A_381, %shift_right_logical3A_383 : vector<16xi32>
      %swap3A_385 = arith.constant 48 : index
      %swap3A_386 = tpu.vector_load %arg7[%swap3A_385] {strides = array<i32>} : memref<128xi32, #tpu.memory_space<vmem>>, vector<16xi32>,
      %swap3A_387 = vector.shape_cast %swap3A_386 : vector<16xi32> to vector<16xi32>
      %swap3A_388 = vector.shape_cast %shift_right_logical3A_384 : vector<16xi32> to vector<16xi32>
      tpu.vector_store %arg7[%swap3A_385], %swap3A_388 {strides = array<i32>} : memref<128xi32, #tpu.memory_space<vmem>>, vector<16xi32>,
      %and3A_389 = arith.constant 16383 : i32
      %and3A_390 = vector.broadcast %and3A_389 : i32 to vector<16xi32>
      %and3A_391 = arith.andi %get3A_381, %and3A_390 : vector<16xi32>
      %swap3A_392 = arith.constant 48 : index
      %swap3A_393 = tpu.vector_load %arg8[%swap3A_392] {strides = array<i32>} : memref<128xi32, #tpu.memory_space<vmem>>, vector<16xi32>,
      %swap3A_394 = vector.shape_cast %swap3A_393 : vector<16xi32> to vector<16xi32>
      %swap3A_395 = vector.shape_cast %and3A_391 : vector<16xi32> to vector<16xi32>
      tpu.vector_store %arg8[%swap3A_392], %swap3A_395 {strides = array<i32>} : memref<128xi32, #tpu.memory_space<vmem>>, vector<16xi32>,
      %get3A_396 = arith.index_cast %add3A_323 : i32 to index
      %get3A_397 = arith.constant 64 : index
      %get3A_398 = tpu.vector_load %arg6[%get3A_396, %get3A_397] {strides = array<i32>} : memref<82x128xi32, #tpu.memory_space<vmem>>, vector<1x16xi32>,
      %get3A_399 = vector.shape_cast %get3A_398 : vector<1x16xi32> to vector<16xi32>
      %shift_right_logical3A_400 = arith.constant 14 : i32
      %shift_right_logical3A_401 = vector.broadcast %shift_right_logical3A_400 : i32 to vector<16xi32>
      %shift_right_logical3A_402 = arith.shrui %get3A_399, %shift_right_logical3A_401 : vector<16xi32>
      %swap3A_403 = arith.constant 64 : index
      %swap3A_404 = tpu.vector_load %arg7[%swap3A_403] {strides = array<i32>} : memref<128xi32, #tpu.memory_space<vmem>>, vector<16xi32>,
      %swap3A_405 = vector.shape_cast %swap3A_404 : vector<16xi32> to vector<16xi32>
      %swap3A_406 = vector.shape_cast %shift_right_logical3A_402 : vector<16xi32> to vector<16xi32>
      tpu.vector_store %arg7[%swap3A_403], %swap3A_406 {strides = array<i32>} : memref<128xi32, #tpu.memory_space<vmem>>, vector<16xi32>,
      %and3A_407 = arith.constant 16383 : i32
      %and3A_408 = vector.broadcast %and3A_407 : i32 to vector<16xi32>
      %and3A_409 = arith.andi %get3A_399, %and3A_408 : vector<16xi32>
      %swap3A_410 = arith.constant 64 : index
      %swap3A_411 = tpu.vector_load %arg8[%swap3A_410] {strides = array<i32>} : memref<128xi32, #tpu.memory_space<vmem>>, vector<16xi32>,
      %swap3A_412 = vector.shape_cast %swap3A_411 : vector<16xi32> to vector<16xi32>
      %swap3A_413 = vector.shape_cast %and3A_409 : vector<16xi32> to vector<16xi32>
      tpu.vector_store %arg8[%swap3A_410], %swap3A_413 {strides = array<i32>} : memref<128xi32, #tpu.memory_space<vmem>>, vector<16xi32>,
      %get3A_414 = arith.index_cast %add3A_323 : i32 to index
      %get3A_415 = arith.constant 80 : index
      %get3A_416 = tpu.vector_load %arg6[%get3A_414, %get3A_415] {strides = array<i32>} : memref<82x128xi32, #tpu.memory_space<vmem>>, vector<1x16xi32>,
      %get3A_417 = vector.shape_cast %get3A_416 : vector<1x16xi32> to vector<16xi32>
      %shift_right_logical3A_418 = arith.constant 14 : i32
      %shift_right_logical3A_419 = vector.broadcast %shift_right_logical3A_418 : i32 to vector<16xi32>
      %shift_right_logical3A_420 = arith.shrui %get3A_417, %shift_right_logical3A_419 : vector<16xi32>
      %swap3A_421 = arith.constant 80 : index
      %swap3A_422 = tpu.vector_load %arg7[%swap3A_421] {strides = array<i32>} : memref<128xi32, #tpu.memory_space<vmem>>, vector<16xi32>,
      %swap3A_423 = vector.shape_cast %swap3A_422 : vector<16xi32> to vector<16xi32>
      %swap3A_424 = vector.shape_cast %shift_right_logical3A_420 : vector<16xi32> to vector<16xi32>
      tpu.vector_store %arg7[%swap3A_421], %swap3A_424 {strides = array<i32>} : memref<128xi32, #tpu.memory_space<vmem>>, vector<16xi32>,
      %and3A_425 = arith.constant 16383 : i32
      %and3A_426 = vector.broadcast %and3A_425 : i32 to vector<16xi32>
      %and3A_427 = arith.andi %get3A_417, %and3A_426 : vector<16xi32>
      %swap3A_428 = arith.constant 80 : index
      %swap3A_429 = tpu.vector_load %arg8[%swap3A_428] {strides = array<i32>} : memref<128xi32, #tpu.memory_space<vmem>>, vector<16xi32>,
      %swap3A_430 = vector.shape_cast %swap3A_429 : vector<16xi32> to vector<16xi32>
      %swap3A_431 = vector.shape_cast %and3A_427 : vector<16xi32> to vector<16xi32>
      tpu.vector_store %arg8[%swap3A_428], %swap3A_431 {strides = array<i32>} : memref<128xi32, #tpu.memory_space<vmem>>, vector<16xi32>,
      %get3A_432 = arith.index_cast %add3A_323 : i32 to index
      %get3A_433 = arith.constant 96 : index
      %get3A_434 = tpu.vector_load %arg6[%get3A_432, %get3A_433] {strides = array<i32>} : memref<82x128xi32, #tpu.memory_space<vmem>>, vector<1x16xi32>,
      %get3A_435 = vector.shape_cast %get3A_434 : vector<1x16xi32> to vector<16xi32>
      %shift_right_logical3A_436 = arith.constant 14 : i32
      %shift_right_logical3A_437 = vector.broadcast %shift_right_logical3A_436 : i32 to vector<16xi32>
      %shift_right_logical3A_438 = arith.shrui %get3A_435, %shift_right_logical3A_437 : vector<16xi32>
      %swap3A_439 = arith.constant 96 : index
      %swap3A_440 = tpu.vector_load %arg7[%swap3A_439] {strides = array<i32>} : memref<128xi32, #tpu.memory_space<vmem>>, vector<16xi32>,
      %swap3A_441 = vector.shape_cast %swap3A_440 : vector<16xi32> to vector<16xi32>
      %swap3A_442 = vector.shape_cast %shift_right_logical3A_438 : vector<16xi32> to vector<16xi32>
      tpu.vector_store %arg7[%swap3A_439], %swap3A_442 {strides = array<i32>} : memref<128xi32, #tpu.memory_space<vmem>>, vector<16xi32>,
      %and3A_443 = arith.constant 16383 : i32
      %and3A_444 = vector.broadcast %and3A_443 : i32 to vector<16xi32>
      %and3A_445 = arith.andi %get3A_435, %and3A_444 : vector<16xi32>
      %swap3A_446 = arith.constant 96 : index
      %swap3A_447 = tpu.vector_load %arg8[%swap3A_446] {strides = array<i32>} : memref<128xi32, #tpu.memory_space<vmem>>, vector<16xi32>,
      %swap3A_448 = vector.shape_cast %swap3A_447 : vector<16xi32> to vector<16xi32>
      %swap3A_449 = vector.shape_cast %and3A_445 : vector<16xi32> to vector<16xi32>
      tpu.vector_store %arg8[%swap3A_446], %swap3A_449 {strides = array<i32>} : memref<128xi32, #tpu.memory_space<vmem>>, vector<16xi32>,
      %get3A_450 = arith.index_cast %add3A_323 : i32 to index
      %get3A_451 = arith.constant 112 : index
      %get3A_452 = tpu.vector_load %arg6[%get3A_450, %get3A_451] {strides = array<i32>} : memref<82x128xi32, #tpu.memory_space<vmem>>, vector<1x16xi32>,
      %get3A_453 = vector.shape_cast %get3A_452 : vector<1x16xi32> to vector<16xi32>
      %shift_right_logical3A_454 = arith.constant 14 : i32
      %shift_right_logical3A_455 = vector.broadcast %shift_right_logical3A_454 : i32 to vector<16xi32>
      %shift_right_logical3A_456 = arith.shrui %get3A_453, %shift_right_logical3A_455 : vector<16xi32>
      %swap3A_457 = arith.constant 112 : index
      %swap3A_458 = tpu.vector_load %arg7[%swap3A_457] {strides = array<i32>} : memref<128xi32, #tpu.memory_space<vmem>>, vector<16xi32>,
      %swap3A_459 = vector.shape_cast %swap3A_458 : vector<16xi32> to vector<16xi32>
      %swap3A_460 = vector.shape_cast %shift_right_logical3A_456 : vector<16xi32> to vector<16xi32>
      tpu.vector_store %arg7[%swap3A_457], %swap3A_460 {strides = array<i32>} : memref<128xi32, #tpu.memory_space<vmem>>, vector<16xi32>,
      %and3A_461 = arith.constant 16383 : i32
      %and3A_462 = vector.broadcast %and3A_461 : i32 to vector<16xi32>
      %and3A_463 = arith.andi %get3A_453, %and3A_462 : vector<16xi32>
      %swap3A_464 = arith.constant 112 : index
      %swap3A_465 = tpu.vector_load %arg8[%swap3A_464] {strides = array<i32>} : memref<128xi32, #tpu.memory_space<vmem>>, vector<16xi32>,
      %swap3A_466 = vector.shape_cast %swap3A_465 : vector<16xi32> to vector<16xi32>
      %swap3A_467 = vector.shape_cast %and3A_463 : vector<16xi32> to vector<16xi32>
      tpu.vector_store %arg8[%swap3A_464], %swap3A_467 {strides = array<i32>} : memref<128xi32, #tpu.memory_space<vmem>>, vector<16xi32>,
      %dma_start3A_468 = arith.constant 0 : i32
      %dma_start3A_469 = arith.constant 0 : i32
      %dma_start3A_470 = tpu.memref_slice %arg2[%dma_start3A_468, %dma_start3A_469] : memref<10000x128xf32, #tpu.memory_space<hbm>> -> memref<10000x128xf32, #tpu.memory_space<hbm>>
      tpu.enqueue_indirect_dma source(%dma_start3A_470 : memref<10000x128xf32, #tpu.memory_space<hbm>>) target(%arg11 : memref<128x128xf32, #tpu.memory_space<vmem>>) offsets(%arg7 : memref<128xi32, #tpu.memory_space<vmem>>) semaphore(%arg14 : memref<!tpu.dma_semaphore, #tpu.memory_space<semaphore_mem>>)
      %dma_wait3A_471 = arith.constant 0 : i32
      %dma_wait3A_472 = arith.constant 0 : i32
      %dma_wait3A_473 = tpu.memref_slice %arg2[%dma_wait3A_471, %dma_wait3A_472] : memref<10000x128xf32, #tpu.memory_space<hbm>> -> memref<10000x128xf32, #tpu.memory_space<hbm>>
      tpu.wait_indirect_dma semaphore(%arg15 : memref<!tpu.dma_semaphore, #tpu.memory_space<semaphore_mem>>) src(%dma_wait3A_473 : memref<10000x128xf32, #tpu.memory_space<hbm>>) dst(%arg12 : memref<128x128xf32, #tpu.memory_space<vmem>>)
      "tpu.region"() ({
        %run_scoped3A = tpu.sem_alloc : memref<!tpu.dma_semaphore, #tpu.memory_space<semaphore_mem>>
        %dma_start3A_474 = arith.constant 0 : i32
        %dma_start3A_475 = arith.constant 0 : i32
        %dma_start3A_476 = tpu.memref_slice %arg13[%dma_start3A_474, %dma_start3A_475] : memref<10112x128xf32, #tpu.memory_space<vmem_shared>> -> memref<10112x128xf32, #tpu.memory_space<vmem_shared>>
        tpu.enqueue_indirect_dma source(%arg12 : memref<128x128xf32, #tpu.memory_space<vmem>>) target(%dma_start3A_476 : memref<10112x128xf32, #tpu.memory_space<vmem_shared>>) offsets(%arg10 : memref<128xi32, #tpu.memory_space<vmem>>) semaphore(%run_scoped3A : memref<!tpu.dma_semaphore, #tpu.memory_space<semaphore_mem>>) {add = true}
        %dma_wait3A_477 = arith.constant 0 : i32
        %dma_wait3A_478 = arith.constant 0 : i32
        %dma_wait3A_479 = tpu.memref_slice %arg13[%dma_wait3A_477, %dma_wait3A_478] : memref<10112x128xf32, #tpu.memory_space<vmem_shared>> -> memref<10112x128xf32, #tpu.memory_space<vmem_shared>>
        tpu.wait_indirect_dma semaphore(%run_scoped3A : memref<!tpu.dma_semaphore, #tpu.memory_space<semaphore_mem>>) src(%arg12 : memref<128x128xf32, #tpu.memory_space<vmem>>) dst(%dma_wait3A_479 : memref<10112x128xf32, #tpu.memory_space<vmem_shared>>)
        tpu.yield
      }) : () -> ()
    }
    %scan3A_159 = arith.constant 40 : i32
    %dma_wait3A = arith.constant 0 : i32
    %dma_wait3A_160 = arith.constant 0 : i32
    %dma_wait3A_161 = tpu.memref_slice %arg2[%dma_wait3A, %dma_wait3A_160] : memref<10000x128xf32, #tpu.memory_space<hbm>> -> memref<10000x128xf32, #tpu.memory_space<hbm>>
    tpu.wait_indirect_dma semaphore(%arg14 : memref<!tpu.dma_semaphore, #tpu.memory_space<semaphore_mem>>) src(%dma_wait3A_161 : memref<10000x128xf32, #tpu.memory_space<hbm>>) dst(%arg11 : memref<128x128xf32, #tpu.memory_space<vmem>>)
    %barrier3A_162 = arith.constant 0 : index
    tpu.barrier barrier_id(%barrier3A_162)
    %mul3A_163 = arith.constant 632 : i32
    %mul3A_164 = arith.muli %arg1, %mul3A_163 : i32
    %mul3A_165 = arith.constant 632 : i32
    %mul3A_166 = arith.muli %arg1, %mul3A_165 : i32
    "tpu.region"() ({
      %run_scoped3A = tpu.sem_alloc : memref<!tpu.dma_semaphore, #tpu.memory_space<semaphore_mem>>
      %dma_start3A_167 = arith.constant 0 : i32
      %dma_start3A_168 = tpu.memref_slice %arg5[%arg0, %mul3A_166, %dma_start3A_167] : memref<2x10112x128xf32, #tpu.memory_space<hbm>> -> memref<1x632x128xf32, #tpu.memory_space<hbm>>
      %dma_start3A_169 = tpu.memref_squeeze %dma_start3A_168 : memref<1x632x128xf32, #tpu.memory_space<hbm>> -> memref<632x128xf32, #tpu.memory_space<hbm>>
      %dma_start3A_170 = arith.constant 0 : i32
      %dma_start3A_171 = tpu.memref_slice %arg13[%mul3A_164, %dma_start3A_170] : memref<10112x128xf32, #tpu.memory_space<vmem_shared>> -> memref<632x128xf32, #tpu.memory_space<vmem_shared>>
      tpu.enqueue_dma source(%dma_start3A_171 : memref<632x128xf32, #tpu.memory_space<vmem_shared>>) target(%dma_start3A_169 : memref<632x128xf32, #tpu.memory_space<hbm>>) target_semaphore(%run_scoped3A : memref<!tpu.dma_semaphore, #tpu.memory_space<semaphore_mem>>)
      %dma_wait3A_172 = arith.constant 0 : i32
      %dma_wait3A_173 = tpu.memref_slice %arg5[%arg0, %mul3A_166, %dma_wait3A_172] : memref<2x10112x128xf32, #tpu.memory_space<hbm>> -> memref<1x632x128xf32, #tpu.memory_space<hbm>>
      %dma_wait3A_174 = tpu.memref_squeeze %dma_wait3A_173 : memref<1x632x128xf32, #tpu.memory_space<hbm>> -> memref<632x128xf32, #tpu.memory_space<hbm>>
      %dma_wait3A_175 = arith.constant 0 : i32
      %dma_wait3A_176 = tpu.memref_slice %arg13[%mul3A_164, %dma_wait3A_175] : memref<10112x128xf32, #tpu.memory_space<vmem_shared>> -> memref<632x128xf32, #tpu.memory_space<vmem_shared>>
      tpu.wait_dma2 semaphore(%run_scoped3A : memref<!tpu.dma_semaphore, #tpu.memory_space<semaphore_mem>>) src(%dma_wait3A_176 : memref<632x128xf32, #tpu.memory_space<vmem_shared>>) dst(%dma_wait3A_174 : memref<632x128xf32, #tpu.memory_space<hbm>>)
      tpu.yield
    }) : () -> ()
    return
  }
}

#map = affine_map<(d0, d1) -> (0, 0)>
#map1 = affine_map<(d0, d1) -> (0, 0, 0)>
module attributes {stable_mosaic.version = 14 : i64} {
  func.func @sc_scatter(%arg0: i32, %arg1: i32, %arg2: memref<10000x128xf32, #tpu.memory_space<hbm>>, %arg3: memref<32x82x128xi32, #tpu.memory_space<hbm>>, %arg4: memref<10112x128xf32, #tpu.memory_space<hbm>>, %arg5: memref<2x10112x128xf32, #tpu.memory_space<hbm>>, %arg6: memref<82x128xi32, #tpu.memory_space<vmem>>, %arg7: memref<128xi32, #tpu.memory_space<vmem>>, %arg8: memref<128xi32, #tpu.memory_space<vmem>>, %arg9: memref<128xi32, #tpu.memory_space<vmem>>, %arg10: memref<128xi32, #tpu.memory_space<vmem>>, %arg11: memref<128x128xf32, #tpu.memory_space<vmem>>, %arg12: memref<128x128xf32, #tpu.memory_space<vmem>>, %arg13: memref<10112x128xf32, #tpu.memory_space<vmem_shared>>, %arg14: memref<!tpu.dma_semaphore, #tpu.memory_space<semaphore_mem>>, %arg15: memref<!tpu.dma_semaphore, #tpu.memory_space<semaphore_mem>>) attributes {dimension_semantics = [#tpu.dimension_semantics<core_parallel>, #tpu.dimension_semantics<subcore_parallel>], iteration_bounds = array<i64: 2, 16>, scalar_prefetch = 0 : i64, scratch_operands = 10 : i64, tpu.core_type = #tpu.core_type<sc_vector_subcore>, window_params = [{transform_indices = #map}, {transform_indices = #map1}, {transform_indices = #map}, {transform_indices = #map1}]} {
    %mul3A = arith.constant 16 : i32
    %mul3A_0 = arith.muli %arg0, %mul3A : i32
    %add3A = arith.addi %mul3A_0, %arg1 : i32
    %mul3A_1 = arith.constant 632 : i32
    %mul3A_2 = arith.muli %arg1, %mul3A_1 : i32
    %mul3A_3 = arith.constant 632 : i32
    %mul3A_4 = arith.muli %arg1, %mul3A_3 : i32
    "tpu.region"() ({
      %run_scoped3A = tpu.sem_alloc : memref<!tpu.dma_semaphore, #tpu.memory_space<semaphore_mem>>
      %dma_start3A_167 = arith.constant 0 : i32
      %dma_start3A_168 = tpu.memref_slice %arg13[%mul3A_4, %dma_start3A_167] : memref<10112x128xf32, #tpu.memory_space<vmem_shared>> -> memref<632x128xf32, #tpu.memory_space<vmem_shared>>
      %dma_start3A_169 = arith.constant 0 : i32
      %dma_start3A_170 = tpu.memref_slice %arg4[%mul3A_2, %dma_start3A_169] : memref<10112x128xf32, #tpu.memory_space<hbm>> -> memref<632x128xf32, #tpu.memory_space<hbm>>
      tpu.enqueue_dma source(%dma_start3A_170 : memref<632x128xf32, #tpu.memory_space<hbm>>) target(%dma_start3A_168 : memref<632x128xf32, #tpu.memory_space<vmem_shared>>) target_semaphore(%run_scoped3A : memref<!tpu.dma_semaphore, #tpu.memory_space<semaphore_mem>>)
      %dma_wait3A_171 = arith.constant 0 : i32
      %dma_wait3A_172 = tpu.memref_slice %arg13[%mul3A_4, %dma_wait3A_171] : memref<10112x128xf32, #tpu.memory_space<vmem_shared>> -> memref<632x128xf32, #tpu.memory_space<vmem_shared>>
      %dma_wait3A_173 = arith.constant 0 : i32
      %dma_wait3A_174 = tpu.memref_slice %arg4[%mul3A_2, %dma_wait3A_173] : memref<10112x128xf32, #tpu.memory_space<hbm>> -> memref<632x128xf32, #tpu.memory_space<hbm>>
      tpu.wait_dma2 semaphore(%run_scoped3A : memref<!tpu.dma_semaphore, #tpu.memory_space<semaphore_mem>>) src(%dma_wait3A_174 : memref<632x128xf32, #tpu.memory_space<hbm>>) dst(%dma_wait3A_172 : memref<632x128xf32, #tpu.memory_space<vmem_shared>>)
      tpu.yield
    }) : () -> ()
    "tpu.region"() ({
      %run_scoped3A = tpu.sem_alloc : memref<!tpu.dma_semaphore, #tpu.memory_space<semaphore_mem>>
      %dma_start3A_167 = arith.constant 0 : i32
      %dma_start3A_168 = arith.constant 0 : i32
      %dma_start3A_169 = tpu.memref_slice %arg3[%add3A, %dma_start3A_167, %dma_start3A_168] : memref<32x82x128xi32, #tpu.memory_space<hbm>> -> memref<1x82x128xi32, #tpu.memory_space<hbm>>
      %dma_start3A_170 = tpu.memref_squeeze %dma_start3A_169 : memref<1x82x128xi32, #tpu.memory_space<hbm>> -> memref<82x128xi32, #tpu.memory_space<hbm>>
      %dma_start3A_171 = arith.constant 0 : i32
      %dma_start3A_172 = arith.constant 0 : i32
      %dma_start3A_173 = tpu.memref_slice %arg3[%add3A, %dma_start3A_171, %dma_start3A_172] : memref<32x82x128xi32, #tpu.memory_space<hbm>> -> memref<1x82x128xi32, #tpu.memory_space<hbm>>
      %dma_start3A_174 = tpu.memref_squeeze %dma_start3A_173 : memref<1x82x128xi32, #tpu.memory_space<hbm>> -> memref<82x128xi32, #tpu.memory_space<hbm>>
      tpu.enqueue_dma source(%dma_start3A_174 : memref<82x128xi32, #tpu.memory_space<hbm>>) target(%arg6 : memref<82x128xi32, #tpu.memory_space<vmem>>) target_semaphore(%run_scoped3A : memref<!tpu.dma_semaphore, #tpu.memory_space<semaphore_mem>>)
      %dma_wait3A_175 = arith.constant 0 : i32
      %dma_wait3A_176 = arith.constant 0 : i32
      %dma_wait3A_177 = tpu.memref_slice %arg3[%add3A, %dma_wait3A_175, %dma_wait3A_176] : memref<32x82x128xi32, #tpu.memory_space<hbm>> -> memref<1x82x128xi32, #tpu.memory_space<hbm>>
      %dma_wait3A_178 = tpu.memref_squeeze %dma_wait3A_177 : memref<1x82x128xi32, #tpu.memory_space<hbm>> -> memref<82x128xi32, #tpu.memory_space<hbm>>
      %dma_wait3A_179 = arith.constant 0 : i32
      %dma_wait3A_180 = arith.constant 0 : i32
      %dma_wait3A_181 = tpu.memref_slice %arg3[%add3A, %dma_wait3A_179, %dma_wait3A_180] : memref<32x82x128xi32, #tpu.memory_space<hbm>> -> memref<1x82x128xi32, #tpu.memory_space<hbm>>
      %dma_wait3A_182 = tpu.memref_squeeze %dma_wait3A_181 : memref<1x82x128xi32, #tpu.memory_space<hbm>> -> memref<82x128xi32, #tpu.memory_space<hbm>>
      tpu.wait_dma2 semaphore(%run_scoped3A : memref<!tpu.dma_semaphore, #tpu.memory_space<semaphore_mem>>) src(%dma_wait3A_182 : memref<82x128xi32, #tpu.memory_space<hbm>>) dst(%arg6 : memref<82x128xi32, #tpu.memory_space<vmem>>)
      tpu.yield
    }) : () -> ()
    %barrier3A = arith.constant 0 : index
    tpu.barrier barrier_id(%barrier3A)
    %get3A = arith.constant 0 : i32
    %get3A_5 = arith.index_cast %get3A : i32 to index
    %get3A_6 = arith.constant 0 : index
    %get3A_7 = tpu.vector_load %arg6[%get3A_5, %get3A_6] {strides = array<i32>} : memref<82x128xi32, #tpu.memory_space<vmem>>, vector<1x16xi32>,
    %get3A_8 = vector.shape_cast %get3A_7 : vector<1x16xi32> to vector<16xi32>
    %shift_right_logical3A = arith.constant 14 : i32
    %shift_right_logical3A_9 = vector.broadcast %shift_right_logical3A : i32 to vector<16xi32>
    %shift_right_logical3A_10 = arith.shrui %get3A_8, %shift_right_logical3A_9 : vector<16xi32>
    %swap3A = arith.constant 0 : index
    %swap3A_11 = tpu.vector_load %arg7[%swap3A] {strides = array<i32>} : memref<128xi32, #tpu.memory_space<vmem>>, vector<16xi32>,
    %swap3A_12 = vector.shape_cast %swap3A_11 : vector<16xi32> to vector<16xi32>
    %swap3A_13 = vector.shape_cast %shift_right_logical3A_10 : vector<16xi32> to vector<16xi32>
    tpu.vector_store %arg7[%swap3A], %swap3A_13 {strides = array<i32>} : memref<128xi32, #tpu.memory_space<vmem>>, vector<16xi32>,
    %and3A = arith.constant 16383 : i32
    %and3A_14 = vector.broadcast %and3A : i32 to vector<16xi32>
    %and3A_15 = arith.andi %get3A_8, %and3A_14 : vector<16xi32>
    %swap3A_16 = arith.constant 0 : index
    %swap3A_17 = tpu.vector_load %arg8[%swap3A_16] {strides = array<i32>} : memref<128xi32, #tpu.memory_space<vmem>>, vector<16xi32>,
    %swap3A_18 = vector.shape_cast %swap3A_17 : vector<16xi32> to vector<16xi32>
    %swap3A_19 = vector.shape_cast %and3A_15 : vector<16xi32> to vector<16xi32>
    tpu.vector_store %arg8[%swap3A_16], %swap3A_19 {strides = array<i32>} : memref<128xi32, #tpu.memory_space<vmem>>, vector<16xi32>,
    %get3A_20 = arith.constant 0 : i32
    %get3A_21 = arith.index_cast %get3A_20 : i32 to index
    %get3A_22 = arith.constant 16 : index
    %get3A_23 = tpu.vector_load %arg6[%get3A_21, %get3A_22] {strides = array<i32>} : memref<82x128xi32, #tpu.memory_space<vmem>>, vector<1x16xi32>,
    %get3A_24 = vector.shape_cast %get3A_23 : vector<1x16xi32> to vector<16xi32>
    %shift_right_logical3A_25 = arith.constant 14 : i32
    %shift_right_logical3A_26 = vector.broadcast %shift_right_logical3A_25 : i32 to vector<16xi32>
    %shift_right_logical3A_27 = arith.shrui %get3A_24, %shift_right_logical3A_26 : vector<16xi32>
    %swap3A_28 = arith.constant 16 : index
    %swap3A_29 = tpu.vector_load %arg7[%swap3A_28] {strides = array<i32>} : memref<128xi32, #tpu.memory_space<vmem>>, vector<16xi32>,
    %swap3A_30 = vector.shape_cast %swap3A_29 : vector<16xi32> to vector<16xi32>
    %swap3A_31 = vector.shape_cast %shift_right_logical3A_27 : vector<16xi32> to vector<16xi32>
    tpu.vector_store %arg7[%swap3A_28], %swap3A_31 {strides = array<i32>} : memref<128xi32, #tpu.memory_space<vmem>>, vector<16xi32>,
    %and3A_32 = arith.constant 16383 : i32
    %and3A_33 = vector.broadcast %and3A_32 : i32 to vector<16xi32>
    %and3A_34 = arith.andi %get3A_24, %and3A_33 : vector<16xi32>
    %swap3A_35 = arith.constant 16 : index
    %swap3A_36 = tpu.vector_load %arg8[%swap3A_35] {strides = array<i32>} : memref<128xi32, #tpu.memory_space<vmem>>, vector<16xi32>,
    %swap3A_37 = vector.shape_cast %swap3A_36 : vector<16xi32> to vector<16xi32>
    %swap3A_38 = vector.shape_cast %and3A_34 : vector<16xi32> to vector<16xi32>
    tpu.vector_store %arg8[%swap3A_35], %swap3A_38 {strides = array<i32>} : memref<128xi32, #tpu.memory_space<vmem>>, vector<16xi32>,
    %get3A_39 = arith.constant 0 : i32
    %get3A_40 = arith.index_cast %get3A_39 : i32 to index
    %get3A_41 = arith.constant 32 : index
    %get3A_42 = tpu.vector_load %arg6[%get3A_40, %get3A_41] {strides = array<i32>} : memref<82x128xi32, #tpu.memory_space<vmem>>, vector<1x16xi32>,
    %get3A_43 = vector.shape_cast %get3A_42 : vector<1x16xi32> to vector<16xi32>
    %shift_right_logical3A_44 = arith.constant 14 : i32
    %shift_right_logical3A_45 = vector.broadcast %shift_right_logical3A_44 : i32 to vector<16xi32>
    %shift_right_logical3A_46 = arith.shrui %get3A_43, %shift_right_logical3A_45 : vector<16xi32>
    %swap3A_47 = arith.constant 32 : index
    %swap3A_48 = tpu.vector_load %arg7[%swap3A_47] {strides = array<i32>} : memref<128xi32, #tpu.memory_space<vmem>>, vector<16xi32>,
    %swap3A_49 = vector.shape_cast %swap3A_48 : vector<16xi32> to vector<16xi32>
    %swap3A_50 = vector.shape_cast %shift_right_logical3A_46 : vector<16xi32> to vector<16xi32>
    tpu.vector_store %arg7[%swap3A_47], %swap3A_50 {strides = array<i32>} : memref<128xi32, #tpu.memory_space<vmem>>, vector<16xi32>,
    %and3A_51 = arith.constant 16383 : i32
    %and3A_52 = vector.broadcast %and3A_51 : i32 to vector<16xi32>
    %and3A_53 = arith.andi %get3A_43, %and3A_52 : vector<16xi32>
    %swap3A_54 = arith.constant 32 : index
    %swap3A_55 = tpu.vector_load %arg8[%swap3A_54] {strides = array<i32>} : memref<128xi32, #tpu.memory_space<vmem>>, vector<16xi32>,
    %swap3A_56 = vector.shape_cast %swap3A_55 : vector<16xi32> to vector<16xi32>
    %swap3A_57 = vector.shape_cast %and3A_53 : vector<16xi32> to vector<16xi32>
    tpu.vector_store %arg8[%swap3A_54], %swap3A_57 {strides = array<i32>} : memref<128xi32, #tpu.memory_space<vmem>>, vector<16xi32>,
    %get3A_58 = arith.constant 0 : i32
    %get3A_59 = arith.index_cast %get3A_58 : i32 to index
    %get3A_60 = arith.constant 48 : index
    %get3A_61 = tpu.vector_load %arg6[%get3A_59, %get3A_60] {strides = array<i32>} : memref<82x128xi32, #tpu.memory_space<vmem>>, vector<1x16xi32>,
    %get3A_62 = vector.shape_cast %get3A_61 : vector<1x16xi32> to vector<16xi32>
    %shift_right_logical3A_63 = arith.constant 14 : i32
    %shift_right_logical3A_64 = vector.broadcast %shift_right_logical3A_63 : i32 to vector<16xi32>
    %shift_right_logical3A_65 = arith.shrui %get3A_62, %shift_right_logical3A_64 : vector<16xi32>
    %swap3A_66 = arith.constant 48 : index
    %swap3A_67 = tpu.vector_load %arg7[%swap3A_66] {strides = array<i32>} : memref<128xi32, #tpu.memory_space<vmem>>, vector<16xi32>,
    %swap3A_68 = vector.shape_cast %swap3A_67 : vector<16xi32> to vector<16xi32>
    %swap3A_69 = vector.shape_cast %shift_right_logical3A_65 : vector<16xi32> to vector<16xi32>
    tpu.vector_store %arg7[%swap3A_66], %swap3A_69 {strides = array<i32>} : memref<128xi32, #tpu.memory_space<vmem>>, vector<16xi32>,
    %and3A_70 = arith.constant 16383 : i32
    %and3A_71 = vector.broadcast %and3A_70 : i32 to vector<16xi32>
    %and3A_72 = arith.andi %get3A_62, %and3A_71 : vector<16xi32>
    %swap3A_73 = arith.constant 48 : index
    %swap3A_74 = tpu.vector_load %arg8[%swap3A_73] {strides = array<i32>} : memref<128xi32, #tpu.memory_space<vmem>>, vector<16xi32>,
    %swap3A_75 = vector.shape_cast %swap3A_74 : vector<16xi32> to vector<16xi32>
    %swap3A_76 = vector.shape_cast %and3A_72 : vector<16xi32> to vector<16xi32>
    tpu.vector_store %arg8[%swap3A_73], %swap3A_76 {strides = array<i32>} : memref<128xi32, #tpu.memory_space<vmem>>, vector<16xi32>,
    %get3A_77 = arith.constant 0 : i32
    %get3A_78 = arith.index_cast %get3A_77 : i32 to index
    %get3A_79 = arith.constant 64 : index
    %get3A_80 = tpu.vector_load %arg6[%get3A_78, %get3A_79] {strides = array<i32>} : memref<82x128xi32, #tpu.memory_space<vmem>>, vector<1x16xi32>,
    %get3A_81 = vector.shape_cast %get3A_80 : vector<1x16xi32> to vector<16xi32>
    %shift_right_logical3A_82 = arith.constant 14 : i32
    %shift_right_logical3A_83 = vector.broadcast %shift_right_logical3A_82 : i32 to vector<16xi32>
    %shift_right_logical3A_84 = arith.shrui %get3A_81, %shift_right_logical3A_83 : vector<16xi32>
    %swap3A_85 = arith.constant 64 : index
    %swap3A_86 = tpu.vector_load %arg7[%swap3A_85] {strides = array<i32>} : memref<128xi32, #tpu.memory_space<vmem>>, vector<16xi32>,
    %swap3A_87 = vector.shape_cast %swap3A_86 : vector<16xi32> to vector<16xi32>
    %swap3A_88 = vector.shape_cast %shift_right_logical3A_84 : vector<16xi32> to vector<16xi32>
    tpu.vector_store %arg7[%swap3A_85], %swap3A_88 {strides = array<i32>} : memref<128xi32, #tpu.memory_space<vmem>>, vector<16xi32>,
    %and3A_89 = arith.constant 16383 : i32
    %and3A_90 = vector.broadcast %and3A_89 : i32 to vector<16xi32>
    %and3A_91 = arith.andi %get3A_81, %and3A_90 : vector<16xi32>
    %swap3A_92 = arith.constant 64 : index
    %swap3A_93 = tpu.vector_load %arg8[%swap3A_92] {strides = array<i32>} : memref<128xi32, #tpu.memory_space<vmem>>, vector<16xi32>,
    %swap3A_94 = vector.shape_cast %swap3A_93 : vector<16xi32> to vector<16xi32>
    %swap3A_95 = vector.shape_cast %and3A_91 : vector<16xi32> to vector<16xi32>
    tpu.vector_store %arg8[%swap3A_92], %swap3A_95 {strides = array<i32>} : memref<128xi32, #tpu.memory_space<vmem>>, vector<16xi32>,
    %get3A_96 = arith.constant 0 : i32
    %get3A_97 = arith.index_cast %get3A_96 : i32 to index
    %get3A_98 = arith.constant 80 : index
    %get3A_99 = tpu.vector_load %arg6[%get3A_97, %get3A_98] {strides = array<i32>} : memref<82x128xi32, #tpu.memory_space<vmem>>, vector<1x16xi32>,
    %get3A_100 = vector.shape_cast %get3A_99 : vector<1x16xi32> to vector<16xi32>
    %shift_right_logical3A_101 = arith.constant 14 : i32
    %shift_right_logical3A_102 = vector.broadcast %shift_right_logical3A_101 : i32 to vector<16xi32>
    %shift_right_logical3A_103 = arith.shrui %get3A_100, %shift_right_logical3A_102 : vector<16xi32>
    %swap3A_104 = arith.constant 80 : index
    %swap3A_105 = tpu.vector_load %arg7[%swap3A_104] {strides = array<i32>} : memref<128xi32, #tpu.memory_space<vmem>>, vector<16xi32>,
    %swap3A_106 = vector.shape_cast %swap3A_105 : vector<16xi32> to vector<16xi32>
    %swap3A_107 = vector.shape_cast %shift_right_logical3A_103 : vector<16xi32> to vector<16xi32>
    tpu.vector_store %arg7[%swap3A_104], %swap3A_107 {strides = array<i32>} : memref<128xi32, #tpu.memory_space<vmem>>, vector<16xi32>,
    %and3A_108 = arith.constant 16383 : i32
    %and3A_109 = vector.broadcast %and3A_108 : i32 to vector<16xi32>
    %and3A_110 = arith.andi %get3A_100, %and3A_109 : vector<16xi32>
    %swap3A_111 = arith.constant 80 : index
    %swap3A_112 = tpu.vector_load %arg8[%swap3A_111] {strides = array<i32>} : memref<128xi32, #tpu.memory_space<vmem>>, vector<16xi32>,
    %swap3A_113 = vector.shape_cast %swap3A_112 : vector<16xi32> to vector<16xi32>
    %swap3A_114 = vector.shape_cast %and3A_110 : vector<16xi32> to vector<16xi32>
    tpu.vector_store %arg8[%swap3A_111], %swap3A_114 {strides = array<i32>} : memref<128xi32, #tpu.memory_space<vmem>>, vector<16xi32>,
    %get3A_115 = arith.constant 0 : i32
    %get3A_116 = arith.index_cast %get3A_115 : i32 to index
    %get3A_117 = arith.constant 96 : index
    %get3A_118 = tpu.vector_load %arg6[%get3A_116, %get3A_117] {strides = array<i32>} : memref<82x128xi32, #tpu.memory_space<vmem>>, vector<1x16xi32>,
    %get3A_119 = vector.shape_cast %get3A_118 : vector<1x16xi32> to vector<16xi32>
    %shift_right_logical3A_120 = arith.constant 14 : i32
    %shift_right_logical3A_121 = vector.broadcast %shift_right_logical3A_120 : i32 to vector<16xi32>
    %shift_right_logical3A_122 = arith.shrui %get3A_119, %shift_right_logical3A_121 : vector<16xi32>
    %swap3A_123 = arith.constant 96 : index
    %swap3A_124 = tpu.vector_load %arg7[%swap3A_123] {strides = array<i32>} : memref<128xi32, #tpu.memory_space<vmem>>, vector<16xi32>,
    %swap3A_125 = vector.shape_cast %swap3A_124 : vector<16xi32> to vector<16xi32>
    %swap3A_126 = vector.shape_cast %shift_right_logical3A_122 : vector<16xi32> to vector<16xi32>
    tpu.vector_store %arg7[%swap3A_123], %swap3A_126 {strides = array<i32>} : memref<128xi32, #tpu.memory_space<vmem>>, vector<16xi32>,
    %and3A_127 = arith.constant 16383 : i32
    %and3A_128 = vector.broadcast %and3A_127 : i32 to vector<16xi32>
    %and3A_129 = arith.andi %get3A_119, %and3A_128 : vector<16xi32>
    %swap3A_130 = arith.constant 96 : index
    %swap3A_131 = tpu.vector_load %arg8[%swap3A_130] {strides = array<i32>} : memref<128xi32, #tpu.memory_space<vmem>>, vector<16xi32>,
    %swap3A_132 = vector.shape_cast %swap3A_131 : vector<16xi32> to vector<16xi32>
    %swap3A_133 = vector.shape_cast %and3A_129 : vector<16xi32> to vector<16xi32>
    tpu.vector_store %arg8[%swap3A_130], %swap3A_133 {strides = array<i32>} : memref<128xi32, #tpu.memory_space<vmem>>, vector<16xi32>,
    %get3A_134 = arith.constant 0 : i32
    %get3A_135 = arith.index_cast %get3A_134 : i32 to index
    %get3A_136 = arith.constant 112 : index
    %get3A_137 = tpu.vector_load %arg6[%get3A_135, %get3A_136] {strides = array<i32>} : memref<82x128xi32, #tpu.memory_space<vmem>>, vector<1x16xi32>,
    %get3A_138 = vector.shape_cast %get3A_137 : vector<1x16xi32> to vector<16xi32>
    %shift_right_logical3A_139 = arith.constant 14 : i32
    %shift_right_logical3A_140 = vector.broadcast %shift_right_logical3A_139 : i32 to vector<16xi32>
    %shift_right_logical3A_141 = arith.shrui %get3A_138, %shift_right_logical3A_140 : vector<16xi32>
    %swap3A_142 = arith.constant 112 : index
    %swap3A_143 = tpu.vector_load %arg7[%swap3A_142] {strides = array<i32>} : memref<128xi32, #tpu.memory_space<vmem>>, vector<16xi32>,
    %swap3A_144 = vector.shape_cast %swap3A_143 : vector<16xi32> to vector<16xi32>
    %swap3A_145 = vector.shape_cast %shift_right_logical3A_141 : vector<16xi32> to vector<16xi32>
    tpu.vector_store %arg7[%swap3A_142], %swap3A_145 {strides = array<i32>} : memref<128xi32, #tpu.memory_space<vmem>>, vector<16xi32>,
    %and3A_146 = arith.constant 16383 : i32
    %and3A_147 = vector.broadcast %and3A_146 : i32 to vector<16xi32>
    %and3A_148 = arith.andi %get3A_138, %and3A_147 : vector<16xi32>
    %swap3A_149 = arith.constant 112 : index
    %swap3A_150 = tpu.vector_load %arg8[%swap3A_149] {strides = array<i32>} : memref<128xi32, #tpu.memory_space<vmem>>, vector<16xi32>,
    %swap3A_151 = vector.shape_cast %swap3A_150 : vector<16xi32> to vector<16xi32>
    %swap3A_152 = vector.shape_cast %and3A_148 : vector<16xi32> to vector<16xi32>
    tpu.vector_store %arg8[%swap3A_149], %swap3A_152 {strides = array<i32>} : memref<128xi32, #tpu.memory_space<vmem>>, vector<16xi32>,
    %dma_start3A = arith.constant 0 : i32
    %dma_start3A_153 = arith.constant 0 : i32
    %dma_start3A_154 = tpu.memref_slice %arg2[%dma_start3A, %dma_start3A_153] : memref<10000x128xf32, #tpu.memory_space<hbm>> -> memref<10000x128xf32, #tpu.memory_space<hbm>>
    tpu.enqueue_indirect_dma source(%dma_start3A_154 : memref<10000x128xf32, #tpu.memory_space<hbm>>) target(%arg11 : memref<128x128xf32, #tpu.memory_space<vmem>>) offsets(%arg7 : memref<128xi32, #tpu.memory_space<vmem>>) semaphore(%arg14 : memref<!tpu.dma_semaphore, #tpu.memory_space<semaphore_mem>>)
    %scan3A = arith.constant 0 : i32
    %scan3A_155 = arith.constant 0 : i32
    %scan3A_156 = arith.constant 40 : i32
    %scan3A_157 = arith.addi %scan3A_155, %scan3A_156 : i32
    %scan3A_158 = arith.constant 1 : i32
    scf.for %scan3A_167 = %scan3A_155 to %scan3A_157 step %scan3A_158  : i32 {
      %mul3A_168 = arith.constant 2 : i32
      %mul3A_169 = arith.muli %mul3A_168, %scan3A_167 : i32
      %add3A_170 = arith.constant 1 : i32
      %add3A_171 = arith.addi %mul3A_169, %add3A_170 : i32
      %get3A_172 = arith.index_cast %add3A_171 : i32 to index
      %get3A_173 = arith.constant 0 : index
      %get3A_174 = tpu.vector_load %arg6[%get3A_172, %get3A_173] {strides = array<i32>} : memref<82x128xi32, #tpu.memory_space<vmem>>, vector<1x16xi32>,
      %get3A_175 = vector.shape_cast %get3A_174 : vector<1x16xi32> to vector<16xi32>
      %shift_right_logical3A_176 = arith.constant 14 : i32
      %shift_right_logical3A_177 = vector.broadcast %shift_right_logical3A_176 : i32 to vector<16xi32>
      %shift_right_logical3A_178 = arith.shrui %get3A_175, %shift_right_logical3A_177 : vector<16xi32>
      %swap3A_179 = arith.constant 0 : index
      %swap3A_180 = tpu.vector_load %arg9[%swap3A_179] {strides = array<i32>} : memref<128xi32, #tpu.memory_space<vmem>>, vector<16xi32>,
      %swap3A_181 = vector.shape_cast %swap3A_180 : vector<16xi32> to vector<16xi32>
      %swap3A_182 = vector.shape_cast %shift_right_logical3A_178 : vector<16xi32> to vector<16xi32>
      tpu.vector_store %arg9[%swap3A_179], %swap3A_182 {strides = array<i32>} : memref<128xi32, #tpu.memory_space<vmem>>, vector<16xi32>,
      %and3A_183 = arith.constant 16383 : i32
      %and3A_184 = vector.broadcast %and3A_183 : i32 to vector<16xi32>
      %and3A_185 = arith.andi %get3A_175, %and3A_184 : vector<16xi32>
      %swap3A_186 = arith.constant 0 : index
      %swap3A_187 = tpu.vector_load %arg10[%swap3A_186] {strides = array<i32>} : memref<128xi32, #tpu.memory_space<vmem>>, vector<16xi32>,
      %swap3A_188 = vector.shape_cast %swap3A_187 : vector<16xi32> to vector<16xi32>
      %swap3A_189 = vector.shape_cast %and3A_185 : vector<16xi32> to vector<16xi32>
      tpu.vector_store %arg10[%swap3A_186], %swap3A_189 {strides = array<i32>} : memref<128xi32, #tpu.memory_space<vmem>>, vector<16xi32>,
      %get3A_190 = arith.index_cast %add3A_171 : i32 to index
      %get3A_191 = arith.constant 16 : index
      %get3A_192 = tpu.vector_load %arg6[%get3A_190, %get3A_191] {strides = array<i32>} : memref<82x128xi32, #tpu.memory_space<vmem>>, vector<1x16xi32>,
      %get3A_193 = vector.shape_cast %get3A_192 : vector<1x16xi32> to vector<16xi32>
      %shift_right_logical3A_194 = arith.constant 14 : i32
      %shift_right_logical3A_195 = vector.broadcast %shift_right_logical3A_194 : i32 to vector<16xi32>
      %shift_right_logical3A_196 = arith.shrui %get3A_193, %shift_right_logical3A_195 : vector<16xi32>
      %swap3A_197 = arith.constant 16 : index
      %swap3A_198 = tpu.vector_load %arg9[%swap3A_197] {strides = array<i32>} : memref<128xi32, #tpu.memory_space<vmem>>, vector<16xi32>,
      %swap3A_199 = vector.shape_cast %swap3A_198 : vector<16xi32> to vector<16xi32>
      %swap3A_200 = vector.shape_cast %shift_right_logical3A_196 : vector<16xi32> to vector<16xi32>
      tpu.vector_store %arg9[%swap3A_197], %swap3A_200 {strides = array<i32>} : memref<128xi32, #tpu.memory_space<vmem>>, vector<16xi32>,
      %and3A_201 = arith.constant 16383 : i32
      %and3A_202 = vector.broadcast %and3A_201 : i32 to vector<16xi32>
      %and3A_203 = arith.andi %get3A_193, %and3A_202 : vector<16xi32>
      %swap3A_204 = arith.constant 16 : index
      %swap3A_205 = tpu.vector_load %arg10[%swap3A_204] {strides = array<i32>} : memref<128xi32, #tpu.memory_space<vmem>>, vector<16xi32>,
      %swap3A_206 = vector.shape_cast %swap3A_205 : vector<16xi32> to vector<16xi32>
      %swap3A_207 = vector.shape_cast %and3A_203 : vector<16xi32> to vector<16xi32>
      tpu.vector_store %arg10[%swap3A_204], %swap3A_207 {strides = array<i32>} : memref<128xi32, #tpu.memory_space<vmem>>, vector<16xi32>,
      %get3A_208 = arith.index_cast %add3A_171 : i32 to index
      %get3A_209 = arith.constant 32 : index
      %get3A_210 = tpu.vector_load %arg6[%get3A_208, %get3A_209] {strides = array<i32>} : memref<82x128xi32, #tpu.memory_space<vmem>>, vector<1x16xi32>,
      %get3A_211 = vector.shape_cast %get3A_210 : vector<1x16xi32> to vector<16xi32>
      %shift_right_logical3A_212 = arith.constant 14 : i32
      %shift_right_logical3A_213 = vector.broadcast %shift_right_logical3A_212 : i32 to vector<16xi32>
      %shift_right_logical3A_214 = arith.shrui %get3A_211, %shift_right_logical3A_213 : vector<16xi32>
      %swap3A_215 = arith.constant 32 : index
      %swap3A_216 = tpu.vector_load %arg9[%swap3A_215] {strides = array<i32>} : memref<128xi32, #tpu.memory_space<vmem>>, vector<16xi32>,
      %swap3A_217 = vector.shape_cast %swap3A_216 : vector<16xi32> to vector<16xi32>
      %swap3A_218 = vector.shape_cast %shift_right_logical3A_214 : vector<16xi32> to vector<16xi32>
      tpu.vector_store %arg9[%swap3A_215], %swap3A_218 {strides = array<i32>} : memref<128xi32, #tpu.memory_space<vmem>>, vector<16xi32>,
      %and3A_219 = arith.constant 16383 : i32
      %and3A_220 = vector.broadcast %and3A_219 : i32 to vector<16xi32>
      %and3A_221 = arith.andi %get3A_211, %and3A_220 : vector<16xi32>
      %swap3A_222 = arith.constant 32 : index
      %swap3A_223 = tpu.vector_load %arg10[%swap3A_222] {strides = array<i32>} : memref<128xi32, #tpu.memory_space<vmem>>, vector<16xi32>,
      %swap3A_224 = vector.shape_cast %swap3A_223 : vector<16xi32> to vector<16xi32>
      %swap3A_225 = vector.shape_cast %and3A_221 : vector<16xi32> to vector<16xi32>
      tpu.vector_store %arg10[%swap3A_222], %swap3A_225 {strides = array<i32>} : memref<128xi32, #tpu.memory_space<vmem>>, vector<16xi32>,
      %get3A_226 = arith.index_cast %add3A_171 : i32 to index
      %get3A_227 = arith.constant 48 : index
      %get3A_228 = tpu.vector_load %arg6[%get3A_226, %get3A_227] {strides = array<i32>} : memref<82x128xi32, #tpu.memory_space<vmem>>, vector<1x16xi32>,
      %get3A_229 = vector.shape_cast %get3A_228 : vector<1x16xi32> to vector<16xi32>
      %shift_right_logical3A_230 = arith.constant 14 : i32
      %shift_right_logical3A_231 = vector.broadcast %shift_right_logical3A_230 : i32 to vector<16xi32>
      %shift_right_logical3A_232 = arith.shrui %get3A_229, %shift_right_logical3A_231 : vector<16xi32>
      %swap3A_233 = arith.constant 48 : index
      %swap3A_234 = tpu.vector_load %arg9[%swap3A_233] {strides = array<i32>} : memref<128xi32, #tpu.memory_space<vmem>>, vector<16xi32>,
      %swap3A_235 = vector.shape_cast %swap3A_234 : vector<16xi32> to vector<16xi32>
      %swap3A_236 = vector.shape_cast %shift_right_logical3A_232 : vector<16xi32> to vector<16xi32>
      tpu.vector_store %arg9[%swap3A_233], %swap3A_236 {strides = array<i32>} : memref<128xi32, #tpu.memory_space<vmem>>, vector<16xi32>,
      %and3A_237 = arith.constant 16383 : i32
      %and3A_238 = vector.broadcast %and3A_237 : i32 to vector<16xi32>
      %and3A_239 = arith.andi %get3A_229, %and3A_238 : vector<16xi32>
      %swap3A_240 = arith.constant 48 : index
      %swap3A_241 = tpu.vector_load %arg10[%swap3A_240] {strides = array<i32>} : memref<128xi32, #tpu.memory_space<vmem>>, vector<16xi32>,
      %swap3A_242 = vector.shape_cast %swap3A_241 : vector<16xi32> to vector<16xi32>
      %swap3A_243 = vector.shape_cast %and3A_239 : vector<16xi32> to vector<16xi32>
      tpu.vector_store %arg10[%swap3A_240], %swap3A_243 {strides = array<i32>} : memref<128xi32, #tpu.memory_space<vmem>>, vector<16xi32>,
      %get3A_244 = arith.index_cast %add3A_171 : i32 to index
      %get3A_245 = arith.constant 64 : index
      %get3A_246 = tpu.vector_load %arg6[%get3A_244, %get3A_245] {strides = array<i32>} : memref<82x128xi32, #tpu.memory_space<vmem>>, vector<1x16xi32>,
      %get3A_247 = vector.shape_cast %get3A_246 : vector<1x16xi32> to vector<16xi32>
      %shift_right_logical3A_248 = arith.constant 14 : i32
      %shift_right_logical3A_249 = vector.broadcast %shift_right_logical3A_248 : i32 to vector<16xi32>
      %shift_right_logical3A_250 = arith.shrui %get3A_247, %shift_right_logical3A_249 : vector<16xi32>
      %swap3A_251 = arith.constant 64 : index
      %swap3A_252 = tpu.vector_load %arg9[%swap3A_251] {strides = array<i32>} : memref<128xi32, #tpu.memory_space<vmem>>, vector<16xi32>,
      %swap3A_253 = vector.shape_cast %swap3A_252 : vector<16xi32> to vector<16xi32>
      %swap3A_254 = vector.shape_cast %shift_right_logical3A_250 : vector<16xi32> to vector<16xi32>
      tpu.vector_store %arg9[%swap3A_251], %swap3A_254 {strides = array<i32>} : memref<128xi32, #tpu.memory_space<vmem>>, vector<16xi32>,
      %and3A_255 = arith.constant 16383 : i32
      %and3A_256 = vector.broadcast %and3A_255 : i32 to vector<16xi32>
      %and3A_257 = arith.andi %get3A_247, %and3A_256 : vector<16xi32>
      %swap3A_258 = arith.constant 64 : index
      %swap3A_259 = tpu.vector_load %arg10[%swap3A_258] {strides = array<i32>} : memref<128xi32, #tpu.memory_space<vmem>>, vector<16xi32>,
      %swap3A_260 = vector.shape_cast %swap3A_259 : vector<16xi32> to vector<16xi32>
      %swap3A_261 = vector.shape_cast %and3A_257 : vector<16xi32> to vector<16xi32>
      tpu.vector_store %arg10[%swap3A_258], %swap3A_261 {strides = array<i32>} : memref<128xi32, #tpu.memory_space<vmem>>, vector<16xi32>,
      %get3A_262 = arith.index_cast %add3A_171 : i32 to index
      %get3A_263 = arith.constant 80 : index
      %get3A_264 = tpu.vector_load %arg6[%get3A_262, %get3A_263] {strides = array<i32>} : memref<82x128xi32, #tpu.memory_space<vmem>>, vector<1x16xi32>,
      %get3A_265 = vector.shape_cast %get3A_264 : vector<1x16xi32> to vector<16xi32>
      %shift_right_logical3A_266 = arith.constant 14 : i32
      %shift_right_logical3A_267 = vector.broadcast %shift_right_logical3A_266 : i32 to vector<16xi32>
      %shift_right_logical3A_268 = arith.shrui %get3A_265, %shift_right_logical3A_267 : vector<16xi32>
      %swap3A_269 = arith.constant 80 : index
      %swap3A_270 = tpu.vector_load %arg9[%swap3A_269] {strides = array<i32>} : memref<128xi32, #tpu.memory_space<vmem>>, vector<16xi32>,
      %swap3A_271 = vector.shape_cast %swap3A_270 : vector<16xi32> to vector<16xi32>
      %swap3A_272 = vector.shape_cast %shift_right_logical3A_268 : vector<16xi32> to vector<16xi32>
      tpu.vector_store %arg9[%swap3A_269], %swap3A_272 {strides = array<i32>} : memref<128xi32, #tpu.memory_space<vmem>>, vector<16xi32>,
      %and3A_273 = arith.constant 16383 : i32
      %and3A_274 = vector.broadcast %and3A_273 : i32 to vector<16xi32>
      %and3A_275 = arith.andi %get3A_265, %and3A_274 : vector<16xi32>
      %swap3A_276 = arith.constant 80 : index
      %swap3A_277 = tpu.vector_load %arg10[%swap3A_276] {strides = array<i32>} : memref<128xi32, #tpu.memory_space<vmem>>, vector<16xi32>,
      %swap3A_278 = vector.shape_cast %swap3A_277 : vector<16xi32> to vector<16xi32>
      %swap3A_279 = vector.shape_cast %and3A_275 : vector<16xi32> to vector<16xi32>
      tpu.vector_store %arg10[%swap3A_276], %swap3A_279 {strides = array<i32>} : memref<128xi32, #tpu.memory_space<vmem>>, vector<16xi32>,
      %get3A_280 = arith.index_cast %add3A_171 : i32 to index
      %get3A_281 = arith.constant 96 : index
      %get3A_282 = tpu.vector_load %arg6[%get3A_280, %get3A_281] {strides = array<i32>} : memref<82x128xi32, #tpu.memory_space<vmem>>, vector<1x16xi32>,
      %get3A_283 = vector.shape_cast %get3A_282 : vector<1x16xi32> to vector<16xi32>
      %shift_right_logical3A_284 = arith.constant 14 : i32
      %shift_right_logical3A_285 = vector.broadcast %shift_right_logical3A_284 : i32 to vector<16xi32>
      %shift_right_logical3A_286 = arith.shrui %get3A_283, %shift_right_logical3A_285 : vector<16xi32>
      %swap3A_287 = arith.constant 96 : index
      %swap3A_288 = tpu.vector_load %arg9[%swap3A_287] {strides = array<i32>} : memref<128xi32, #tpu.memory_space<vmem>>, vector<16xi32>,
      %swap3A_289 = vector.shape_cast %swap3A_288 : vector<16xi32> to vector<16xi32>
      %swap3A_290 = vector.shape_cast %shift_right_logical3A_286 : vector<16xi32> to vector<16xi32>
      tpu.vector_store %arg9[%swap3A_287], %swap3A_290 {strides = array<i32>} : memref<128xi32, #tpu.memory_space<vmem>>, vector<16xi32>,
      %and3A_291 = arith.constant 16383 : i32
      %and3A_292 = vector.broadcast %and3A_291 : i32 to vector<16xi32>
      %and3A_293 = arith.andi %get3A_283, %and3A_292 : vector<16xi32>
      %swap3A_294 = arith.constant 96 : index
      %swap3A_295 = tpu.vector_load %arg10[%swap3A_294] {strides = array<i32>} : memref<128xi32, #tpu.memory_space<vmem>>, vector<16xi32>,
      %swap3A_296 = vector.shape_cast %swap3A_295 : vector<16xi32> to vector<16xi32>
      %swap3A_297 = vector.shape_cast %and3A_293 : vector<16xi32> to vector<16xi32>
      tpu.vector_store %arg10[%swap3A_294], %swap3A_297 {strides = array<i32>} : memref<128xi32, #tpu.memory_space<vmem>>, vector<16xi32>,
      %get3A_298 = arith.index_cast %add3A_171 : i32 to index
      %get3A_299 = arith.constant 112 : index
      %get3A_300 = tpu.vector_load %arg6[%get3A_298, %get3A_299] {strides = array<i32>} : memref<82x128xi32, #tpu.memory_space<vmem>>, vector<1x16xi32>,
      %get3A_301 = vector.shape_cast %get3A_300 : vector<1x16xi32> to vector<16xi32>
      %shift_right_logical3A_302 = arith.constant 14 : i32
      %shift_right_logical3A_303 = vector.broadcast %shift_right_logical3A_302 : i32 to vector<16xi32>
      %shift_right_logical3A_304 = arith.shrui %get3A_301, %shift_right_logical3A_303 : vector<16xi32>
      %swap3A_305 = arith.constant 112 : index
      %swap3A_306 = tpu.vector_load %arg9[%swap3A_305] {strides = array<i32>} : memref<128xi32, #tpu.memory_space<vmem>>, vector<16xi32>,
      %swap3A_307 = vector.shape_cast %swap3A_306 : vector<16xi32> to vector<16xi32>
      %swap3A_308 = vector.shape_cast %shift_right_logical3A_304 : vector<16xi32> to vector<16xi32>
      tpu.vector_store %arg9[%swap3A_305], %swap3A_308 {strides = array<i32>} : memref<128xi32, #tpu.memory_space<vmem>>, vector<16xi32>,
      %and3A_309 = arith.constant 16383 : i32
      %and3A_310 = vector.broadcast %and3A_309 : i32 to vector<16xi32>
      %and3A_311 = arith.andi %get3A_301, %and3A_310 : vector<16xi32>
      %swap3A_312 = arith.constant 112 : index
      %swap3A_313 = tpu.vector_load %arg10[%swap3A_312] {strides = array<i32>} : memref<128xi32, #tpu.memory_space<vmem>>, vector<16xi32>,
      %swap3A_314 = vector.shape_cast %swap3A_313 : vector<16xi32> to vector<16xi32>
      %swap3A_315 = vector.shape_cast %and3A_311 : vector<16xi32> to vector<16xi32>
      tpu.vector_store %arg10[%swap3A_312], %swap3A_315 {strides = array<i32>} : memref<128xi32, #tpu.memory_space<vmem>>, vector<16xi32>,
      %dma_start3A_316 = arith.constant 0 : i32
      %dma_start3A_317 = arith.constant 0 : i32
      %dma_start3A_318 = tpu.memref_slice %arg2[%dma_start3A_316, %dma_start3A_317] : memref<10000x128xf32, #tpu.memory_space<hbm>> -> memref<10000x128xf32, #tpu.memory_space<hbm>>
      tpu.enqueue_indirect_dma source(%dma_start3A_318 : memref<10000x128xf32, #tpu.memory_space<hbm>>) target(%arg12 : memref<128x128xf32, #tpu.memory_space<vmem>>) offsets(%arg9 : memref<128xi32, #tpu.memory_space<vmem>>) semaphore(%arg15 : memref<!tpu.dma_semaphore, #tpu.memory_space<semaphore_mem>>)
      %dma_wait3A_319 = arith.constant 0 : i32
      %dma_wait3A_320 = arith.constant 0 : i32
      %dma_wait3A_321 = tpu.memref_slice %arg2[%dma_wait3A_319, %dma_wait3A_320] : memref<10000x128xf32, #tpu.memory_space<hbm>> -> memref<10000x128xf32, #tpu.memory_space<hbm>>
      tpu.wait_indirect_dma semaphore(%arg14 : memref<!tpu.dma_semaphore, #tpu.memory_space<semaphore_mem>>) src(%dma_wait3A_321 : memref<10000x128xf32, #tpu.memory_space<hbm>>) dst(%arg11 : memref<128x128xf32, #tpu.memory_space<vmem>>)
      "tpu.region"() ({
        %run_scoped3A = tpu.sem_alloc : memref<!tpu.dma_semaphore, #tpu.memory_space<semaphore_mem>>
        %dma_start3A_474 = arith.constant 0 : i32
        %dma_start3A_475 = arith.constant 0 : i32
        %dma_start3A_476 = tpu.memref_slice %arg13[%dma_start3A_474, %dma_start3A_475] : memref<10112x128xf32, #tpu.memory_space<vmem_shared>> -> memref<10112x128xf32, #tpu.memory_space<vmem_shared>>
        tpu.enqueue_indirect_dma source(%arg11 : memref<128x128xf32, #tpu.memory_space<vmem>>) target(%dma_start3A_476 : memref<10112x128xf32, #tpu.memory_space<vmem_shared>>) offsets(%arg8 : memref<128xi32, #tpu.memory_space<vmem>>) semaphore(%run_scoped3A : memref<!tpu.dma_semaphore, #tpu.memory_space<semaphore_mem>>) {add = true}
        %dma_wait3A_477 = arith.constant 0 : i32
        %dma_wait3A_478 = arith.constant 0 : i32
        %dma_wait3A_479 = tpu.memref_slice %arg13[%dma_wait3A_477, %dma_wait3A_478] : memref<10112x128xf32, #tpu.memory_space<vmem_shared>> -> memref<10112x128xf32, #tpu.memory_space<vmem_shared>>
        tpu.wait_indirect_dma semaphore(%run_scoped3A : memref<!tpu.dma_semaphore, #tpu.memory_space<semaphore_mem>>) src(%arg11 : memref<128x128xf32, #tpu.memory_space<vmem>>) dst(%dma_wait3A_479 : memref<10112x128xf32, #tpu.memory_space<vmem_shared>>)
        tpu.yield
      }) : () -> ()
      %add3A_322 = arith.constant 2 : i32
      %add3A_323 = arith.addi %mul3A_169, %add3A_322 : i32
      %get3A_324 = arith.index_cast %add3A_323 : i32 to index
      %get3A_325 = arith.constant 0 : index
      %get3A_326 = tpu.vector_load %arg6[%get3A_324, %get3A_325] {strides = array<i32>} : memref<82x128xi32, #tpu.memory_space<vmem>>, vector<1x16xi32>,
      %get3A_327 = vector.shape_cast %get3A_326 : vector<1x16xi32> to vector<16xi32>
      %shift_right_logical3A_328 = arith.constant 14 : i32
      %shift_right_logical3A_329 = vector.broadcast %shift_right_logical3A_328 : i32 to vector<16xi32>
      %shift_right_logical3A_330 = arith.shrui %get3A_327, %shift_right_logical3A_329 : vector<16xi32>
      %swap3A_331 = arith.constant 0 : index
      %swap3A_332 = tpu.vector_load %arg7[%swap3A_331] {strides = array<i32>} : memref<128xi32, #tpu.memory_space<vmem>>, vector<16xi32>,
      %swap3A_333 = vector.shape_cast %swap3A_332 : vector<16xi32> to vector<16xi32>
      %swap3A_334 = vector.shape_cast %shift_right_logical3A_330 : vector<16xi32> to vector<16xi32>
      tpu.vector_store %arg7[%swap3A_331], %swap3A_334 {strides = array<i32>} : memref<128xi32, #tpu.memory_space<vmem>>, vector<16xi32>,
      %and3A_335 = arith.constant 16383 : i32
      %and3A_336 = vector.broadcast %and3A_335 : i32 to vector<16xi32>
      %and3A_337 = arith.andi %get3A_327, %and3A_336 : vector<16xi32>
      %swap3A_338 = arith.constant 0 : index
      %swap3A_339 = tpu.vector_load %arg8[%swap3A_338] {strides = array<i32>} : memref<128xi32, #tpu.memory_space<vmem>>, vector<16xi32>,
      %swap3A_340 = vector.shape_cast %swap3A_339 : vector<16xi32> to vector<16xi32>
      %swap3A_341 = vector.shape_cast %and3A_337 : vector<16xi32> to vector<16xi32>
      tpu.vector_store %arg8[%swap3A_338], %swap3A_341 {strides = array<i32>} : memref<128xi32, #tpu.memory_space<vmem>>, vector<16xi32>,
      %get3A_342 = arith.index_cast %add3A_323 : i32 to index
      %get3A_343 = arith.constant 16 : index
      %get3A_344 = tpu.vector_load %arg6[%get3A_342, %get3A_343] {strides = array<i32>} : memref<82x128xi32, #tpu.memory_space<vmem>>, vector<1x16xi32>,
      %get3A_345 = vector.shape_cast %get3A_344 : vector<1x16xi32> to vector<16xi32>
      %shift_right_logical3A_346 = arith.constant 14 : i32
      %shift_right_logical3A_347 = vector.broadcast %shift_right_logical3A_346 : i32 to vector<16xi32>
      %shift_right_logical3A_348 = arith.shrui %get3A_345, %shift_right_logical3A_347 : vector<16xi32>
      %swap3A_349 = arith.constant 16 : index
      %swap3A_350 = tpu.vector_load %arg7[%swap3A_349] {strides = array<i32>} : memref<128xi32, #tpu.memory_space<vmem>>, vector<16xi32>,
      %swap3A_351 = vector.shape_cast %swap3A_350 : vector<16xi32> to vector<16xi32>
      %swap3A_352 = vector.shape_cast %shift_right_logical3A_348 : vector<16xi32> to vector<16xi32>
      tpu.vector_store %arg7[%swap3A_349], %swap3A_352 {strides = array<i32>} : memref<128xi32, #tpu.memory_space<vmem>>, vector<16xi32>,
      %and3A_353 = arith.constant 16383 : i32
      %and3A_354 = vector.broadcast %and3A_353 : i32 to vector<16xi32>
      %and3A_355 = arith.andi %get3A_345, %and3A_354 : vector<16xi32>
      %swap3A_356 = arith.constant 16 : index
      %swap3A_357 = tpu.vector_load %arg8[%swap3A_356] {strides = array<i32>} : memref<128xi32, #tpu.memory_space<vmem>>, vector<16xi32>,
      %swap3A_358 = vector.shape_cast %swap3A_357 : vector<16xi32> to vector<16xi32>
      %swap3A_359 = vector.shape_cast %and3A_355 : vector<16xi32> to vector<16xi32>
      tpu.vector_store %arg8[%swap3A_356], %swap3A_359 {strides = array<i32>} : memref<128xi32, #tpu.memory_space<vmem>>, vector<16xi32>,
      %get3A_360 = arith.index_cast %add3A_323 : i32 to index
      %get3A_361 = arith.constant 32 : index
      %get3A_362 = tpu.vector_load %arg6[%get3A_360, %get3A_361] {strides = array<i32>} : memref<82x128xi32, #tpu.memory_space<vmem>>, vector<1x16xi32>,
      %get3A_363 = vector.shape_cast %get3A_362 : vector<1x16xi32> to vector<16xi32>
      %shift_right_logical3A_364 = arith.constant 14 : i32
      %shift_right_logical3A_365 = vector.broadcast %shift_right_logical3A_364 : i32 to vector<16xi32>
      %shift_right_logical3A_366 = arith.shrui %get3A_363, %shift_right_logical3A_365 : vector<16xi32>
      %swap3A_367 = arith.constant 32 : index
      %swap3A_368 = tpu.vector_load %arg7[%swap3A_367] {strides = array<i32>} : memref<128xi32, #tpu.memory_space<vmem>>, vector<16xi32>,
      %swap3A_369 = vector.shape_cast %swap3A_368 : vector<16xi32> to vector<16xi32>
      %swap3A_370 = vector.shape_cast %shift_right_logical3A_366 : vector<16xi32> to vector<16xi32>
      tpu.vector_store %arg7[%swap3A_367], %swap3A_370 {strides = array<i32>} : memref<128xi32, #tpu.memory_space<vmem>>, vector<16xi32>,
      %and3A_371 = arith.constant 16383 : i32
      %and3A_372 = vector.broadcast %and3A_371 : i32 to vector<16xi32>
      %and3A_373 = arith.andi %get3A_363, %and3A_372 : vector<16xi32>
      %swap3A_374 = arith.constant 32 : index
      %swap3A_375 = tpu.vector_load %arg8[%swap3A_374] {strides = array<i32>} : memref<128xi32, #tpu.memory_space<vmem>>, vector<16xi32>,
      %swap3A_376 = vector.shape_cast %swap3A_375 : vector<16xi32> to vector<16xi32>
      %swap3A_377 = vector.shape_cast %and3A_373 : vector<16xi32> to vector<16xi32>
      tpu.vector_store %arg8[%swap3A_374], %swap3A_377 {strides = array<i32>} : memref<128xi32, #tpu.memory_space<vmem>>, vector<16xi32>,
      %get3A_378 = arith.index_cast %add3A_323 : i32 to index
      %get3A_379 = arith.constant 48 : index
      %get3A_380 = tpu.vector_load %arg6[%get3A_378, %get3A_379] {strides = array<i32>} : memref<82x128xi32, #tpu.memory_space<vmem>>, vector<1x16xi32>,
      %get3A_381 = vector.shape_cast %get3A_380 : vector<1x16xi32> to vector<16xi32>
      %shift_right_logical3A_382 = arith.constant 14 : i32
      %shift_right_logical3A_383 = vector.broadcast %shift_right_logical3A_382 : i32 to vector<16xi32>
      %shift_right_logical3A_384 = arith.shrui %get3A_381, %shift_right_logical3A_383 : vector<16xi32>
      %swap3A_385 = arith.constant 48 : index
      %swap3A_386 = tpu.vector_load %arg7[%swap3A_385] {strides = array<i32>} : memref<128xi32, #tpu.memory_space<vmem>>, vector<16xi32>,
      %swap3A_387 = vector.shape_cast %swap3A_386 : vector<16xi32> to vector<16xi32>
      %swap3A_388 = vector.shape_cast %shift_right_logical3A_384 : vector<16xi32> to vector<16xi32>
      tpu.vector_store %arg7[%swap3A_385], %swap3A_388 {strides = array<i32>} : memref<128xi32, #tpu.memory_space<vmem>>, vector<16xi32>,
      %and3A_389 = arith.constant 16383 : i32
      %and3A_390 = vector.broadcast %and3A_389 : i32 to vector<16xi32>
      %and3A_391 = arith.andi %get3A_381, %and3A_390 : vector<16xi32>
      %swap3A_392 = arith.constant 48 : index
      %swap3A_393 = tpu.vector_load %arg8[%swap3A_392] {strides = array<i32>} : memref<128xi32, #tpu.memory_space<vmem>>, vector<16xi32>,
      %swap3A_394 = vector.shape_cast %swap3A_393 : vector<16xi32> to vector<16xi32>
      %swap3A_395 = vector.shape_cast %and3A_391 : vector<16xi32> to vector<16xi32>
      tpu.vector_store %arg8[%swap3A_392], %swap3A_395 {strides = array<i32>} : memref<128xi32, #tpu.memory_space<vmem>>, vector<16xi32>,
      %get3A_396 = arith.index_cast %add3A_323 : i32 to index
      %get3A_397 = arith.constant 64 : index
      %get3A_398 = tpu.vector_load %arg6[%get3A_396, %get3A_397] {strides = array<i32>} : memref<82x128xi32, #tpu.memory_space<vmem>>, vector<1x16xi32>,
      %get3A_399 = vector.shape_cast %get3A_398 : vector<1x16xi32> to vector<16xi32>
      %shift_right_logical3A_400 = arith.constant 14 : i32
      %shift_right_logical3A_401 = vector.broadcast %shift_right_logical3A_400 : i32 to vector<16xi32>
      %shift_right_logical3A_402 = arith.shrui %get3A_399, %shift_right_logical3A_401 : vector<16xi32>
      %swap3A_403 = arith.constant 64 : index
      %swap3A_404 = tpu.vector_load %arg7[%swap3A_403] {strides = array<i32>} : memref<128xi32, #tpu.memory_space<vmem>>, vector<16xi32>,
      %swap3A_405 = vector.shape_cast %swap3A_404 : vector<16xi32> to vector<16xi32>
      %swap3A_406 = vector.shape_cast %shift_right_logical3A_402 : vector<16xi32> to vector<16xi32>
      tpu.vector_store %arg7[%swap3A_403], %swap3A_406 {strides = array<i32>} : memref<128xi32, #tpu.memory_space<vmem>>, vector<16xi32>,
      %and3A_407 = arith.constant 16383 : i32
      %and3A_408 = vector.broadcast %and3A_407 : i32 to vector<16xi32>
      %and3A_409 = arith.andi %get3A_399, %and3A_408 : vector<16xi32>
      %swap3A_410 = arith.constant 64 : index
      %swap3A_411 = tpu.vector_load %arg8[%swap3A_410] {strides = array<i32>} : memref<128xi32, #tpu.memory_space<vmem>>, vector<16xi32>,
      %swap3A_412 = vector.shape_cast %swap3A_411 : vector<16xi32> to vector<16xi32>
      %swap3A_413 = vector.shape_cast %and3A_409 : vector<16xi32> to vector<16xi32>
      tpu.vector_store %arg8[%swap3A_410], %swap3A_413 {strides = array<i32>} : memref<128xi32, #tpu.memory_space<vmem>>, vector<16xi32>,
      %get3A_414 = arith.index_cast %add3A_323 : i32 to index
      %get3A_415 = arith.constant 80 : index
      %get3A_416 = tpu.vector_load %arg6[%get3A_414, %get3A_415] {strides = array<i32>} : memref<82x128xi32, #tpu.memory_space<vmem>>, vector<1x16xi32>,
      %get3A_417 = vector.shape_cast %get3A_416 : vector<1x16xi32> to vector<16xi32>
      %shift_right_logical3A_418 = arith.constant 14 : i32
      %shift_right_logical3A_419 = vector.broadcast %shift_right_logical3A_418 : i32 to vector<16xi32>
      %shift_right_logical3A_420 = arith.shrui %get3A_417, %shift_right_logical3A_419 : vector<16xi32>
      %swap3A_421 = arith.constant 80 : index
      %swap3A_422 = tpu.vector_load %arg7[%swap3A_421] {strides = array<i32>} : memref<128xi32, #tpu.memory_space<vmem>>, vector<16xi32>,
      %swap3A_423 = vector.shape_cast %swap3A_422 : vector<16xi32> to vector<16xi32>
      %swap3A_424 = vector.shape_cast %shift_right_logical3A_420 : vector<16xi32> to vector<16xi32>
      tpu.vector_store %arg7[%swap3A_421], %swap3A_424 {strides = array<i32>} : memref<128xi32, #tpu.memory_space<vmem>>, vector<16xi32>,
      %and3A_425 = arith.constant 16383 : i32
      %and3A_426 = vector.broadcast %and3A_425 : i32 to vector<16xi32>
      %and3A_427 = arith.andi %get3A_417, %and3A_426 : vector<16xi32>
      %swap3A_428 = arith.constant 80 : index
      %swap3A_429 = tpu.vector_load %arg8[%swap3A_428] {strides = array<i32>} : memref<128xi32, #tpu.memory_space<vmem>>, vector<16xi32>,
      %swap3A_430 = vector.shape_cast %swap3A_429 : vector<16xi32> to vector<16xi32>
      %swap3A_431 = vector.shape_cast %and3A_427 : vector<16xi32> to vector<16xi32>
      tpu.vector_store %arg8[%swap3A_428], %swap3A_431 {strides = array<i32>} : memref<128xi32, #tpu.memory_space<vmem>>, vector<16xi32>,
      %get3A_432 = arith.index_cast %add3A_323 : i32 to index
      %get3A_433 = arith.constant 96 : index
      %get3A_434 = tpu.vector_load %arg6[%get3A_432, %get3A_433] {strides = array<i32>} : memref<82x128xi32, #tpu.memory_space<vmem>>, vector<1x16xi32>,
      %get3A_435 = vector.shape_cast %get3A_434 : vector<1x16xi32> to vector<16xi32>
      %shift_right_logical3A_436 = arith.constant 14 : i32
      %shift_right_logical3A_437 = vector.broadcast %shift_right_logical3A_436 : i32 to vector<16xi32>
      %shift_right_logical3A_438 = arith.shrui %get3A_435, %shift_right_logical3A_437 : vector<16xi32>
      %swap3A_439 = arith.constant 96 : index
      %swap3A_440 = tpu.vector_load %arg7[%swap3A_439] {strides = array<i32>} : memref<128xi32, #tpu.memory_space<vmem>>, vector<16xi32>,
      %swap3A_441 = vector.shape_cast %swap3A_440 : vector<16xi32> to vector<16xi32>
      %swap3A_442 = vector.shape_cast %shift_right_logical3A_438 : vector<16xi32> to vector<16xi32>
      tpu.vector_store %arg7[%swap3A_439], %swap3A_442 {strides = array<i32>} : memref<128xi32, #tpu.memory_space<vmem>>, vector<16xi32>,
      %and3A_443 = arith.constant 16383 : i32
      %and3A_444 = vector.broadcast %and3A_443 : i32 to vector<16xi32>
      %and3A_445 = arith.andi %get3A_435, %and3A_444 : vector<16xi32>
      %swap3A_446 = arith.constant 96 : index
      %swap3A_447 = tpu.vector_load %arg8[%swap3A_446] {strides = array<i32>} : memref<128xi32, #tpu.memory_space<vmem>>, vector<16xi32>,
      %swap3A_448 = vector.shape_cast %swap3A_447 : vector<16xi32> to vector<16xi32>
      %swap3A_449 = vector.shape_cast %and3A_445 : vector<16xi32> to vector<16xi32>
      tpu.vector_store %arg8[%swap3A_446], %swap3A_449 {strides = array<i32>} : memref<128xi32, #tpu.memory_space<vmem>>, vector<16xi32>,
      %get3A_450 = arith.index_cast %add3A_323 : i32 to index
      %get3A_451 = arith.constant 112 : index
      %get3A_452 = tpu.vector_load %arg6[%get3A_450, %get3A_451] {strides = array<i32>} : memref<82x128xi32, #tpu.memory_space<vmem>>, vector<1x16xi32>,
      %get3A_453 = vector.shape_cast %get3A_452 : vector<1x16xi32> to vector<16xi32>
      %shift_right_logical3A_454 = arith.constant 14 : i32
      %shift_right_logical3A_455 = vector.broadcast %shift_right_logical3A_454 : i32 to vector<16xi32>
      %shift_right_logical3A_456 = arith.shrui %get3A_453, %shift_right_logical3A_455 : vector<16xi32>
      %swap3A_457 = arith.constant 112 : index
      %swap3A_458 = tpu.vector_load %arg7[%swap3A_457] {strides = array<i32>} : memref<128xi32, #tpu.memory_space<vmem>>, vector<16xi32>,
      %swap3A_459 = vector.shape_cast %swap3A_458 : vector<16xi32> to vector<16xi32>
      %swap3A_460 = vector.shape_cast %shift_right_logical3A_456 : vector<16xi32> to vector<16xi32>
      tpu.vector_store %arg7[%swap3A_457], %swap3A_460 {strides = array<i32>} : memref<128xi32, #tpu.memory_space<vmem>>, vector<16xi32>,
      %and3A_461 = arith.constant 16383 : i32
      %and3A_462 = vector.broadcast %and3A_461 : i32 to vector<16xi32>
      %and3A_463 = arith.andi %get3A_453, %and3A_462 : vector<16xi32>
      %swap3A_464 = arith.constant 112 : index
      %swap3A_465 = tpu.vector_load %arg8[%swap3A_464] {strides = array<i32>} : memref<128xi32, #tpu.memory_space<vmem>>, vector<16xi32>,
      %swap3A_466 = vector.shape_cast %swap3A_465 : vector<16xi32> to vector<16xi32>
      %swap3A_467 = vector.shape_cast %and3A_463 : vector<16xi32> to vector<16xi32>
      tpu.vector_store %arg8[%swap3A_464], %swap3A_467 {strides = array<i32>} : memref<128xi32, #tpu.memory_space<vmem>>, vector<16xi32>,
      %dma_start3A_468 = arith.constant 0 : i32
      %dma_start3A_469 = arith.constant 0 : i32
      %dma_start3A_470 = tpu.memref_slice %arg2[%dma_start3A_468, %dma_start3A_469] : memref<10000x128xf32, #tpu.memory_space<hbm>> -> memref<10000x128xf32, #tpu.memory_space<hbm>>
      tpu.enqueue_indirect_dma source(%dma_start3A_470 : memref<10000x128xf32, #tpu.memory_space<hbm>>) target(%arg11 : memref<128x128xf32, #tpu.memory_space<vmem>>) offsets(%arg7 : memref<128xi32, #tpu.memory_space<vmem>>) semaphore(%arg14 : memref<!tpu.dma_semaphore, #tpu.memory_space<semaphore_mem>>)
      %dma_wait3A_471 = arith.constant 0 : i32
      %dma_wait3A_472 = arith.constant 0 : i32
      %dma_wait3A_473 = tpu.memref_slice %arg2[%dma_wait3A_471, %dma_wait3A_472] : memref<10000x128xf32, #tpu.memory_space<hbm>> -> memref<10000x128xf32, #tpu.memory_space<hbm>>
      tpu.wait_indirect_dma semaphore(%arg15 : memref<!tpu.dma_semaphore, #tpu.memory_space<semaphore_mem>>) src(%dma_wait3A_473 : memref<10000x128xf32, #tpu.memory_space<hbm>>) dst(%arg12 : memref<128x128xf32, #tpu.memory_space<vmem>>)
      "tpu.region"() ({
        %run_scoped3A = tpu.sem_alloc : memref<!tpu.dma_semaphore, #tpu.memory_space<semaphore_mem>>
        %dma_start3A_474 = arith.constant 0 : i32
        %dma_start3A_475 = arith.constant 0 : i32
        %dma_start3A_476 = tpu.memref_slice %arg13[%dma_start3A_474, %dma_start3A_475] : memref<10112x128xf32, #tpu.memory_space<vmem_shared>> -> memref<10112x128xf32, #tpu.memory_space<vmem_shared>>
        tpu.enqueue_indirect_dma source(%arg12 : memref<128x128xf32, #tpu.memory_space<vmem>>) target(%dma_start3A_476 : memref<10112x128xf32, #tpu.memory_space<vmem_shared>>) offsets(%arg10 : memref<128xi32, #tpu.memory_space<vmem>>) semaphore(%run_scoped3A : memref<!tpu.dma_semaphore, #tpu.memory_space<semaphore_mem>>) {add = true}
        %dma_wait3A_477 = arith.constant 0 : i32
        %dma_wait3A_478 = arith.constant 0 : i32
        %dma_wait3A_479 = tpu.memref_slice %arg13[%dma_wait3A_477, %dma_wait3A_478] : memref<10112x128xf32, #tpu.memory_space<vmem_shared>> -> memref<10112x128xf32, #tpu.memory_space<vmem_shared>>
        tpu.wait_indirect_dma semaphore(%run_scoped3A : memref<!tpu.dma_semaphore, #tpu.memory_space<semaphore_mem>>) src(%arg12 : memref<128x128xf32, #tpu.memory_space<vmem>>) dst(%dma_wait3A_479 : memref<10112x128xf32, #tpu.memory_space<vmem_shared>>)
        tpu.yield
      }) : () -> ()
    }
    %scan3A_159 = arith.constant 40 : i32
    %dma_wait3A = arith.constant 0 : i32
    %dma_wait3A_160 = arith.constant 0 : i32
    %dma_wait3A_161 = tpu.memref_slice %arg2[%dma_wait3A, %dma_wait3A_160] : memref<10000x128xf32, #tpu.memory_space<hbm>> -> memref<10000x128xf32, #tpu.memory_space<hbm>>
    tpu.wait_indirect_dma semaphore(%arg14 : memref<!tpu.dma_semaphore, #tpu.memory_space<semaphore_mem>>) src(%dma_wait3A_161 : memref<10000x128xf32, #tpu.memory_space<hbm>>) dst(%arg11 : memref<128x128xf32, #tpu.memory_space<vmem>>)
    %barrier3A_162 = arith.constant 0 : index
    tpu.barrier barrier_id(%barrier3A_162)
    %mul3A_163 = arith.constant 632 : i32
    %mul3A_164 = arith.muli %arg1, %mul3A_163 : i32
    %mul3A_165 = arith.constant 632 : i32
    %mul3A_166 = arith.muli %arg1, %mul3A_165 : i32
    "tpu.region"() ({
      %run_scoped3A = tpu.sem_alloc : memref<!tpu.dma_semaphore, #tpu.memory_space<semaphore_mem>>
      %dma_start3A_167 = arith.constant 0 : i32
      %dma_start3A_168 = tpu.memref_slice %arg5[%arg0, %mul3A_166, %dma_start3A_167] : memref<2x10112x128xf32, #tpu.memory_space<hbm>> -> memref<1x632x128xf32, #tpu.memory_space<hbm>>
      %dma_start3A_169 = tpu.memref_squeeze %dma_start3A_168 : memref<1x632x128xf32, #tpu.memory_space<hbm>> -> memref<632x128xf32, #tpu.memory_space<hbm>>
      %dma_start3A_170 = arith.constant 0 : i32
      %dma_start3A_171 = tpu.memref_slice %arg13[%mul3A_164, %dma_start3A_170] : memref<10112x128xf32, #tpu.memory_space<vmem_shared>> -> memref<632x128xf32, #tpu.memory_space<vmem_shared>>
      tpu.enqueue_dma source(%dma_start3A_171 : memref<632x128xf32, #tpu.memory_space<vmem_shared>>) target(%dma_start3A_169 : memref<632x128xf32, #tpu.memory_space<hbm>>) target_semaphore(%run_scoped3A : memref<!tpu.dma_semaphore, #tpu.memory_space<semaphore_mem>>)
      %dma_wait3A_172 = arith.constant 0 : i32
      %dma_wait3A_173 = tpu.memref_slice %arg5[%arg0, %mul3A_166, %dma_wait3A_172] : memref<2x10112x128xf32, #tpu.memory_space<hbm>> -> memref<1x632x128xf32, #tpu.memory_space<hbm>>
      %dma_wait3A_174 = tpu.memref_squeeze %dma_wait3A_173 : memref<1x632x128xf32, #tpu.memory_space<hbm>> -> memref<632x128xf32, #tpu.memory_space<hbm>>
      %dma_wait3A_175 = arith.constant 0 : i32
      %dma_wait3A_176 = tpu.memref_slice %arg13[%mul3A_164, %dma_wait3A_175] : memref<10112x128xf32, #tpu.memory_space<vmem_shared>> -> memref<632x128xf32, #tpu.memory_space<vmem_shared>>
      tpu.wait_dma2 semaphore(%run_scoped3A : memref<!tpu.dma_semaphore, #tpu.memory_space<semaphore_mem>>) src(%dma_wait3A_176 : memref<632x128xf32, #tpu.memory_space<vmem_shared>>) dst(%dma_wait3A_174 : memref<632x128xf32, #tpu.memory_space<hbm>>)
      tpu.yield
    }) : () -> ()
    return
  }
}

#map = affine_map<(d0, d1) -> (0, 0, 0)>
#map1 = affine_map<(d0, d1) -> (0, 0)>
module attributes {stable_mosaic.version = 14 : i64} {
  func.func @sc_deg(%arg0: i32, %arg1: i32, %arg2: memref<32x82x128xi32, #tpu.memory_space<hbm>>, %arg3: memref<128x128xf32, #tpu.memory_space<hbm>>, %arg4: memref<10112x128xf32, #tpu.memory_space<hbm>>, %arg5: memref<2x10112x128xf32, #tpu.memory_space<hbm>>, %arg6: memref<82x128xi32, #tpu.memory_space<vmem>>, %arg7: memref<128xi32, #tpu.memory_space<vmem>>, %arg8: memref<128xi32, #tpu.memory_space<vmem>>, %arg9: memref<128xi32, #tpu.memory_space<vmem>>, %arg10: memref<128x128xf32, #tpu.memory_space<vmem>>, %arg11: memref<10112x128xf32, #tpu.memory_space<vmem_shared>>, %arg12: memref<!tpu.dma_semaphore, #tpu.memory_space<semaphore_mem>>, %arg13: memref<!tpu.dma_semaphore, #tpu.memory_space<semaphore_mem>>) attributes {dimension_semantics = [#tpu.dimension_semantics<core_parallel>, #tpu.dimension_semantics<subcore_parallel>], iteration_bounds = array<i64: 2, 16>, scalar_prefetch = 0 : i64, scratch_operands = 8 : i64, tpu.core_type = #tpu.core_type<sc_vector_subcore>, window_params = [{transform_indices = #map}, {transform_indices = #map1}, {transform_indices = #map1}, {transform_indices = #map}]} {
    %mul3A = arith.constant 16 : i32
    %mul3A_0 = arith.muli %arg0, %mul3A : i32
    %add3A = arith.addi %mul3A_0, %arg1 : i32
    %mul3A_1 = arith.constant 632 : i32
    %mul3A_2 = arith.muli %arg1, %mul3A_1 : i32
    %mul3A_3 = arith.constant 632 : i32
    %mul3A_4 = arith.muli %arg1, %mul3A_3 : i32
    "tpu.region"() ({
      %run_scoped3A = tpu.sem_alloc : memref<!tpu.dma_semaphore, #tpu.memory_space<semaphore_mem>>
      %dma_start3A_325 = arith.constant 0 : i32
      %dma_start3A_326 = tpu.memref_slice %arg11[%mul3A_4, %dma_start3A_325] : memref<10112x128xf32, #tpu.memory_space<vmem_shared>> -> memref<632x128xf32, #tpu.memory_space<vmem_shared>>
      %dma_start3A_327 = arith.constant 0 : i32
      %dma_start3A_328 = tpu.memref_slice %arg4[%mul3A_2, %dma_start3A_327] : memref<10112x128xf32, #tpu.memory_space<hbm>> -> memref<632x128xf32, #tpu.memory_space<hbm>>
      tpu.enqueue_dma source(%dma_start3A_328 : memref<632x128xf32, #tpu.memory_space<hbm>>) target(%dma_start3A_326 : memref<632x128xf32, #tpu.memory_space<vmem_shared>>) target_semaphore(%run_scoped3A : memref<!tpu.dma_semaphore, #tpu.memory_space<semaphore_mem>>)
      %dma_wait3A_329 = arith.constant 0 : i32
      %dma_wait3A_330 = tpu.memref_slice %arg11[%mul3A_4, %dma_wait3A_329] : memref<10112x128xf32, #tpu.memory_space<vmem_shared>> -> memref<632x128xf32, #tpu.memory_space<vmem_shared>>
      %dma_wait3A_331 = arith.constant 0 : i32
      %dma_wait3A_332 = tpu.memref_slice %arg4[%mul3A_2, %dma_wait3A_331] : memref<10112x128xf32, #tpu.memory_space<hbm>> -> memref<632x128xf32, #tpu.memory_space<hbm>>
      tpu.wait_dma2 semaphore(%run_scoped3A : memref<!tpu.dma_semaphore, #tpu.memory_space<semaphore_mem>>) src(%dma_wait3A_332 : memref<632x128xf32, #tpu.memory_space<hbm>>) dst(%dma_wait3A_330 : memref<632x128xf32, #tpu.memory_space<vmem_shared>>)
      tpu.yield
    }) : () -> ()
    "tpu.region"() ({
      %run_scoped3A = tpu.sem_alloc : memref<!tpu.dma_semaphore, #tpu.memory_space<semaphore_mem>>
      %dma_start3A_325 = arith.constant 0 : i32
      %dma_start3A_326 = arith.constant 0 : i32
      %dma_start3A_327 = tpu.memref_slice %arg2[%add3A, %dma_start3A_325, %dma_start3A_326] : memref<32x82x128xi32, #tpu.memory_space<hbm>> -> memref<1x82x128xi32, #tpu.memory_space<hbm>>
      %dma_start3A_328 = tpu.memref_squeeze %dma_start3A_327 : memref<1x82x128xi32, #tpu.memory_space<hbm>> -> memref<82x128xi32, #tpu.memory_space<hbm>>
      %dma_start3A_329 = arith.constant 0 : i32
      %dma_start3A_330 = arith.constant 0 : i32
      %dma_start3A_331 = tpu.memref_slice %arg2[%add3A, %dma_start3A_329, %dma_start3A_330] : memref<32x82x128xi32, #tpu.memory_space<hbm>> -> memref<1x82x128xi32, #tpu.memory_space<hbm>>
      %dma_start3A_332 = tpu.memref_squeeze %dma_start3A_331 : memref<1x82x128xi32, #tpu.memory_space<hbm>> -> memref<82x128xi32, #tpu.memory_space<hbm>>
      tpu.enqueue_dma source(%dma_start3A_332 : memref<82x128xi32, #tpu.memory_space<hbm>>) target(%arg6 : memref<82x128xi32, #tpu.memory_space<vmem>>) target_semaphore(%run_scoped3A : memref<!tpu.dma_semaphore, #tpu.memory_space<semaphore_mem>>)
      %dma_wait3A_333 = arith.constant 0 : i32
      %dma_wait3A_334 = arith.constant 0 : i32
      %dma_wait3A_335 = tpu.memref_slice %arg2[%add3A, %dma_wait3A_333, %dma_wait3A_334] : memref<32x82x128xi32, #tpu.memory_space<hbm>> -> memref<1x82x128xi32, #tpu.memory_space<hbm>>
      %dma_wait3A_336 = tpu.memref_squeeze %dma_wait3A_335 : memref<1x82x128xi32, #tpu.memory_space<hbm>> -> memref<82x128xi32, #tpu.memory_space<hbm>>
      %dma_wait3A_337 = arith.constant 0 : i32
      %dma_wait3A_338 = arith.constant 0 : i32
      %dma_wait3A_339 = tpu.memref_slice %arg2[%add3A, %dma_wait3A_337, %dma_wait3A_338] : memref<32x82x128xi32, #tpu.memory_space<hbm>> -> memref<1x82x128xi32, #tpu.memory_space<hbm>>
      %dma_wait3A_340 = tpu.memref_squeeze %dma_wait3A_339 : memref<1x82x128xi32, #tpu.memory_space<hbm>> -> memref<82x128xi32, #tpu.memory_space<hbm>>
      tpu.wait_dma2 semaphore(%run_scoped3A : memref<!tpu.dma_semaphore, #tpu.memory_space<semaphore_mem>>) src(%dma_wait3A_340 : memref<82x128xi32, #tpu.memory_space<hbm>>) dst(%arg6 : memref<82x128xi32, #tpu.memory_space<vmem>>)
      tpu.yield
    }) : () -> ()
    "tpu.region"() ({
      %run_scoped3A = tpu.sem_alloc : memref<!tpu.dma_semaphore, #tpu.memory_space<semaphore_mem>>
      tpu.enqueue_dma source(%arg3 : memref<128x128xf32, #tpu.memory_space<hbm>>) target(%arg10 : memref<128x128xf32, #tpu.memory_space<vmem>>) target_semaphore(%run_scoped3A : memref<!tpu.dma_semaphore, #tpu.memory_space<semaphore_mem>>)
      tpu.wait_dma2 semaphore(%run_scoped3A : memref<!tpu.dma_semaphore, #tpu.memory_space<semaphore_mem>>) src(%arg3 : memref<128x128xf32, #tpu.memory_space<hbm>>) dst(%arg10 : memref<128x128xf32, #tpu.memory_space<vmem>>)
      tpu.yield
    }) : () -> ()
    %barrier3A = arith.constant 0 : index
    tpu.barrier barrier_id(%barrier3A)
    %get3A = arith.constant 0 : i32
    %get3A_5 = arith.index_cast %get3A : i32 to index
    %get3A_6 = arith.constant 0 : index
    %get3A_7 = tpu.vector_load %arg6[%get3A_5, %get3A_6] {strides = array<i32>} : memref<82x128xi32, #tpu.memory_space<vmem>>, vector<1x16xi32>,
    %get3A_8 = vector.shape_cast %get3A_7 : vector<1x16xi32> to vector<16xi32>
    %shift_right_logical3A = arith.constant 14 : i32
    %shift_right_logical3A_9 = vector.broadcast %shift_right_logical3A : i32 to vector<16xi32>
    %shift_right_logical3A_10 = arith.shrui %get3A_8, %shift_right_logical3A_9 : vector<16xi32>
    %swap3A = arith.constant 0 : index
    %swap3A_11 = tpu.vector_load %arg7[%swap3A] {strides = array<i32>} : memref<128xi32, #tpu.memory_space<vmem>>, vector<16xi32>,
    %swap3A_12 = vector.shape_cast %swap3A_11 : vector<16xi32> to vector<16xi32>
    %swap3A_13 = vector.shape_cast %shift_right_logical3A_10 : vector<16xi32> to vector<16xi32>
    tpu.vector_store %arg7[%swap3A], %swap3A_13 {strides = array<i32>} : memref<128xi32, #tpu.memory_space<vmem>>, vector<16xi32>,
    %and3A = arith.constant 16383 : i32
    %and3A_14 = vector.broadcast %and3A : i32 to vector<16xi32>
    %and3A_15 = arith.andi %get3A_8, %and3A_14 : vector<16xi32>
    %swap3A_16 = arith.constant 0 : index
    %swap3A_17 = tpu.vector_load %arg8[%swap3A_16] {strides = array<i32>} : memref<128xi32, #tpu.memory_space<vmem>>, vector<16xi32>,
    %swap3A_18 = vector.shape_cast %swap3A_17 : vector<16xi32> to vector<16xi32>
    %swap3A_19 = vector.shape_cast %and3A_15 : vector<16xi32> to vector<16xi32>
    tpu.vector_store %arg8[%swap3A_16], %swap3A_19 {strides = array<i32>} : memref<128xi32, #tpu.memory_space<vmem>>, vector<16xi32>,
    %get3A_20 = arith.constant 0 : i32
    %get3A_21 = arith.index_cast %get3A_20 : i32 to index
    %get3A_22 = arith.constant 16 : index
    %get3A_23 = tpu.vector_load %arg6[%get3A_21, %get3A_22] {strides = array<i32>} : memref<82x128xi32, #tpu.memory_space<vmem>>, vector<1x16xi32>,
    %get3A_24 = vector.shape_cast %get3A_23 : vector<1x16xi32> to vector<16xi32>
    %shift_right_logical3A_25 = arith.constant 14 : i32
    %shift_right_logical3A_26 = vector.broadcast %shift_right_logical3A_25 : i32 to vector<16xi32>
    %shift_right_logical3A_27 = arith.shrui %get3A_24, %shift_right_logical3A_26 : vector<16xi32>
    %swap3A_28 = arith.constant 16 : index
    %swap3A_29 = tpu.vector_load %arg7[%swap3A_28] {strides = array<i32>} : memref<128xi32, #tpu.memory_space<vmem>>, vector<16xi32>,
    %swap3A_30 = vector.shape_cast %swap3A_29 : vector<16xi32> to vector<16xi32>
    %swap3A_31 = vector.shape_cast %shift_right_logical3A_27 : vector<16xi32> to vector<16xi32>
    tpu.vector_store %arg7[%swap3A_28], %swap3A_31 {strides = array<i32>} : memref<128xi32, #tpu.memory_space<vmem>>, vector<16xi32>,
    %and3A_32 = arith.constant 16383 : i32
    %and3A_33 = vector.broadcast %and3A_32 : i32 to vector<16xi32>
    %and3A_34 = arith.andi %get3A_24, %and3A_33 : vector<16xi32>
    %swap3A_35 = arith.constant 16 : index
    %swap3A_36 = tpu.vector_load %arg8[%swap3A_35] {strides = array<i32>} : memref<128xi32, #tpu.memory_space<vmem>>, vector<16xi32>,
    %swap3A_37 = vector.shape_cast %swap3A_36 : vector<16xi32> to vector<16xi32>
    %swap3A_38 = vector.shape_cast %and3A_34 : vector<16xi32> to vector<16xi32>
    tpu.vector_store %arg8[%swap3A_35], %swap3A_38 {strides = array<i32>} : memref<128xi32, #tpu.memory_space<vmem>>, vector<16xi32>,
    %get3A_39 = arith.constant 0 : i32
    %get3A_40 = arith.index_cast %get3A_39 : i32 to index
    %get3A_41 = arith.constant 32 : index
    %get3A_42 = tpu.vector_load %arg6[%get3A_40, %get3A_41] {strides = array<i32>} : memref<82x128xi32, #tpu.memory_space<vmem>>, vector<1x16xi32>,
    %get3A_43 = vector.shape_cast %get3A_42 : vector<1x16xi32> to vector<16xi32>
    %shift_right_logical3A_44 = arith.constant 14 : i32
    %shift_right_logical3A_45 = vector.broadcast %shift_right_logical3A_44 : i32 to vector<16xi32>
    %shift_right_logical3A_46 = arith.shrui %get3A_43, %shift_right_logical3A_45 : vector<16xi32>
    %swap3A_47 = arith.constant 32 : index
    %swap3A_48 = tpu.vector_load %arg7[%swap3A_47] {strides = array<i32>} : memref<128xi32, #tpu.memory_space<vmem>>, vector<16xi32>,
    %swap3A_49 = vector.shape_cast %swap3A_48 : vector<16xi32> to vector<16xi32>
    %swap3A_50 = vector.shape_cast %shift_right_logical3A_46 : vector<16xi32> to vector<16xi32>
    tpu.vector_store %arg7[%swap3A_47], %swap3A_50 {strides = array<i32>} : memref<128xi32, #tpu.memory_space<vmem>>, vector<16xi32>,
    %and3A_51 = arith.constant 16383 : i32
    %and3A_52 = vector.broadcast %and3A_51 : i32 to vector<16xi32>
    %and3A_53 = arith.andi %get3A_43, %and3A_52 : vector<16xi32>
    %swap3A_54 = arith.constant 32 : index
    %swap3A_55 = tpu.vector_load %arg8[%swap3A_54] {strides = array<i32>} : memref<128xi32, #tpu.memory_space<vmem>>, vector<16xi32>,
    %swap3A_56 = vector.shape_cast %swap3A_55 : vector<16xi32> to vector<16xi32>
    %swap3A_57 = vector.shape_cast %and3A_53 : vector<16xi32> to vector<16xi32>
    tpu.vector_store %arg8[%swap3A_54], %swap3A_57 {strides = array<i32>} : memref<128xi32, #tpu.memory_space<vmem>>, vector<16xi32>,
    %get3A_58 = arith.constant 0 : i32
    %get3A_59 = arith.index_cast %get3A_58 : i32 to index
    %get3A_60 = arith.constant 48 : index
    %get3A_61 = tpu.vector_load %arg6[%get3A_59, %get3A_60] {strides = array<i32>} : memref<82x128xi32, #tpu.memory_space<vmem>>, vector<1x16xi32>,
    %get3A_62 = vector.shape_cast %get3A_61 : vector<1x16xi32> to vector<16xi32>
    %shift_right_logical3A_63 = arith.constant 14 : i32
    %shift_right_logical3A_64 = vector.broadcast %shift_right_logical3A_63 : i32 to vector<16xi32>
    %shift_right_logical3A_65 = arith.shrui %get3A_62, %shift_right_logical3A_64 : vector<16xi32>
    %swap3A_66 = arith.constant 48 : index
    %swap3A_67 = tpu.vector_load %arg7[%swap3A_66] {strides = array<i32>} : memref<128xi32, #tpu.memory_space<vmem>>, vector<16xi32>,
    %swap3A_68 = vector.shape_cast %swap3A_67 : vector<16xi32> to vector<16xi32>
    %swap3A_69 = vector.shape_cast %shift_right_logical3A_65 : vector<16xi32> to vector<16xi32>
    tpu.vector_store %arg7[%swap3A_66], %swap3A_69 {strides = array<i32>} : memref<128xi32, #tpu.memory_space<vmem>>, vector<16xi32>,
    %and3A_70 = arith.constant 16383 : i32
    %and3A_71 = vector.broadcast %and3A_70 : i32 to vector<16xi32>
    %and3A_72 = arith.andi %get3A_62, %and3A_71 : vector<16xi32>
    %swap3A_73 = arith.constant 48 : index
    %swap3A_74 = tpu.vector_load %arg8[%swap3A_73] {strides = array<i32>} : memref<128xi32, #tpu.memory_space<vmem>>, vector<16xi32>,
    %swap3A_75 = vector.shape_cast %swap3A_74 : vector<16xi32> to vector<16xi32>
    %swap3A_76 = vector.shape_cast %and3A_72 : vector<16xi32> to vector<16xi32>
    tpu.vector_store %arg8[%swap3A_73], %swap3A_76 {strides = array<i32>} : memref<128xi32, #tpu.memory_space<vmem>>, vector<16xi32>,
    %get3A_77 = arith.constant 0 : i32
    %get3A_78 = arith.index_cast %get3A_77 : i32 to index
    %get3A_79 = arith.constant 64 : index
    %get3A_80 = tpu.vector_load %arg6[%get3A_78, %get3A_79] {strides = array<i32>} : memref<82x128xi32, #tpu.memory_space<vmem>>, vector<1x16xi32>,
    %get3A_81 = vector.shape_cast %get3A_80 : vector<1x16xi32> to vector<16xi32>
    %shift_right_logical3A_82 = arith.constant 14 : i32
    %shift_right_logical3A_83 = vector.broadcast %shift_right_logical3A_82 : i32 to vector<16xi32>
    %shift_right_logical3A_84 = arith.shrui %get3A_81, %shift_right_logical3A_83 : vector<16xi32>
    %swap3A_85 = arith.constant 64 : index
    %swap3A_86 = tpu.vector_load %arg7[%swap3A_85] {strides = array<i32>} : memref<128xi32, #tpu.memory_space<vmem>>, vector<16xi32>,
    %swap3A_87 = vector.shape_cast %swap3A_86 : vector<16xi32> to vector<16xi32>
    %swap3A_88 = vector.shape_cast %shift_right_logical3A_84 : vector<16xi32> to vector<16xi32>
    tpu.vector_store %arg7[%swap3A_85], %swap3A_88 {strides = array<i32>} : memref<128xi32, #tpu.memory_space<vmem>>, vector<16xi32>,
    %and3A_89 = arith.constant 16383 : i32
    %and3A_90 = vector.broadcast %and3A_89 : i32 to vector<16xi32>
    %and3A_91 = arith.andi %get3A_81, %and3A_90 : vector<16xi32>
    %swap3A_92 = arith.constant 64 : index
    %swap3A_93 = tpu.vector_load %arg8[%swap3A_92] {strides = array<i32>} : memref<128xi32, #tpu.memory_space<vmem>>, vector<16xi32>,
    %swap3A_94 = vector.shape_cast %swap3A_93 : vector<16xi32> to vector<16xi32>
    %swap3A_95 = vector.shape_cast %and3A_91 : vector<16xi32> to vector<16xi32>
    tpu.vector_store %arg8[%swap3A_92], %swap3A_95 {strides = array<i32>} : memref<128xi32, #tpu.memory_space<vmem>>, vector<16xi32>,
    %get3A_96 = arith.constant 0 : i32
    %get3A_97 = arith.index_cast %get3A_96 : i32 to index
    %get3A_98 = arith.constant 80 : index
    %get3A_99 = tpu.vector_load %arg6[%get3A_97, %get3A_98] {strides = array<i32>} : memref<82x128xi32, #tpu.memory_space<vmem>>, vector<1x16xi32>,
    %get3A_100 = vector.shape_cast %get3A_99 : vector<1x16xi32> to vector<16xi32>
    %shift_right_logical3A_101 = arith.constant 14 : i32
    %shift_right_logical3A_102 = vector.broadcast %shift_right_logical3A_101 : i32 to vector<16xi32>
    %shift_right_logical3A_103 = arith.shrui %get3A_100, %shift_right_logical3A_102 : vector<16xi32>
    %swap3A_104 = arith.constant 80 : index
    %swap3A_105 = tpu.vector_load %arg7[%swap3A_104] {strides = array<i32>} : memref<128xi32, #tpu.memory_space<vmem>>, vector<16xi32>,
    %swap3A_106 = vector.shape_cast %swap3A_105 : vector<16xi32> to vector<16xi32>
    %swap3A_107 = vector.shape_cast %shift_right_logical3A_103 : vector<16xi32> to vector<16xi32>
    tpu.vector_store %arg7[%swap3A_104], %swap3A_107 {strides = array<i32>} : memref<128xi32, #tpu.memory_space<vmem>>, vector<16xi32>,
    %and3A_108 = arith.constant 16383 : i32
    %and3A_109 = vector.broadcast %and3A_108 : i32 to vector<16xi32>
    %and3A_110 = arith.andi %get3A_100, %and3A_109 : vector<16xi32>
    %swap3A_111 = arith.constant 80 : index
    %swap3A_112 = tpu.vector_load %arg8[%swap3A_111] {strides = array<i32>} : memref<128xi32, #tpu.memory_space<vmem>>, vector<16xi32>,
    %swap3A_113 = vector.shape_cast %swap3A_112 : vector<16xi32> to vector<16xi32>
    %swap3A_114 = vector.shape_cast %and3A_110 : vector<16xi32> to vector<16xi32>
    tpu.vector_store %arg8[%swap3A_111], %swap3A_114 {strides = array<i32>} : memref<128xi32, #tpu.memory_space<vmem>>, vector<16xi32>,
    %get3A_115 = arith.constant 0 : i32
    %get3A_116 = arith.index_cast %get3A_115 : i32 to index
    %get3A_117 = arith.constant 96 : index
    %get3A_118 = tpu.vector_load %arg6[%get3A_116, %get3A_117] {strides = array<i32>} : memref<82x128xi32, #tpu.memory_space<vmem>>, vector<1x16xi32>,
    %get3A_119 = vector.shape_cast %get3A_118 : vector<1x16xi32> to vector<16xi32>
    %shift_right_logical3A_120 = arith.constant 14 : i32
    %shift_right_logical3A_121 = vector.broadcast %shift_right_logical3A_120 : i32 to vector<16xi32>
    %shift_right_logical3A_122 = arith.shrui %get3A_119, %shift_right_logical3A_121 : vector<16xi32>
    %swap3A_123 = arith.constant 96 : index
    %swap3A_124 = tpu.vector_load %arg7[%swap3A_123] {strides = array<i32>} : memref<128xi32, #tpu.memory_space<vmem>>, vector<16xi32>,
    %swap3A_125 = vector.shape_cast %swap3A_124 : vector<16xi32> to vector<16xi32>
    %swap3A_126 = vector.shape_cast %shift_right_logical3A_122 : vector<16xi32> to vector<16xi32>
    tpu.vector_store %arg7[%swap3A_123], %swap3A_126 {strides = array<i32>} : memref<128xi32, #tpu.memory_space<vmem>>, vector<16xi32>,
    %and3A_127 = arith.constant 16383 : i32
    %and3A_128 = vector.broadcast %and3A_127 : i32 to vector<16xi32>
    %and3A_129 = arith.andi %get3A_119, %and3A_128 : vector<16xi32>
    %swap3A_130 = arith.constant 96 : index
    %swap3A_131 = tpu.vector_load %arg8[%swap3A_130] {strides = array<i32>} : memref<128xi32, #tpu.memory_space<vmem>>, vector<16xi32>,
    %swap3A_132 = vector.shape_cast %swap3A_131 : vector<16xi32> to vector<16xi32>
    %swap3A_133 = vector.shape_cast %and3A_129 : vector<16xi32> to vector<16xi32>
    tpu.vector_store %arg8[%swap3A_130], %swap3A_133 {strides = array<i32>} : memref<128xi32, #tpu.memory_space<vmem>>, vector<16xi32>,
    %get3A_134 = arith.constant 0 : i32
    %get3A_135 = arith.index_cast %get3A_134 : i32 to index
    %get3A_136 = arith.constant 112 : index
    %get3A_137 = tpu.vector_load %arg6[%get3A_135, %get3A_136] {strides = array<i32>} : memref<82x128xi32, #tpu.memory_space<vmem>>, vector<1x16xi32>,
    %get3A_138 = vector.shape_cast %get3A_137 : vector<1x16xi32> to vector<16xi32>
    %shift_right_logical3A_139 = arith.constant 14 : i32
    %shift_right_logical3A_140 = vector.broadcast %shift_right_logical3A_139 : i32 to vector<16xi32>
    %shift_right_logical3A_141 = arith.shrui %get3A_138, %shift_right_logical3A_140 : vector<16xi32>
    %swap3A_142 = arith.constant 112 : index
    %swap3A_143 = tpu.vector_load %arg7[%swap3A_142] {strides = array<i32>} : memref<128xi32, #tpu.memory_space<vmem>>, vector<16xi32>,
    %swap3A_144 = vector.shape_cast %swap3A_143 : vector<16xi32> to vector<16xi32>
    %swap3A_145 = vector.shape_cast %shift_right_logical3A_141 : vector<16xi32> to vector<16xi32>
    tpu.vector_store %arg7[%swap3A_142], %swap3A_145 {strides = array<i32>} : memref<128xi32, #tpu.memory_space<vmem>>, vector<16xi32>,
    %and3A_146 = arith.constant 16383 : i32
    %and3A_147 = vector.broadcast %and3A_146 : i32 to vector<16xi32>
    %and3A_148 = arith.andi %get3A_138, %and3A_147 : vector<16xi32>
    %swap3A_149 = arith.constant 112 : index
    %swap3A_150 = tpu.vector_load %arg8[%swap3A_149] {strides = array<i32>} : memref<128xi32, #tpu.memory_space<vmem>>, vector<16xi32>,
    %swap3A_151 = vector.shape_cast %swap3A_150 : vector<16xi32> to vector<16xi32>
    %swap3A_152 = vector.shape_cast %and3A_148 : vector<16xi32> to vector<16xi32>
    tpu.vector_store %arg8[%swap3A_149], %swap3A_152 {strides = array<i32>} : memref<128xi32, #tpu.memory_space<vmem>>, vector<16xi32>,
    %dma_start3A = arith.constant 0 : i32
    %dma_start3A_153 = arith.constant 0 : i32
    %dma_start3A_154 = tpu.memref_slice %arg11[%dma_start3A, %dma_start3A_153] : memref<10112x128xf32, #tpu.memory_space<vmem_shared>> -> memref<10112x128xf32, #tpu.memory_space<vmem_shared>>
    tpu.enqueue_indirect_dma source(%arg10 : memref<128x128xf32, #tpu.memory_space<vmem>>) target(%dma_start3A_154 : memref<10112x128xf32, #tpu.memory_space<vmem_shared>>) offsets(%arg8 : memref<128xi32, #tpu.memory_space<vmem>>) semaphore(%arg12 : memref<!tpu.dma_semaphore, #tpu.memory_space<semaphore_mem>>) {add = true}
    %get3A_155 = arith.constant 1 : i32
    %get3A_156 = arith.index_cast %get3A_155 : i32 to index
    %get3A_157 = arith.constant 0 : index
    %get3A_158 = tpu.vector_load %arg6[%get3A_156, %get3A_157] {strides = array<i32>} : memref<82x128xi32, #tpu.memory_space<vmem>>, vector<1x16xi32>,
    %get3A_159 = vector.shape_cast %get3A_158 : vector<1x16xi32> to vector<16xi32>
    %shift_right_logical3A_160 = arith.constant 14 : i32
    %shift_right_logical3A_161 = vector.broadcast %shift_right_logical3A_160 : i32 to vector<16xi32>
    %shift_right_logical3A_162 = arith.shrui %get3A_159, %shift_right_logical3A_161 : vector<16xi32>
    %swap3A_163 = arith.constant 0 : index
    %swap3A_164 = tpu.vector_load %arg7[%swap3A_163] {strides = array<i32>} : memref<128xi32, #tpu.memory_space<vmem>>, vector<16xi32>,
    %swap3A_165 = vector.shape_cast %swap3A_164 : vector<16xi32> to vector<16xi32>
    %swap3A_166 = vector.shape_cast %shift_right_logical3A_162 : vector<16xi32> to vector<16xi32>
    tpu.vector_store %arg7[%swap3A_163], %swap3A_166 {strides = array<i32>} : memref<128xi32, #tpu.memory_space<vmem>>, vector<16xi32>,
    %and3A_167 = arith.constant 16383 : i32
    %and3A_168 = vector.broadcast %and3A_167 : i32 to vector<16xi32>
    %and3A_169 = arith.andi %get3A_159, %and3A_168 : vector<16xi32>
    %swap3A_170 = arith.constant 0 : index
    %swap3A_171 = tpu.vector_load %arg9[%swap3A_170] {strides = array<i32>} : memref<128xi32, #tpu.memory_space<vmem>>, vector<16xi32>,
    %swap3A_172 = vector.shape_cast %swap3A_171 : vector<16xi32> to vector<16xi32>
    %swap3A_173 = vector.shape_cast %and3A_169 : vector<16xi32> to vector<16xi32>
    tpu.vector_store %arg9[%swap3A_170], %swap3A_173 {strides = array<i32>} : memref<128xi32, #tpu.memory_space<vmem>>, vector<16xi32>,
    %get3A_174 = arith.constant 1 : i32
    %get3A_175 = arith.index_cast %get3A_174 : i32 to index
    %get3A_176 = arith.constant 16 : index
    %get3A_177 = tpu.vector_load %arg6[%get3A_175, %get3A_176] {strides = array<i32>} : memref<82x128xi32, #tpu.memory_space<vmem>>, vector<1x16xi32>,
    %get3A_178 = vector.shape_cast %get3A_177 : vector<1x16xi32> to vector<16xi32>
    %shift_right_logical3A_179 = arith.constant 14 : i32
    %shift_right_logical3A_180 = vector.broadcast %shift_right_logical3A_179 : i32 to vector<16xi32>
    %shift_right_logical3A_181 = arith.shrui %get3A_178, %shift_right_logical3A_180 : vector<16xi32>
    %swap3A_182 = arith.constant 16 : index
    %swap3A_183 = tpu.vector_load %arg7[%swap3A_182] {strides = array<i32>} : memref<128xi32, #tpu.memory_space<vmem>>, vector<16xi32>,
    %swap3A_184 = vector.shape_cast %swap3A_183 : vector<16xi32> to vector<16xi32>
    %swap3A_185 = vector.shape_cast %shift_right_logical3A_181 : vector<16xi32> to vector<16xi32>
    tpu.vector_store %arg7[%swap3A_182], %swap3A_185 {strides = array<i32>} : memref<128xi32, #tpu.memory_space<vmem>>, vector<16xi32>,
    %and3A_186 = arith.constant 16383 : i32
    %and3A_187 = vector.broadcast %and3A_186 : i32 to vector<16xi32>
    %and3A_188 = arith.andi %get3A_178, %and3A_187 : vector<16xi32>
    %swap3A_189 = arith.constant 16 : index
    %swap3A_190 = tpu.vector_load %arg9[%swap3A_189] {strides = array<i32>} : memref<128xi32, #tpu.memory_space<vmem>>, vector<16xi32>,
    %swap3A_191 = vector.shape_cast %swap3A_190 : vector<16xi32> to vector<16xi32>
    %swap3A_192 = vector.shape_cast %and3A_188 : vector<16xi32> to vector<16xi32>
    tpu.vector_store %arg9[%swap3A_189], %swap3A_192 {strides = array<i32>} : memref<128xi32, #tpu.memory_space<vmem>>, vector<16xi32>,
    %get3A_193 = arith.constant 1 : i32
    %get3A_194 = arith.index_cast %get3A_193 : i32 to index
    %get3A_195 = arith.constant 32 : index
    %get3A_196 = tpu.vector_load %arg6[%get3A_194, %get3A_195] {strides = array<i32>} : memref<82x128xi32, #tpu.memory_space<vmem>>, vector<1x16xi32>,
    %get3A_197 = vector.shape_cast %get3A_196 : vector<1x16xi32> to vector<16xi32>
    %shift_right_logical3A_198 = arith.constant 14 : i32
    %shift_right_logical3A_199 = vector.broadcast %shift_right_logical3A_198 : i32 to vector<16xi32>
    %shift_right_logical3A_200 = arith.shrui %get3A_197, %shift_right_logical3A_199 : vector<16xi32>
    %swap3A_201 = arith.constant 32 : index
    %swap3A_202 = tpu.vector_load %arg7[%swap3A_201] {strides = array<i32>} : memref<128xi32, #tpu.memory_space<vmem>>, vector<16xi32>,
    %swap3A_203 = vector.shape_cast %swap3A_202 : vector<16xi32> to vector<16xi32>
    %swap3A_204 = vector.shape_cast %shift_right_logical3A_200 : vector<16xi32> to vector<16xi32>
    tpu.vector_store %arg7[%swap3A_201], %swap3A_204 {strides = array<i32>} : memref<128xi32, #tpu.memory_space<vmem>>, vector<16xi32>,
    %and3A_205 = arith.constant 16383 : i32
    %and3A_206 = vector.broadcast %and3A_205 : i32 to vector<16xi32>
    %and3A_207 = arith.andi %get3A_197, %and3A_206 : vector<16xi32>
    %swap3A_208 = arith.constant 32 : index
    %swap3A_209 = tpu.vector_load %arg9[%swap3A_208] {strides = array<i32>} : memref<128xi32, #tpu.memory_space<vmem>>, vector<16xi32>,
    %swap3A_210 = vector.shape_cast %swap3A_209 : vector<16xi32> to vector<16xi32>
    %swap3A_211 = vector.shape_cast %and3A_207 : vector<16xi32> to vector<16xi32>
    tpu.vector_store %arg9[%swap3A_208], %swap3A_211 {strides = array<i32>} : memref<128xi32, #tpu.memory_space<vmem>>, vector<16xi32>,
    %get3A_212 = arith.constant 1 : i32
    %get3A_213 = arith.index_cast %get3A_212 : i32 to index
    %get3A_214 = arith.constant 48 : index
    %get3A_215 = tpu.vector_load %arg6[%get3A_213, %get3A_214] {strides = array<i32>} : memref<82x128xi32, #tpu.memory_space<vmem>>, vector<1x16xi32>,
    %get3A_216 = vector.shape_cast %get3A_215 : vector<1x16xi32> to vector<16xi32>
    %shift_right_logical3A_217 = arith.constant 14 : i32
    %shift_right_logical3A_218 = vector.broadcast %shift_right_logical3A_217 : i32 to vector<16xi32>
    %shift_right_logical3A_219 = arith.shrui %get3A_216, %shift_right_logical3A_218 : vector<16xi32>
    %swap3A_220 = arith.constant 48 : index
    %swap3A_221 = tpu.vector_load %arg7[%swap3A_220] {strides = array<i32>} : memref<128xi32, #tpu.memory_space<vmem>>, vector<16xi32>,
    %swap3A_222 = vector.shape_cast %swap3A_221 : vector<16xi32> to vector<16xi32>
    %swap3A_223 = vector.shape_cast %shift_right_logical3A_219 : vector<16xi32> to vector<16xi32>
    tpu.vector_store %arg7[%swap3A_220], %swap3A_223 {strides = array<i32>} : memref<128xi32, #tpu.memory_space<vmem>>, vector<16xi32>,
    %and3A_224 = arith.constant 16383 : i32
    %and3A_225 = vector.broadcast %and3A_224 : i32 to vector<16xi32>
    %and3A_226 = arith.andi %get3A_216, %and3A_225 : vector<16xi32>
    %swap3A_227 = arith.constant 48 : index
    %swap3A_228 = tpu.vector_load %arg9[%swap3A_227] {strides = array<i32>} : memref<128xi32, #tpu.memory_space<vmem>>, vector<16xi32>,
    %swap3A_229 = vector.shape_cast %swap3A_228 : vector<16xi32> to vector<16xi32>
    %swap3A_230 = vector.shape_cast %and3A_226 : vector<16xi32> to vector<16xi32>
    tpu.vector_store %arg9[%swap3A_227], %swap3A_230 {strides = array<i32>} : memref<128xi32, #tpu.memory_space<vmem>>, vector<16xi32>,
    %get3A_231 = arith.constant 1 : i32
    %get3A_232 = arith.index_cast %get3A_231 : i32 to index
    %get3A_233 = arith.constant 64 : index
    %get3A_234 = tpu.vector_load %arg6[%get3A_232, %get3A_233] {strides = array<i32>} : memref<82x128xi32, #tpu.memory_space<vmem>>, vector<1x16xi32>,
    %get3A_235 = vector.shape_cast %get3A_234 : vector<1x16xi32> to vector<16xi32>
    %shift_right_logical3A_236 = arith.constant 14 : i32
    %shift_right_logical3A_237 = vector.broadcast %shift_right_logical3A_236 : i32 to vector<16xi32>
    %shift_right_logical3A_238 = arith.shrui %get3A_235, %shift_right_logical3A_237 : vector<16xi32>
    %swap3A_239 = arith.constant 64 : index
    %swap3A_240 = tpu.vector_load %arg7[%swap3A_239] {strides = array<i32>} : memref<128xi32, #tpu.memory_space<vmem>>, vector<16xi32>,
    %swap3A_241 = vector.shape_cast %swap3A_240 : vector<16xi32> to vector<16xi32>
    %swap3A_242 = vector.shape_cast %shift_right_logical3A_238 : vector<16xi32> to vector<16xi32>
    tpu.vector_store %arg7[%swap3A_239], %swap3A_242 {strides = array<i32>} : memref<128xi32, #tpu.memory_space<vmem>>, vector<16xi32>,
    %and3A_243 = arith.constant 16383 : i32
    %and3A_244 = vector.broadcast %and3A_243 : i32 to vector<16xi32>
    %and3A_245 = arith.andi %get3A_235, %and3A_244 : vector<16xi32>
    %swap3A_246 = arith.constant 64 : index
    %swap3A_247 = tpu.vector_load %arg9[%swap3A_246] {strides = array<i32>} : memref<128xi32, #tpu.memory_space<vmem>>, vector<16xi32>,
    %swap3A_248 = vector.shape_cast %swap3A_247 : vector<16xi32> to vector<16xi32>
    %swap3A_249 = vector.shape_cast %and3A_245 : vector<16xi32> to vector<16xi32>
    tpu.vector_store %arg9[%swap3A_246], %swap3A_249 {strides = array<i32>} : memref<128xi32, #tpu.memory_space<vmem>>, vector<16xi32>,
    %get3A_250 = arith.constant 1 : i32
    %get3A_251 = arith.index_cast %get3A_250 : i32 to index
    %get3A_252 = arith.constant 80 : index
    %get3A_253 = tpu.vector_load %arg6[%get3A_251, %get3A_252] {strides = array<i32>} : memref<82x128xi32, #tpu.memory_space<vmem>>, vector<1x16xi32>,
    %get3A_254 = vector.shape_cast %get3A_253 : vector<1x16xi32> to vector<16xi32>
    %shift_right_logical3A_255 = arith.constant 14 : i32
    %shift_right_logical3A_256 = vector.broadcast %shift_right_logical3A_255 : i32 to vector<16xi32>
    %shift_right_logical3A_257 = arith.shrui %get3A_254, %shift_right_logical3A_256 : vector<16xi32>
    %swap3A_258 = arith.constant 80 : index
    %swap3A_259 = tpu.vector_load %arg7[%swap3A_258] {strides = array<i32>} : memref<128xi32, #tpu.memory_space<vmem>>, vector<16xi32>,
    %swap3A_260 = vector.shape_cast %swap3A_259 : vector<16xi32> to vector<16xi32>
    %swap3A_261 = vector.shape_cast %shift_right_logical3A_257 : vector<16xi32> to vector<16xi32>
    tpu.vector_store %arg7[%swap3A_258], %swap3A_261 {strides = array<i32>} : memref<128xi32, #tpu.memory_space<vmem>>, vector<16xi32>,
    %and3A_262 = arith.constant 16383 : i32
    %and3A_263 = vector.broadcast %and3A_262 : i32 to vector<16xi32>
    %and3A_264 = arith.andi %get3A_254, %and3A_263 : vector<16xi32>
    %swap3A_265 = arith.constant 80 : index
    %swap3A_266 = tpu.vector_load %arg9[%swap3A_265] {strides = array<i32>} : memref<128xi32, #tpu.memory_space<vmem>>, vector<16xi32>,
    %swap3A_267 = vector.shape_cast %swap3A_266 : vector<16xi32> to vector<16xi32>
    %swap3A_268 = vector.shape_cast %and3A_264 : vector<16xi32> to vector<16xi32>
    tpu.vector_store %arg9[%swap3A_265], %swap3A_268 {strides = array<i32>} : memref<128xi32, #tpu.memory_space<vmem>>, vector<16xi32>,
    %get3A_269 = arith.constant 1 : i32
    %get3A_270 = arith.index_cast %get3A_269 : i32 to index
    %get3A_271 = arith.constant 96 : index
    %get3A_272 = tpu.vector_load %arg6[%get3A_270, %get3A_271] {strides = array<i32>} : memref<82x128xi32, #tpu.memory_space<vmem>>, vector<1x16xi32>,
    %get3A_273 = vector.shape_cast %get3A_272 : vector<1x16xi32> to vector<16xi32>
    %shift_right_logical3A_274 = arith.constant 14 : i32
    %shift_right_logical3A_275 = vector.broadcast %shift_right_logical3A_274 : i32 to vector<16xi32>
    %shift_right_logical3A_276 = arith.shrui %get3A_273, %shift_right_logical3A_275 : vector<16xi32>
    %swap3A_277 = arith.constant 96 : index
    %swap3A_278 = tpu.vector_load %arg7[%swap3A_277] {strides = array<i32>} : memref<128xi32, #tpu.memory_space<vmem>>, vector<16xi32>,
    %swap3A_279 = vector.shape_cast %swap3A_278 : vector<16xi32> to vector<16xi32>
    %swap3A_280 = vector.shape_cast %shift_right_logical3A_276 : vector<16xi32> to vector<16xi32>
    tpu.vector_store %arg7[%swap3A_277], %swap3A_280 {strides = array<i32>} : memref<128xi32, #tpu.memory_space<vmem>>, vector<16xi32>,
    %and3A_281 = arith.constant 16383 : i32
    %and3A_282 = vector.broadcast %and3A_281 : i32 to vector<16xi32>
    %and3A_283 = arith.andi %get3A_273, %and3A_282 : vector<16xi32>
    %swap3A_284 = arith.constant 96 : index
    %swap3A_285 = tpu.vector_load %arg9[%swap3A_284] {strides = array<i32>} : memref<128xi32, #tpu.memory_space<vmem>>, vector<16xi32>,
    %swap3A_286 = vector.shape_cast %swap3A_285 : vector<16xi32> to vector<16xi32>
    %swap3A_287 = vector.shape_cast %and3A_283 : vector<16xi32> to vector<16xi32>
    tpu.vector_store %arg9[%swap3A_284], %swap3A_287 {strides = array<i32>} : memref<128xi32, #tpu.memory_space<vmem>>, vector<16xi32>,
    %get3A_288 = arith.constant 1 : i32
    %get3A_289 = arith.index_cast %get3A_288 : i32 to index
    %get3A_290 = arith.constant 112 : index
    %get3A_291 = tpu.vector_load %arg6[%get3A_289, %get3A_290] {strides = array<i32>} : memref<82x128xi32, #tpu.memory_space<vmem>>, vector<1x16xi32>,
    %get3A_292 = vector.shape_cast %get3A_291 : vector<1x16xi32> to vector<16xi32>
    %shift_right_logical3A_293 = arith.constant 14 : i32
    %shift_right_logical3A_294 = vector.broadcast %shift_right_logical3A_293 : i32 to vector<16xi32>
    %shift_right_logical3A_295 = arith.shrui %get3A_292, %shift_right_logical3A_294 : vector<16xi32>
    %swap3A_296 = arith.constant 112 : index
    %swap3A_297 = tpu.vector_load %arg7[%swap3A_296] {strides = array<i32>} : memref<128xi32, #tpu.memory_space<vmem>>, vector<16xi32>,
    %swap3A_298 = vector.shape_cast %swap3A_297 : vector<16xi32> to vector<16xi32>
    %swap3A_299 = vector.shape_cast %shift_right_logical3A_295 : vector<16xi32> to vector<16xi32>
    tpu.vector_store %arg7[%swap3A_296], %swap3A_299 {strides = array<i32>} : memref<128xi32, #tpu.memory_space<vmem>>, vector<16xi32>,
    %and3A_300 = arith.constant 16383 : i32
    %and3A_301 = vector.broadcast %and3A_300 : i32 to vector<16xi32>
    %and3A_302 = arith.andi %get3A_292, %and3A_301 : vector<16xi32>
    %swap3A_303 = arith.constant 112 : index
    %swap3A_304 = tpu.vector_load %arg9[%swap3A_303] {strides = array<i32>} : memref<128xi32, #tpu.memory_space<vmem>>, vector<16xi32>,
    %swap3A_305 = vector.shape_cast %swap3A_304 : vector<16xi32> to vector<16xi32>
    %swap3A_306 = vector.shape_cast %and3A_302 : vector<16xi32> to vector<16xi32>
    tpu.vector_store %arg9[%swap3A_303], %swap3A_306 {strides = array<i32>} : memref<128xi32, #tpu.memory_space<vmem>>, vector<16xi32>,
    %dma_start3A_307 = arith.constant 0 : i32
    %dma_start3A_308 = arith.constant 0 : i32
    %dma_start3A_309 = tpu.memref_slice %arg11[%dma_start3A_307, %dma_start3A_308] : memref<10112x128xf32, #tpu.memory_space<vmem_shared>> -> memref<10112x128xf32, #tpu.memory_space<vmem_shared>>
    tpu.enqueue_indirect_dma source(%arg10 : memref<128x128xf32, #tpu.memory_space<vmem>>) target(%dma_start3A_309 : memref<10112x128xf32, #tpu.memory_space<vmem_shared>>) offsets(%arg9 : memref<128xi32, #tpu.memory_space<vmem>>) semaphore(%arg13 : memref<!tpu.dma_semaphore, #tpu.memory_space<semaphore_mem>>) {add = true}
    %scan3A = arith.constant 0 : i32
    %scan3A_310 = arith.constant 0 : i32
    %scan3A_311 = arith.constant 39 : i32
    %scan3A_312 = arith.addi %scan3A_310, %scan3A_311 : i32
    %scan3A_313 = arith.constant 1 : i32
    scf.for %scan3A_325 = %scan3A_310 to %scan3A_312 step %scan3A_313  : i32 {
      %mul3A_326 = arith.constant 2 : i32
      %mul3A_327 = arith.muli %mul3A_326, %scan3A_325 : i32
      %dma_wait3A_328 = arith.constant 0 : i32
      %dma_wait3A_329 = arith.constant 0 : i32
      %dma_wait3A_330 = tpu.memref_slice %arg11[%dma_wait3A_328, %dma_wait3A_329] : memref<10112x128xf32, #tpu.memory_space<vmem_shared>> -> memref<10112x128xf32, #tpu.memory_space<vmem_shared>>
      tpu.wait_indirect_dma semaphore(%arg12 : memref<!tpu.dma_semaphore, #tpu.memory_space<semaphore_mem>>) src(%arg10 : memref<128x128xf32, #tpu.memory_space<vmem>>) dst(%dma_wait3A_330 : memref<10112x128xf32, #tpu.memory_space<vmem_shared>>)
      %add3A_331 = arith.constant 2 : i32
      %add3A_332 = arith.addi %mul3A_327, %add3A_331 : i32
      %get3A_333 = arith.index_cast %add3A_332 : i32 to index
      %get3A_334 = arith.constant 0 : index
      %get3A_335 = tpu.vector_load %arg6[%get3A_333, %get3A_334] {strides = array<i32>} : memref<82x128xi32, #tpu.memory_space<vmem>>, vector<1x16xi32>,
      %get3A_336 = vector.shape_cast %get3A_335 : vector<1x16xi32> to vector<16xi32>
      %shift_right_logical3A_337 = arith.constant 14 : i32
      %shift_right_logical3A_338 = vector.broadcast %shift_right_logical3A_337 : i32 to vector<16xi32>
      %shift_right_logical3A_339 = arith.shrui %get3A_336, %shift_right_logical3A_338 : vector<16xi32>
      %swap3A_340 = arith.constant 0 : index
      %swap3A_341 = tpu.vector_load %arg7[%swap3A_340] {strides = array<i32>} : memref<128xi32, #tpu.memory_space<vmem>>, vector<16xi32>,
      %swap3A_342 = vector.shape_cast %swap3A_341 : vector<16xi32> to vector<16xi32>
      %swap3A_343 = vector.shape_cast %shift_right_logical3A_339 : vector<16xi32> to vector<16xi32>
      tpu.vector_store %arg7[%swap3A_340], %swap3A_343 {strides = array<i32>} : memref<128xi32, #tpu.memory_space<vmem>>, vector<16xi32>,
      %and3A_344 = arith.constant 16383 : i32
      %and3A_345 = vector.broadcast %and3A_344 : i32 to vector<16xi32>
      %and3A_346 = arith.andi %get3A_336, %and3A_345 : vector<16xi32>
      %swap3A_347 = arith.constant 0 : index
      %swap3A_348 = tpu.vector_load %arg8[%swap3A_347] {strides = array<i32>} : memref<128xi32, #tpu.memory_space<vmem>>, vector<16xi32>,
      %swap3A_349 = vector.shape_cast %swap3A_348 : vector<16xi32> to vector<16xi32>
      %swap3A_350 = vector.shape_cast %and3A_346 : vector<16xi32> to vector<16xi32>
      tpu.vector_store %arg8[%swap3A_347], %swap3A_350 {strides = array<i32>} : memref<128xi32, #tpu.memory_space<vmem>>, vector<16xi32>,
      %get3A_351 = arith.index_cast %add3A_332 : i32 to index
      %get3A_352 = arith.constant 16 : index
      %get3A_353 = tpu.vector_load %arg6[%get3A_351, %get3A_352] {strides = array<i32>} : memref<82x128xi32, #tpu.memory_space<vmem>>, vector<1x16xi32>,
      %get3A_354 = vector.shape_cast %get3A_353 : vector<1x16xi32> to vector<16xi32>
      %shift_right_logical3A_355 = arith.constant 14 : i32
      %shift_right_logical3A_356 = vector.broadcast %shift_right_logical3A_355 : i32 to vector<16xi32>
      %shift_right_logical3A_357 = arith.shrui %get3A_354, %shift_right_logical3A_356 : vector<16xi32>
      %swap3A_358 = arith.constant 16 : index
      %swap3A_359 = tpu.vector_load %arg7[%swap3A_358] {strides = array<i32>} : memref<128xi32, #tpu.memory_space<vmem>>, vector<16xi32>,
      %swap3A_360 = vector.shape_cast %swap3A_359 : vector<16xi32> to vector<16xi32>
      %swap3A_361 = vector.shape_cast %shift_right_logical3A_357 : vector<16xi32> to vector<16xi32>
      tpu.vector_store %arg7[%swap3A_358], %swap3A_361 {strides = array<i32>} : memref<128xi32, #tpu.memory_space<vmem>>, vector<16xi32>,
      %and3A_362 = arith.constant 16383 : i32
      %and3A_363 = vector.broadcast %and3A_362 : i32 to vector<16xi32>
      %and3A_364 = arith.andi %get3A_354, %and3A_363 : vector<16xi32>
      %swap3A_365 = arith.constant 16 : index
      %swap3A_366 = tpu.vector_load %arg8[%swap3A_365] {strides = array<i32>} : memref<128xi32, #tpu.memory_space<vmem>>, vector<16xi32>,
      %swap3A_367 = vector.shape_cast %swap3A_366 : vector<16xi32> to vector<16xi32>
      %swap3A_368 = vector.shape_cast %and3A_364 : vector<16xi32> to vector<16xi32>
      tpu.vector_store %arg8[%swap3A_365], %swap3A_368 {strides = array<i32>} : memref<128xi32, #tpu.memory_space<vmem>>, vector<16xi32>,
      %get3A_369 = arith.index_cast %add3A_332 : i32 to index
      %get3A_370 = arith.constant 32 : index
      %get3A_371 = tpu.vector_load %arg6[%get3A_369, %get3A_370] {strides = array<i32>} : memref<82x128xi32, #tpu.memory_space<vmem>>, vector<1x16xi32>,
      %get3A_372 = vector.shape_cast %get3A_371 : vector<1x16xi32> to vector<16xi32>
      %shift_right_logical3A_373 = arith.constant 14 : i32
      %shift_right_logical3A_374 = vector.broadcast %shift_right_logical3A_373 : i32 to vector<16xi32>
      %shift_right_logical3A_375 = arith.shrui %get3A_372, %shift_right_logical3A_374 : vector<16xi32>
      %swap3A_376 = arith.constant 32 : index
      %swap3A_377 = tpu.vector_load %arg7[%swap3A_376] {strides = array<i32>} : memref<128xi32, #tpu.memory_space<vmem>>, vector<16xi32>,
      %swap3A_378 = vector.shape_cast %swap3A_377 : vector<16xi32> to vector<16xi32>
      %swap3A_379 = vector.shape_cast %shift_right_logical3A_375 : vector<16xi32> to vector<16xi32>
      tpu.vector_store %arg7[%swap3A_376], %swap3A_379 {strides = array<i32>} : memref<128xi32, #tpu.memory_space<vmem>>, vector<16xi32>,
      %and3A_380 = arith.constant 16383 : i32
      %and3A_381 = vector.broadcast %and3A_380 : i32 to vector<16xi32>
      %and3A_382 = arith.andi %get3A_372, %and3A_381 : vector<16xi32>
      %swap3A_383 = arith.constant 32 : index
      %swap3A_384 = tpu.vector_load %arg8[%swap3A_383] {strides = array<i32>} : memref<128xi32, #tpu.memory_space<vmem>>, vector<16xi32>,
      %swap3A_385 = vector.shape_cast %swap3A_384 : vector<16xi32> to vector<16xi32>
      %swap3A_386 = vector.shape_cast %and3A_382 : vector<16xi32> to vector<16xi32>
      tpu.vector_store %arg8[%swap3A_383], %swap3A_386 {strides = array<i32>} : memref<128xi32, #tpu.memory_space<vmem>>, vector<16xi32>,
      %get3A_387 = arith.index_cast %add3A_332 : i32 to index
      %get3A_388 = arith.constant 48 : index
      %get3A_389 = tpu.vector_load %arg6[%get3A_387, %get3A_388] {strides = array<i32>} : memref<82x128xi32, #tpu.memory_space<vmem>>, vector<1x16xi32>,
      %get3A_390 = vector.shape_cast %get3A_389 : vector<1x16xi32> to vector<16xi32>
      %shift_right_logical3A_391 = arith.constant 14 : i32
      %shift_right_logical3A_392 = vector.broadcast %shift_right_logical3A_391 : i32 to vector<16xi32>
      %shift_right_logical3A_393 = arith.shrui %get3A_390, %shift_right_logical3A_392 : vector<16xi32>
      %swap3A_394 = arith.constant 48 : index
      %swap3A_395 = tpu.vector_load %arg7[%swap3A_394] {strides = array<i32>} : memref<128xi32, #tpu.memory_space<vmem>>, vector<16xi32>,
      %swap3A_396 = vector.shape_cast %swap3A_395 : vector<16xi32> to vector<16xi32>
      %swap3A_397 = vector.shape_cast %shift_right_logical3A_393 : vector<16xi32> to vector<16xi32>
      tpu.vector_store %arg7[%swap3A_394], %swap3A_397 {strides = array<i32>} : memref<128xi32, #tpu.memory_space<vmem>>, vector<16xi32>,
      %and3A_398 = arith.constant 16383 : i32
      %and3A_399 = vector.broadcast %and3A_398 : i32 to vector<16xi32>
      %and3A_400 = arith.andi %get3A_390, %and3A_399 : vector<16xi32>
      %swap3A_401 = arith.constant 48 : index
      %swap3A_402 = tpu.vector_load %arg8[%swap3A_401] {strides = array<i32>} : memref<128xi32, #tpu.memory_space<vmem>>, vector<16xi32>,
      %swap3A_403 = vector.shape_cast %swap3A_402 : vector<16xi32> to vector<16xi32>
      %swap3A_404 = vector.shape_cast %and3A_400 : vector<16xi32> to vector<16xi32>
      tpu.vector_store %arg8[%swap3A_401], %swap3A_404 {strides = array<i32>} : memref<128xi32, #tpu.memory_space<vmem>>, vector<16xi32>,
      %get3A_405 = arith.index_cast %add3A_332 : i32 to index
      %get3A_406 = arith.constant 64 : index
      %get3A_407 = tpu.vector_load %arg6[%get3A_405, %get3A_406] {strides = array<i32>} : memref<82x128xi32, #tpu.memory_space<vmem>>, vector<1x16xi32>,
      %get3A_408 = vector.shape_cast %get3A_407 : vector<1x16xi32> to vector<16xi32>
      %shift_right_logical3A_409 = arith.constant 14 : i32
      %shift_right_logical3A_410 = vector.broadcast %shift_right_logical3A_409 : i32 to vector<16xi32>
      %shift_right_logical3A_411 = arith.shrui %get3A_408, %shift_right_logical3A_410 : vector<16xi32>
      %swap3A_412 = arith.constant 64 : index
      %swap3A_413 = tpu.vector_load %arg7[%swap3A_412] {strides = array<i32>} : memref<128xi32, #tpu.memory_space<vmem>>, vector<16xi32>,
      %swap3A_414 = vector.shape_cast %swap3A_413 : vector<16xi32> to vector<16xi32>
      %swap3A_415 = vector.shape_cast %shift_right_logical3A_411 : vector<16xi32> to vector<16xi32>
      tpu.vector_store %arg7[%swap3A_412], %swap3A_415 {strides = array<i32>} : memref<128xi32, #tpu.memory_space<vmem>>, vector<16xi32>,
      %and3A_416 = arith.constant 16383 : i32
      %and3A_417 = vector.broadcast %and3A_416 : i32 to vector<16xi32>
      %and3A_418 = arith.andi %get3A_408, %and3A_417 : vector<16xi32>
      %swap3A_419 = arith.constant 64 : index
      %swap3A_420 = tpu.vector_load %arg8[%swap3A_419] {strides = array<i32>} : memref<128xi32, #tpu.memory_space<vmem>>, vector<16xi32>,
      %swap3A_421 = vector.shape_cast %swap3A_420 : vector<16xi32> to vector<16xi32>
      %swap3A_422 = vector.shape_cast %and3A_418 : vector<16xi32> to vector<16xi32>
      tpu.vector_store %arg8[%swap3A_419], %swap3A_422 {strides = array<i32>} : memref<128xi32, #tpu.memory_space<vmem>>, vector<16xi32>,
      %get3A_423 = arith.index_cast %add3A_332 : i32 to index
      %get3A_424 = arith.constant 80 : index
      %get3A_425 = tpu.vector_load %arg6[%get3A_423, %get3A_424] {strides = array<i32>} : memref<82x128xi32, #tpu.memory_space<vmem>>, vector<1x16xi32>,
      %get3A_426 = vector.shape_cast %get3A_425 : vector<1x16xi32> to vector<16xi32>
      %shift_right_logical3A_427 = arith.constant 14 : i32
      %shift_right_logical3A_428 = vector.broadcast %shift_right_logical3A_427 : i32 to vector<16xi32>
      %shift_right_logical3A_429 = arith.shrui %get3A_426, %shift_right_logical3A_428 : vector<16xi32>
      %swap3A_430 = arith.constant 80 : index
      %swap3A_431 = tpu.vector_load %arg7[%swap3A_430] {strides = array<i32>} : memref<128xi32, #tpu.memory_space<vmem>>, vector<16xi32>,
      %swap3A_432 = vector.shape_cast %swap3A_431 : vector<16xi32> to vector<16xi32>
      %swap3A_433 = vector.shape_cast %shift_right_logical3A_429 : vector<16xi32> to vector<16xi32>
      tpu.vector_store %arg7[%swap3A_430], %swap3A_433 {strides = array<i32>} : memref<128xi32, #tpu.memory_space<vmem>>, vector<16xi32>,
      %and3A_434 = arith.constant 16383 : i32
      %and3A_435 = vector.broadcast %and3A_434 : i32 to vector<16xi32>
      %and3A_436 = arith.andi %get3A_426, %and3A_435 : vector<16xi32>
      %swap3A_437 = arith.constant 80 : index
      %swap3A_438 = tpu.vector_load %arg8[%swap3A_437] {strides = array<i32>} : memref<128xi32, #tpu.memory_space<vmem>>, vector<16xi32>,
      %swap3A_439 = vector.shape_cast %swap3A_438 : vector<16xi32> to vector<16xi32>
      %swap3A_440 = vector.shape_cast %and3A_436 : vector<16xi32> to vector<16xi32>
      tpu.vector_store %arg8[%swap3A_437], %swap3A_440 {strides = array<i32>} : memref<128xi32, #tpu.memory_space<vmem>>, vector<16xi32>,
      %get3A_441 = arith.index_cast %add3A_332 : i32 to index
      %get3A_442 = arith.constant 96 : index
      %get3A_443 = tpu.vector_load %arg6[%get3A_441, %get3A_442] {strides = array<i32>} : memref<82x128xi32, #tpu.memory_space<vmem>>, vector<1x16xi32>,
      %get3A_444 = vector.shape_cast %get3A_443 : vector<1x16xi32> to vector<16xi32>
      %shift_right_logical3A_445 = arith.constant 14 : i32
      %shift_right_logical3A_446 = vector.broadcast %shift_right_logical3A_445 : i32 to vector<16xi32>
      %shift_right_logical3A_447 = arith.shrui %get3A_444, %shift_right_logical3A_446 : vector<16xi32>
      %swap3A_448 = arith.constant 96 : index
      %swap3A_449 = tpu.vector_load %arg7[%swap3A_448] {strides = array<i32>} : memref<128xi32, #tpu.memory_space<vmem>>, vector<16xi32>,
      %swap3A_450 = vector.shape_cast %swap3A_449 : vector<16xi32> to vector<16xi32>
      %swap3A_451 = vector.shape_cast %shift_right_logical3A_447 : vector<16xi32> to vector<16xi32>
      tpu.vector_store %arg7[%swap3A_448], %swap3A_451 {strides = array<i32>} : memref<128xi32, #tpu.memory_space<vmem>>, vector<16xi32>,
      %and3A_452 = arith.constant 16383 : i32
      %and3A_453 = vector.broadcast %and3A_452 : i32 to vector<16xi32>
      %and3A_454 = arith.andi %get3A_444, %and3A_453 : vector<16xi32>
      %swap3A_455 = arith.constant 96 : index
      %swap3A_456 = tpu.vector_load %arg8[%swap3A_455] {strides = array<i32>} : memref<128xi32, #tpu.memory_space<vmem>>, vector<16xi32>,
      %swap3A_457 = vector.shape_cast %swap3A_456 : vector<16xi32> to vector<16xi32>
      %swap3A_458 = vector.shape_cast %and3A_454 : vector<16xi32> to vector<16xi32>
      tpu.vector_store %arg8[%swap3A_455], %swap3A_458 {strides = array<i32>} : memref<128xi32, #tpu.memory_space<vmem>>, vector<16xi32>,
      %get3A_459 = arith.index_cast %add3A_332 : i32 to index
      %get3A_460 = arith.constant 112 : index
      %get3A_461 = tpu.vector_load %arg6[%get3A_459, %get3A_460] {strides = array<i32>} : memref<82x128xi32, #tpu.memory_space<vmem>>, vector<1x16xi32>,
      %get3A_462 = vector.shape_cast %get3A_461 : vector<1x16xi32> to vector<16xi32>
      %shift_right_logical3A_463 = arith.constant 14 : i32
      %shift_right_logical3A_464 = vector.broadcast %shift_right_logical3A_463 : i32 to vector<16xi32>
      %shift_right_logical3A_465 = arith.shrui %get3A_462, %shift_right_logical3A_464 : vector<16xi32>
      %swap3A_466 = arith.constant 112 : index
      %swap3A_467 = tpu.vector_load %arg7[%swap3A_466] {strides = array<i32>} : memref<128xi32, #tpu.memory_space<vmem>>, vector<16xi32>,
      %swap3A_468 = vector.shape_cast %swap3A_467 : vector<16xi32> to vector<16xi32>
      %swap3A_469 = vector.shape_cast %shift_right_logical3A_465 : vector<16xi32> to vector<16xi32>
      tpu.vector_store %arg7[%swap3A_466], %swap3A_469 {strides = array<i32>} : memref<128xi32, #tpu.memory_space<vmem>>, vector<16xi32>,
      %and3A_470 = arith.constant 16383 : i32
      %and3A_471 = vector.broadcast %and3A_470 : i32 to vector<16xi32>
      %and3A_472 = arith.andi %get3A_462, %and3A_471 : vector<16xi32>
      %swap3A_473 = arith.constant 112 : index
      %swap3A_474 = tpu.vector_load %arg8[%swap3A_473] {strides = array<i32>} : memref<128xi32, #tpu.memory_space<vmem>>, vector<16xi32>,
      %swap3A_475 = vector.shape_cast %swap3A_474 : vector<16xi32> to vector<16xi32>
      %swap3A_476 = vector.shape_cast %and3A_472 : vector<16xi32> to vector<16xi32>
      tpu.vector_store %arg8[%swap3A_473], %swap3A_476 {strides = array<i32>} : memref<128xi32, #tpu.memory_space<vmem>>, vector<16xi32>,
      %dma_start3A_477 = arith.constant 0 : i32
      %dma_start3A_478 = arith.constant 0 : i32
      %dma_start3A_479 = tpu.memref_slice %arg11[%dma_start3A_477, %dma_start3A_478] : memref<10112x128xf32, #tpu.memory_space<vmem_shared>> -> memref<10112x128xf32, #tpu.memory_space<vmem_shared>>
      tpu.enqueue_indirect_dma source(%arg10 : memref<128x128xf32, #tpu.memory_space<vmem>>) target(%dma_start3A_479 : memref<10112x128xf32, #tpu.memory_space<vmem_shared>>) offsets(%arg8 : memref<128xi32, #tpu.memory_space<vmem>>) semaphore(%arg12 : memref<!tpu.dma_semaphore, #tpu.memory_space<semaphore_mem>>) {add = true}
      %dma_wait3A_480 = arith.constant 0 : i32
      %dma_wait3A_481 = arith.constant 0 : i32
      %dma_wait3A_482 = tpu.memref_slice %arg11[%dma_wait3A_480, %dma_wait3A_481] : memref<10112x128xf32, #tpu.memory_space<vmem_shared>> -> memref<10112x128xf32, #tpu.memory_space<vmem_shared>>
      tpu.wait_indirect_dma semaphore(%arg13 : memref<!tpu.dma_semaphore, #tpu.memory_space<semaphore_mem>>) src(%arg10 : memref<128x128xf32, #tpu.memory_space<vmem>>) dst(%dma_wait3A_482 : memref<10112x128xf32, #tpu.memory_space<vmem_shared>>)
      %add3A_483 = arith.constant 3 : i32
      %add3A_484 = arith.addi %mul3A_327, %add3A_483 : i32
      %get3A_485 = arith.index_cast %add3A_484 : i32 to index
      %get3A_486 = arith.constant 0 : index
      %get3A_487 = tpu.vector_load %arg6[%get3A_485, %get3A_486] {strides = array<i32>} : memref<82x128xi32, #tpu.memory_space<vmem>>, vector<1x16xi32>,
      %get3A_488 = vector.shape_cast %get3A_487 : vector<1x16xi32> to vector<16xi32>
      %shift_right_logical3A_489 = arith.constant 14 : i32
      %shift_right_logical3A_490 = vector.broadcast %shift_right_logical3A_489 : i32 to vector<16xi32>
      %shift_right_logical3A_491 = arith.shrui %get3A_488, %shift_right_logical3A_490 : vector<16xi32>
      %swap3A_492 = arith.constant 0 : index
      %swap3A_493 = tpu.vector_load %arg7[%swap3A_492] {strides = array<i32>} : memref<128xi32, #tpu.memory_space<vmem>>, vector<16xi32>,
      %swap3A_494 = vector.shape_cast %swap3A_493 : vector<16xi32> to vector<16xi32>
      %swap3A_495 = vector.shape_cast %shift_right_logical3A_491 : vector<16xi32> to vector<16xi32>
      tpu.vector_store %arg7[%swap3A_492], %swap3A_495 {strides = array<i32>} : memref<128xi32, #tpu.memory_space<vmem>>, vector<16xi32>,
      %and3A_496 = arith.constant 16383 : i32
      %and3A_497 = vector.broadcast %and3A_496 : i32 to vector<16xi32>
      %and3A_498 = arith.andi %get3A_488, %and3A_497 : vector<16xi32>
      %swap3A_499 = arith.constant 0 : index
      %swap3A_500 = tpu.vector_load %arg9[%swap3A_499] {strides = array<i32>} : memref<128xi32, #tpu.memory_space<vmem>>, vector<16xi32>,
      %swap3A_501 = vector.shape_cast %swap3A_500 : vector<16xi32> to vector<16xi32>
      %swap3A_502 = vector.shape_cast %and3A_498 : vector<16xi32> to vector<16xi32>
      tpu.vector_store %arg9[%swap3A_499], %swap3A_502 {strides = array<i32>} : memref<128xi32, #tpu.memory_space<vmem>>, vector<16xi32>,
      %get3A_503 = arith.index_cast %add3A_484 : i32 to index
      %get3A_504 = arith.constant 16 : index
      %get3A_505 = tpu.vector_load %arg6[%get3A_503, %get3A_504] {strides = array<i32>} : memref<82x128xi32, #tpu.memory_space<vmem>>, vector<1x16xi32>,
      %get3A_506 = vector.shape_cast %get3A_505 : vector<1x16xi32> to vector<16xi32>
      %shift_right_logical3A_507 = arith.constant 14 : i32
      %shift_right_logical3A_508 = vector.broadcast %shift_right_logical3A_507 : i32 to vector<16xi32>
      %shift_right_logical3A_509 = arith.shrui %get3A_506, %shift_right_logical3A_508 : vector<16xi32>
      %swap3A_510 = arith.constant 16 : index
      %swap3A_511 = tpu.vector_load %arg7[%swap3A_510] {strides = array<i32>} : memref<128xi32, #tpu.memory_space<vmem>>, vector<16xi32>,
      %swap3A_512 = vector.shape_cast %swap3A_511 : vector<16xi32> to vector<16xi32>
      %swap3A_513 = vector.shape_cast %shift_right_logical3A_509 : vector<16xi32> to vector<16xi32>
      tpu.vector_store %arg7[%swap3A_510], %swap3A_513 {strides = array<i32>} : memref<128xi32, #tpu.memory_space<vmem>>, vector<16xi32>,
      %and3A_514 = arith.constant 16383 : i32
      %and3A_515 = vector.broadcast %and3A_514 : i32 to vector<16xi32>
      %and3A_516 = arith.andi %get3A_506, %and3A_515 : vector<16xi32>
      %swap3A_517 = arith.constant 16 : index
      %swap3A_518 = tpu.vector_load %arg9[%swap3A_517] {strides = array<i32>} : memref<128xi32, #tpu.memory_space<vmem>>, vector<16xi32>,
      %swap3A_519 = vector.shape_cast %swap3A_518 : vector<16xi32> to vector<16xi32>
      %swap3A_520 = vector.shape_cast %and3A_516 : vector<16xi32> to vector<16xi32>
      tpu.vector_store %arg9[%swap3A_517], %swap3A_520 {strides = array<i32>} : memref<128xi32, #tpu.memory_space<vmem>>, vector<16xi32>,
      %get3A_521 = arith.index_cast %add3A_484 : i32 to index
      %get3A_522 = arith.constant 32 : index
      %get3A_523 = tpu.vector_load %arg6[%get3A_521, %get3A_522] {strides = array<i32>} : memref<82x128xi32, #tpu.memory_space<vmem>>, vector<1x16xi32>,
      %get3A_524 = vector.shape_cast %get3A_523 : vector<1x16xi32> to vector<16xi32>
      %shift_right_logical3A_525 = arith.constant 14 : i32
      %shift_right_logical3A_526 = vector.broadcast %shift_right_logical3A_525 : i32 to vector<16xi32>
      %shift_right_logical3A_527 = arith.shrui %get3A_524, %shift_right_logical3A_526 : vector<16xi32>
      %swap3A_528 = arith.constant 32 : index
      %swap3A_529 = tpu.vector_load %arg7[%swap3A_528] {strides = array<i32>} : memref<128xi32, #tpu.memory_space<vmem>>, vector<16xi32>,
      %swap3A_530 = vector.shape_cast %swap3A_529 : vector<16xi32> to vector<16xi32>
      %swap3A_531 = vector.shape_cast %shift_right_logical3A_527 : vector<16xi32> to vector<16xi32>
      tpu.vector_store %arg7[%swap3A_528], %swap3A_531 {strides = array<i32>} : memref<128xi32, #tpu.memory_space<vmem>>, vector<16xi32>,
      %and3A_532 = arith.constant 16383 : i32
      %and3A_533 = vector.broadcast %and3A_532 : i32 to vector<16xi32>
      %and3A_534 = arith.andi %get3A_524, %and3A_533 : vector<16xi32>
      %swap3A_535 = arith.constant 32 : index
      %swap3A_536 = tpu.vector_load %arg9[%swap3A_535] {strides = array<i32>} : memref<128xi32, #tpu.memory_space<vmem>>, vector<16xi32>,
      %swap3A_537 = vector.shape_cast %swap3A_536 : vector<16xi32> to vector<16xi32>
      %swap3A_538 = vector.shape_cast %and3A_534 : vector<16xi32> to vector<16xi32>
      tpu.vector_store %arg9[%swap3A_535], %swap3A_538 {strides = array<i32>} : memref<128xi32, #tpu.memory_space<vmem>>, vector<16xi32>,
      %get3A_539 = arith.index_cast %add3A_484 : i32 to index
      %get3A_540 = arith.constant 48 : index
      %get3A_541 = tpu.vector_load %arg6[%get3A_539, %get3A_540] {strides = array<i32>} : memref<82x128xi32, #tpu.memory_space<vmem>>, vector<1x16xi32>,
      %get3A_542 = vector.shape_cast %get3A_541 : vector<1x16xi32> to vector<16xi32>
      %shift_right_logical3A_543 = arith.constant 14 : i32
      %shift_right_logical3A_544 = vector.broadcast %shift_right_logical3A_543 : i32 to vector<16xi32>
      %shift_right_logical3A_545 = arith.shrui %get3A_542, %shift_right_logical3A_544 : vector<16xi32>
      %swap3A_546 = arith.constant 48 : index
      %swap3A_547 = tpu.vector_load %arg7[%swap3A_546] {strides = array<i32>} : memref<128xi32, #tpu.memory_space<vmem>>, vector<16xi32>,
      %swap3A_548 = vector.shape_cast %swap3A_547 : vector<16xi32> to vector<16xi32>
      %swap3A_549 = vector.shape_cast %shift_right_logical3A_545 : vector<16xi32> to vector<16xi32>
      tpu.vector_store %arg7[%swap3A_546], %swap3A_549 {strides = array<i32>} : memref<128xi32, #tpu.memory_space<vmem>>, vector<16xi32>,
      %and3A_550 = arith.constant 16383 : i32
      %and3A_551 = vector.broadcast %and3A_550 : i32 to vector<16xi32>
      %and3A_552 = arith.andi %get3A_542, %and3A_551 : vector<16xi32>
      %swap3A_553 = arith.constant 48 : index
      %swap3A_554 = tpu.vector_load %arg9[%swap3A_553] {strides = array<i32>} : memref<128xi32, #tpu.memory_space<vmem>>, vector<16xi32>,
      %swap3A_555 = vector.shape_cast %swap3A_554 : vector<16xi32> to vector<16xi32>
      %swap3A_556 = vector.shape_cast %and3A_552 : vector<16xi32> to vector<16xi32>
      tpu.vector_store %arg9[%swap3A_553], %swap3A_556 {strides = array<i32>} : memref<128xi32, #tpu.memory_space<vmem>>, vector<16xi32>,
      %get3A_557 = arith.index_cast %add3A_484 : i32 to index
      %get3A_558 = arith.constant 64 : index
      %get3A_559 = tpu.vector_load %arg6[%get3A_557, %get3A_558] {strides = array<i32>} : memref<82x128xi32, #tpu.memory_space<vmem>>, vector<1x16xi32>,
      %get3A_560 = vector.shape_cast %get3A_559 : vector<1x16xi32> to vector<16xi32>
      %shift_right_logical3A_561 = arith.constant 14 : i32
      %shift_right_logical3A_562 = vector.broadcast %shift_right_logical3A_561 : i32 to vector<16xi32>
      %shift_right_logical3A_563 = arith.shrui %get3A_560, %shift_right_logical3A_562 : vector<16xi32>
      %swap3A_564 = arith.constant 64 : index
      %swap3A_565 = tpu.vector_load %arg7[%swap3A_564] {strides = array<i32>} : memref<128xi32, #tpu.memory_space<vmem>>, vector<16xi32>,
      %swap3A_566 = vector.shape_cast %swap3A_565 : vector<16xi32> to vector<16xi32>
      %swap3A_567 = vector.shape_cast %shift_right_logical3A_563 : vector<16xi32> to vector<16xi32>
      tpu.vector_store %arg7[%swap3A_564], %swap3A_567 {strides = array<i32>} : memref<128xi32, #tpu.memory_space<vmem>>, vector<16xi32>,
      %and3A_568 = arith.constant 16383 : i32
      %and3A_569 = vector.broadcast %and3A_568 : i32 to vector<16xi32>
      %and3A_570 = arith.andi %get3A_560, %and3A_569 : vector<16xi32>
      %swap3A_571 = arith.constant 64 : index
      %swap3A_572 = tpu.vector_load %arg9[%swap3A_571] {strides = array<i32>} : memref<128xi32, #tpu.memory_space<vmem>>, vector<16xi32>,
      %swap3A_573 = vector.shape_cast %swap3A_572 : vector<16xi32> to vector<16xi32>
      %swap3A_574 = vector.shape_cast %and3A_570 : vector<16xi32> to vector<16xi32>
      tpu.vector_store %arg9[%swap3A_571], %swap3A_574 {strides = array<i32>} : memref<128xi32, #tpu.memory_space<vmem>>, vector<16xi32>,
      %get3A_575 = arith.index_cast %add3A_484 : i32 to index
      %get3A_576 = arith.constant 80 : index
      %get3A_577 = tpu.vector_load %arg6[%get3A_575, %get3A_576] {strides = array<i32>} : memref<82x128xi32, #tpu.memory_space<vmem>>, vector<1x16xi32>,
      %get3A_578 = vector.shape_cast %get3A_577 : vector<1x16xi32> to vector<16xi32>
      %shift_right_logical3A_579 = arith.constant 14 : i32
      %shift_right_logical3A_580 = vector.broadcast %shift_right_logical3A_579 : i32 to vector<16xi32>
      %shift_right_logical3A_581 = arith.shrui %get3A_578, %shift_right_logical3A_580 : vector<16xi32>
      %swap3A_582 = arith.constant 80 : index
      %swap3A_583 = tpu.vector_load %arg7[%swap3A_582] {strides = array<i32>} : memref<128xi32, #tpu.memory_space<vmem>>, vector<16xi32>,
      %swap3A_584 = vector.shape_cast %swap3A_583 : vector<16xi32> to vector<16xi32>
      %swap3A_585 = vector.shape_cast %shift_right_logical3A_581 : vector<16xi32> to vector<16xi32>
      tpu.vector_store %arg7[%swap3A_582], %swap3A_585 {strides = array<i32>} : memref<128xi32, #tpu.memory_space<vmem>>, vector<16xi32>,
      %and3A_586 = arith.constant 16383 : i32
      %and3A_587 = vector.broadcast %and3A_586 : i32 to vector<16xi32>
      %and3A_588 = arith.andi %get3A_578, %and3A_587 : vector<16xi32>
      %swap3A_589 = arith.constant 80 : index
      %swap3A_590 = tpu.vector_load %arg9[%swap3A_589] {strides = array<i32>} : memref<128xi32, #tpu.memory_space<vmem>>, vector<16xi32>,
      %swap3A_591 = vector.shape_cast %swap3A_590 : vector<16xi32> to vector<16xi32>
      %swap3A_592 = vector.shape_cast %and3A_588 : vector<16xi32> to vector<16xi32>
      tpu.vector_store %arg9[%swap3A_589], %swap3A_592 {strides = array<i32>} : memref<128xi32, #tpu.memory_space<vmem>>, vector<16xi32>,
      %get3A_593 = arith.index_cast %add3A_484 : i32 to index
      %get3A_594 = arith.constant 96 : index
      %get3A_595 = tpu.vector_load %arg6[%get3A_593, %get3A_594] {strides = array<i32>} : memref<82x128xi32, #tpu.memory_space<vmem>>, vector<1x16xi32>,
      %get3A_596 = vector.shape_cast %get3A_595 : vector<1x16xi32> to vector<16xi32>
      %shift_right_logical3A_597 = arith.constant 14 : i32
      %shift_right_logical3A_598 = vector.broadcast %shift_right_logical3A_597 : i32 to vector<16xi32>
      %shift_right_logical3A_599 = arith.shrui %get3A_596, %shift_right_logical3A_598 : vector<16xi32>
      %swap3A_600 = arith.constant 96 : index
      %swap3A_601 = tpu.vector_load %arg7[%swap3A_600] {strides = array<i32>} : memref<128xi32, #tpu.memory_space<vmem>>, vector<16xi32>,
      %swap3A_602 = vector.shape_cast %swap3A_601 : vector<16xi32> to vector<16xi32>
      %swap3A_603 = vector.shape_cast %shift_right_logical3A_599 : vector<16xi32> to vector<16xi32>
      tpu.vector_store %arg7[%swap3A_600], %swap3A_603 {strides = array<i32>} : memref<128xi32, #tpu.memory_space<vmem>>, vector<16xi32>,
      %and3A_604 = arith.constant 16383 : i32
      %and3A_605 = vector.broadcast %and3A_604 : i32 to vector<16xi32>
      %and3A_606 = arith.andi %get3A_596, %and3A_605 : vector<16xi32>
      %swap3A_607 = arith.constant 96 : index
      %swap3A_608 = tpu.vector_load %arg9[%swap3A_607] {strides = array<i32>} : memref<128xi32, #tpu.memory_space<vmem>>, vector<16xi32>,
      %swap3A_609 = vector.shape_cast %swap3A_608 : vector<16xi32> to vector<16xi32>
      %swap3A_610 = vector.shape_cast %and3A_606 : vector<16xi32> to vector<16xi32>
      tpu.vector_store %arg9[%swap3A_607], %swap3A_610 {strides = array<i32>} : memref<128xi32, #tpu.memory_space<vmem>>, vector<16xi32>,
      %get3A_611 = arith.index_cast %add3A_484 : i32 to index
      %get3A_612 = arith.constant 112 : index
      %get3A_613 = tpu.vector_load %arg6[%get3A_611, %get3A_612] {strides = array<i32>} : memref<82x128xi32, #tpu.memory_space<vmem>>, vector<1x16xi32>,
      %get3A_614 = vector.shape_cast %get3A_613 : vector<1x16xi32> to vector<16xi32>
      %shift_right_logical3A_615 = arith.constant 14 : i32
      %shift_right_logical3A_616 = vector.broadcast %shift_right_logical3A_615 : i32 to vector<16xi32>
      %shift_right_logical3A_617 = arith.shrui %get3A_614, %shift_right_logical3A_616 : vector<16xi32>
      %swap3A_618 = arith.constant 112 : index
      %swap3A_619 = tpu.vector_load %arg7[%swap3A_618] {strides = array<i32>} : memref<128xi32, #tpu.memory_space<vmem>>, vector<16xi32>,
      %swap3A_620 = vector.shape_cast %swap3A_619 : vector<16xi32> to vector<16xi32>
      %swap3A_621 = vector.shape_cast %shift_right_logical3A_617 : vector<16xi32> to vector<16xi32>
      tpu.vector_store %arg7[%swap3A_618], %swap3A_621 {strides = array<i32>} : memref<128xi32, #tpu.memory_space<vmem>>, vector<16xi32>,
      %and3A_622 = arith.constant 16383 : i32
      %and3A_623 = vector.broadcast %and3A_622 : i32 to vector<16xi32>
      %and3A_624 = arith.andi %get3A_614, %and3A_623 : vector<16xi32>
      %swap3A_625 = arith.constant 112 : index
      %swap3A_626 = tpu.vector_load %arg9[%swap3A_625] {strides = array<i32>} : memref<128xi32, #tpu.memory_space<vmem>>, vector<16xi32>,
      %swap3A_627 = vector.shape_cast %swap3A_626 : vector<16xi32> to vector<16xi32>
      %swap3A_628 = vector.shape_cast %and3A_624 : vector<16xi32> to vector<16xi32>
      tpu.vector_store %arg9[%swap3A_625], %swap3A_628 {strides = array<i32>} : memref<128xi32, #tpu.memory_space<vmem>>, vector<16xi32>,
      %dma_start3A_629 = arith.constant 0 : i32
      %dma_start3A_630 = arith.constant 0 : i32
      %dma_start3A_631 = tpu.memref_slice %arg11[%dma_start3A_629, %dma_start3A_630] : memref<10112x128xf32, #tpu.memory_space<vmem_shared>> -> memref<10112x128xf32, #tpu.memory_space<vmem_shared>>
      tpu.enqueue_indirect_dma source(%arg10 : memref<128x128xf32, #tpu.memory_space<vmem>>) target(%dma_start3A_631 : memref<10112x128xf32, #tpu.memory_space<vmem_shared>>) offsets(%arg9 : memref<128xi32, #tpu.memory_space<vmem>>) semaphore(%arg13 : memref<!tpu.dma_semaphore, #tpu.memory_space<semaphore_mem>>) {add = true}
    }
    %scan3A_314 = arith.constant 39 : i32
    %dma_wait3A = arith.constant 0 : i32
    %dma_wait3A_315 = arith.constant 0 : i32
    %dma_wait3A_316 = tpu.memref_slice %arg11[%dma_wait3A, %dma_wait3A_315] : memref<10112x128xf32, #tpu.memory_space<vmem_shared>> -> memref<10112x128xf32, #tpu.memory_space<vmem_shared>>
    tpu.wait_indirect_dma semaphore(%arg12 : memref<!tpu.dma_semaphore, #tpu.memory_space<semaphore_mem>>) src(%arg10 : memref<128x128xf32, #tpu.memory_space<vmem>>) dst(%dma_wait3A_316 : memref<10112x128xf32, #tpu.memory_space<vmem_shared>>)
    %dma_wait3A_317 = arith.constant 0 : i32
    %dma_wait3A_318 = arith.constant 0 : i32
    %dma_wait3A_319 = tpu.memref_slice %arg11[%dma_wait3A_317, %dma_wait3A_318] : memref<10112x128xf32, #tpu.memory_space<vmem_shared>> -> memref<10112x128xf32, #tpu.memory_space<vmem_shared>>
    tpu.wait_indirect_dma semaphore(%arg13 : memref<!tpu.dma_semaphore, #tpu.memory_space<semaphore_mem>>) src(%arg10 : memref<128x128xf32, #tpu.memory_space<vmem>>) dst(%dma_wait3A_319 : memref<10112x128xf32, #tpu.memory_space<vmem_shared>>)
    %barrier3A_320 = arith.constant 0 : index
    tpu.barrier barrier_id(%barrier3A_320)
    %mul3A_321 = arith.constant 632 : i32
    %mul3A_322 = arith.muli %arg1, %mul3A_321 : i32
    %mul3A_323 = arith.constant 632 : i32
    %mul3A_324 = arith.muli %arg1, %mul3A_323 : i32
    "tpu.region"() ({
      %run_scoped3A = tpu.sem_alloc : memref<!tpu.dma_semaphore, #tpu.memory_space<semaphore_mem>>
      %dma_start3A_325 = arith.constant 0 : i32
      %dma_start3A_326 = tpu.memref_slice %arg5[%arg0, %mul3A_324, %dma_start3A_325] : memref<2x10112x128xf32, #tpu.memory_space<hbm>> -> memref<1x632x128xf32, #tpu.memory_space<hbm>>
      %dma_start3A_327 = tpu.memref_squeeze %dma_start3A_326 : memref<1x632x128xf32, #tpu.memory_space<hbm>> -> memref<632x128xf32, #tpu.memory_space<hbm>>
      %dma_start3A_328 = arith.constant 0 : i32
      %dma_start3A_329 = tpu.memref_slice %arg11[%mul3A_322, %dma_start3A_328] : memref<10112x128xf32, #tpu.memory_space<vmem_shared>> -> memref<632x128xf32, #tpu.memory_space<vmem_shared>>
      tpu.enqueue_dma source(%dma_start3A_329 : memref<632x128xf32, #tpu.memory_space<vmem_shared>>) target(%dma_start3A_327 : memref<632x128xf32, #tpu.memory_space<hbm>>) target_semaphore(%run_scoped3A : memref<!tpu.dma_semaphore, #tpu.memory_space<semaphore_mem>>)
      %dma_wait3A_330 = arith.constant 0 : i32
      %dma_wait3A_331 = tpu.memref_slice %arg5[%arg0, %mul3A_324, %dma_wait3A_330] : memref<2x10112x128xf32, #tpu.memory_space<hbm>> -> memref<1x632x128xf32, #tpu.memory_space<hbm>>
      %dma_wait3A_332 = tpu.memref_squeeze %dma_wait3A_331 : memref<1x632x128xf32, #tpu.memory_space<hbm>> -> memref<632x128xf32, #tpu.memory_space<hbm>>
      %dma_wait3A_333 = arith.constant 0 : i32
      %dma_wait3A_334 = tpu.memref_slice %arg11[%mul3A_322, %dma_wait3A_333] : memref<10112x128xf32, #tpu.memory_space<vmem_shared>> -> memref<632x128xf32, #tpu.memory_space<vmem_shared>>
      tpu.wait_dma2 semaphore(%run_scoped3A : memref<!tpu.dma_semaphore, #tpu.memory_space<semaphore_mem>>) src(%dma_wait3A_334 : memref<632x128xf32, #tpu.memory_space<vmem_shared>>) dst(%dma_wait3A_332 : memref<632x128xf32, #tpu.memory_space<hbm>>)
      tpu.yield
    }) : () -> ()
    return
  }
}

#map = affine_map<(d0, d1) -> (0, 0)>
#map1 = affine_map<(d0, d1) -> (0, 0, 0)>
module attributes {stable_mosaic.version = 14 : i64} {
  func.func @sc_scatter(%arg0: i32, %arg1: i32, %arg2: memref<10000x128xf32, #tpu.memory_space<hbm>>, %arg3: memref<32x82x128xi32, #tpu.memory_space<hbm>>, %arg4: memref<10112x128xf32, #tpu.memory_space<hbm>>, %arg5: memref<2x10112x128xf32, #tpu.memory_space<hbm>>, %arg6: memref<82x128xi32, #tpu.memory_space<vmem>>, %arg7: memref<128xi32, #tpu.memory_space<vmem>>, %arg8: memref<128xi32, #tpu.memory_space<vmem>>, %arg9: memref<128xi32, #tpu.memory_space<vmem>>, %arg10: memref<128xi32, #tpu.memory_space<vmem>>, %arg11: memref<128x128xf32, #tpu.memory_space<vmem>>, %arg12: memref<128x128xf32, #tpu.memory_space<vmem>>, %arg13: memref<10112x128xf32, #tpu.memory_space<vmem_shared>>, %arg14: memref<!tpu.dma_semaphore, #tpu.memory_space<semaphore_mem>>, %arg15: memref<!tpu.dma_semaphore, #tpu.memory_space<semaphore_mem>>) attributes {dimension_semantics = [#tpu.dimension_semantics<core_parallel>, #tpu.dimension_semantics<subcore_parallel>], iteration_bounds = array<i64: 2, 16>, scalar_prefetch = 0 : i64, scratch_operands = 10 : i64, tpu.core_type = #tpu.core_type<sc_vector_subcore>, window_params = [{transform_indices = #map}, {transform_indices = #map1}, {transform_indices = #map}, {transform_indices = #map1}]} {
    %mul3A = arith.constant 16 : i32
    %mul3A_0 = arith.muli %arg0, %mul3A : i32
    %add3A = arith.addi %mul3A_0, %arg1 : i32
    %mul3A_1 = arith.constant 632 : i32
    %mul3A_2 = arith.muli %arg1, %mul3A_1 : i32
    %mul3A_3 = arith.constant 632 : i32
    %mul3A_4 = arith.muli %arg1, %mul3A_3 : i32
    "tpu.region"() ({
      %run_scoped3A = tpu.sem_alloc : memref<!tpu.dma_semaphore, #tpu.memory_space<semaphore_mem>>
      %dma_start3A_167 = arith.constant 0 : i32
      %dma_start3A_168 = tpu.memref_slice %arg13[%mul3A_4, %dma_start3A_167] : memref<10112x128xf32, #tpu.memory_space<vmem_shared>> -> memref<632x128xf32, #tpu.memory_space<vmem_shared>>
      %dma_start3A_169 = arith.constant 0 : i32
      %dma_start3A_170 = tpu.memref_slice %arg4[%mul3A_2, %dma_start3A_169] : memref<10112x128xf32, #tpu.memory_space<hbm>> -> memref<632x128xf32, #tpu.memory_space<hbm>>
      tpu.enqueue_dma source(%dma_start3A_170 : memref<632x128xf32, #tpu.memory_space<hbm>>) target(%dma_start3A_168 : memref<632x128xf32, #tpu.memory_space<vmem_shared>>) target_semaphore(%run_scoped3A : memref<!tpu.dma_semaphore, #tpu.memory_space<semaphore_mem>>)
      %dma_wait3A_171 = arith.constant 0 : i32
      %dma_wait3A_172 = tpu.memref_slice %arg13[%mul3A_4, %dma_wait3A_171] : memref<10112x128xf32, #tpu.memory_space<vmem_shared>> -> memref<632x128xf32, #tpu.memory_space<vmem_shared>>
      %dma_wait3A_173 = arith.constant 0 : i32
      %dma_wait3A_174 = tpu.memref_slice %arg4[%mul3A_2, %dma_wait3A_173] : memref<10112x128xf32, #tpu.memory_space<hbm>> -> memref<632x128xf32, #tpu.memory_space<hbm>>
      tpu.wait_dma2 semaphore(%run_scoped3A : memref<!tpu.dma_semaphore, #tpu.memory_space<semaphore_mem>>) src(%dma_wait3A_174 : memref<632x128xf32, #tpu.memory_space<hbm>>) dst(%dma_wait3A_172 : memref<632x128xf32, #tpu.memory_space<vmem_shared>>)
      tpu.yield
    }) : () -> ()
    "tpu.region"() ({
      %run_scoped3A = tpu.sem_alloc : memref<!tpu.dma_semaphore, #tpu.memory_space<semaphore_mem>>
      %dma_start3A_167 = arith.constant 0 : i32
      %dma_start3A_168 = arith.constant 0 : i32
      %dma_start3A_169 = tpu.memref_slice %arg3[%add3A, %dma_start3A_167, %dma_start3A_168] : memref<32x82x128xi32, #tpu.memory_space<hbm>> -> memref<1x82x128xi32, #tpu.memory_space<hbm>>
      %dma_start3A_170 = tpu.memref_squeeze %dma_start3A_169 : memref<1x82x128xi32, #tpu.memory_space<hbm>> -> memref<82x128xi32, #tpu.memory_space<hbm>>
      %dma_start3A_171 = arith.constant 0 : i32
      %dma_start3A_172 = arith.constant 0 : i32
      %dma_start3A_173 = tpu.memref_slice %arg3[%add3A, %dma_start3A_171, %dma_start3A_172] : memref<32x82x128xi32, #tpu.memory_space<hbm>> -> memref<1x82x128xi32, #tpu.memory_space<hbm>>
      %dma_start3A_174 = tpu.memref_squeeze %dma_start3A_173 : memref<1x82x128xi32, #tpu.memory_space<hbm>> -> memref<82x128xi32, #tpu.memory_space<hbm>>
      tpu.enqueue_dma source(%dma_start3A_174 : memref<82x128xi32, #tpu.memory_space<hbm>>) target(%arg6 : memref<82x128xi32, #tpu.memory_space<vmem>>) target_semaphore(%run_scoped3A : memref<!tpu.dma_semaphore, #tpu.memory_space<semaphore_mem>>)
      %dma_wait3A_175 = arith.constant 0 : i32
      %dma_wait3A_176 = arith.constant 0 : i32
      %dma_wait3A_177 = tpu.memref_slice %arg3[%add3A, %dma_wait3A_175, %dma_wait3A_176] : memref<32x82x128xi32, #tpu.memory_space<hbm>> -> memref<1x82x128xi32, #tpu.memory_space<hbm>>
      %dma_wait3A_178 = tpu.memref_squeeze %dma_wait3A_177 : memref<1x82x128xi32, #tpu.memory_space<hbm>> -> memref<82x128xi32, #tpu.memory_space<hbm>>
      %dma_wait3A_179 = arith.constant 0 : i32
      %dma_wait3A_180 = arith.constant 0 : i32
      %dma_wait3A_181 = tpu.memref_slice %arg3[%add3A, %dma_wait3A_179, %dma_wait3A_180] : memref<32x82x128xi32, #tpu.memory_space<hbm>> -> memref<1x82x128xi32, #tpu.memory_space<hbm>>
      %dma_wait3A_182 = tpu.memref_squeeze %dma_wait3A_181 : memref<1x82x128xi32, #tpu.memory_space<hbm>> -> memref<82x128xi32, #tpu.memory_space<hbm>>
      tpu.wait_dma2 semaphore(%run_scoped3A : memref<!tpu.dma_semaphore, #tpu.memory_space<semaphore_mem>>) src(%dma_wait3A_182 : memref<82x128xi32, #tpu.memory_space<hbm>>) dst(%arg6 : memref<82x128xi32, #tpu.memory_space<vmem>>)
      tpu.yield
    }) : () -> ()
    %barrier3A = arith.constant 0 : index
    tpu.barrier barrier_id(%barrier3A)
    %get3A = arith.constant 0 : i32
    %get3A_5 = arith.index_cast %get3A : i32 to index
    %get3A_6 = arith.constant 0 : index
    %get3A_7 = tpu.vector_load %arg6[%get3A_5, %get3A_6] {strides = array<i32>} : memref<82x128xi32, #tpu.memory_space<vmem>>, vector<1x16xi32>,
    %get3A_8 = vector.shape_cast %get3A_7 : vector<1x16xi32> to vector<16xi32>
    %shift_right_logical3A = arith.constant 14 : i32
    %shift_right_logical3A_9 = vector.broadcast %shift_right_logical3A : i32 to vector<16xi32>
    %shift_right_logical3A_10 = arith.shrui %get3A_8, %shift_right_logical3A_9 : vector<16xi32>
    %swap3A = arith.constant 0 : index
    %swap3A_11 = tpu.vector_load %arg7[%swap3A] {strides = array<i32>} : memref<128xi32, #tpu.memory_space<vmem>>, vector<16xi32>,
    %swap3A_12 = vector.shape_cast %swap3A_11 : vector<16xi32> to vector<16xi32>
    %swap3A_13 = vector.shape_cast %shift_right_logical3A_10 : vector<16xi32> to vector<16xi32>
    tpu.vector_store %arg7[%swap3A], %swap3A_13 {strides = array<i32>} : memref<128xi32, #tpu.memory_space<vmem>>, vector<16xi32>,
    %and3A = arith.constant 16383 : i32
    %and3A_14 = vector.broadcast %and3A : i32 to vector<16xi32>
    %and3A_15 = arith.andi %get3A_8, %and3A_14 : vector<16xi32>
    %swap3A_16 = arith.constant 0 : index
    %swap3A_17 = tpu.vector_load %arg8[%swap3A_16] {strides = array<i32>} : memref<128xi32, #tpu.memory_space<vmem>>, vector<16xi32>,
    %swap3A_18 = vector.shape_cast %swap3A_17 : vector<16xi32> to vector<16xi32>
    %swap3A_19 = vector.shape_cast %and3A_15 : vector<16xi32> to vector<16xi32>
    tpu.vector_store %arg8[%swap3A_16], %swap3A_19 {strides = array<i32>} : memref<128xi32, #tpu.memory_space<vmem>>, vector<16xi32>,
    %get3A_20 = arith.constant 0 : i32
    %get3A_21 = arith.index_cast %get3A_20 : i32 to index
    %get3A_22 = arith.constant 16 : index
    %get3A_23 = tpu.vector_load %arg6[%get3A_21, %get3A_22] {strides = array<i32>} : memref<82x128xi32, #tpu.memory_space<vmem>>, vector<1x16xi32>,
    %get3A_24 = vector.shape_cast %get3A_23 : vector<1x16xi32> to vector<16xi32>
    %shift_right_logical3A_25 = arith.constant 14 : i32
    %shift_right_logical3A_26 = vector.broadcast %shift_right_logical3A_25 : i32 to vector<16xi32>
    %shift_right_logical3A_27 = arith.shrui %get3A_24, %shift_right_logical3A_26 : vector<16xi32>
    %swap3A_28 = arith.constant 16 : index
    %swap3A_29 = tpu.vector_load %arg7[%swap3A_28] {strides = array<i32>} : memref<128xi32, #tpu.memory_space<vmem>>, vector<16xi32>,
    %swap3A_30 = vector.shape_cast %swap3A_29 : vector<16xi32> to vector<16xi32>
    %swap3A_31 = vector.shape_cast %shift_right_logical3A_27 : vector<16xi32> to vector<16xi32>
    tpu.vector_store %arg7[%swap3A_28], %swap3A_31 {strides = array<i32>} : memref<128xi32, #tpu.memory_space<vmem>>, vector<16xi32>,
    %and3A_32 = arith.constant 16383 : i32
    %and3A_33 = vector.broadcast %and3A_32 : i32 to vector<16xi32>
    %and3A_34 = arith.andi %get3A_24, %and3A_33 : vector<16xi32>
    %swap3A_35 = arith.constant 16 : index
    %swap3A_36 = tpu.vector_load %arg8[%swap3A_35] {strides = array<i32>} : memref<128xi32, #tpu.memory_space<vmem>>, vector<16xi32>,
    %swap3A_37 = vector.shape_cast %swap3A_36 : vector<16xi32> to vector<16xi32>
    %swap3A_38 = vector.shape_cast %and3A_34 : vector<16xi32> to vector<16xi32>
    tpu.vector_store %arg8[%swap3A_35], %swap3A_38 {strides = array<i32>} : memref<128xi32, #tpu.memory_space<vmem>>, vector<16xi32>,
    %get3A_39 = arith.constant 0 : i32
    %get3A_40 = arith.index_cast %get3A_39 : i32 to index
    %get3A_41 = arith.constant 32 : index
    %get3A_42 = tpu.vector_load %arg6[%get3A_40, %get3A_41] {strides = array<i32>} : memref<82x128xi32, #tpu.memory_space<vmem>>, vector<1x16xi32>,
    %get3A_43 = vector.shape_cast %get3A_42 : vector<1x16xi32> to vector<16xi32>
    %shift_right_logical3A_44 = arith.constant 14 : i32
    %shift_right_logical3A_45 = vector.broadcast %shift_right_logical3A_44 : i32 to vector<16xi32>
    %shift_right_logical3A_46 = arith.shrui %get3A_43, %shift_right_logical3A_45 : vector<16xi32>
    %swap3A_47 = arith.constant 32 : index
    %swap3A_48 = tpu.vector_load %arg7[%swap3A_47] {strides = array<i32>} : memref<128xi32, #tpu.memory_space<vmem>>, vector<16xi32>,
    %swap3A_49 = vector.shape_cast %swap3A_48 : vector<16xi32> to vector<16xi32>
    %swap3A_50 = vector.shape_cast %shift_right_logical3A_46 : vector<16xi32> to vector<16xi32>
    tpu.vector_store %arg7[%swap3A_47], %swap3A_50 {strides = array<i32>} : memref<128xi32, #tpu.memory_space<vmem>>, vector<16xi32>,
    %and3A_51 = arith.constant 16383 : i32
    %and3A_52 = vector.broadcast %and3A_51 : i32 to vector<16xi32>
    %and3A_53 = arith.andi %get3A_43, %and3A_52 : vector<16xi32>
    %swap3A_54 = arith.constant 32 : index
    %swap3A_55 = tpu.vector_load %arg8[%swap3A_54] {strides = array<i32>} : memref<128xi32, #tpu.memory_space<vmem>>, vector<16xi32>,
    %swap3A_56 = vector.shape_cast %swap3A_55 : vector<16xi32> to vector<16xi32>
    %swap3A_57 = vector.shape_cast %and3A_53 : vector<16xi32> to vector<16xi32>
    tpu.vector_store %arg8[%swap3A_54], %swap3A_57 {strides = array<i32>} : memref<128xi32, #tpu.memory_space<vmem>>, vector<16xi32>,
    %get3A_58 = arith.constant 0 : i32
    %get3A_59 = arith.index_cast %get3A_58 : i32 to index
    %get3A_60 = arith.constant 48 : index
    %get3A_61 = tpu.vector_load %arg6[%get3A_59, %get3A_60] {strides = array<i32>} : memref<82x128xi32, #tpu.memory_space<vmem>>, vector<1x16xi32>,
    %get3A_62 = vector.shape_cast %get3A_61 : vector<1x16xi32> to vector<16xi32>
    %shift_right_logical3A_63 = arith.constant 14 : i32
    %shift_right_logical3A_64 = vector.broadcast %shift_right_logical3A_63 : i32 to vector<16xi32>
    %shift_right_logical3A_65 = arith.shrui %get3A_62, %shift_right_logical3A_64 : vector<16xi32>
    %swap3A_66 = arith.constant 48 : index
    %swap3A_67 = tpu.vector_load %arg7[%swap3A_66] {strides = array<i32>} : memref<128xi32, #tpu.memory_space<vmem>>, vector<16xi32>,
    %swap3A_68 = vector.shape_cast %swap3A_67 : vector<16xi32> to vector<16xi32>
    %swap3A_69 = vector.shape_cast %shift_right_logical3A_65 : vector<16xi32> to vector<16xi32>
    tpu.vector_store %arg7[%swap3A_66], %swap3A_69 {strides = array<i32>} : memref<128xi32, #tpu.memory_space<vmem>>, vector<16xi32>,
    %and3A_70 = arith.constant 16383 : i32
    %and3A_71 = vector.broadcast %and3A_70 : i32 to vector<16xi32>
    %and3A_72 = arith.andi %get3A_62, %and3A_71 : vector<16xi32>
    %swap3A_73 = arith.constant 48 : index
    %swap3A_74 = tpu.vector_load %arg8[%swap3A_73] {strides = array<i32>} : memref<128xi32, #tpu.memory_space<vmem>>, vector<16xi32>,
    %swap3A_75 = vector.shape_cast %swap3A_74 : vector<16xi32> to vector<16xi32>
    %swap3A_76 = vector.shape_cast %and3A_72 : vector<16xi32> to vector<16xi32>
    tpu.vector_store %arg8[%swap3A_73], %swap3A_76 {strides = array<i32>} : memref<128xi32, #tpu.memory_space<vmem>>, vector<16xi32>,
    %get3A_77 = arith.constant 0 : i32
    %get3A_78 = arith.index_cast %get3A_77 : i32 to index
    %get3A_79 = arith.constant 64 : index
    %get3A_80 = tpu.vector_load %arg6[%get3A_78, %get3A_79] {strides = array<i32>} : memref<82x128xi32, #tpu.memory_space<vmem>>, vector<1x16xi32>,
    %get3A_81 = vector.shape_cast %get3A_80 : vector<1x16xi32> to vector<16xi32>
    %shift_right_logical3A_82 = arith.constant 14 : i32
    %shift_right_logical3A_83 = vector.broadcast %shift_right_logical3A_82 : i32 to vector<16xi32>
    %shift_right_logical3A_84 = arith.shrui %get3A_81, %shift_right_logical3A_83 : vector<16xi32>
    %swap3A_85 = arith.constant 64 : index
    %swap3A_86 = tpu.vector_load %arg7[%swap3A_85] {strides = array<i32>} : memref<128xi32, #tpu.memory_space<vmem>>, vector<16xi32>,
    %swap3A_87 = vector.shape_cast %swap3A_86 : vector<16xi32> to vector<16xi32>
    %swap3A_88 = vector.shape_cast %shift_right_logical3A_84 : vector<16xi32> to vector<16xi32>
    tpu.vector_store %arg7[%swap3A_85], %swap3A_88 {strides = array<i32>} : memref<128xi32, #tpu.memory_space<vmem>>, vector<16xi32>,
    %and3A_89 = arith.constant 16383 : i32
    %and3A_90 = vector.broadcast %and3A_89 : i32 to vector<16xi32>
    %and3A_91 = arith.andi %get3A_81, %and3A_90 : vector<16xi32>
    %swap3A_92 = arith.constant 64 : index
    %swap3A_93 = tpu.vector_load %arg8[%swap3A_92] {strides = array<i32>} : memref<128xi32, #tpu.memory_space<vmem>>, vector<16xi32>,
    %swap3A_94 = vector.shape_cast %swap3A_93 : vector<16xi32> to vector<16xi32>
    %swap3A_95 = vector.shape_cast %and3A_91 : vector<16xi32> to vector<16xi32>
    tpu.vector_store %arg8[%swap3A_92], %swap3A_95 {strides = array<i32>} : memref<128xi32, #tpu.memory_space<vmem>>, vector<16xi32>,
    %get3A_96 = arith.constant 0 : i32
    %get3A_97 = arith.index_cast %get3A_96 : i32 to index
    %get3A_98 = arith.constant 80 : index
    %get3A_99 = tpu.vector_load %arg6[%get3A_97, %get3A_98] {strides = array<i32>} : memref<82x128xi32, #tpu.memory_space<vmem>>, vector<1x16xi32>,
    %get3A_100 = vector.shape_cast %get3A_99 : vector<1x16xi32> to vector<16xi32>
    %shift_right_logical3A_101 = arith.constant 14 : i32
    %shift_right_logical3A_102 = vector.broadcast %shift_right_logical3A_101 : i32 to vector<16xi32>
    %shift_right_logical3A_103 = arith.shrui %get3A_100, %shift_right_logical3A_102 : vector<16xi32>
    %swap3A_104 = arith.constant 80 : index
    %swap3A_105 = tpu.vector_load %arg7[%swap3A_104] {strides = array<i32>} : memref<128xi32, #tpu.memory_space<vmem>>, vector<16xi32>,
    %swap3A_106 = vector.shape_cast %swap3A_105 : vector<16xi32> to vector<16xi32>
    %swap3A_107 = vector.shape_cast %shift_right_logical3A_103 : vector<16xi32> to vector<16xi32>
    tpu.vector_store %arg7[%swap3A_104], %swap3A_107 {strides = array<i32>} : memref<128xi32, #tpu.memory_space<vmem>>, vector<16xi32>,
    %and3A_108 = arith.constant 16383 : i32
    %and3A_109 = vector.broadcast %and3A_108 : i32 to vector<16xi32>
    %and3A_110 = arith.andi %get3A_100, %and3A_109 : vector<16xi32>
    %swap3A_111 = arith.constant 80 : index
    %swap3A_112 = tpu.vector_load %arg8[%swap3A_111] {strides = array<i32>} : memref<128xi32, #tpu.memory_space<vmem>>, vector<16xi32>,
    %swap3A_113 = vector.shape_cast %swap3A_112 : vector<16xi32> to vector<16xi32>
    %swap3A_114 = vector.shape_cast %and3A_110 : vector<16xi32> to vector<16xi32>
    tpu.vector_store %arg8[%swap3A_111], %swap3A_114 {strides = array<i32>} : memref<128xi32, #tpu.memory_space<vmem>>, vector<16xi32>,
    %get3A_115 = arith.constant 0 : i32
    %get3A_116 = arith.index_cast %get3A_115 : i32 to index
    %get3A_117 = arith.constant 96 : index
    %get3A_118 = tpu.vector_load %arg6[%get3A_116, %get3A_117] {strides = array<i32>} : memref<82x128xi32, #tpu.memory_space<vmem>>, vector<1x16xi32>,
    %get3A_119 = vector.shape_cast %get3A_118 : vector<1x16xi32> to vector<16xi32>
    %shift_right_logical3A_120 = arith.constant 14 : i32
    %shift_right_logical3A_121 = vector.broadcast %shift_right_logical3A_120 : i32 to vector<16xi32>
    %shift_right_logical3A_122 = arith.shrui %get3A_119, %shift_right_logical3A_121 : vector<16xi32>
    %swap3A_123 = arith.constant 96 : index
    %swap3A_124 = tpu.vector_load %arg7[%swap3A_123] {strides = array<i32>} : memref<128xi32, #tpu.memory_space<vmem>>, vector<16xi32>,
    %swap3A_125 = vector.shape_cast %swap3A_124 : vector<16xi32> to vector<16xi32>
    %swap3A_126 = vector.shape_cast %shift_right_logical3A_122 : vector<16xi32> to vector<16xi32>
    tpu.vector_store %arg7[%swap3A_123], %swap3A_126 {strides = array<i32>} : memref<128xi32, #tpu.memory_space<vmem>>, vector<16xi32>,
    %and3A_127 = arith.constant 16383 : i32
    %and3A_128 = vector.broadcast %and3A_127 : i32 to vector<16xi32>
    %and3A_129 = arith.andi %get3A_119, %and3A_128 : vector<16xi32>
    %swap3A_130 = arith.constant 96 : index
    %swap3A_131 = tpu.vector_load %arg8[%swap3A_130] {strides = array<i32>} : memref<128xi32, #tpu.memory_space<vmem>>, vector<16xi32>,
    %swap3A_132 = vector.shape_cast %swap3A_131 : vector<16xi32> to vector<16xi32>
    %swap3A_133 = vector.shape_cast %and3A_129 : vector<16xi32> to vector<16xi32>
    tpu.vector_store %arg8[%swap3A_130], %swap3A_133 {strides = array<i32>} : memref<128xi32, #tpu.memory_space<vmem>>, vector<16xi32>,
    %get3A_134 = arith.constant 0 : i32
    %get3A_135 = arith.index_cast %get3A_134 : i32 to index
    %get3A_136 = arith.constant 112 : index
    %get3A_137 = tpu.vector_load %arg6[%get3A_135, %get3A_136] {strides = array<i32>} : memref<82x128xi32, #tpu.memory_space<vmem>>, vector<1x16xi32>,
    %get3A_138 = vector.shape_cast %get3A_137 : vector<1x16xi32> to vector<16xi32>
    %shift_right_logical3A_139 = arith.constant 14 : i32
    %shift_right_logical3A_140 = vector.broadcast %shift_right_logical3A_139 : i32 to vector<16xi32>
    %shift_right_logical3A_141 = arith.shrui %get3A_138, %shift_right_logical3A_140 : vector<16xi32>
    %swap3A_142 = arith.constant 112 : index
    %swap3A_143 = tpu.vector_load %arg7[%swap3A_142] {strides = array<i32>} : memref<128xi32, #tpu.memory_space<vmem>>, vector<16xi32>,
    %swap3A_144 = vector.shape_cast %swap3A_143 : vector<16xi32> to vector<16xi32>
    %swap3A_145 = vector.shape_cast %shift_right_logical3A_141 : vector<16xi32> to vector<16xi32>
    tpu.vector_store %arg7[%swap3A_142], %swap3A_145 {strides = array<i32>} : memref<128xi32, #tpu.memory_space<vmem>>, vector<16xi32>,
    %and3A_146 = arith.constant 16383 : i32
    %and3A_147 = vector.broadcast %and3A_146 : i32 to vector<16xi32>
    %and3A_148 = arith.andi %get3A_138, %and3A_147 : vector<16xi32>
    %swap3A_149 = arith.constant 112 : index
    %swap3A_150 = tpu.vector_load %arg8[%swap3A_149] {strides = array<i32>} : memref<128xi32, #tpu.memory_space<vmem>>, vector<16xi32>,
    %swap3A_151 = vector.shape_cast %swap3A_150 : vector<16xi32> to vector<16xi32>
    %swap3A_152 = vector.shape_cast %and3A_148 : vector<16xi32> to vector<16xi32>
    tpu.vector_store %arg8[%swap3A_149], %swap3A_152 {strides = array<i32>} : memref<128xi32, #tpu.memory_space<vmem>>, vector<16xi32>,
    %dma_start3A = arith.constant 0 : i32
    %dma_start3A_153 = arith.constant 0 : i32
    %dma_start3A_154 = tpu.memref_slice %arg2[%dma_start3A, %dma_start3A_153] : memref<10000x128xf32, #tpu.memory_space<hbm>> -> memref<10000x128xf32, #tpu.memory_space<hbm>>
    tpu.enqueue_indirect_dma source(%dma_start3A_154 : memref<10000x128xf32, #tpu.memory_space<hbm>>) target(%arg11 : memref<128x128xf32, #tpu.memory_space<vmem>>) offsets(%arg7 : memref<128xi32, #tpu.memory_space<vmem>>) semaphore(%arg14 : memref<!tpu.dma_semaphore, #tpu.memory_space<semaphore_mem>>)
    %scan3A = arith.constant 0 : i32
    %scan3A_155 = arith.constant 0 : i32
    %scan3A_156 = arith.constant 40 : i32
    %scan3A_157 = arith.addi %scan3A_155, %scan3A_156 : i32
    %scan3A_158 = arith.constant 1 : i32
    scf.for %scan3A_167 = %scan3A_155 to %scan3A_157 step %scan3A_158  : i32 {
      %mul3A_168 = arith.constant 2 : i32
      %mul3A_169 = arith.muli %mul3A_168, %scan3A_167 : i32
      %add3A_170 = arith.constant 1 : i32
      %add3A_171 = arith.addi %mul3A_169, %add3A_170 : i32
      %get3A_172 = arith.index_cast %add3A_171 : i32 to index
      %get3A_173 = arith.constant 0 : index
      %get3A_174 = tpu.vector_load %arg6[%get3A_172, %get3A_173] {strides = array<i32>} : memref<82x128xi32, #tpu.memory_space<vmem>>, vector<1x16xi32>,
      %get3A_175 = vector.shape_cast %get3A_174 : vector<1x16xi32> to vector<16xi32>
      %shift_right_logical3A_176 = arith.constant 14 : i32
      %shift_right_logical3A_177 = vector.broadcast %shift_right_logical3A_176 : i32 to vector<16xi32>
      %shift_right_logical3A_178 = arith.shrui %get3A_175, %shift_right_logical3A_177 : vector<16xi32>
      %swap3A_179 = arith.constant 0 : index
      %swap3A_180 = tpu.vector_load %arg9[%swap3A_179] {strides = array<i32>} : memref<128xi32, #tpu.memory_space<vmem>>, vector<16xi32>,
      %swap3A_181 = vector.shape_cast %swap3A_180 : vector<16xi32> to vector<16xi32>
      %swap3A_182 = vector.shape_cast %shift_right_logical3A_178 : vector<16xi32> to vector<16xi32>
      tpu.vector_store %arg9[%swap3A_179], %swap3A_182 {strides = array<i32>} : memref<128xi32, #tpu.memory_space<vmem>>, vector<16xi32>,
      %and3A_183 = arith.constant 16383 : i32
      %and3A_184 = vector.broadcast %and3A_183 : i32 to vector<16xi32>
      %and3A_185 = arith.andi %get3A_175, %and3A_184 : vector<16xi32>
      %swap3A_186 = arith.constant 0 : index
      %swap3A_187 = tpu.vector_load %arg10[%swap3A_186] {strides = array<i32>} : memref<128xi32, #tpu.memory_space<vmem>>, vector<16xi32>,
      %swap3A_188 = vector.shape_cast %swap3A_187 : vector<16xi32> to vector<16xi32>
      %swap3A_189 = vector.shape_cast %and3A_185 : vector<16xi32> to vector<16xi32>
      tpu.vector_store %arg10[%swap3A_186], %swap3A_189 {strides = array<i32>} : memref<128xi32, #tpu.memory_space<vmem>>, vector<16xi32>,
      %get3A_190 = arith.index_cast %add3A_171 : i32 to index
      %get3A_191 = arith.constant 16 : index
      %get3A_192 = tpu.vector_load %arg6[%get3A_190, %get3A_191] {strides = array<i32>} : memref<82x128xi32, #tpu.memory_space<vmem>>, vector<1x16xi32>,
      %get3A_193 = vector.shape_cast %get3A_192 : vector<1x16xi32> to vector<16xi32>
      %shift_right_logical3A_194 = arith.constant 14 : i32
      %shift_right_logical3A_195 = vector.broadcast %shift_right_logical3A_194 : i32 to vector<16xi32>
      %shift_right_logical3A_196 = arith.shrui %get3A_193, %shift_right_logical3A_195 : vector<16xi32>
      %swap3A_197 = arith.constant 16 : index
      %swap3A_198 = tpu.vector_load %arg9[%swap3A_197] {strides = array<i32>} : memref<128xi32, #tpu.memory_space<vmem>>, vector<16xi32>,
      %swap3A_199 = vector.shape_cast %swap3A_198 : vector<16xi32> to vector<16xi32>
      %swap3A_200 = vector.shape_cast %shift_right_logical3A_196 : vector<16xi32> to vector<16xi32>
      tpu.vector_store %arg9[%swap3A_197], %swap3A_200 {strides = array<i32>} : memref<128xi32, #tpu.memory_space<vmem>>, vector<16xi32>,
      %and3A_201 = arith.constant 16383 : i32
      %and3A_202 = vector.broadcast %and3A_201 : i32 to vector<16xi32>
      %and3A_203 = arith.andi %get3A_193, %and3A_202 : vector<16xi32>
      %swap3A_204 = arith.constant 16 : index
      %swap3A_205 = tpu.vector_load %arg10[%swap3A_204] {strides = array<i32>} : memref<128xi32, #tpu.memory_space<vmem>>, vector<16xi32>,
      %swap3A_206 = vector.shape_cast %swap3A_205 : vector<16xi32> to vector<16xi32>
      %swap3A_207 = vector.shape_cast %and3A_203 : vector<16xi32> to vector<16xi32>
      tpu.vector_store %arg10[%swap3A_204], %swap3A_207 {strides = array<i32>} : memref<128xi32, #tpu.memory_space<vmem>>, vector<16xi32>,
      %get3A_208 = arith.index_cast %add3A_171 : i32 to index
      %get3A_209 = arith.constant 32 : index
      %get3A_210 = tpu.vector_load %arg6[%get3A_208, %get3A_209] {strides = array<i32>} : memref<82x128xi32, #tpu.memory_space<vmem>>, vector<1x16xi32>,
      %get3A_211 = vector.shape_cast %get3A_210 : vector<1x16xi32> to vector<16xi32>
      %shift_right_logical3A_212 = arith.constant 14 : i32
      %shift_right_logical3A_213 = vector.broadcast %shift_right_logical3A_212 : i32 to vector<16xi32>
      %shift_right_logical3A_214 = arith.shrui %get3A_211, %shift_right_logical3A_213 : vector<16xi32>
      %swap3A_215 = arith.constant 32 : index
      %swap3A_216 = tpu.vector_load %arg9[%swap3A_215] {strides = array<i32>} : memref<128xi32, #tpu.memory_space<vmem>>, vector<16xi32>,
      %swap3A_217 = vector.shape_cast %swap3A_216 : vector<16xi32> to vector<16xi32>
      %swap3A_218 = vector.shape_cast %shift_right_logical3A_214 : vector<16xi32> to vector<16xi32>
      tpu.vector_store %arg9[%swap3A_215], %swap3A_218 {strides = array<i32>} : memref<128xi32, #tpu.memory_space<vmem>>, vector<16xi32>,
      %and3A_219 = arith.constant 16383 : i32
      %and3A_220 = vector.broadcast %and3A_219 : i32 to vector<16xi32>
      %and3A_221 = arith.andi %get3A_211, %and3A_220 : vector<16xi32>
      %swap3A_222 = arith.constant 32 : index
      %swap3A_223 = tpu.vector_load %arg10[%swap3A_222] {strides = array<i32>} : memref<128xi32, #tpu.memory_space<vmem>>, vector<16xi32>,
      %swap3A_224 = vector.shape_cast %swap3A_223 : vector<16xi32> to vector<16xi32>
      %swap3A_225 = vector.shape_cast %and3A_221 : vector<16xi32> to vector<16xi32>
      tpu.vector_store %arg10[%swap3A_222], %swap3A_225 {strides = array<i32>} : memref<128xi32, #tpu.memory_space<vmem>>, vector<16xi32>,
      %get3A_226 = arith.index_cast %add3A_171 : i32 to index
      %get3A_227 = arith.constant 48 : index
      %get3A_228 = tpu.vector_load %arg6[%get3A_226, %get3A_227] {strides = array<i32>} : memref<82x128xi32, #tpu.memory_space<vmem>>, vector<1x16xi32>,
      %get3A_229 = vector.shape_cast %get3A_228 : vector<1x16xi32> to vector<16xi32>
      %shift_right_logical3A_230 = arith.constant 14 : i32
      %shift_right_logical3A_231 = vector.broadcast %shift_right_logical3A_230 : i32 to vector<16xi32>
      %shift_right_logical3A_232 = arith.shrui %get3A_229, %shift_right_logical3A_231 : vector<16xi32>
      %swap3A_233 = arith.constant 48 : index
      %swap3A_234 = tpu.vector_load %arg9[%swap3A_233] {strides = array<i32>} : memref<128xi32, #tpu.memory_space<vmem>>, vector<16xi32>,
      %swap3A_235 = vector.shape_cast %swap3A_234 : vector<16xi32> to vector<16xi32>
      %swap3A_236 = vector.shape_cast %shift_right_logical3A_232 : vector<16xi32> to vector<16xi32>
      tpu.vector_store %arg9[%swap3A_233], %swap3A_236 {strides = array<i32>} : memref<128xi32, #tpu.memory_space<vmem>>, vector<16xi32>,
      %and3A_237 = arith.constant 16383 : i32
      %and3A_238 = vector.broadcast %and3A_237 : i32 to vector<16xi32>
      %and3A_239 = arith.andi %get3A_229, %and3A_238 : vector<16xi32>
      %swap3A_240 = arith.constant 48 : index
      %swap3A_241 = tpu.vector_load %arg10[%swap3A_240] {strides = array<i32>} : memref<128xi32, #tpu.memory_space<vmem>>, vector<16xi32>,
      %swap3A_242 = vector.shape_cast %swap3A_241 : vector<16xi32> to vector<16xi32>
      %swap3A_243 = vector.shape_cast %and3A_239 : vector<16xi32> to vector<16xi32>
      tpu.vector_store %arg10[%swap3A_240], %swap3A_243 {strides = array<i32>} : memref<128xi32, #tpu.memory_space<vmem>>, vector<16xi32>,
      %get3A_244 = arith.index_cast %add3A_171 : i32 to index
      %get3A_245 = arith.constant 64 : index
      %get3A_246 = tpu.vector_load %arg6[%get3A_244, %get3A_245] {strides = array<i32>} : memref<82x128xi32, #tpu.memory_space<vmem>>, vector<1x16xi32>,
      %get3A_247 = vector.shape_cast %get3A_246 : vector<1x16xi32> to vector<16xi32>
      %shift_right_logical3A_248 = arith.constant 14 : i32
      %shift_right_logical3A_249 = vector.broadcast %shift_right_logical3A_248 : i32 to vector<16xi32>
      %shift_right_logical3A_250 = arith.shrui %get3A_247, %shift_right_logical3A_249 : vector<16xi32>
      %swap3A_251 = arith.constant 64 : index
      %swap3A_252 = tpu.vector_load %arg9[%swap3A_251] {strides = array<i32>} : memref<128xi32, #tpu.memory_space<vmem>>, vector<16xi32>,
      %swap3A_253 = vector.shape_cast %swap3A_252 : vector<16xi32> to vector<16xi32>
      %swap3A_254 = vector.shape_cast %shift_right_logical3A_250 : vector<16xi32> to vector<16xi32>
      tpu.vector_store %arg9[%swap3A_251], %swap3A_254 {strides = array<i32>} : memref<128xi32, #tpu.memory_space<vmem>>, vector<16xi32>,
      %and3A_255 = arith.constant 16383 : i32
      %and3A_256 = vector.broadcast %and3A_255 : i32 to vector<16xi32>
      %and3A_257 = arith.andi %get3A_247, %and3A_256 : vector<16xi32>
      %swap3A_258 = arith.constant 64 : index
      %swap3A_259 = tpu.vector_load %arg10[%swap3A_258] {strides = array<i32>} : memref<128xi32, #tpu.memory_space<vmem>>, vector<16xi32>,
      %swap3A_260 = vector.shape_cast %swap3A_259 : vector<16xi32> to vector<16xi32>
      %swap3A_261 = vector.shape_cast %and3A_257 : vector<16xi32> to vector<16xi32>
      tpu.vector_store %arg10[%swap3A_258], %swap3A_261 {strides = array<i32>} : memref<128xi32, #tpu.memory_space<vmem>>, vector<16xi32>,
      %get3A_262 = arith.index_cast %add3A_171 : i32 to index
      %get3A_263 = arith.constant 80 : index
      %get3A_264 = tpu.vector_load %arg6[%get3A_262, %get3A_263] {strides = array<i32>} : memref<82x128xi32, #tpu.memory_space<vmem>>, vector<1x16xi32>,
      %get3A_265 = vector.shape_cast %get3A_264 : vector<1x16xi32> to vector<16xi32>
      %shift_right_logical3A_266 = arith.constant 14 : i32
      %shift_right_logical3A_267 = vector.broadcast %shift_right_logical3A_266 : i32 to vector<16xi32>
      %shift_right_logical3A_268 = arith.shrui %get3A_265, %shift_right_logical3A_267 : vector<16xi32>
      %swap3A_269 = arith.constant 80 : index
      %swap3A_270 = tpu.vector_load %arg9[%swap3A_269] {strides = array<i32>} : memref<128xi32, #tpu.memory_space<vmem>>, vector<16xi32>,
      %swap3A_271 = vector.shape_cast %swap3A_270 : vector<16xi32> to vector<16xi32>
      %swap3A_272 = vector.shape_cast %shift_right_logical3A_268 : vector<16xi32> to vector<16xi32>
      tpu.vector_store %arg9[%swap3A_269], %swap3A_272 {strides = array<i32>} : memref<128xi32, #tpu.memory_space<vmem>>, vector<16xi32>,
      %and3A_273 = arith.constant 16383 : i32
      %and3A_274 = vector.broadcast %and3A_273 : i32 to vector<16xi32>
      %and3A_275 = arith.andi %get3A_265, %and3A_274 : vector<16xi32>
      %swap3A_276 = arith.constant 80 : index
      %swap3A_277 = tpu.vector_load %arg10[%swap3A_276] {strides = array<i32>} : memref<128xi32, #tpu.memory_space<vmem>>, vector<16xi32>,
      %swap3A_278 = vector.shape_cast %swap3A_277 : vector<16xi32> to vector<16xi32>
      %swap3A_279 = vector.shape_cast %and3A_275 : vector<16xi32> to vector<16xi32>
      tpu.vector_store %arg10[%swap3A_276], %swap3A_279 {strides = array<i32>} : memref<128xi32, #tpu.memory_space<vmem>>, vector<16xi32>,
      %get3A_280 = arith.index_cast %add3A_171 : i32 to index
      %get3A_281 = arith.constant 96 : index
      %get3A_282 = tpu.vector_load %arg6[%get3A_280, %get3A_281] {strides = array<i32>} : memref<82x128xi32, #tpu.memory_space<vmem>>, vector<1x16xi32>,
      %get3A_283 = vector.shape_cast %get3A_282 : vector<1x16xi32> to vector<16xi32>
      %shift_right_logical3A_284 = arith.constant 14 : i32
      %shift_right_logical3A_285 = vector.broadcast %shift_right_logical3A_284 : i32 to vector<16xi32>
      %shift_right_logical3A_286 = arith.shrui %get3A_283, %shift_right_logical3A_285 : vector<16xi32>
      %swap3A_287 = arith.constant 96 : index
      %swap3A_288 = tpu.vector_load %arg9[%swap3A_287] {strides = array<i32>} : memref<128xi32, #tpu.memory_space<vmem>>, vector<16xi32>,
      %swap3A_289 = vector.shape_cast %swap3A_288 : vector<16xi32> to vector<16xi32>
      %swap3A_290 = vector.shape_cast %shift_right_logical3A_286 : vector<16xi32> to vector<16xi32>
      tpu.vector_store %arg9[%swap3A_287], %swap3A_290 {strides = array<i32>} : memref<128xi32, #tpu.memory_space<vmem>>, vector<16xi32>,
      %and3A_291 = arith.constant 16383 : i32
      %and3A_292 = vector.broadcast %and3A_291 : i32 to vector<16xi32>
      %and3A_293 = arith.andi %get3A_283, %and3A_292 : vector<16xi32>
      %swap3A_294 = arith.constant 96 : index
      %swap3A_295 = tpu.vector_load %arg10[%swap3A_294] {strides = array<i32>} : memref<128xi32, #tpu.memory_space<vmem>>, vector<16xi32>,
      %swap3A_296 = vector.shape_cast %swap3A_295 : vector<16xi32> to vector<16xi32>
      %swap3A_297 = vector.shape_cast %and3A_293 : vector<16xi32> to vector<16xi32>
      tpu.vector_store %arg10[%swap3A_294], %swap3A_297 {strides = array<i32>} : memref<128xi32, #tpu.memory_space<vmem>>, vector<16xi32>,
      %get3A_298 = arith.index_cast %add3A_171 : i32 to index
      %get3A_299 = arith.constant 112 : index
      %get3A_300 = tpu.vector_load %arg6[%get3A_298, %get3A_299] {strides = array<i32>} : memref<82x128xi32, #tpu.memory_space<vmem>>, vector<1x16xi32>,
      %get3A_301 = vector.shape_cast %get3A_300 : vector<1x16xi32> to vector<16xi32>
      %shift_right_logical3A_302 = arith.constant 14 : i32
      %shift_right_logical3A_303 = vector.broadcast %shift_right_logical3A_302 : i32 to vector<16xi32>
      %shift_right_logical3A_304 = arith.shrui %get3A_301, %shift_right_logical3A_303 : vector<16xi32>
      %swap3A_305 = arith.constant 112 : index
      %swap3A_306 = tpu.vector_load %arg9[%swap3A_305] {strides = array<i32>} : memref<128xi32, #tpu.memory_space<vmem>>, vector<16xi32>,
      %swap3A_307 = vector.shape_cast %swap3A_306 : vector<16xi32> to vector<16xi32>
      %swap3A_308 = vector.shape_cast %shift_right_logical3A_304 : vector<16xi32> to vector<16xi32>
      tpu.vector_store %arg9[%swap3A_305], %swap3A_308 {strides = array<i32>} : memref<128xi32, #tpu.memory_space<vmem>>, vector<16xi32>,
      %and3A_309 = arith.constant 16383 : i32
      %and3A_310 = vector.broadcast %and3A_309 : i32 to vector<16xi32>
      %and3A_311 = arith.andi %get3A_301, %and3A_310 : vector<16xi32>
      %swap3A_312 = arith.constant 112 : index
      %swap3A_313 = tpu.vector_load %arg10[%swap3A_312] {strides = array<i32>} : memref<128xi32, #tpu.memory_space<vmem>>, vector<16xi32>,
      %swap3A_314 = vector.shape_cast %swap3A_313 : vector<16xi32> to vector<16xi32>
      %swap3A_315 = vector.shape_cast %and3A_311 : vector<16xi32> to vector<16xi32>
      tpu.vector_store %arg10[%swap3A_312], %swap3A_315 {strides = array<i32>} : memref<128xi32, #tpu.memory_space<vmem>>, vector<16xi32>,
      %dma_start3A_316 = arith.constant 0 : i32
      %dma_start3A_317 = arith.constant 0 : i32
      %dma_start3A_318 = tpu.memref_slice %arg2[%dma_start3A_316, %dma_start3A_317] : memref<10000x128xf32, #tpu.memory_space<hbm>> -> memref<10000x128xf32, #tpu.memory_space<hbm>>
      tpu.enqueue_indirect_dma source(%dma_start3A_318 : memref<10000x128xf32, #tpu.memory_space<hbm>>) target(%arg12 : memref<128x128xf32, #tpu.memory_space<vmem>>) offsets(%arg9 : memref<128xi32, #tpu.memory_space<vmem>>) semaphore(%arg15 : memref<!tpu.dma_semaphore, #tpu.memory_space<semaphore_mem>>)
      %dma_wait3A_319 = arith.constant 0 : i32
      %dma_wait3A_320 = arith.constant 0 : i32
      %dma_wait3A_321 = tpu.memref_slice %arg2[%dma_wait3A_319, %dma_wait3A_320] : memref<10000x128xf32, #tpu.memory_space<hbm>> -> memref<10000x128xf32, #tpu.memory_space<hbm>>
      tpu.wait_indirect_dma semaphore(%arg14 : memref<!tpu.dma_semaphore, #tpu.memory_space<semaphore_mem>>) src(%dma_wait3A_321 : memref<10000x128xf32, #tpu.memory_space<hbm>>) dst(%arg11 : memref<128x128xf32, #tpu.memory_space<vmem>>)
      "tpu.region"() ({
        %run_scoped3A = tpu.sem_alloc : memref<!tpu.dma_semaphore, #tpu.memory_space<semaphore_mem>>
        %dma_start3A_474 = arith.constant 0 : i32
        %dma_start3A_475 = arith.constant 0 : i32
        %dma_start3A_476 = tpu.memref_slice %arg13[%dma_start3A_474, %dma_start3A_475] : memref<10112x128xf32, #tpu.memory_space<vmem_shared>> -> memref<10112x128xf32, #tpu.memory_space<vmem_shared>>
        tpu.enqueue_indirect_dma source(%arg11 : memref<128x128xf32, #tpu.memory_space<vmem>>) target(%dma_start3A_476 : memref<10112x128xf32, #tpu.memory_space<vmem_shared>>) offsets(%arg8 : memref<128xi32, #tpu.memory_space<vmem>>) semaphore(%run_scoped3A : memref<!tpu.dma_semaphore, #tpu.memory_space<semaphore_mem>>) {add = true}
        %dma_wait3A_477 = arith.constant 0 : i32
        %dma_wait3A_478 = arith.constant 0 : i32
        %dma_wait3A_479 = tpu.memref_slice %arg13[%dma_wait3A_477, %dma_wait3A_478] : memref<10112x128xf32, #tpu.memory_space<vmem_shared>> -> memref<10112x128xf32, #tpu.memory_space<vmem_shared>>
        tpu.wait_indirect_dma semaphore(%run_scoped3A : memref<!tpu.dma_semaphore, #tpu.memory_space<semaphore_mem>>) src(%arg11 : memref<128x128xf32, #tpu.memory_space<vmem>>) dst(%dma_wait3A_479 : memref<10112x128xf32, #tpu.memory_space<vmem_shared>>)
        tpu.yield
      }) : () -> ()
      %add3A_322 = arith.constant 2 : i32
      %add3A_323 = arith.addi %mul3A_169, %add3A_322 : i32
      %get3A_324 = arith.index_cast %add3A_323 : i32 to index
      %get3A_325 = arith.constant 0 : index
      %get3A_326 = tpu.vector_load %arg6[%get3A_324, %get3A_325] {strides = array<i32>} : memref<82x128xi32, #tpu.memory_space<vmem>>, vector<1x16xi32>,
      %get3A_327 = vector.shape_cast %get3A_326 : vector<1x16xi32> to vector<16xi32>
      %shift_right_logical3A_328 = arith.constant 14 : i32
      %shift_right_logical3A_329 = vector.broadcast %shift_right_logical3A_328 : i32 to vector<16xi32>
      %shift_right_logical3A_330 = arith.shrui %get3A_327, %shift_right_logical3A_329 : vector<16xi32>
      %swap3A_331 = arith.constant 0 : index
      %swap3A_332 = tpu.vector_load %arg7[%swap3A_331] {strides = array<i32>} : memref<128xi32, #tpu.memory_space<vmem>>, vector<16xi32>,
      %swap3A_333 = vector.shape_cast %swap3A_332 : vector<16xi32> to vector<16xi32>
      %swap3A_334 = vector.shape_cast %shift_right_logical3A_330 : vector<16xi32> to vector<16xi32>
      tpu.vector_store %arg7[%swap3A_331], %swap3A_334 {strides = array<i32>} : memref<128xi32, #tpu.memory_space<vmem>>, vector<16xi32>,
      %and3A_335 = arith.constant 16383 : i32
      %and3A_336 = vector.broadcast %and3A_335 : i32 to vector<16xi32>
      %and3A_337 = arith.andi %get3A_327, %and3A_336 : vector<16xi32>
      %swap3A_338 = arith.constant 0 : index
      %swap3A_339 = tpu.vector_load %arg8[%swap3A_338] {strides = array<i32>} : memref<128xi32, #tpu.memory_space<vmem>>, vector<16xi32>,
      %swap3A_340 = vector.shape_cast %swap3A_339 : vector<16xi32> to vector<16xi32>
      %swap3A_341 = vector.shape_cast %and3A_337 : vector<16xi32> to vector<16xi32>
      tpu.vector_store %arg8[%swap3A_338], %swap3A_341 {strides = array<i32>} : memref<128xi32, #tpu.memory_space<vmem>>, vector<16xi32>,
      %get3A_342 = arith.index_cast %add3A_323 : i32 to index
      %get3A_343 = arith.constant 16 : index
      %get3A_344 = tpu.vector_load %arg6[%get3A_342, %get3A_343] {strides = array<i32>} : memref<82x128xi32, #tpu.memory_space<vmem>>, vector<1x16xi32>,
      %get3A_345 = vector.shape_cast %get3A_344 : vector<1x16xi32> to vector<16xi32>
      %shift_right_logical3A_346 = arith.constant 14 : i32
      %shift_right_logical3A_347 = vector.broadcast %shift_right_logical3A_346 : i32 to vector<16xi32>
      %shift_right_logical3A_348 = arith.shrui %get3A_345, %shift_right_logical3A_347 : vector<16xi32>
      %swap3A_349 = arith.constant 16 : index
      %swap3A_350 = tpu.vector_load %arg7[%swap3A_349] {strides = array<i32>} : memref<128xi32, #tpu.memory_space<vmem>>, vector<16xi32>,
      %swap3A_351 = vector.shape_cast %swap3A_350 : vector<16xi32> to vector<16xi32>
      %swap3A_352 = vector.shape_cast %shift_right_logical3A_348 : vector<16xi32> to vector<16xi32>
      tpu.vector_store %arg7[%swap3A_349], %swap3A_352 {strides = array<i32>} : memref<128xi32, #tpu.memory_space<vmem>>, vector<16xi32>,
      %and3A_353 = arith.constant 16383 : i32
      %and3A_354 = vector.broadcast %and3A_353 : i32 to vector<16xi32>
      %and3A_355 = arith.andi %get3A_345, %and3A_354 : vector<16xi32>
      %swap3A_356 = arith.constant 16 : index
      %swap3A_357 = tpu.vector_load %arg8[%swap3A_356] {strides = array<i32>} : memref<128xi32, #tpu.memory_space<vmem>>, vector<16xi32>,
      %swap3A_358 = vector.shape_cast %swap3A_357 : vector<16xi32> to vector<16xi32>
      %swap3A_359 = vector.shape_cast %and3A_355 : vector<16xi32> to vector<16xi32>
      tpu.vector_store %arg8[%swap3A_356], %swap3A_359 {strides = array<i32>} : memref<128xi32, #tpu.memory_space<vmem>>, vector<16xi32>,
      %get3A_360 = arith.index_cast %add3A_323 : i32 to index
      %get3A_361 = arith.constant 32 : index
      %get3A_362 = tpu.vector_load %arg6[%get3A_360, %get3A_361] {strides = array<i32>} : memref<82x128xi32, #tpu.memory_space<vmem>>, vector<1x16xi32>,
      %get3A_363 = vector.shape_cast %get3A_362 : vector<1x16xi32> to vector<16xi32>
      %shift_right_logical3A_364 = arith.constant 14 : i32
      %shift_right_logical3A_365 = vector.broadcast %shift_right_logical3A_364 : i32 to vector<16xi32>
      %shift_right_logical3A_366 = arith.shrui %get3A_363, %shift_right_logical3A_365 : vector<16xi32>
      %swap3A_367 = arith.constant 32 : index
      %swap3A_368 = tpu.vector_load %arg7[%swap3A_367] {strides = array<i32>} : memref<128xi32, #tpu.memory_space<vmem>>, vector<16xi32>,
      %swap3A_369 = vector.shape_cast %swap3A_368 : vector<16xi32> to vector<16xi32>
      %swap3A_370 = vector.shape_cast %shift_right_logical3A_366 : vector<16xi32> to vector<16xi32>
      tpu.vector_store %arg7[%swap3A_367], %swap3A_370 {strides = array<i32>} : memref<128xi32, #tpu.memory_space<vmem>>, vector<16xi32>,
      %and3A_371 = arith.constant 16383 : i32
      %and3A_372 = vector.broadcast %and3A_371 : i32 to vector<16xi32>
      %and3A_373 = arith.andi %get3A_363, %and3A_372 : vector<16xi32>
      %swap3A_374 = arith.constant 32 : index
      %swap3A_375 = tpu.vector_load %arg8[%swap3A_374] {strides = array<i32>} : memref<128xi32, #tpu.memory_space<vmem>>, vector<16xi32>,
      %swap3A_376 = vector.shape_cast %swap3A_375 : vector<16xi32> to vector<16xi32>
      %swap3A_377 = vector.shape_cast %and3A_373 : vector<16xi32> to vector<16xi32>
      tpu.vector_store %arg8[%swap3A_374], %swap3A_377 {strides = array<i32>} : memref<128xi32, #tpu.memory_space<vmem>>, vector<16xi32>,
      %get3A_378 = arith.index_cast %add3A_323 : i32 to index
      %get3A_379 = arith.constant 48 : index
      %get3A_380 = tpu.vector_load %arg6[%get3A_378, %get3A_379] {strides = array<i32>} : memref<82x128xi32, #tpu.memory_space<vmem>>, vector<1x16xi32>,
      %get3A_381 = vector.shape_cast %get3A_380 : vector<1x16xi32> to vector<16xi32>
      %shift_right_logical3A_382 = arith.constant 14 : i32
      %shift_right_logical3A_383 = vector.broadcast %shift_right_logical3A_382 : i32 to vector<16xi32>
      %shift_right_logical3A_384 = arith.shrui %get3A_381, %shift_right_logical3A_383 : vector<16xi32>
      %swap3A_385 = arith.constant 48 : index
      %swap3A_386 = tpu.vector_load %arg7[%swap3A_385] {strides = array<i32>} : memref<128xi32, #tpu.memory_space<vmem>>, vector<16xi32>,
      %swap3A_387 = vector.shape_cast %swap3A_386 : vector<16xi32> to vector<16xi32>
      %swap3A_388 = vector.shape_cast %shift_right_logical3A_384 : vector<16xi32> to vector<16xi32>
      tpu.vector_store %arg7[%swap3A_385], %swap3A_388 {strides = array<i32>} : memref<128xi32, #tpu.memory_space<vmem>>, vector<16xi32>,
      %and3A_389 = arith.constant 16383 : i32
      %and3A_390 = vector.broadcast %and3A_389 : i32 to vector<16xi32>
      %and3A_391 = arith.andi %get3A_381, %and3A_390 : vector<16xi32>
      %swap3A_392 = arith.constant 48 : index
      %swap3A_393 = tpu.vector_load %arg8[%swap3A_392] {strides = array<i32>} : memref<128xi32, #tpu.memory_space<vmem>>, vector<16xi32>,
      %swap3A_394 = vector.shape_cast %swap3A_393 : vector<16xi32> to vector<16xi32>
      %swap3A_395 = vector.shape_cast %and3A_391 : vector<16xi32> to vector<16xi32>
      tpu.vector_store %arg8[%swap3A_392], %swap3A_395 {strides = array<i32>} : memref<128xi32, #tpu.memory_space<vmem>>, vector<16xi32>,
      %get3A_396 = arith.index_cast %add3A_323 : i32 to index
      %get3A_397 = arith.constant 64 : index
      %get3A_398 = tpu.vector_load %arg6[%get3A_396, %get3A_397] {strides = array<i32>} : memref<82x128xi32, #tpu.memory_space<vmem>>, vector<1x16xi32>,
      %get3A_399 = vector.shape_cast %get3A_398 : vector<1x16xi32> to vector<16xi32>
      %shift_right_logical3A_400 = arith.constant 14 : i32
      %shift_right_logical3A_401 = vector.broadcast %shift_right_logical3A_400 : i32 to vector<16xi32>
      %shift_right_logical3A_402 = arith.shrui %get3A_399, %shift_right_logical3A_401 : vector<16xi32>
      %swap3A_403 = arith.constant 64 : index
      %swap3A_404 = tpu.vector_load %arg7[%swap3A_403] {strides = array<i32>} : memref<128xi32, #tpu.memory_space<vmem>>, vector<16xi32>,
      %swap3A_405 = vector.shape_cast %swap3A_404 : vector<16xi32> to vector<16xi32>
      %swap3A_406 = vector.shape_cast %shift_right_logical3A_402 : vector<16xi32> to vector<16xi32>
      tpu.vector_store %arg7[%swap3A_403], %swap3A_406 {strides = array<i32>} : memref<128xi32, #tpu.memory_space<vmem>>, vector<16xi32>,
      %and3A_407 = arith.constant 16383 : i32
      %and3A_408 = vector.broadcast %and3A_407 : i32 to vector<16xi32>
      %and3A_409 = arith.andi %get3A_399, %and3A_408 : vector<16xi32>
      %swap3A_410 = arith.constant 64 : index
      %swap3A_411 = tpu.vector_load %arg8[%swap3A_410] {strides = array<i32>} : memref<128xi32, #tpu.memory_space<vmem>>, vector<16xi32>,
      %swap3A_412 = vector.shape_cast %swap3A_411 : vector<16xi32> to vector<16xi32>
      %swap3A_413 = vector.shape_cast %and3A_409 : vector<16xi32> to vector<16xi32>
      tpu.vector_store %arg8[%swap3A_410], %swap3A_413 {strides = array<i32>} : memref<128xi32, #tpu.memory_space<vmem>>, vector<16xi32>,
      %get3A_414 = arith.index_cast %add3A_323 : i32 to index
      %get3A_415 = arith.constant 80 : index
      %get3A_416 = tpu.vector_load %arg6[%get3A_414, %get3A_415] {strides = array<i32>} : memref<82x128xi32, #tpu.memory_space<vmem>>, vector<1x16xi32>,
      %get3A_417 = vector.shape_cast %get3A_416 : vector<1x16xi32> to vector<16xi32>
      %shift_right_logical3A_418 = arith.constant 14 : i32
      %shift_right_logical3A_419 = vector.broadcast %shift_right_logical3A_418 : i32 to vector<16xi32>
      %shift_right_logical3A_420 = arith.shrui %get3A_417, %shift_right_logical3A_419 : vector<16xi32>
      %swap3A_421 = arith.constant 80 : index
      %swap3A_422 = tpu.vector_load %arg7[%swap3A_421] {strides = array<i32>} : memref<128xi32, #tpu.memory_space<vmem>>, vector<16xi32>,
      %swap3A_423 = vector.shape_cast %swap3A_422 : vector<16xi32> to vector<16xi32>
      %swap3A_424 = vector.shape_cast %shift_right_logical3A_420 : vector<16xi32> to vector<16xi32>
      tpu.vector_store %arg7[%swap3A_421], %swap3A_424 {strides = array<i32>} : memref<128xi32, #tpu.memory_space<vmem>>, vector<16xi32>,
      %and3A_425 = arith.constant 16383 : i32
      %and3A_426 = vector.broadcast %and3A_425 : i32 to vector<16xi32>
      %and3A_427 = arith.andi %get3A_417, %and3A_426 : vector<16xi32>
      %swap3A_428 = arith.constant 80 : index
      %swap3A_429 = tpu.vector_load %arg8[%swap3A_428] {strides = array<i32>} : memref<128xi32, #tpu.memory_space<vmem>>, vector<16xi32>,
      %swap3A_430 = vector.shape_cast %swap3A_429 : vector<16xi32> to vector<16xi32>
      %swap3A_431 = vector.shape_cast %and3A_427 : vector<16xi32> to vector<16xi32>
      tpu.vector_store %arg8[%swap3A_428], %swap3A_431 {strides = array<i32>} : memref<128xi32, #tpu.memory_space<vmem>>, vector<16xi32>,
      %get3A_432 = arith.index_cast %add3A_323 : i32 to index
      %get3A_433 = arith.constant 96 : index
      %get3A_434 = tpu.vector_load %arg6[%get3A_432, %get3A_433] {strides = array<i32>} : memref<82x128xi32, #tpu.memory_space<vmem>>, vector<1x16xi32>,
      %get3A_435 = vector.shape_cast %get3A_434 : vector<1x16xi32> to vector<16xi32>
      %shift_right_logical3A_436 = arith.constant 14 : i32
      %shift_right_logical3A_437 = vector.broadcast %shift_right_logical3A_436 : i32 to vector<16xi32>
      %shift_right_logical3A_438 = arith.shrui %get3A_435, %shift_right_logical3A_437 : vector<16xi32>
      %swap3A_439 = arith.constant 96 : index
      %swap3A_440 = tpu.vector_load %arg7[%swap3A_439] {strides = array<i32>} : memref<128xi32, #tpu.memory_space<vmem>>, vector<16xi32>,
      %swap3A_441 = vector.shape_cast %swap3A_440 : vector<16xi32> to vector<16xi32>
      %swap3A_442 = vector.shape_cast %shift_right_logical3A_438 : vector<16xi32> to vector<16xi32>
      tpu.vector_store %arg7[%swap3A_439], %swap3A_442 {strides = array<i32>} : memref<128xi32, #tpu.memory_space<vmem>>, vector<16xi32>,
      %and3A_443 = arith.constant 16383 : i32
      %and3A_444 = vector.broadcast %and3A_443 : i32 to vector<16xi32>
      %and3A_445 = arith.andi %get3A_435, %and3A_444 : vector<16xi32>
      %swap3A_446 = arith.constant 96 : index
      %swap3A_447 = tpu.vector_load %arg8[%swap3A_446] {strides = array<i32>} : memref<128xi32, #tpu.memory_space<vmem>>, vector<16xi32>,
      %swap3A_448 = vector.shape_cast %swap3A_447 : vector<16xi32> to vector<16xi32>
      %swap3A_449 = vector.shape_cast %and3A_445 : vector<16xi32> to vector<16xi32>
      tpu.vector_store %arg8[%swap3A_446], %swap3A_449 {strides = array<i32>} : memref<128xi32, #tpu.memory_space<vmem>>, vector<16xi32>,
      %get3A_450 = arith.index_cast %add3A_323 : i32 to index
      %get3A_451 = arith.constant 112 : index
      %get3A_452 = tpu.vector_load %arg6[%get3A_450, %get3A_451] {strides = array<i32>} : memref<82x128xi32, #tpu.memory_space<vmem>>, vector<1x16xi32>,
      %get3A_453 = vector.shape_cast %get3A_452 : vector<1x16xi32> to vector<16xi32>
      %shift_right_logical3A_454 = arith.constant 14 : i32
      %shift_right_logical3A_455 = vector.broadcast %shift_right_logical3A_454 : i32 to vector<16xi32>
      %shift_right_logical3A_456 = arith.shrui %get3A_453, %shift_right_logical3A_455 : vector<16xi32>
      %swap3A_457 = arith.constant 112 : index
      %swap3A_458 = tpu.vector_load %arg7[%swap3A_457] {strides = array<i32>} : memref<128xi32, #tpu.memory_space<vmem>>, vector<16xi32>,
      %swap3A_459 = vector.shape_cast %swap3A_458 : vector<16xi32> to vector<16xi32>
      %swap3A_460 = vector.shape_cast %shift_right_logical3A_456 : vector<16xi32> to vector<16xi32>
      tpu.vector_store %arg7[%swap3A_457], %swap3A_460 {strides = array<i32>} : memref<128xi32, #tpu.memory_space<vmem>>, vector<16xi32>,
      %and3A_461 = arith.constant 16383 : i32
      %and3A_462 = vector.broadcast %and3A_461 : i32 to vector<16xi32>
      %and3A_463 = arith.andi %get3A_453, %and3A_462 : vector<16xi32>
      %swap3A_464 = arith.constant 112 : index
      %swap3A_465 = tpu.vector_load %arg8[%swap3A_464] {strides = array<i32>} : memref<128xi32, #tpu.memory_space<vmem>>, vector<16xi32>,
      %swap3A_466 = vector.shape_cast %swap3A_465 : vector<16xi32> to vector<16xi32>
      %swap3A_467 = vector.shape_cast %and3A_463 : vector<16xi32> to vector<16xi32>
      tpu.vector_store %arg8[%swap3A_464], %swap3A_467 {strides = array<i32>} : memref<128xi32, #tpu.memory_space<vmem>>, vector<16xi32>,
      %dma_start3A_468 = arith.constant 0 : i32
      %dma_start3A_469 = arith.constant 0 : i32
      %dma_start3A_470 = tpu.memref_slice %arg2[%dma_start3A_468, %dma_start3A_469] : memref<10000x128xf32, #tpu.memory_space<hbm>> -> memref<10000x128xf32, #tpu.memory_space<hbm>>
      tpu.enqueue_indirect_dma source(%dma_start3A_470 : memref<10000x128xf32, #tpu.memory_space<hbm>>) target(%arg11 : memref<128x128xf32, #tpu.memory_space<vmem>>) offsets(%arg7 : memref<128xi32, #tpu.memory_space<vmem>>) semaphore(%arg14 : memref<!tpu.dma_semaphore, #tpu.memory_space<semaphore_mem>>)
      %dma_wait3A_471 = arith.constant 0 : i32
      %dma_wait3A_472 = arith.constant 0 : i32
      %dma_wait3A_473 = tpu.memref_slice %arg2[%dma_wait3A_471, %dma_wait3A_472] : memref<10000x128xf32, #tpu.memory_space<hbm>> -> memref<10000x128xf32, #tpu.memory_space<hbm>>
      tpu.wait_indirect_dma semaphore(%arg15 : memref<!tpu.dma_semaphore, #tpu.memory_space<semaphore_mem>>) src(%dma_wait3A_473 : memref<10000x128xf32, #tpu.memory_space<hbm>>) dst(%arg12 : memref<128x128xf32, #tpu.memory_space<vmem>>)
      "tpu.region"() ({
        %run_scoped3A = tpu.sem_alloc : memref<!tpu.dma_semaphore, #tpu.memory_space<semaphore_mem>>
        %dma_start3A_474 = arith.constant 0 : i32
        %dma_start3A_475 = arith.constant 0 : i32
        %dma_start3A_476 = tpu.memref_slice %arg13[%dma_start3A_474, %dma_start3A_475] : memref<10112x128xf32, #tpu.memory_space<vmem_shared>> -> memref<10112x128xf32, #tpu.memory_space<vmem_shared>>
        tpu.enqueue_indirect_dma source(%arg12 : memref<128x128xf32, #tpu.memory_space<vmem>>) target(%dma_start3A_476 : memref<10112x128xf32, #tpu.memory_space<vmem_shared>>) offsets(%arg10 : memref<128xi32, #tpu.memory_space<vmem>>) semaphore(%run_scoped3A : memref<!tpu.dma_semaphore, #tpu.memory_space<semaphore_mem>>) {add = true}
        %dma_wait3A_477 = arith.constant 0 : i32
        %dma_wait3A_478 = arith.constant 0 : i32
        %dma_wait3A_479 = tpu.memref_slice %arg13[%dma_wait3A_477, %dma_wait3A_478] : memref<10112x128xf32, #tpu.memory_space<vmem_shared>> -> memref<10112x128xf32, #tpu.memory_space<vmem_shared>>
        tpu.wait_indirect_dma semaphore(%run_scoped3A : memref<!tpu.dma_semaphore, #tpu.memory_space<semaphore_mem>>) src(%arg12 : memref<128x128xf32, #tpu.memory_space<vmem>>) dst(%dma_wait3A_479 : memref<10112x128xf32, #tpu.memory_space<vmem_shared>>)
        tpu.yield
      }) : () -> ()
    }
    %scan3A_159 = arith.constant 40 : i32
    %dma_wait3A = arith.constant 0 : i32
    %dma_wait3A_160 = arith.constant 0 : i32
    %dma_wait3A_161 = tpu.memref_slice %arg2[%dma_wait3A, %dma_wait3A_160] : memref<10000x128xf32, #tpu.memory_space<hbm>> -> memref<10000x128xf32, #tpu.memory_space<hbm>>
    tpu.wait_indirect_dma semaphore(%arg14 : memref<!tpu.dma_semaphore, #tpu.memory_space<semaphore_mem>>) src(%dma_wait3A_161 : memref<10000x128xf32, #tpu.memory_space<hbm>>) dst(%arg11 : memref<128x128xf32, #tpu.memory_space<vmem>>)
    %barrier3A_162 = arith.constant 0 : index
    tpu.barrier barrier_id(%barrier3A_162)
    %mul3A_163 = arith.constant 632 : i32
    %mul3A_164 = arith.muli %arg1, %mul3A_163 : i32
    %mul3A_165 = arith.constant 632 : i32
    %mul3A_166 = arith.muli %arg1, %mul3A_165 : i32
    "tpu.region"() ({
      %run_scoped3A = tpu.sem_alloc : memref<!tpu.dma_semaphore, #tpu.memory_space<semaphore_mem>>
      %dma_start3A_167 = arith.constant 0 : i32
      %dma_start3A_168 = tpu.memref_slice %arg5[%arg0, %mul3A_166, %dma_start3A_167] : memref<2x10112x128xf32, #tpu.memory_space<hbm>> -> memref<1x632x128xf32, #tpu.memory_space<hbm>>
      %dma_start3A_169 = tpu.memref_squeeze %dma_start3A_168 : memref<1x632x128xf32, #tpu.memory_space<hbm>> -> memref<632x128xf32, #tpu.memory_space<hbm>>
      %dma_start3A_170 = arith.constant 0 : i32
      %dma_start3A_171 = tpu.memref_slice %arg13[%mul3A_164, %dma_start3A_170] : memref<10112x128xf32, #tpu.memory_space<vmem_shared>> -> memref<632x128xf32, #tpu.memory_space<vmem_shared>>
      tpu.enqueue_dma source(%dma_start3A_171 : memref<632x128xf32, #tpu.memory_space<vmem_shared>>) target(%dma_start3A_169 : memref<632x128xf32, #tpu.memory_space<hbm>>) target_semaphore(%run_scoped3A : memref<!tpu.dma_semaphore, #tpu.memory_space<semaphore_mem>>)
      %dma_wait3A_172 = arith.constant 0 : i32
      %dma_wait3A_173 = tpu.memref_slice %arg5[%arg0, %mul3A_166, %dma_wait3A_172] : memref<2x10112x128xf32, #tpu.memory_space<hbm>> -> memref<1x632x128xf32, #tpu.memory_space<hbm>>
      %dma_wait3A_174 = tpu.memref_squeeze %dma_wait3A_173 : memref<1x632x128xf32, #tpu.memory_space<hbm>> -> memref<632x128xf32, #tpu.memory_space<hbm>>
      %dma_wait3A_175 = arith.constant 0 : i32
      %dma_wait3A_176 = tpu.memref_slice %arg13[%mul3A_164, %dma_wait3A_175] : memref<10112x128xf32, #tpu.memory_space<vmem_shared>> -> memref<632x128xf32, #tpu.memory_space<vmem_shared>>
      tpu.wait_dma2 semaphore(%run_scoped3A : memref<!tpu.dma_semaphore, #tpu.memory_space<semaphore_mem>>) src(%dma_wait3A_176 : memref<632x128xf32, #tpu.memory_space<vmem_shared>>) dst(%dma_wait3A_174 : memref<632x128xf32, #tpu.memory_space<hbm>>)
      tpu.yield
    }) : () -> ()
    return
  }
}

#map = affine_map<(d0, d1) -> (0, 0)>
#map1 = affine_map<(d0, d1) -> (0, 0, 0)>
module attributes {stable_mosaic.version = 14 : i64} {
  func.func @sc_scatter(%arg0: i32, %arg1: i32, %arg2: memref<10000x128xf32, #tpu.memory_space<hbm>>, %arg3: memref<32x82x128xi32, #tpu.memory_space<hbm>>, %arg4: memref<10112x128xf32, #tpu.memory_space<hbm>>, %arg5: memref<2x10112x128xf32, #tpu.memory_space<hbm>>, %arg6: memref<82x128xi32, #tpu.memory_space<vmem>>, %arg7: memref<128xi32, #tpu.memory_space<vmem>>, %arg8: memref<128xi32, #tpu.memory_space<vmem>>, %arg9: memref<128xi32, #tpu.memory_space<vmem>>, %arg10: memref<128xi32, #tpu.memory_space<vmem>>, %arg11: memref<128x128xf32, #tpu.memory_space<vmem>>, %arg12: memref<128x128xf32, #tpu.memory_space<vmem>>, %arg13: memref<10112x128xf32, #tpu.memory_space<vmem_shared>>, %arg14: memref<!tpu.dma_semaphore, #tpu.memory_space<semaphore_mem>>, %arg15: memref<!tpu.dma_semaphore, #tpu.memory_space<semaphore_mem>>) attributes {dimension_semantics = [#tpu.dimension_semantics<core_parallel>, #tpu.dimension_semantics<subcore_parallel>], iteration_bounds = array<i64: 2, 16>, scalar_prefetch = 0 : i64, scratch_operands = 10 : i64, tpu.core_type = #tpu.core_type<sc_vector_subcore>, window_params = [{transform_indices = #map}, {transform_indices = #map1}, {transform_indices = #map}, {transform_indices = #map1}]} {
    %mul3A = arith.constant 16 : i32
    %mul3A_0 = arith.muli %arg0, %mul3A : i32
    %add3A = arith.addi %mul3A_0, %arg1 : i32
    %mul3A_1 = arith.constant 632 : i32
    %mul3A_2 = arith.muli %arg1, %mul3A_1 : i32
    %mul3A_3 = arith.constant 632 : i32
    %mul3A_4 = arith.muli %arg1, %mul3A_3 : i32
    "tpu.region"() ({
      %run_scoped3A = tpu.sem_alloc : memref<!tpu.dma_semaphore, #tpu.memory_space<semaphore_mem>>
      %dma_start3A_167 = arith.constant 0 : i32
      %dma_start3A_168 = tpu.memref_slice %arg13[%mul3A_4, %dma_start3A_167] : memref<10112x128xf32, #tpu.memory_space<vmem_shared>> -> memref<632x128xf32, #tpu.memory_space<vmem_shared>>
      %dma_start3A_169 = arith.constant 0 : i32
      %dma_start3A_170 = tpu.memref_slice %arg4[%mul3A_2, %dma_start3A_169] : memref<10112x128xf32, #tpu.memory_space<hbm>> -> memref<632x128xf32, #tpu.memory_space<hbm>>
      tpu.enqueue_dma source(%dma_start3A_170 : memref<632x128xf32, #tpu.memory_space<hbm>>) target(%dma_start3A_168 : memref<632x128xf32, #tpu.memory_space<vmem_shared>>) target_semaphore(%run_scoped3A : memref<!tpu.dma_semaphore, #tpu.memory_space<semaphore_mem>>)
      %dma_wait3A_171 = arith.constant 0 : i32
      %dma_wait3A_172 = tpu.memref_slice %arg13[%mul3A_4, %dma_wait3A_171] : memref<10112x128xf32, #tpu.memory_space<vmem_shared>> -> memref<632x128xf32, #tpu.memory_space<vmem_shared>>
      %dma_wait3A_173 = arith.constant 0 : i32
      %dma_wait3A_174 = tpu.memref_slice %arg4[%mul3A_2, %dma_wait3A_173] : memref<10112x128xf32, #tpu.memory_space<hbm>> -> memref<632x128xf32, #tpu.memory_space<hbm>>
      tpu.wait_dma2 semaphore(%run_scoped3A : memref<!tpu.dma_semaphore, #tpu.memory_space<semaphore_mem>>) src(%dma_wait3A_174 : memref<632x128xf32, #tpu.memory_space<hbm>>) dst(%dma_wait3A_172 : memref<632x128xf32, #tpu.memory_space<vmem_shared>>)
      tpu.yield
    }) : () -> ()
    "tpu.region"() ({
      %run_scoped3A = tpu.sem_alloc : memref<!tpu.dma_semaphore, #tpu.memory_space<semaphore_mem>>
      %dma_start3A_167 = arith.constant 0 : i32
      %dma_start3A_168 = arith.constant 0 : i32
      %dma_start3A_169 = tpu.memref_slice %arg3[%add3A, %dma_start3A_167, %dma_start3A_168] : memref<32x82x128xi32, #tpu.memory_space<hbm>> -> memref<1x82x128xi32, #tpu.memory_space<hbm>>
      %dma_start3A_170 = tpu.memref_squeeze %dma_start3A_169 : memref<1x82x128xi32, #tpu.memory_space<hbm>> -> memref<82x128xi32, #tpu.memory_space<hbm>>
      %dma_start3A_171 = arith.constant 0 : i32
      %dma_start3A_172 = arith.constant 0 : i32
      %dma_start3A_173 = tpu.memref_slice %arg3[%add3A, %dma_start3A_171, %dma_start3A_172] : memref<32x82x128xi32, #tpu.memory_space<hbm>> -> memref<1x82x128xi32, #tpu.memory_space<hbm>>
      %dma_start3A_174 = tpu.memref_squeeze %dma_start3A_173 : memref<1x82x128xi32, #tpu.memory_space<hbm>> -> memref<82x128xi32, #tpu.memory_space<hbm>>
      tpu.enqueue_dma source(%dma_start3A_174 : memref<82x128xi32, #tpu.memory_space<hbm>>) target(%arg6 : memref<82x128xi32, #tpu.memory_space<vmem>>) target_semaphore(%run_scoped3A : memref<!tpu.dma_semaphore, #tpu.memory_space<semaphore_mem>>)
      %dma_wait3A_175 = arith.constant 0 : i32
      %dma_wait3A_176 = arith.constant 0 : i32
      %dma_wait3A_177 = tpu.memref_slice %arg3[%add3A, %dma_wait3A_175, %dma_wait3A_176] : memref<32x82x128xi32, #tpu.memory_space<hbm>> -> memref<1x82x128xi32, #tpu.memory_space<hbm>>
      %dma_wait3A_178 = tpu.memref_squeeze %dma_wait3A_177 : memref<1x82x128xi32, #tpu.memory_space<hbm>> -> memref<82x128xi32, #tpu.memory_space<hbm>>
      %dma_wait3A_179 = arith.constant 0 : i32
      %dma_wait3A_180 = arith.constant 0 : i32
      %dma_wait3A_181 = tpu.memref_slice %arg3[%add3A, %dma_wait3A_179, %dma_wait3A_180] : memref<32x82x128xi32, #tpu.memory_space<hbm>> -> memref<1x82x128xi32, #tpu.memory_space<hbm>>
      %dma_wait3A_182 = tpu.memref_squeeze %dma_wait3A_181 : memref<1x82x128xi32, #tpu.memory_space<hbm>> -> memref<82x128xi32, #tpu.memory_space<hbm>>
      tpu.wait_dma2 semaphore(%run_scoped3A : memref<!tpu.dma_semaphore, #tpu.memory_space<semaphore_mem>>) src(%dma_wait3A_182 : memref<82x128xi32, #tpu.memory_space<hbm>>) dst(%arg6 : memref<82x128xi32, #tpu.memory_space<vmem>>)
      tpu.yield
    }) : () -> ()
    %barrier3A = arith.constant 0 : index
    tpu.barrier barrier_id(%barrier3A)
    %get3A = arith.constant 0 : i32
    %get3A_5 = arith.index_cast %get3A : i32 to index
    %get3A_6 = arith.constant 0 : index
    %get3A_7 = tpu.vector_load %arg6[%get3A_5, %get3A_6] {strides = array<i32>} : memref<82x128xi32, #tpu.memory_space<vmem>>, vector<1x16xi32>,
    %get3A_8 = vector.shape_cast %get3A_7 : vector<1x16xi32> to vector<16xi32>
    %shift_right_logical3A = arith.constant 14 : i32
    %shift_right_logical3A_9 = vector.broadcast %shift_right_logical3A : i32 to vector<16xi32>
    %shift_right_logical3A_10 = arith.shrui %get3A_8, %shift_right_logical3A_9 : vector<16xi32>
    %swap3A = arith.constant 0 : index
    %swap3A_11 = tpu.vector_load %arg7[%swap3A] {strides = array<i32>} : memref<128xi32, #tpu.memory_space<vmem>>, vector<16xi32>,
    %swap3A_12 = vector.shape_cast %swap3A_11 : vector<16xi32> to vector<16xi32>
    %swap3A_13 = vector.shape_cast %shift_right_logical3A_10 : vector<16xi32> to vector<16xi32>
    tpu.vector_store %arg7[%swap3A], %swap3A_13 {strides = array<i32>} : memref<128xi32, #tpu.memory_space<vmem>>, vector<16xi32>,
    %and3A = arith.constant 16383 : i32
    %and3A_14 = vector.broadcast %and3A : i32 to vector<16xi32>
    %and3A_15 = arith.andi %get3A_8, %and3A_14 : vector<16xi32>
    %swap3A_16 = arith.constant 0 : index
    %swap3A_17 = tpu.vector_load %arg8[%swap3A_16] {strides = array<i32>} : memref<128xi32, #tpu.memory_space<vmem>>, vector<16xi32>,
    %swap3A_18 = vector.shape_cast %swap3A_17 : vector<16xi32> to vector<16xi32>
    %swap3A_19 = vector.shape_cast %and3A_15 : vector<16xi32> to vector<16xi32>
    tpu.vector_store %arg8[%swap3A_16], %swap3A_19 {strides = array<i32>} : memref<128xi32, #tpu.memory_space<vmem>>, vector<16xi32>,
    %get3A_20 = arith.constant 0 : i32
    %get3A_21 = arith.index_cast %get3A_20 : i32 to index
    %get3A_22 = arith.constant 16 : index
    %get3A_23 = tpu.vector_load %arg6[%get3A_21, %get3A_22] {strides = array<i32>} : memref<82x128xi32, #tpu.memory_space<vmem>>, vector<1x16xi32>,
    %get3A_24 = vector.shape_cast %get3A_23 : vector<1x16xi32> to vector<16xi32>
    %shift_right_logical3A_25 = arith.constant 14 : i32
    %shift_right_logical3A_26 = vector.broadcast %shift_right_logical3A_25 : i32 to vector<16xi32>
    %shift_right_logical3A_27 = arith.shrui %get3A_24, %shift_right_logical3A_26 : vector<16xi32>
    %swap3A_28 = arith.constant 16 : index
    %swap3A_29 = tpu.vector_load %arg7[%swap3A_28] {strides = array<i32>} : memref<128xi32, #tpu.memory_space<vmem>>, vector<16xi32>,
    %swap3A_30 = vector.shape_cast %swap3A_29 : vector<16xi32> to vector<16xi32>
    %swap3A_31 = vector.shape_cast %shift_right_logical3A_27 : vector<16xi32> to vector<16xi32>
    tpu.vector_store %arg7[%swap3A_28], %swap3A_31 {strides = array<i32>} : memref<128xi32, #tpu.memory_space<vmem>>, vector<16xi32>,
    %and3A_32 = arith.constant 16383 : i32
    %and3A_33 = vector.broadcast %and3A_32 : i32 to vector<16xi32>
    %and3A_34 = arith.andi %get3A_24, %and3A_33 : vector<16xi32>
    %swap3A_35 = arith.constant 16 : index
    %swap3A_36 = tpu.vector_load %arg8[%swap3A_35] {strides = array<i32>} : memref<128xi32, #tpu.memory_space<vmem>>, vector<16xi32>,
    %swap3A_37 = vector.shape_cast %swap3A_36 : vector<16xi32> to vector<16xi32>
    %swap3A_38 = vector.shape_cast %and3A_34 : vector<16xi32> to vector<16xi32>
    tpu.vector_store %arg8[%swap3A_35], %swap3A_38 {strides = array<i32>} : memref<128xi32, #tpu.memory_space<vmem>>, vector<16xi32>,
    %get3A_39 = arith.constant 0 : i32
    %get3A_40 = arith.index_cast %get3A_39 : i32 to index
    %get3A_41 = arith.constant 32 : index
    %get3A_42 = tpu.vector_load %arg6[%get3A_40, %get3A_41] {strides = array<i32>} : memref<82x128xi32, #tpu.memory_space<vmem>>, vector<1x16xi32>,
    %get3A_43 = vector.shape_cast %get3A_42 : vector<1x16xi32> to vector<16xi32>
    %shift_right_logical3A_44 = arith.constant 14 : i32
    %shift_right_logical3A_45 = vector.broadcast %shift_right_logical3A_44 : i32 to vector<16xi32>
    %shift_right_logical3A_46 = arith.shrui %get3A_43, %shift_right_logical3A_45 : vector<16xi32>
    %swap3A_47 = arith.constant 32 : index
    %swap3A_48 = tpu.vector_load %arg7[%swap3A_47] {strides = array<i32>} : memref<128xi32, #tpu.memory_space<vmem>>, vector<16xi32>,
    %swap3A_49 = vector.shape_cast %swap3A_48 : vector<16xi32> to vector<16xi32>
    %swap3A_50 = vector.shape_cast %shift_right_logical3A_46 : vector<16xi32> to vector<16xi32>
    tpu.vector_store %arg7[%swap3A_47], %swap3A_50 {strides = array<i32>} : memref<128xi32, #tpu.memory_space<vmem>>, vector<16xi32>,
    %and3A_51 = arith.constant 16383 : i32
    %and3A_52 = vector.broadcast %and3A_51 : i32 to vector<16xi32>
    %and3A_53 = arith.andi %get3A_43, %and3A_52 : vector<16xi32>
    %swap3A_54 = arith.constant 32 : index
    %swap3A_55 = tpu.vector_load %arg8[%swap3A_54] {strides = array<i32>} : memref<128xi32, #tpu.memory_space<vmem>>, vector<16xi32>,
    %swap3A_56 = vector.shape_cast %swap3A_55 : vector<16xi32> to vector<16xi32>
    %swap3A_57 = vector.shape_cast %and3A_53 : vector<16xi32> to vector<16xi32>
    tpu.vector_store %arg8[%swap3A_54], %swap3A_57 {strides = array<i32>} : memref<128xi32, #tpu.memory_space<vmem>>, vector<16xi32>,
    %get3A_58 = arith.constant 0 : i32
    %get3A_59 = arith.index_cast %get3A_58 : i32 to index
    %get3A_60 = arith.constant 48 : index
    %get3A_61 = tpu.vector_load %arg6[%get3A_59, %get3A_60] {strides = array<i32>} : memref<82x128xi32, #tpu.memory_space<vmem>>, vector<1x16xi32>,
    %get3A_62 = vector.shape_cast %get3A_61 : vector<1x16xi32> to vector<16xi32>
    %shift_right_logical3A_63 = arith.constant 14 : i32
    %shift_right_logical3A_64 = vector.broadcast %shift_right_logical3A_63 : i32 to vector<16xi32>
    %shift_right_logical3A_65 = arith.shrui %get3A_62, %shift_right_logical3A_64 : vector<16xi32>
    %swap3A_66 = arith.constant 48 : index
    %swap3A_67 = tpu.vector_load %arg7[%swap3A_66] {strides = array<i32>} : memref<128xi32, #tpu.memory_space<vmem>>, vector<16xi32>,
    %swap3A_68 = vector.shape_cast %swap3A_67 : vector<16xi32> to vector<16xi32>
    %swap3A_69 = vector.shape_cast %shift_right_logical3A_65 : vector<16xi32> to vector<16xi32>
    tpu.vector_store %arg7[%swap3A_66], %swap3A_69 {strides = array<i32>} : memref<128xi32, #tpu.memory_space<vmem>>, vector<16xi32>,
    %and3A_70 = arith.constant 16383 : i32
    %and3A_71 = vector.broadcast %and3A_70 : i32 to vector<16xi32>
    %and3A_72 = arith.andi %get3A_62, %and3A_71 : vector<16xi32>
    %swap3A_73 = arith.constant 48 : index
    %swap3A_74 = tpu.vector_load %arg8[%swap3A_73] {strides = array<i32>} : memref<128xi32, #tpu.memory_space<vmem>>, vector<16xi32>,
    %swap3A_75 = vector.shape_cast %swap3A_74 : vector<16xi32> to vector<16xi32>
    %swap3A_76 = vector.shape_cast %and3A_72 : vector<16xi32> to vector<16xi32>
    tpu.vector_store %arg8[%swap3A_73], %swap3A_76 {strides = array<i32>} : memref<128xi32, #tpu.memory_space<vmem>>, vector<16xi32>,
    %get3A_77 = arith.constant 0 : i32
    %get3A_78 = arith.index_cast %get3A_77 : i32 to index
    %get3A_79 = arith.constant 64 : index
    %get3A_80 = tpu.vector_load %arg6[%get3A_78, %get3A_79] {strides = array<i32>} : memref<82x128xi32, #tpu.memory_space<vmem>>, vector<1x16xi32>,
    %get3A_81 = vector.shape_cast %get3A_80 : vector<1x16xi32> to vector<16xi32>
    %shift_right_logical3A_82 = arith.constant 14 : i32
    %shift_right_logical3A_83 = vector.broadcast %shift_right_logical3A_82 : i32 to vector<16xi32>
    %shift_right_logical3A_84 = arith.shrui %get3A_81, %shift_right_logical3A_83 : vector<16xi32>
    %swap3A_85 = arith.constant 64 : index
    %swap3A_86 = tpu.vector_load %arg7[%swap3A_85] {strides = array<i32>} : memref<128xi32, #tpu.memory_space<vmem>>, vector<16xi32>,
    %swap3A_87 = vector.shape_cast %swap3A_86 : vector<16xi32> to vector<16xi32>
    %swap3A_88 = vector.shape_cast %shift_right_logical3A_84 : vector<16xi32> to vector<16xi32>
    tpu.vector_store %arg7[%swap3A_85], %swap3A_88 {strides = array<i32>} : memref<128xi32, #tpu.memory_space<vmem>>, vector<16xi32>,
    %and3A_89 = arith.constant 16383 : i32
    %and3A_90 = vector.broadcast %and3A_89 : i32 to vector<16xi32>
    %and3A_91 = arith.andi %get3A_81, %and3A_90 : vector<16xi32>
    %swap3A_92 = arith.constant 64 : index
    %swap3A_93 = tpu.vector_load %arg8[%swap3A_92] {strides = array<i32>} : memref<128xi32, #tpu.memory_space<vmem>>, vector<16xi32>,
    %swap3A_94 = vector.shape_cast %swap3A_93 : vector<16xi32> to vector<16xi32>
    %swap3A_95 = vector.shape_cast %and3A_91 : vector<16xi32> to vector<16xi32>
    tpu.vector_store %arg8[%swap3A_92], %swap3A_95 {strides = array<i32>} : memref<128xi32, #tpu.memory_space<vmem>>, vector<16xi32>,
    %get3A_96 = arith.constant 0 : i32
    %get3A_97 = arith.index_cast %get3A_96 : i32 to index
    %get3A_98 = arith.constant 80 : index
    %get3A_99 = tpu.vector_load %arg6[%get3A_97, %get3A_98] {strides = array<i32>} : memref<82x128xi32, #tpu.memory_space<vmem>>, vector<1x16xi32>,
    %get3A_100 = vector.shape_cast %get3A_99 : vector<1x16xi32> to vector<16xi32>
    %shift_right_logical3A_101 = arith.constant 14 : i32
    %shift_right_logical3A_102 = vector.broadcast %shift_right_logical3A_101 : i32 to vector<16xi32>
    %shift_right_logical3A_103 = arith.shrui %get3A_100, %shift_right_logical3A_102 : vector<16xi32>
    %swap3A_104 = arith.constant 80 : index
    %swap3A_105 = tpu.vector_load %arg7[%swap3A_104] {strides = array<i32>} : memref<128xi32, #tpu.memory_space<vmem>>, vector<16xi32>,
    %swap3A_106 = vector.shape_cast %swap3A_105 : vector<16xi32> to vector<16xi32>
    %swap3A_107 = vector.shape_cast %shift_right_logical3A_103 : vector<16xi32> to vector<16xi32>
    tpu.vector_store %arg7[%swap3A_104], %swap3A_107 {strides = array<i32>} : memref<128xi32, #tpu.memory_space<vmem>>, vector<16xi32>,
    %and3A_108 = arith.constant 16383 : i32
    %and3A_109 = vector.broadcast %and3A_108 : i32 to vector<16xi32>
    %and3A_110 = arith.andi %get3A_100, %and3A_109 : vector<16xi32>
    %swap3A_111 = arith.constant 80 : index
    %swap3A_112 = tpu.vector_load %arg8[%swap3A_111] {strides = array<i32>} : memref<128xi32, #tpu.memory_space<vmem>>, vector<16xi32>,
    %swap3A_113 = vector.shape_cast %swap3A_112 : vector<16xi32> to vector<16xi32>
    %swap3A_114 = vector.shape_cast %and3A_110 : vector<16xi32> to vector<16xi32>
    tpu.vector_store %arg8[%swap3A_111], %swap3A_114 {strides = array<i32>} : memref<128xi32, #tpu.memory_space<vmem>>, vector<16xi32>,
    %get3A_115 = arith.constant 0 : i32
    %get3A_116 = arith.index_cast %get3A_115 : i32 to index
    %get3A_117 = arith.constant 96 : index
    %get3A_118 = tpu.vector_load %arg6[%get3A_116, %get3A_117] {strides = array<i32>} : memref<82x128xi32, #tpu.memory_space<vmem>>, vector<1x16xi32>,
    %get3A_119 = vector.shape_cast %get3A_118 : vector<1x16xi32> to vector<16xi32>
    %shift_right_logical3A_120 = arith.constant 14 : i32
    %shift_right_logical3A_121 = vector.broadcast %shift_right_logical3A_120 : i32 to vector<16xi32>
    %shift_right_logical3A_122 = arith.shrui %get3A_119, %shift_right_logical3A_121 : vector<16xi32>
    %swap3A_123 = arith.constant 96 : index
    %swap3A_124 = tpu.vector_load %arg7[%swap3A_123] {strides = array<i32>} : memref<128xi32, #tpu.memory_space<vmem>>, vector<16xi32>,
    %swap3A_125 = vector.shape_cast %swap3A_124 : vector<16xi32> to vector<16xi32>
    %swap3A_126 = vector.shape_cast %shift_right_logical3A_122 : vector<16xi32> to vector<16xi32>
    tpu.vector_store %arg7[%swap3A_123], %swap3A_126 {strides = array<i32>} : memref<128xi32, #tpu.memory_space<vmem>>, vector<16xi32>,
    %and3A_127 = arith.constant 16383 : i32
    %and3A_128 = vector.broadcast %and3A_127 : i32 to vector<16xi32>
    %and3A_129 = arith.andi %get3A_119, %and3A_128 : vector<16xi32>
    %swap3A_130 = arith.constant 96 : index
    %swap3A_131 = tpu.vector_load %arg8[%swap3A_130] {strides = array<i32>} : memref<128xi32, #tpu.memory_space<vmem>>, vector<16xi32>,
    %swap3A_132 = vector.shape_cast %swap3A_131 : vector<16xi32> to vector<16xi32>
    %swap3A_133 = vector.shape_cast %and3A_129 : vector<16xi32> to vector<16xi32>
    tpu.vector_store %arg8[%swap3A_130], %swap3A_133 {strides = array<i32>} : memref<128xi32, #tpu.memory_space<vmem>>, vector<16xi32>,
    %get3A_134 = arith.constant 0 : i32
    %get3A_135 = arith.index_cast %get3A_134 : i32 to index
    %get3A_136 = arith.constant 112 : index
    %get3A_137 = tpu.vector_load %arg6[%get3A_135, %get3A_136] {strides = array<i32>} : memref<82x128xi32, #tpu.memory_space<vmem>>, vector<1x16xi32>,
    %get3A_138 = vector.shape_cast %get3A_137 : vector<1x16xi32> to vector<16xi32>
    %shift_right_logical3A_139 = arith.constant 14 : i32
    %shift_right_logical3A_140 = vector.broadcast %shift_right_logical3A_139 : i32 to vector<16xi32>
    %shift_right_logical3A_141 = arith.shrui %get3A_138, %shift_right_logical3A_140 : vector<16xi32>
    %swap3A_142 = arith.constant 112 : index
    %swap3A_143 = tpu.vector_load %arg7[%swap3A_142] {strides = array<i32>} : memref<128xi32, #tpu.memory_space<vmem>>, vector<16xi32>,
    %swap3A_144 = vector.shape_cast %swap3A_143 : vector<16xi32> to vector<16xi32>
    %swap3A_145 = vector.shape_cast %shift_right_logical3A_141 : vector<16xi32> to vector<16xi32>
    tpu.vector_store %arg7[%swap3A_142], %swap3A_145 {strides = array<i32>} : memref<128xi32, #tpu.memory_space<vmem>>, vector<16xi32>,
    %and3A_146 = arith.constant 16383 : i32
    %and3A_147 = vector.broadcast %and3A_146 : i32 to vector<16xi32>
    %and3A_148 = arith.andi %get3A_138, %and3A_147 : vector<16xi32>
    %swap3A_149 = arith.constant 112 : index
    %swap3A_150 = tpu.vector_load %arg8[%swap3A_149] {strides = array<i32>} : memref<128xi32, #tpu.memory_space<vmem>>, vector<16xi32>,
    %swap3A_151 = vector.shape_cast %swap3A_150 : vector<16xi32> to vector<16xi32>
    %swap3A_152 = vector.shape_cast %and3A_148 : vector<16xi32> to vector<16xi32>
    tpu.vector_store %arg8[%swap3A_149], %swap3A_152 {strides = array<i32>} : memref<128xi32, #tpu.memory_space<vmem>>, vector<16xi32>,
    %dma_start3A = arith.constant 0 : i32
    %dma_start3A_153 = arith.constant 0 : i32
    %dma_start3A_154 = tpu.memref_slice %arg2[%dma_start3A, %dma_start3A_153] : memref<10000x128xf32, #tpu.memory_space<hbm>> -> memref<10000x128xf32, #tpu.memory_space<hbm>>
    tpu.enqueue_indirect_dma source(%dma_start3A_154 : memref<10000x128xf32, #tpu.memory_space<hbm>>) target(%arg11 : memref<128x128xf32, #tpu.memory_space<vmem>>) offsets(%arg7 : memref<128xi32, #tpu.memory_space<vmem>>) semaphore(%arg14 : memref<!tpu.dma_semaphore, #tpu.memory_space<semaphore_mem>>)
    %scan3A = arith.constant 0 : i32
    %scan3A_155 = arith.constant 0 : i32
    %scan3A_156 = arith.constant 40 : i32
    %scan3A_157 = arith.addi %scan3A_155, %scan3A_156 : i32
    %scan3A_158 = arith.constant 1 : i32
    scf.for %scan3A_167 = %scan3A_155 to %scan3A_157 step %scan3A_158  : i32 {
      %mul3A_168 = arith.constant 2 : i32
      %mul3A_169 = arith.muli %mul3A_168, %scan3A_167 : i32
      %add3A_170 = arith.constant 1 : i32
      %add3A_171 = arith.addi %mul3A_169, %add3A_170 : i32
      %get3A_172 = arith.index_cast %add3A_171 : i32 to index
      %get3A_173 = arith.constant 0 : index
      %get3A_174 = tpu.vector_load %arg6[%get3A_172, %get3A_173] {strides = array<i32>} : memref<82x128xi32, #tpu.memory_space<vmem>>, vector<1x16xi32>,
      %get3A_175 = vector.shape_cast %get3A_174 : vector<1x16xi32> to vector<16xi32>
      %shift_right_logical3A_176 = arith.constant 14 : i32
      %shift_right_logical3A_177 = vector.broadcast %shift_right_logical3A_176 : i32 to vector<16xi32>
      %shift_right_logical3A_178 = arith.shrui %get3A_175, %shift_right_logical3A_177 : vector<16xi32>
      %swap3A_179 = arith.constant 0 : index
      %swap3A_180 = tpu.vector_load %arg9[%swap3A_179] {strides = array<i32>} : memref<128xi32, #tpu.memory_space<vmem>>, vector<16xi32>,
      %swap3A_181 = vector.shape_cast %swap3A_180 : vector<16xi32> to vector<16xi32>
      %swap3A_182 = vector.shape_cast %shift_right_logical3A_178 : vector<16xi32> to vector<16xi32>
      tpu.vector_store %arg9[%swap3A_179], %swap3A_182 {strides = array<i32>} : memref<128xi32, #tpu.memory_space<vmem>>, vector<16xi32>,
      %and3A_183 = arith.constant 16383 : i32
      %and3A_184 = vector.broadcast %and3A_183 : i32 to vector<16xi32>
      %and3A_185 = arith.andi %get3A_175, %and3A_184 : vector<16xi32>
      %swap3A_186 = arith.constant 0 : index
      %swap3A_187 = tpu.vector_load %arg10[%swap3A_186] {strides = array<i32>} : memref<128xi32, #tpu.memory_space<vmem>>, vector<16xi32>,
      %swap3A_188 = vector.shape_cast %swap3A_187 : vector<16xi32> to vector<16xi32>
      %swap3A_189 = vector.shape_cast %and3A_185 : vector<16xi32> to vector<16xi32>
      tpu.vector_store %arg10[%swap3A_186], %swap3A_189 {strides = array<i32>} : memref<128xi32, #tpu.memory_space<vmem>>, vector<16xi32>,
      %get3A_190 = arith.index_cast %add3A_171 : i32 to index
      %get3A_191 = arith.constant 16 : index
      %get3A_192 = tpu.vector_load %arg6[%get3A_190, %get3A_191] {strides = array<i32>} : memref<82x128xi32, #tpu.memory_space<vmem>>, vector<1x16xi32>,
      %get3A_193 = vector.shape_cast %get3A_192 : vector<1x16xi32> to vector<16xi32>
      %shift_right_logical3A_194 = arith.constant 14 : i32
      %shift_right_logical3A_195 = vector.broadcast %shift_right_logical3A_194 : i32 to vector<16xi32>
      %shift_right_logical3A_196 = arith.shrui %get3A_193, %shift_right_logical3A_195 : vector<16xi32>
      %swap3A_197 = arith.constant 16 : index
      %swap3A_198 = tpu.vector_load %arg9[%swap3A_197] {strides = array<i32>} : memref<128xi32, #tpu.memory_space<vmem>>, vector<16xi32>,
      %swap3A_199 = vector.shape_cast %swap3A_198 : vector<16xi32> to vector<16xi32>
      %swap3A_200 = vector.shape_cast %shift_right_logical3A_196 : vector<16xi32> to vector<16xi32>
      tpu.vector_store %arg9[%swap3A_197], %swap3A_200 {strides = array<i32>} : memref<128xi32, #tpu.memory_space<vmem>>, vector<16xi32>,
      %and3A_201 = arith.constant 16383 : i32
      %and3A_202 = vector.broadcast %and3A_201 : i32 to vector<16xi32>
      %and3A_203 = arith.andi %get3A_193, %and3A_202 : vector<16xi32>
      %swap3A_204 = arith.constant 16 : index
      %swap3A_205 = tpu.vector_load %arg10[%swap3A_204] {strides = array<i32>} : memref<128xi32, #tpu.memory_space<vmem>>, vector<16xi32>,
      %swap3A_206 = vector.shape_cast %swap3A_205 : vector<16xi32> to vector<16xi32>
      %swap3A_207 = vector.shape_cast %and3A_203 : vector<16xi32> to vector<16xi32>
      tpu.vector_store %arg10[%swap3A_204], %swap3A_207 {strides = array<i32>} : memref<128xi32, #tpu.memory_space<vmem>>, vector<16xi32>,
      %get3A_208 = arith.index_cast %add3A_171 : i32 to index
      %get3A_209 = arith.constant 32 : index
      %get3A_210 = tpu.vector_load %arg6[%get3A_208, %get3A_209] {strides = array<i32>} : memref<82x128xi32, #tpu.memory_space<vmem>>, vector<1x16xi32>,
      %get3A_211 = vector.shape_cast %get3A_210 : vector<1x16xi32> to vector<16xi32>
      %shift_right_logical3A_212 = arith.constant 14 : i32
      %shift_right_logical3A_213 = vector.broadcast %shift_right_logical3A_212 : i32 to vector<16xi32>
      %shift_right_logical3A_214 = arith.shrui %get3A_211, %shift_right_logical3A_213 : vector<16xi32>
      %swap3A_215 = arith.constant 32 : index
      %swap3A_216 = tpu.vector_load %arg9[%swap3A_215] {strides = array<i32>} : memref<128xi32, #tpu.memory_space<vmem>>, vector<16xi32>,
      %swap3A_217 = vector.shape_cast %swap3A_216 : vector<16xi32> to vector<16xi32>
      %swap3A_218 = vector.shape_cast %shift_right_logical3A_214 : vector<16xi32> to vector<16xi32>
      tpu.vector_store %arg9[%swap3A_215], %swap3A_218 {strides = array<i32>} : memref<128xi32, #tpu.memory_space<vmem>>, vector<16xi32>,
      %and3A_219 = arith.constant 16383 : i32
      %and3A_220 = vector.broadcast %and3A_219 : i32 to vector<16xi32>
      %and3A_221 = arith.andi %get3A_211, %and3A_220 : vector<16xi32>
      %swap3A_222 = arith.constant 32 : index
      %swap3A_223 = tpu.vector_load %arg10[%swap3A_222] {strides = array<i32>} : memref<128xi32, #tpu.memory_space<vmem>>, vector<16xi32>,
      %swap3A_224 = vector.shape_cast %swap3A_223 : vector<16xi32> to vector<16xi32>
      %swap3A_225 = vector.shape_cast %and3A_221 : vector<16xi32> to vector<16xi32>
      tpu.vector_store %arg10[%swap3A_222], %swap3A_225 {strides = array<i32>} : memref<128xi32, #tpu.memory_space<vmem>>, vector<16xi32>,
      %get3A_226 = arith.index_cast %add3A_171 : i32 to index
      %get3A_227 = arith.constant 48 : index
      %get3A_228 = tpu.vector_load %arg6[%get3A_226, %get3A_227] {strides = array<i32>} : memref<82x128xi32, #tpu.memory_space<vmem>>, vector<1x16xi32>,
      %get3A_229 = vector.shape_cast %get3A_228 : vector<1x16xi32> to vector<16xi32>
      %shift_right_logical3A_230 = arith.constant 14 : i32
      %shift_right_logical3A_231 = vector.broadcast %shift_right_logical3A_230 : i32 to vector<16xi32>
      %shift_right_logical3A_232 = arith.shrui %get3A_229, %shift_right_logical3A_231 : vector<16xi32>
      %swap3A_233 = arith.constant 48 : index
      %swap3A_234 = tpu.vector_load %arg9[%swap3A_233] {strides = array<i32>} : memref<128xi32, #tpu.memory_space<vmem>>, vector<16xi32>,
      %swap3A_235 = vector.shape_cast %swap3A_234 : vector<16xi32> to vector<16xi32>
      %swap3A_236 = vector.shape_cast %shift_right_logical3A_232 : vector<16xi32> to vector<16xi32>
      tpu.vector_store %arg9[%swap3A_233], %swap3A_236 {strides = array<i32>} : memref<128xi32, #tpu.memory_space<vmem>>, vector<16xi32>,
      %and3A_237 = arith.constant 16383 : i32
      %and3A_238 = vector.broadcast %and3A_237 : i32 to vector<16xi32>
      %and3A_239 = arith.andi %get3A_229, %and3A_238 : vector<16xi32>
      %swap3A_240 = arith.constant 48 : index
      %swap3A_241 = tpu.vector_load %arg10[%swap3A_240] {strides = array<i32>} : memref<128xi32, #tpu.memory_space<vmem>>, vector<16xi32>,
      %swap3A_242 = vector.shape_cast %swap3A_241 : vector<16xi32> to vector<16xi32>
      %swap3A_243 = vector.shape_cast %and3A_239 : vector<16xi32> to vector<16xi32>
      tpu.vector_store %arg10[%swap3A_240], %swap3A_243 {strides = array<i32>} : memref<128xi32, #tpu.memory_space<vmem>>, vector<16xi32>,
      %get3A_244 = arith.index_cast %add3A_171 : i32 to index
      %get3A_245 = arith.constant 64 : index
      %get3A_246 = tpu.vector_load %arg6[%get3A_244, %get3A_245] {strides = array<i32>} : memref<82x128xi32, #tpu.memory_space<vmem>>, vector<1x16xi32>,
      %get3A_247 = vector.shape_cast %get3A_246 : vector<1x16xi32> to vector<16xi32>
      %shift_right_logical3A_248 = arith.constant 14 : i32
      %shift_right_logical3A_249 = vector.broadcast %shift_right_logical3A_248 : i32 to vector<16xi32>
      %shift_right_logical3A_250 = arith.shrui %get3A_247, %shift_right_logical3A_249 : vector<16xi32>
      %swap3A_251 = arith.constant 64 : index
      %swap3A_252 = tpu.vector_load %arg9[%swap3A_251] {strides = array<i32>} : memref<128xi32, #tpu.memory_space<vmem>>, vector<16xi32>,
      %swap3A_253 = vector.shape_cast %swap3A_252 : vector<16xi32> to vector<16xi32>
      %swap3A_254 = vector.shape_cast %shift_right_logical3A_250 : vector<16xi32> to vector<16xi32>
      tpu.vector_store %arg9[%swap3A_251], %swap3A_254 {strides = array<i32>} : memref<128xi32, #tpu.memory_space<vmem>>, vector<16xi32>,
      %and3A_255 = arith.constant 16383 : i32
      %and3A_256 = vector.broadcast %and3A_255 : i32 to vector<16xi32>
      %and3A_257 = arith.andi %get3A_247, %and3A_256 : vector<16xi32>
      %swap3A_258 = arith.constant 64 : index
      %swap3A_259 = tpu.vector_load %arg10[%swap3A_258] {strides = array<i32>} : memref<128xi32, #tpu.memory_space<vmem>>, vector<16xi32>,
      %swap3A_260 = vector.shape_cast %swap3A_259 : vector<16xi32> to vector<16xi32>
      %swap3A_261 = vector.shape_cast %and3A_257 : vector<16xi32> to vector<16xi32>
      tpu.vector_store %arg10[%swap3A_258], %swap3A_261 {strides = array<i32>} : memref<128xi32, #tpu.memory_space<vmem>>, vector<16xi32>,
      %get3A_262 = arith.index_cast %add3A_171 : i32 to index
      %get3A_263 = arith.constant 80 : index
      %get3A_264 = tpu.vector_load %arg6[%get3A_262, %get3A_263] {strides = array<i32>} : memref<82x128xi32, #tpu.memory_space<vmem>>, vector<1x16xi32>,
      %get3A_265 = vector.shape_cast %get3A_264 : vector<1x16xi32> to vector<16xi32>
      %shift_right_logical3A_266 = arith.constant 14 : i32
      %shift_right_logical3A_267 = vector.broadcast %shift_right_logical3A_266 : i32 to vector<16xi32>
      %shift_right_logical3A_268 = arith.shrui %get3A_265, %shift_right_logical3A_267 : vector<16xi32>
      %swap3A_269 = arith.constant 80 : index
      %swap3A_270 = tpu.vector_load %arg9[%swap3A_269] {strides = array<i32>} : memref<128xi32, #tpu.memory_space<vmem>>, vector<16xi32>,
      %swap3A_271 = vector.shape_cast %swap3A_270 : vector<16xi32> to vector<16xi32>
      %swap3A_272 = vector.shape_cast %shift_right_logical3A_268 : vector<16xi32> to vector<16xi32>
      tpu.vector_store %arg9[%swap3A_269], %swap3A_272 {strides = array<i32>} : memref<128xi32, #tpu.memory_space<vmem>>, vector<16xi32>,
      %and3A_273 = arith.constant 16383 : i32
      %and3A_274 = vector.broadcast %and3A_273 : i32 to vector<16xi32>
      %and3A_275 = arith.andi %get3A_265, %and3A_274 : vector<16xi32>
      %swap3A_276 = arith.constant 80 : index
      %swap3A_277 = tpu.vector_load %arg10[%swap3A_276] {strides = array<i32>} : memref<128xi32, #tpu.memory_space<vmem>>, vector<16xi32>,
      %swap3A_278 = vector.shape_cast %swap3A_277 : vector<16xi32> to vector<16xi32>
      %swap3A_279 = vector.shape_cast %and3A_275 : vector<16xi32> to vector<16xi32>
      tpu.vector_store %arg10[%swap3A_276], %swap3A_279 {strides = array<i32>} : memref<128xi32, #tpu.memory_space<vmem>>, vector<16xi32>,
      %get3A_280 = arith.index_cast %add3A_171 : i32 to index
      %get3A_281 = arith.constant 96 : index
      %get3A_282 = tpu.vector_load %arg6[%get3A_280, %get3A_281] {strides = array<i32>} : memref<82x128xi32, #tpu.memory_space<vmem>>, vector<1x16xi32>,
      %get3A_283 = vector.shape_cast %get3A_282 : vector<1x16xi32> to vector<16xi32>
      %shift_right_logical3A_284 = arith.constant 14 : i32
      %shift_right_logical3A_285 = vector.broadcast %shift_right_logical3A_284 : i32 to vector<16xi32>
      %shift_right_logical3A_286 = arith.shrui %get3A_283, %shift_right_logical3A_285 : vector<16xi32>
      %swap3A_287 = arith.constant 96 : index
      %swap3A_288 = tpu.vector_load %arg9[%swap3A_287] {strides = array<i32>} : memref<128xi32, #tpu.memory_space<vmem>>, vector<16xi32>,
      %swap3A_289 = vector.shape_cast %swap3A_288 : vector<16xi32> to vector<16xi32>
      %swap3A_290 = vector.shape_cast %shift_right_logical3A_286 : vector<16xi32> to vector<16xi32>
      tpu.vector_store %arg9[%swap3A_287], %swap3A_290 {strides = array<i32>} : memref<128xi32, #tpu.memory_space<vmem>>, vector<16xi32>,
      %and3A_291 = arith.constant 16383 : i32
      %and3A_292 = vector.broadcast %and3A_291 : i32 to vector<16xi32>
      %and3A_293 = arith.andi %get3A_283, %and3A_292 : vector<16xi32>
      %swap3A_294 = arith.constant 96 : index
      %swap3A_295 = tpu.vector_load %arg10[%swap3A_294] {strides = array<i32>} : memref<128xi32, #tpu.memory_space<vmem>>, vector<16xi32>,
      %swap3A_296 = vector.shape_cast %swap3A_295 : vector<16xi32> to vector<16xi32>
      %swap3A_297 = vector.shape_cast %and3A_293 : vector<16xi32> to vector<16xi32>
      tpu.vector_store %arg10[%swap3A_294], %swap3A_297 {strides = array<i32>} : memref<128xi32, #tpu.memory_space<vmem>>, vector<16xi32>,
      %get3A_298 = arith.index_cast %add3A_171 : i32 to index
      %get3A_299 = arith.constant 112 : index
      %get3A_300 = tpu.vector_load %arg6[%get3A_298, %get3A_299] {strides = array<i32>} : memref<82x128xi32, #tpu.memory_space<vmem>>, vector<1x16xi32>,
      %get3A_301 = vector.shape_cast %get3A_300 : vector<1x16xi32> to vector<16xi32>
      %shift_right_logical3A_302 = arith.constant 14 : i32
      %shift_right_logical3A_303 = vector.broadcast %shift_right_logical3A_302 : i32 to vector<16xi32>
      %shift_right_logical3A_304 = arith.shrui %get3A_301, %shift_right_logical3A_303 : vector<16xi32>
      %swap3A_305 = arith.constant 112 : index
      %swap3A_306 = tpu.vector_load %arg9[%swap3A_305] {strides = array<i32>} : memref<128xi32, #tpu.memory_space<vmem>>, vector<16xi32>,
      %swap3A_307 = vector.shape_cast %swap3A_306 : vector<16xi32> to vector<16xi32>
      %swap3A_308 = vector.shape_cast %shift_right_logical3A_304 : vector<16xi32> to vector<16xi32>
      tpu.vector_store %arg9[%swap3A_305], %swap3A_308 {strides = array<i32>} : memref<128xi32, #tpu.memory_space<vmem>>, vector<16xi32>,
      %and3A_309 = arith.constant 16383 : i32
      %and3A_310 = vector.broadcast %and3A_309 : i32 to vector<16xi32>
      %and3A_311 = arith.andi %get3A_301, %and3A_310 : vector<16xi32>
      %swap3A_312 = arith.constant 112 : index
      %swap3A_313 = tpu.vector_load %arg10[%swap3A_312] {strides = array<i32>} : memref<128xi32, #tpu.memory_space<vmem>>, vector<16xi32>,
      %swap3A_314 = vector.shape_cast %swap3A_313 : vector<16xi32> to vector<16xi32>
      %swap3A_315 = vector.shape_cast %and3A_311 : vector<16xi32> to vector<16xi32>
      tpu.vector_store %arg10[%swap3A_312], %swap3A_315 {strides = array<i32>} : memref<128xi32, #tpu.memory_space<vmem>>, vector<16xi32>,
      %dma_start3A_316 = arith.constant 0 : i32
      %dma_start3A_317 = arith.constant 0 : i32
      %dma_start3A_318 = tpu.memref_slice %arg2[%dma_start3A_316, %dma_start3A_317] : memref<10000x128xf32, #tpu.memory_space<hbm>> -> memref<10000x128xf32, #tpu.memory_space<hbm>>
      tpu.enqueue_indirect_dma source(%dma_start3A_318 : memref<10000x128xf32, #tpu.memory_space<hbm>>) target(%arg12 : memref<128x128xf32, #tpu.memory_space<vmem>>) offsets(%arg9 : memref<128xi32, #tpu.memory_space<vmem>>) semaphore(%arg15 : memref<!tpu.dma_semaphore, #tpu.memory_space<semaphore_mem>>)
      %dma_wait3A_319 = arith.constant 0 : i32
      %dma_wait3A_320 = arith.constant 0 : i32
      %dma_wait3A_321 = tpu.memref_slice %arg2[%dma_wait3A_319, %dma_wait3A_320] : memref<10000x128xf32, #tpu.memory_space<hbm>> -> memref<10000x128xf32, #tpu.memory_space<hbm>>
      tpu.wait_indirect_dma semaphore(%arg14 : memref<!tpu.dma_semaphore, #tpu.memory_space<semaphore_mem>>) src(%dma_wait3A_321 : memref<10000x128xf32, #tpu.memory_space<hbm>>) dst(%arg11 : memref<128x128xf32, #tpu.memory_space<vmem>>)
      "tpu.region"() ({
        %run_scoped3A = tpu.sem_alloc : memref<!tpu.dma_semaphore, #tpu.memory_space<semaphore_mem>>
        %dma_start3A_474 = arith.constant 0 : i32
        %dma_start3A_475 = arith.constant 0 : i32
        %dma_start3A_476 = tpu.memref_slice %arg13[%dma_start3A_474, %dma_start3A_475] : memref<10112x128xf32, #tpu.memory_space<vmem_shared>> -> memref<10112x128xf32, #tpu.memory_space<vmem_shared>>
        tpu.enqueue_indirect_dma source(%arg11 : memref<128x128xf32, #tpu.memory_space<vmem>>) target(%dma_start3A_476 : memref<10112x128xf32, #tpu.memory_space<vmem_shared>>) offsets(%arg8 : memref<128xi32, #tpu.memory_space<vmem>>) semaphore(%run_scoped3A : memref<!tpu.dma_semaphore, #tpu.memory_space<semaphore_mem>>) {add = true}
        %dma_wait3A_477 = arith.constant 0 : i32
        %dma_wait3A_478 = arith.constant 0 : i32
        %dma_wait3A_479 = tpu.memref_slice %arg13[%dma_wait3A_477, %dma_wait3A_478] : memref<10112x128xf32, #tpu.memory_space<vmem_shared>> -> memref<10112x128xf32, #tpu.memory_space<vmem_shared>>
        tpu.wait_indirect_dma semaphore(%run_scoped3A : memref<!tpu.dma_semaphore, #tpu.memory_space<semaphore_mem>>) src(%arg11 : memref<128x128xf32, #tpu.memory_space<vmem>>) dst(%dma_wait3A_479 : memref<10112x128xf32, #tpu.memory_space<vmem_shared>>)
        tpu.yield
      }) : () -> ()
      %add3A_322 = arith.constant 2 : i32
      %add3A_323 = arith.addi %mul3A_169, %add3A_322 : i32
      %get3A_324 = arith.index_cast %add3A_323 : i32 to index
      %get3A_325 = arith.constant 0 : index
      %get3A_326 = tpu.vector_load %arg6[%get3A_324, %get3A_325] {strides = array<i32>} : memref<82x128xi32, #tpu.memory_space<vmem>>, vector<1x16xi32>,
      %get3A_327 = vector.shape_cast %get3A_326 : vector<1x16xi32> to vector<16xi32>
      %shift_right_logical3A_328 = arith.constant 14 : i32
      %shift_right_logical3A_329 = vector.broadcast %shift_right_logical3A_328 : i32 to vector<16xi32>
      %shift_right_logical3A_330 = arith.shrui %get3A_327, %shift_right_logical3A_329 : vector<16xi32>
      %swap3A_331 = arith.constant 0 : index
      %swap3A_332 = tpu.vector_load %arg7[%swap3A_331] {strides = array<i32>} : memref<128xi32, #tpu.memory_space<vmem>>, vector<16xi32>,
      %swap3A_333 = vector.shape_cast %swap3A_332 : vector<16xi32> to vector<16xi32>
      %swap3A_334 = vector.shape_cast %shift_right_logical3A_330 : vector<16xi32> to vector<16xi32>
      tpu.vector_store %arg7[%swap3A_331], %swap3A_334 {strides = array<i32>} : memref<128xi32, #tpu.memory_space<vmem>>, vector<16xi32>,
      %and3A_335 = arith.constant 16383 : i32
      %and3A_336 = vector.broadcast %and3A_335 : i32 to vector<16xi32>
      %and3A_337 = arith.andi %get3A_327, %and3A_336 : vector<16xi32>
      %swap3A_338 = arith.constant 0 : index
      %swap3A_339 = tpu.vector_load %arg8[%swap3A_338] {strides = array<i32>} : memref<128xi32, #tpu.memory_space<vmem>>, vector<16xi32>,
      %swap3A_340 = vector.shape_cast %swap3A_339 : vector<16xi32> to vector<16xi32>
      %swap3A_341 = vector.shape_cast %and3A_337 : vector<16xi32> to vector<16xi32>
      tpu.vector_store %arg8[%swap3A_338], %swap3A_341 {strides = array<i32>} : memref<128xi32, #tpu.memory_space<vmem>>, vector<16xi32>,
      %get3A_342 = arith.index_cast %add3A_323 : i32 to index
      %get3A_343 = arith.constant 16 : index
      %get3A_344 = tpu.vector_load %arg6[%get3A_342, %get3A_343] {strides = array<i32>} : memref<82x128xi32, #tpu.memory_space<vmem>>, vector<1x16xi32>,
      %get3A_345 = vector.shape_cast %get3A_344 : vector<1x16xi32> to vector<16xi32>
      %shift_right_logical3A_346 = arith.constant 14 : i32
      %shift_right_logical3A_347 = vector.broadcast %shift_right_logical3A_346 : i32 to vector<16xi32>
      %shift_right_logical3A_348 = arith.shrui %get3A_345, %shift_right_logical3A_347 : vector<16xi32>
      %swap3A_349 = arith.constant 16 : index
      %swap3A_350 = tpu.vector_load %arg7[%swap3A_349] {strides = array<i32>} : memref<128xi32, #tpu.memory_space<vmem>>, vector<16xi32>,
      %swap3A_351 = vector.shape_cast %swap3A_350 : vector<16xi32> to vector<16xi32>
      %swap3A_352 = vector.shape_cast %shift_right_logical3A_348 : vector<16xi32> to vector<16xi32>
      tpu.vector_store %arg7[%swap3A_349], %swap3A_352 {strides = array<i32>} : memref<128xi32, #tpu.memory_space<vmem>>, vector<16xi32>,
      %and3A_353 = arith.constant 16383 : i32
      %and3A_354 = vector.broadcast %and3A_353 : i32 to vector<16xi32>
      %and3A_355 = arith.andi %get3A_345, %and3A_354 : vector<16xi32>
      %swap3A_356 = arith.constant 16 : index
      %swap3A_357 = tpu.vector_load %arg8[%swap3A_356] {strides = array<i32>} : memref<128xi32, #tpu.memory_space<vmem>>, vector<16xi32>,
      %swap3A_358 = vector.shape_cast %swap3A_357 : vector<16xi32> to vector<16xi32>
      %swap3A_359 = vector.shape_cast %and3A_355 : vector<16xi32> to vector<16xi32>
      tpu.vector_store %arg8[%swap3A_356], %swap3A_359 {strides = array<i32>} : memref<128xi32, #tpu.memory_space<vmem>>, vector<16xi32>,
      %get3A_360 = arith.index_cast %add3A_323 : i32 to index
      %get3A_361 = arith.constant 32 : index
      %get3A_362 = tpu.vector_load %arg6[%get3A_360, %get3A_361] {strides = array<i32>} : memref<82x128xi32, #tpu.memory_space<vmem>>, vector<1x16xi32>,
      %get3A_363 = vector.shape_cast %get3A_362 : vector<1x16xi32> to vector<16xi32>
      %shift_right_logical3A_364 = arith.constant 14 : i32
      %shift_right_logical3A_365 = vector.broadcast %shift_right_logical3A_364 : i32 to vector<16xi32>
      %shift_right_logical3A_366 = arith.shrui %get3A_363, %shift_right_logical3A_365 : vector<16xi32>
      %swap3A_367 = arith.constant 32 : index
      %swap3A_368 = tpu.vector_load %arg7[%swap3A_367] {strides = array<i32>} : memref<128xi32, #tpu.memory_space<vmem>>, vector<16xi32>,
      %swap3A_369 = vector.shape_cast %swap3A_368 : vector<16xi32> to vector<16xi32>
      %swap3A_370 = vector.shape_cast %shift_right_logical3A_366 : vector<16xi32> to vector<16xi32>
      tpu.vector_store %arg7[%swap3A_367], %swap3A_370 {strides = array<i32>} : memref<128xi32, #tpu.memory_space<vmem>>, vector<16xi32>,
      %and3A_371 = arith.constant 16383 : i32
      %and3A_372 = vector.broadcast %and3A_371 : i32 to vector<16xi32>
      %and3A_373 = arith.andi %get3A_363, %and3A_372 : vector<16xi32>
      %swap3A_374 = arith.constant 32 : index
      %swap3A_375 = tpu.vector_load %arg8[%swap3A_374] {strides = array<i32>} : memref<128xi32, #tpu.memory_space<vmem>>, vector<16xi32>,
      %swap3A_376 = vector.shape_cast %swap3A_375 : vector<16xi32> to vector<16xi32>
      %swap3A_377 = vector.shape_cast %and3A_373 : vector<16xi32> to vector<16xi32>
      tpu.vector_store %arg8[%swap3A_374], %swap3A_377 {strides = array<i32>} : memref<128xi32, #tpu.memory_space<vmem>>, vector<16xi32>,
      %get3A_378 = arith.index_cast %add3A_323 : i32 to index
      %get3A_379 = arith.constant 48 : index
      %get3A_380 = tpu.vector_load %arg6[%get3A_378, %get3A_379] {strides = array<i32>} : memref<82x128xi32, #tpu.memory_space<vmem>>, vector<1x16xi32>,
      %get3A_381 = vector.shape_cast %get3A_380 : vector<1x16xi32> to vector<16xi32>
      %shift_right_logical3A_382 = arith.constant 14 : i32
      %shift_right_logical3A_383 = vector.broadcast %shift_right_logical3A_382 : i32 to vector<16xi32>
      %shift_right_logical3A_384 = arith.shrui %get3A_381, %shift_right_logical3A_383 : vector<16xi32>
      %swap3A_385 = arith.constant 48 : index
      %swap3A_386 = tpu.vector_load %arg7[%swap3A_385] {strides = array<i32>} : memref<128xi32, #tpu.memory_space<vmem>>, vector<16xi32>,
      %swap3A_387 = vector.shape_cast %swap3A_386 : vector<16xi32> to vector<16xi32>
      %swap3A_388 = vector.shape_cast %shift_right_logical3A_384 : vector<16xi32> to vector<16xi32>
      tpu.vector_store %arg7[%swap3A_385], %swap3A_388 {strides = array<i32>} : memref<128xi32, #tpu.memory_space<vmem>>, vector<16xi32>,
      %and3A_389 = arith.constant 16383 : i32
      %and3A_390 = vector.broadcast %and3A_389 : i32 to vector<16xi32>
      %and3A_391 = arith.andi %get3A_381, %and3A_390 : vector<16xi32>
      %swap3A_392 = arith.constant 48 : index
      %swap3A_393 = tpu.vector_load %arg8[%swap3A_392] {strides = array<i32>} : memref<128xi32, #tpu.memory_space<vmem>>, vector<16xi32>,
      %swap3A_394 = vector.shape_cast %swap3A_393 : vector<16xi32> to vector<16xi32>
      %swap3A_395 = vector.shape_cast %and3A_391 : vector<16xi32> to vector<16xi32>
      tpu.vector_store %arg8[%swap3A_392], %swap3A_395 {strides = array<i32>} : memref<128xi32, #tpu.memory_space<vmem>>, vector<16xi32>,
      %get3A_396 = arith.index_cast %add3A_323 : i32 to index
      %get3A_397 = arith.constant 64 : index
      %get3A_398 = tpu.vector_load %arg6[%get3A_396, %get3A_397] {strides = array<i32>} : memref<82x128xi32, #tpu.memory_space<vmem>>, vector<1x16xi32>,
      %get3A_399 = vector.shape_cast %get3A_398 : vector<1x16xi32> to vector<16xi32>
      %shift_right_logical3A_400 = arith.constant 14 : i32
      %shift_right_logical3A_401 = vector.broadcast %shift_right_logical3A_400 : i32 to vector<16xi32>
      %shift_right_logical3A_402 = arith.shrui %get3A_399, %shift_right_logical3A_401 : vector<16xi32>
      %swap3A_403 = arith.constant 64 : index
      %swap3A_404 = tpu.vector_load %arg7[%swap3A_403] {strides = array<i32>} : memref<128xi32, #tpu.memory_space<vmem>>, vector<16xi32>,
      %swap3A_405 = vector.shape_cast %swap3A_404 : vector<16xi32> to vector<16xi32>
      %swap3A_406 = vector.shape_cast %shift_right_logical3A_402 : vector<16xi32> to vector<16xi32>
      tpu.vector_store %arg7[%swap3A_403], %swap3A_406 {strides = array<i32>} : memref<128xi32, #tpu.memory_space<vmem>>, vector<16xi32>,
      %and3A_407 = arith.constant 16383 : i32
      %and3A_408 = vector.broadcast %and3A_407 : i32 to vector<16xi32>
      %and3A_409 = arith.andi %get3A_399, %and3A_408 : vector<16xi32>
      %swap3A_410 = arith.constant 64 : index
      %swap3A_411 = tpu.vector_load %arg8[%swap3A_410] {strides = array<i32>} : memref<128xi32, #tpu.memory_space<vmem>>, vector<16xi32>,
      %swap3A_412 = vector.shape_cast %swap3A_411 : vector<16xi32> to vector<16xi32>
      %swap3A_413 = vector.shape_cast %and3A_409 : vector<16xi32> to vector<16xi32>
      tpu.vector_store %arg8[%swap3A_410], %swap3A_413 {strides = array<i32>} : memref<128xi32, #tpu.memory_space<vmem>>, vector<16xi32>,
      %get3A_414 = arith.index_cast %add3A_323 : i32 to index
      %get3A_415 = arith.constant 80 : index
      %get3A_416 = tpu.vector_load %arg6[%get3A_414, %get3A_415] {strides = array<i32>} : memref<82x128xi32, #tpu.memory_space<vmem>>, vector<1x16xi32>,
      %get3A_417 = vector.shape_cast %get3A_416 : vector<1x16xi32> to vector<16xi32>
      %shift_right_logical3A_418 = arith.constant 14 : i32
      %shift_right_logical3A_419 = vector.broadcast %shift_right_logical3A_418 : i32 to vector<16xi32>
      %shift_right_logical3A_420 = arith.shrui %get3A_417, %shift_right_logical3A_419 : vector<16xi32>
      %swap3A_421 = arith.constant 80 : index
      %swap3A_422 = tpu.vector_load %arg7[%swap3A_421] {strides = array<i32>} : memref<128xi32, #tpu.memory_space<vmem>>, vector<16xi32>,
      %swap3A_423 = vector.shape_cast %swap3A_422 : vector<16xi32> to vector<16xi32>
      %swap3A_424 = vector.shape_cast %shift_right_logical3A_420 : vector<16xi32> to vector<16xi32>
      tpu.vector_store %arg7[%swap3A_421], %swap3A_424 {strides = array<i32>} : memref<128xi32, #tpu.memory_space<vmem>>, vector<16xi32>,
      %and3A_425 = arith.constant 16383 : i32
      %and3A_426 = vector.broadcast %and3A_425 : i32 to vector<16xi32>
      %and3A_427 = arith.andi %get3A_417, %and3A_426 : vector<16xi32>
      %swap3A_428 = arith.constant 80 : index
      %swap3A_429 = tpu.vector_load %arg8[%swap3A_428] {strides = array<i32>} : memref<128xi32, #tpu.memory_space<vmem>>, vector<16xi32>,
      %swap3A_430 = vector.shape_cast %swap3A_429 : vector<16xi32> to vector<16xi32>
      %swap3A_431 = vector.shape_cast %and3A_427 : vector<16xi32> to vector<16xi32>
      tpu.vector_store %arg8[%swap3A_428], %swap3A_431 {strides = array<i32>} : memref<128xi32, #tpu.memory_space<vmem>>, vector<16xi32>,
      %get3A_432 = arith.index_cast %add3A_323 : i32 to index
      %get3A_433 = arith.constant 96 : index
      %get3A_434 = tpu.vector_load %arg6[%get3A_432, %get3A_433] {strides = array<i32>} : memref<82x128xi32, #tpu.memory_space<vmem>>, vector<1x16xi32>,
      %get3A_435 = vector.shape_cast %get3A_434 : vector<1x16xi32> to vector<16xi32>
      %shift_right_logical3A_436 = arith.constant 14 : i32
      %shift_right_logical3A_437 = vector.broadcast %shift_right_logical3A_436 : i32 to vector<16xi32>
      %shift_right_logical3A_438 = arith.shrui %get3A_435, %shift_right_logical3A_437 : vector<16xi32>
      %swap3A_439 = arith.constant 96 : index
      %swap3A_440 = tpu.vector_load %arg7[%swap3A_439] {strides = array<i32>} : memref<128xi32, #tpu.memory_space<vmem>>, vector<16xi32>,
      %swap3A_441 = vector.shape_cast %swap3A_440 : vector<16xi32> to vector<16xi32>
      %swap3A_442 = vector.shape_cast %shift_right_logical3A_438 : vector<16xi32> to vector<16xi32>
      tpu.vector_store %arg7[%swap3A_439], %swap3A_442 {strides = array<i32>} : memref<128xi32, #tpu.memory_space<vmem>>, vector<16xi32>,
      %and3A_443 = arith.constant 16383 : i32
      %and3A_444 = vector.broadcast %and3A_443 : i32 to vector<16xi32>
      %and3A_445 = arith.andi %get3A_435, %and3A_444 : vector<16xi32>
      %swap3A_446 = arith.constant 96 : index
      %swap3A_447 = tpu.vector_load %arg8[%swap3A_446] {strides = array<i32>} : memref<128xi32, #tpu.memory_space<vmem>>, vector<16xi32>,
      %swap3A_448 = vector.shape_cast %swap3A_447 : vector<16xi32> to vector<16xi32>
      %swap3A_449 = vector.shape_cast %and3A_445 : vector<16xi32> to vector<16xi32>
      tpu.vector_store %arg8[%swap3A_446], %swap3A_449 {strides = array<i32>} : memref<128xi32, #tpu.memory_space<vmem>>, vector<16xi32>,
      %get3A_450 = arith.index_cast %add3A_323 : i32 to index
      %get3A_451 = arith.constant 112 : index
      %get3A_452 = tpu.vector_load %arg6[%get3A_450, %get3A_451] {strides = array<i32>} : memref<82x128xi32, #tpu.memory_space<vmem>>, vector<1x16xi32>,
      %get3A_453 = vector.shape_cast %get3A_452 : vector<1x16xi32> to vector<16xi32>
      %shift_right_logical3A_454 = arith.constant 14 : i32
      %shift_right_logical3A_455 = vector.broadcast %shift_right_logical3A_454 : i32 to vector<16xi32>
      %shift_right_logical3A_456 = arith.shrui %get3A_453, %shift_right_logical3A_455 : vector<16xi32>
      %swap3A_457 = arith.constant 112 : index
      %swap3A_458 = tpu.vector_load %arg7[%swap3A_457] {strides = array<i32>} : memref<128xi32, #tpu.memory_space<vmem>>, vector<16xi32>,
      %swap3A_459 = vector.shape_cast %swap3A_458 : vector<16xi32> to vector<16xi32>
      %swap3A_460 = vector.shape_cast %shift_right_logical3A_456 : vector<16xi32> to vector<16xi32>
      tpu.vector_store %arg7[%swap3A_457], %swap3A_460 {strides = array<i32>} : memref<128xi32, #tpu.memory_space<vmem>>, vector<16xi32>,
      %and3A_461 = arith.constant 16383 : i32
      %and3A_462 = vector.broadcast %and3A_461 : i32 to vector<16xi32>
      %and3A_463 = arith.andi %get3A_453, %and3A_462 : vector<16xi32>
      %swap3A_464 = arith.constant 112 : index
      %swap3A_465 = tpu.vector_load %arg8[%swap3A_464] {strides = array<i32>} : memref<128xi32, #tpu.memory_space<vmem>>, vector<16xi32>,
      %swap3A_466 = vector.shape_cast %swap3A_465 : vector<16xi32> to vector<16xi32>
      %swap3A_467 = vector.shape_cast %and3A_463 : vector<16xi32> to vector<16xi32>
      tpu.vector_store %arg8[%swap3A_464], %swap3A_467 {strides = array<i32>} : memref<128xi32, #tpu.memory_space<vmem>>, vector<16xi32>,
      %dma_start3A_468 = arith.constant 0 : i32
      %dma_start3A_469 = arith.constant 0 : i32
      %dma_start3A_470 = tpu.memref_slice %arg2[%dma_start3A_468, %dma_start3A_469] : memref<10000x128xf32, #tpu.memory_space<hbm>> -> memref<10000x128xf32, #tpu.memory_space<hbm>>
      tpu.enqueue_indirect_dma source(%dma_start3A_470 : memref<10000x128xf32, #tpu.memory_space<hbm>>) target(%arg11 : memref<128x128xf32, #tpu.memory_space<vmem>>) offsets(%arg7 : memref<128xi32, #tpu.memory_space<vmem>>) semaphore(%arg14 : memref<!tpu.dma_semaphore, #tpu.memory_space<semaphore_mem>>)
      %dma_wait3A_471 = arith.constant 0 : i32
      %dma_wait3A_472 = arith.constant 0 : i32
      %dma_wait3A_473 = tpu.memref_slice %arg2[%dma_wait3A_471, %dma_wait3A_472] : memref<10000x128xf32, #tpu.memory_space<hbm>> -> memref<10000x128xf32, #tpu.memory_space<hbm>>
      tpu.wait_indirect_dma semaphore(%arg15 : memref<!tpu.dma_semaphore, #tpu.memory_space<semaphore_mem>>) src(%dma_wait3A_473 : memref<10000x128xf32, #tpu.memory_space<hbm>>) dst(%arg12 : memref<128x128xf32, #tpu.memory_space<vmem>>)
      "tpu.region"() ({
        %run_scoped3A = tpu.sem_alloc : memref<!tpu.dma_semaphore, #tpu.memory_space<semaphore_mem>>
        %dma_start3A_474 = arith.constant 0 : i32
        %dma_start3A_475 = arith.constant 0 : i32
        %dma_start3A_476 = tpu.memref_slice %arg13[%dma_start3A_474, %dma_start3A_475] : memref<10112x128xf32, #tpu.memory_space<vmem_shared>> -> memref<10112x128xf32, #tpu.memory_space<vmem_shared>>
        tpu.enqueue_indirect_dma source(%arg12 : memref<128x128xf32, #tpu.memory_space<vmem>>) target(%dma_start3A_476 : memref<10112x128xf32, #tpu.memory_space<vmem_shared>>) offsets(%arg10 : memref<128xi32, #tpu.memory_space<vmem>>) semaphore(%run_scoped3A : memref<!tpu.dma_semaphore, #tpu.memory_space<semaphore_mem>>) {add = true}
        %dma_wait3A_477 = arith.constant 0 : i32
        %dma_wait3A_478 = arith.constant 0 : i32
        %dma_wait3A_479 = tpu.memref_slice %arg13[%dma_wait3A_477, %dma_wait3A_478] : memref<10112x128xf32, #tpu.memory_space<vmem_shared>> -> memref<10112x128xf32, #tpu.memory_space<vmem_shared>>
        tpu.wait_indirect_dma semaphore(%run_scoped3A : memref<!tpu.dma_semaphore, #tpu.memory_space<semaphore_mem>>) src(%arg12 : memref<128x128xf32, #tpu.memory_space<vmem>>) dst(%dma_wait3A_479 : memref<10112x128xf32, #tpu.memory_space<vmem_shared>>)
        tpu.yield
      }) : () -> ()
    }
    %scan3A_159 = arith.constant 40 : i32
    %dma_wait3A = arith.constant 0 : i32
    %dma_wait3A_160 = arith.constant 0 : i32
    %dma_wait3A_161 = tpu.memref_slice %arg2[%dma_wait3A, %dma_wait3A_160] : memref<10000x128xf32, #tpu.memory_space<hbm>> -> memref<10000x128xf32, #tpu.memory_space<hbm>>
    tpu.wait_indirect_dma semaphore(%arg14 : memref<!tpu.dma_semaphore, #tpu.memory_space<semaphore_mem>>) src(%dma_wait3A_161 : memref<10000x128xf32, #tpu.memory_space<hbm>>) dst(%arg11 : memref<128x128xf32, #tpu.memory_space<vmem>>)
    %barrier3A_162 = arith.constant 0 : index
    tpu.barrier barrier_id(%barrier3A_162)
    %mul3A_163 = arith.constant 632 : i32
    %mul3A_164 = arith.muli %arg1, %mul3A_163 : i32
    %mul3A_165 = arith.constant 632 : i32
    %mul3A_166 = arith.muli %arg1, %mul3A_165 : i32
    "tpu.region"() ({
      %run_scoped3A = tpu.sem_alloc : memref<!tpu.dma_semaphore, #tpu.memory_space<semaphore_mem>>
      %dma_start3A_167 = arith.constant 0 : i32
      %dma_start3A_168 = tpu.memref_slice %arg5[%arg0, %mul3A_166, %dma_start3A_167] : memref<2x10112x128xf32, #tpu.memory_space<hbm>> -> memref<1x632x128xf32, #tpu.memory_space<hbm>>
      %dma_start3A_169 = tpu.memref_squeeze %dma_start3A_168 : memref<1x632x128xf32, #tpu.memory_space<hbm>> -> memref<632x128xf32, #tpu.memory_space<hbm>>
      %dma_start3A_170 = arith.constant 0 : i32
      %dma_start3A_171 = tpu.memref_slice %arg13[%mul3A_164, %dma_start3A_170] : memref<10112x128xf32, #tpu.memory_space<vmem_shared>> -> memref<632x128xf32, #tpu.memory_space<vmem_shared>>
      tpu.enqueue_dma source(%dma_start3A_171 : memref<632x128xf32, #tpu.memory_space<vmem_shared>>) target(%dma_start3A_169 : memref<632x128xf32, #tpu.memory_space<hbm>>) target_semaphore(%run_scoped3A : memref<!tpu.dma_semaphore, #tpu.memory_space<semaphore_mem>>)
      %dma_wait3A_172 = arith.constant 0 : i32
      %dma_wait3A_173 = tpu.memref_slice %arg5[%arg0, %mul3A_166, %dma_wait3A_172] : memref<2x10112x128xf32, #tpu.memory_space<hbm>> -> memref<1x632x128xf32, #tpu.memory_space<hbm>>
      %dma_wait3A_174 = tpu.memref_squeeze %dma_wait3A_173 : memref<1x632x128xf32, #tpu.memory_space<hbm>> -> memref<632x128xf32, #tpu.memory_space<hbm>>
      %dma_wait3A_175 = arith.constant 0 : i32
      %dma_wait3A_176 = tpu.memref_slice %arg13[%mul3A_164, %dma_wait3A_175] : memref<10112x128xf32, #tpu.memory_space<vmem_shared>> -> memref<632x128xf32, #tpu.memory_space<vmem_shared>>
      tpu.wait_dma2 semaphore(%run_scoped3A : memref<!tpu.dma_semaphore, #tpu.memory_space<semaphore_mem>>) src(%dma_wait3A_176 : memref<632x128xf32, #tpu.memory_space<vmem_shared>>) dst(%dma_wait3A_174 : memref<632x128xf32, #tpu.memory_space<hbm>>)
      tpu.yield
    }) : () -> ()
    return
  }
}

module attributes {stable_mosaic.version = 14 : i64} {
  func.func @_tc_first(%arg0: memref<10000x128xf32, #tpu.memory_space<vmem>>, %arg1: memref<128x128xf32, #tpu.memory_space<vmem>>, %arg2: memref<2x10112x128xf32, #tpu.memory_space<vmem>>, %arg3: memref<10000x128xf32, #tpu.memory_space<vmem>>, %arg4: memref<10000x128xf32, #tpu.memory_space<vmem>>, %arg5: memref<10000x1xf32, #tpu.memory_space<vmem>>) attributes {dimension_semantics = [], scalar_prefetch = 0 : i64, scratch_operands = 0 : i64, tpu.core_type = #tpu.core_type<tc>} {
    %get3A = arith.constant 0 : index
    %get3A_0 = arith.constant 0 : index
    %get3A_1 = arith.constant 0 : index
    %get3A_2 = vector.load %arg2[%get3A, %get3A_0, %get3A_1] : memref<2x10112x128xf32, #tpu.memory_space<vmem>>, vector<1x10000x1xf32>
    %get3A_3 = vector.shape_cast %get3A_2 : vector<1x10000x1xf32> to vector<10000x1xf32>
    %get3A_4 = arith.constant 1 : index
    %get3A_5 = arith.constant 0 : index
    %get3A_6 = arith.constant 0 : index
    %get3A_7 = vector.load %arg2[%get3A_4, %get3A_5, %get3A_6] : memref<2x10112x128xf32, #tpu.memory_space<vmem>>, vector<1x10000x1xf32>
    %get3A_8 = vector.shape_cast %get3A_7 : vector<1x10000x1xf32> to vector<10000x1xf32>
    %add3A = arith.addf %get3A_3, %get3A_8 : vector<10000x1xf32>
    %add3A_9 = arith.constant 1.000000e+00 : f32
    %add3A_10 = vector.broadcast %add3A_9 : f32 to vector<10000x1xf32>
    %add3A_11 = arith.addf %add3A, %add3A_10 : vector<10000x1xf32>
    %rsqrt3A = math.rsqrt %add3A_11 : vector<10000x1xf32>
    %get3A_12 = arith.constant 0 : index
    %get3A_13 = arith.constant 0 : index
    %get3A_14 = vector.load %arg0[%get3A_12, %get3A_13] : memref<10000x128xf32, #tpu.memory_space<vmem>>, vector<10000x128xf32>
    %get3A_15 = arith.constant 0 : index
    %get3A_16 = arith.constant 0 : index
    %get3A_17 = vector.load %arg1[%get3A_15, %get3A_16] : memref<128x128xf32, #tpu.memory_space<vmem>>, vector<128x128xf32>
    %dot_general3A = arith.constant dense<0.000000e+00> : vector<10000x128xf32>
    %dot_general3A_18 = tpu.matmul %get3A_14, %get3A_17, %dot_general3A {dimension_numbers = #tpu.dot_dimension_numbers<[1], [0], [0], [1], [0, 0, 1, 1], [], []>, transpose_lhs_hint = false} : vector<10000x128xf32>, vector<128x128xf32>, vector<10000x128xf32> -> vector<10000x128xf32>
    %swap3A = arith.constant 0 : index
    %swap3A_19 = arith.constant 0 : index
    %swap3A_20 = vector.load %arg3[%swap3A, %swap3A_19] : memref<10000x128xf32, #tpu.memory_space<vmem>>, vector<10000x128xf32>
    tpu.vector_store %arg3[%swap3A, %swap3A_19], %dot_general3A_18 {strides = array<i32>} : memref<10000x128xf32, #tpu.memory_space<vmem>>, vector<10000x128xf32>,
    %mul3A = vector.broadcast %rsqrt3A : vector<10000x1xf32> to vector<10000x128xf32>
    %mul3A_21 = arith.mulf %dot_general3A_18, %mul3A : vector<10000x128xf32>
    %swap3A_22 = arith.constant 0 : index
    %swap3A_23 = arith.constant 0 : index
    %swap3A_24 = vector.load %arg4[%swap3A_22, %swap3A_23] : memref<10000x128xf32, #tpu.memory_space<vmem>>, vector<10000x128xf32>
    tpu.vector_store %arg4[%swap3A_22, %swap3A_23], %mul3A_21 {strides = array<i32>} : memref<10000x128xf32, #tpu.memory_space<vmem>>, vector<10000x128xf32>,
    %swap3A_25 = arith.constant 0 : index
    %swap3A_26 = arith.constant 0 : index
    %swap3A_27 = vector.load %arg5[%swap3A_25, %swap3A_26] : memref<10000x1xf32, #tpu.memory_space<vmem>>, vector<10000x1xf32>
    tpu.vector_store %arg5[%swap3A_25, %swap3A_26], %rsqrt3A {strides = array<i32>} : memref<10000x1xf32, #tpu.memory_space<vmem>>, vector<10000x1xf32>,
    return
  }
}

module attributes {stable_mosaic.version = 14 : i64} {
  func.func @_tc_proj(%arg0: memref<10000x128xf32, #tpu.memory_space<vmem>>, %arg1: memref<128x128xf32, #tpu.memory_space<vmem>>, %arg2: memref<1x128xf32, #tpu.memory_space<vmem>>, %arg3: memref<10000x128xf32, #tpu.memory_space<vmem>>) attributes {dimension_semantics = [], scalar_prefetch = 0 : i64, scratch_operands = 0 : i64, tpu.core_type = #tpu.core_type<tc>} {
    %get3A = arith.constant 0 : index
    %get3A_0 = arith.constant 0 : index
    %get3A_1 = vector.load %arg0[%get3A, %get3A_0] : memref<10000x128xf32, #tpu.memory_space<vmem>>, vector<10000x128xf32>
    %get3A_2 = arith.constant 0 : index
    %get3A_3 = arith.constant 0 : index
    %get3A_4 = vector.load %arg1[%get3A_2, %get3A_3] : memref<128x128xf32, #tpu.memory_space<vmem>>, vector<128x128xf32>
    %dot_general3A = arith.constant dense<0.000000e+00> : vector<10000x128xf32>
    %dot_general3A_5 = tpu.matmul %get3A_1, %get3A_4, %dot_general3A {dimension_numbers = #tpu.dot_dimension_numbers<[1], [0], [0], [1], [0, 0, 1, 1], [], []>, transpose_lhs_hint = false} : vector<10000x128xf32>, vector<128x128xf32>, vector<10000x128xf32> -> vector<10000x128xf32>
    %get3A_6 = arith.constant 0 : index
    %get3A_7 = arith.constant 0 : index
    %get3A_8 = vector.load %arg2[%get3A_6, %get3A_7] : memref<1x128xf32, #tpu.memory_space<vmem>>, vector<1x128xf32>
    %add3A = vector.broadcast %get3A_8 : vector<1x128xf32> to vector<10000x128xf32>
    %add3A_9 = arith.addf %dot_general3A_5, %add3A : vector<10000x128xf32>
    %max3A = arith.constant 0.000000e+00 : f32
    %max3A_10 = vector.broadcast %max3A : f32 to vector<10000x128xf32>
    %max3A_11 = arith.maximumf %add3A_9, %max3A_10 : vector<10000x128xf32>
    %swap3A = arith.constant 0 : index
    %swap3A_12 = arith.constant 0 : index
    %swap3A_13 = vector.load %arg3[%swap3A, %swap3A_12] : memref<10000x128xf32, #tpu.memory_space<vmem>>, vector<10000x128xf32>
    tpu.vector_store %arg3[%swap3A, %swap3A_12], %max3A_11 {strides = array<i32>} : memref<10000x128xf32, #tpu.memory_space<vmem>>, vector<10000x128xf32>,
    return
  }
}

module attributes {stable_mosaic.version = 14 : i64} {
  func.func @_tc_layer(%arg0: memref<2x10112x128xf32, #tpu.memory_space<vmem>>, %arg1: memref<10000x128xf32, #tpu.memory_space<vmem>>, %arg2: memref<10000x128xf32, #tpu.memory_space<vmem>>, %arg3: memref<10000x1xf32, #tpu.memory_space<vmem>>, %arg4: memref<1x128xf32, #tpu.memory_space<vmem>>, %arg5: memref<1x128xf32, #tpu.memory_space<vmem>>, %arg6: memref<1x128xf32, #tpu.memory_space<vmem>>, %arg7: memref<128x128xf32, #tpu.memory_space<vmem>>, %arg8: memref<10000x128xf32, #tpu.memory_space<vmem>>, %arg9: memref<10000x128xf32, #tpu.memory_space<vmem>>, %arg10: memref<10000x128xf32, #tpu.memory_space<vmem>>) attributes {dimension_semantics = [], scalar_prefetch = 0 : i64, scratch_operands = 0 : i64, tpu.core_type = #tpu.core_type<tc>} {
    %get3A = arith.constant 0 : index
    %get3A_0 = arith.constant 0 : index
    %get3A_1 = vector.load %arg3[%get3A, %get3A_0] : memref<10000x1xf32, #tpu.memory_space<vmem>>, vector<10000x1xf32>
    %get3A_2 = arith.constant 0 : index
    %get3A_3 = arith.constant 0 : index
    %get3A_4 = vector.load %arg1[%get3A_2, %get3A_3] : memref<10000x128xf32, #tpu.memory_space<vmem>>, vector<10000x128xf32>
    %get3A_5 = arith.constant 0 : index
    %get3A_6 = arith.constant 0 : index
    %get3A_7 = arith.constant 0 : index
    %get3A_8 = vector.load %arg0[%get3A_5, %get3A_6, %get3A_7] : memref<2x10112x128xf32, #tpu.memory_space<vmem>>, vector<1x10000x128xf32>
    %get3A_9 = vector.shape_cast %get3A_8 : vector<1x10000x128xf32> to vector<10000x128xf32>
    %get3A_10 = arith.constant 1 : index
    %get3A_11 = arith.constant 0 : index
    %get3A_12 = arith.constant 0 : index
    %get3A_13 = vector.load %arg0[%get3A_10, %get3A_11, %get3A_12] : memref<2x10112x128xf32, #tpu.memory_space<vmem>>, vector<1x10000x128xf32>
    %get3A_14 = vector.shape_cast %get3A_13 : vector<1x10000x128xf32> to vector<10000x128xf32>
    %add3A = arith.addf %get3A_9, %get3A_14 : vector<10000x128xf32>
    %mul3A = vector.broadcast %get3A_1 : vector<10000x1xf32> to vector<10000x128xf32>
    %mul3A_15 = arith.mulf %mul3A, %add3A : vector<10000x128xf32>
    %mul3A_16 = arith.mulf %get3A_1, %get3A_1 : vector<10000x1xf32>
    %mul3A_17 = vector.broadcast %mul3A_16 : vector<10000x1xf32> to vector<10000x128xf32>
    %mul3A_18 = arith.mulf %mul3A_17, %get3A_4 : vector<10000x128xf32>
    %add3A_19 = arith.addf %mul3A_15, %mul3A_18 : vector<10000x128xf32>
    %get3A_20 = arith.constant 0 : index
    %get3A_21 = arith.constant 0 : index
    %get3A_22 = vector.load %arg4[%get3A_20, %get3A_21] : memref<1x128xf32, #tpu.memory_space<vmem>>, vector<1x128xf32>
    %add3A_23 = vector.broadcast %get3A_22 : vector<1x128xf32> to vector<10000x128xf32>
    %add3A_24 = arith.addf %add3A_19, %add3A_23 : vector<10000x128xf32>
    %reduce_sum3A = arith.constant dense<0.000000e+00> : vector<128xf32>
    %reduce_sum3A_25 = vector.multi_reduction <add>, %add3A_24, %reduce_sum3A [0] : vector<10000x128xf32> to vector<128xf32>
    %broadcast_in_dim3A = vector.shape_cast %reduce_sum3A_25 : vector<128xf32> to vector<1x128xf32>
    %div3A = arith.constant 1.000000e+04 : f32
    %div3A_26 = vector.broadcast %div3A : f32 to vector<1x128xf32>
    %div3A_27 = arith.divf %broadcast_in_dim3A, %div3A_26 : vector<1x128xf32>
    %sub3A = vector.broadcast %div3A_27 : vector<1x128xf32> to vector<10000x128xf32>
    %sub3A_28 = arith.subf %add3A_24, %sub3A : vector<10000x128xf32>
    %integer_pow3A = arith.mulf %sub3A_28, %sub3A_28 : vector<10000x128xf32>
    %reduce_sum3A_29 = arith.constant dense<0.000000e+00> : vector<128xf32>
    %reduce_sum3A_30 = vector.multi_reduction <add>, %integer_pow3A, %reduce_sum3A_29 [0] : vector<10000x128xf32> to vector<128xf32>
    %broadcast_in_dim3A_31 = vector.shape_cast %reduce_sum3A_30 : vector<128xf32> to vector<1x128xf32>
    %div3A_32 = arith.constant 1.000000e+04 : f32
    %div3A_33 = vector.broadcast %div3A_32 : f32 to vector<1x128xf32>
    %div3A_34 = arith.divf %broadcast_in_dim3A_31, %div3A_33 : vector<1x128xf32>
    %get3A_35 = arith.constant 0 : index
    %get3A_36 = arith.constant 0 : index
    %get3A_37 = vector.load %arg5[%get3A_35, %get3A_36] : memref<1x128xf32, #tpu.memory_space<vmem>>, vector<1x128xf32>
    %sub3A_38 = vector.broadcast %div3A_27 : vector<1x128xf32> to vector<10000x128xf32>
    %sub3A_39 = arith.subf %add3A_24, %sub3A_38 : vector<10000x128xf32>
    %mul3A_40 = vector.broadcast %get3A_37 : vector<1x128xf32> to vector<10000x128xf32>
    %mul3A_41 = arith.mulf %mul3A_40, %sub3A_39 : vector<10000x128xf32>
    %add3A_42 = arith.constant 9.99999974E-6 : f32
    %add3A_43 = vector.broadcast %add3A_42 : f32 to vector<1x128xf32>
    %add3A_44 = arith.addf %div3A_34, %add3A_43 : vector<1x128xf32>
    %rsqrt3A = math.rsqrt %add3A_44 : vector<1x128xf32>
    %mul3A_45 = vector.broadcast %rsqrt3A : vector<1x128xf32> to vector<10000x128xf32>
    %mul3A_46 = arith.mulf %mul3A_41, %mul3A_45 : vector<10000x128xf32>
    %get3A_47 = arith.constant 0 : index
    %get3A_48 = arith.constant 0 : index
    %get3A_49 = vector.load %arg6[%get3A_47, %get3A_48] : memref<1x128xf32, #tpu.memory_space<vmem>>, vector<1x128xf32>
    %add3A_50 = vector.broadcast %get3A_49 : vector<1x128xf32> to vector<10000x128xf32>
    %add3A_51 = arith.addf %mul3A_46, %add3A_50 : vector<10000x128xf32>
    %max3A = arith.constant 0.000000e+00 : f32
    %max3A_52 = vector.broadcast %max3A : f32 to vector<10000x128xf32>
    %max3A_53 = arith.maximumf %add3A_51, %max3A_52 : vector<10000x128xf32>
    %get3A_54 = arith.constant 0 : index
    %get3A_55 = arith.constant 0 : index
    %get3A_56 = vector.load %arg2[%get3A_54, %get3A_55] : memref<10000x128xf32, #tpu.memory_space<vmem>>, vector<10000x128xf32>
    %add3A_57 = arith.addf %max3A_53, %get3A_56 : vector<10000x128xf32>
    %swap3A = arith.constant 0 : index
    %swap3A_58 = arith.constant 0 : index
    %swap3A_59 = vector.load %arg8[%swap3A, %swap3A_58] : memref<10000x128xf32, #tpu.memory_space<vmem>>, vector<10000x128xf32>
    tpu.vector_store %arg8[%swap3A, %swap3A_58], %add3A_57 {strides = array<i32>} : memref<10000x128xf32, #tpu.memory_space<vmem>>, vector<10000x128xf32>,
    %get3A_60 = arith.constant 0 : index
    %get3A_61 = arith.constant 0 : index
    %get3A_62 = vector.load %arg7[%get3A_60, %get3A_61] : memref<128x128xf32, #tpu.memory_space<vmem>>, vector<128x128xf32>
    %dot_general3A = arith.constant dense<0.000000e+00> : vector<10000x128xf32>
    %dot_general3A_63 = tpu.matmul %add3A_57, %get3A_62, %dot_general3A {dimension_numbers = #tpu.dot_dimension_numbers<[1], [0], [0], [1], [0, 0, 1, 1], [], []>, transpose_lhs_hint = false} : vector<10000x128xf32>, vector<128x128xf32>, vector<10000x128xf32> -> vector<10000x128xf32>
    %swap3A_64 = arith.constant 0 : index
    %swap3A_65 = arith.constant 0 : index
    %swap3A_66 = vector.load %arg9[%swap3A_64, %swap3A_65] : memref<10000x128xf32, #tpu.memory_space<vmem>>, vector<10000x128xf32>
    tpu.vector_store %arg9[%swap3A_64, %swap3A_65], %dot_general3A_63 {strides = array<i32>} : memref<10000x128xf32, #tpu.memory_space<vmem>>, vector<10000x128xf32>,
    %mul3A_67 = vector.broadcast %get3A_1 : vector<10000x1xf32> to vector<10000x128xf32>
    %mul3A_68 = arith.mulf %dot_general3A_63, %mul3A_67 : vector<10000x128xf32>
    %swap3A_69 = arith.constant 0 : index
    %swap3A_70 = arith.constant 0 : index
    %swap3A_71 = vector.load %arg10[%swap3A_69, %swap3A_70] : memref<10000x128xf32, #tpu.memory_space<vmem>>, vector<10000x128xf32>
    tpu.vector_store %arg10[%swap3A_69, %swap3A_70], %mul3A_68 {strides = array<i32>} : memref<10000x128xf32, #tpu.memory_space<vmem>>, vector<10000x128xf32>,
    return
  }
}

module attributes {stable_mosaic.version = 14 : i64} {
  func.func @_tc_last(%arg0: memref<2x10112x128xf32, #tpu.memory_space<vmem>>, %arg1: memref<10000x128xf32, #tpu.memory_space<vmem>>, %arg2: memref<10000x128xf32, #tpu.memory_space<vmem>>, %arg3: memref<10000x1xf32, #tpu.memory_space<vmem>>, %arg4: memref<1x128xf32, #tpu.memory_space<vmem>>, %arg5: memref<1x128xf32, #tpu.memory_space<vmem>>, %arg6: memref<1x128xf32, #tpu.memory_space<vmem>>, %arg7: memref<10000x128xf32, #tpu.memory_space<vmem>>) attributes {dimension_semantics = [], scalar_prefetch = 0 : i64, scratch_operands = 0 : i64, tpu.core_type = #tpu.core_type<tc>} {
    %get3A = arith.constant 0 : index
    %get3A_0 = arith.constant 0 : index
    %get3A_1 = vector.load %arg3[%get3A, %get3A_0] : memref<10000x1xf32, #tpu.memory_space<vmem>>, vector<10000x1xf32>
    %get3A_2 = arith.constant 0 : index
    %get3A_3 = arith.constant 0 : index
    %get3A_4 = vector.load %arg1[%get3A_2, %get3A_3] : memref<10000x128xf32, #tpu.memory_space<vmem>>, vector<10000x128xf32>
    %get3A_5 = arith.constant 0 : index
    %get3A_6 = arith.constant 0 : index
    %get3A_7 = arith.constant 0 : index
    %get3A_8 = vector.load %arg0[%get3A_5, %get3A_6, %get3A_7] : memref<2x10112x128xf32, #tpu.memory_space<vmem>>, vector<1x10000x128xf32>
    %get3A_9 = vector.shape_cast %get3A_8 : vector<1x10000x128xf32> to vector<10000x128xf32>
    %get3A_10 = arith.constant 1 : index
    %get3A_11 = arith.constant 0 : index
    %get3A_12 = arith.constant 0 : index
    %get3A_13 = vector.load %arg0[%get3A_10, %get3A_11, %get3A_12] : memref<2x10112x128xf32, #tpu.memory_space<vmem>>, vector<1x10000x128xf32>
    %get3A_14 = vector.shape_cast %get3A_13 : vector<1x10000x128xf32> to vector<10000x128xf32>
    %add3A = arith.addf %get3A_9, %get3A_14 : vector<10000x128xf32>
    %mul3A = vector.broadcast %get3A_1 : vector<10000x1xf32> to vector<10000x128xf32>
    %mul3A_15 = arith.mulf %mul3A, %add3A : vector<10000x128xf32>
    %mul3A_16 = arith.mulf %get3A_1, %get3A_1 : vector<10000x1xf32>
    %mul3A_17 = vector.broadcast %mul3A_16 : vector<10000x1xf32> to vector<10000x128xf32>
    %mul3A_18 = arith.mulf %mul3A_17, %get3A_4 : vector<10000x128xf32>
    %add3A_19 = arith.addf %mul3A_15, %mul3A_18 : vector<10000x128xf32>
    %get3A_20 = arith.constant 0 : index
    %get3A_21 = arith.constant 0 : index
    %get3A_22 = vector.load %arg4[%get3A_20, %get3A_21] : memref<1x128xf32, #tpu.memory_space<vmem>>, vector<1x128xf32>
    %add3A_23 = vector.broadcast %get3A_22 : vector<1x128xf32> to vector<10000x128xf32>
    %add3A_24 = arith.addf %add3A_19, %add3A_23 : vector<10000x128xf32>
    %reduce_sum3A = arith.constant dense<0.000000e+00> : vector<128xf32>
    %reduce_sum3A_25 = vector.multi_reduction <add>, %add3A_24, %reduce_sum3A [0] : vector<10000x128xf32> to vector<128xf32>
    %broadcast_in_dim3A = vector.shape_cast %reduce_sum3A_25 : vector<128xf32> to vector<1x128xf32>
    %div3A = arith.constant 1.000000e+04 : f32
    %div3A_26 = vector.broadcast %div3A : f32 to vector<1x128xf32>
    %div3A_27 = arith.divf %broadcast_in_dim3A, %div3A_26 : vector<1x128xf32>
    %sub3A = vector.broadcast %div3A_27 : vector<1x128xf32> to vector<10000x128xf32>
    %sub3A_28 = arith.subf %add3A_24, %sub3A : vector<10000x128xf32>
    %integer_pow3A = arith.mulf %sub3A_28, %sub3A_28 : vector<10000x128xf32>
    %reduce_sum3A_29 = arith.constant dense<0.000000e+00> : vector<128xf32>
    %reduce_sum3A_30 = vector.multi_reduction <add>, %integer_pow3A, %reduce_sum3A_29 [0] : vector<10000x128xf32> to vector<128xf32>
    %broadcast_in_dim3A_31 = vector.shape_cast %reduce_sum3A_30 : vector<128xf32> to vector<1x128xf32>
    %div3A_32 = arith.constant 1.000000e+04 : f32
    %div3A_33 = vector.broadcast %div3A_32 : f32 to vector<1x128xf32>
    %div3A_34 = arith.divf %broadcast_in_dim3A_31, %div3A_33 : vector<1x128xf32>
    %get3A_35 = arith.constant 0 : index
    %get3A_36 = arith.constant 0 : index
    %get3A_37 = vector.load %arg5[%get3A_35, %get3A_36] : memref<1x128xf32, #tpu.memory_space<vmem>>, vector<1x128xf32>
    %sub3A_38 = vector.broadcast %div3A_27 : vector<1x128xf32> to vector<10000x128xf32>
    %sub3A_39 = arith.subf %add3A_24, %sub3A_38 : vector<10000x128xf32>
    %mul3A_40 = vector.broadcast %get3A_37 : vector<1x128xf32> to vector<10000x128xf32>
    %mul3A_41 = arith.mulf %mul3A_40, %sub3A_39 : vector<10000x128xf32>
    %add3A_42 = arith.constant 9.99999974E-6 : f32
    %add3A_43 = vector.broadcast %add3A_42 : f32 to vector<1x128xf32>
    %add3A_44 = arith.addf %div3A_34, %add3A_43 : vector<1x128xf32>
    %rsqrt3A = math.rsqrt %add3A_44 : vector<1x128xf32>
    %mul3A_45 = vector.broadcast %rsqrt3A : vector<1x128xf32> to vector<10000x128xf32>
    %mul3A_46 = arith.mulf %mul3A_41, %mul3A_45 : vector<10000x128xf32>
    %get3A_47 = arith.constant 0 : index
    %get3A_48 = arith.constant 0 : index
    %get3A_49 = vector.load %arg6[%get3A_47, %get3A_48] : memref<1x128xf32, #tpu.memory_space<vmem>>, vector<1x128xf32>
    %add3A_50 = vector.broadcast %get3A_49 : vector<1x128xf32> to vector<10000x128xf32>
    %add3A_51 = arith.addf %mul3A_46, %add3A_50 : vector<10000x128xf32>
    %max3A = arith.constant 0.000000e+00 : f32
    %max3A_52 = vector.broadcast %max3A : f32 to vector<10000x128xf32>
    %max3A_53 = arith.maximumf %add3A_51, %max3A_52 : vector<10000x128xf32>
    %get3A_54 = arith.constant 0 : index
    %get3A_55 = arith.constant 0 : index
    %get3A_56 = vector.load %arg2[%get3A_54, %get3A_55] : memref<10000x128xf32, #tpu.memory_space<vmem>>, vector<10000x128xf32>
    %add3A_57 = arith.addf %max3A_53, %get3A_56 : vector<10000x128xf32>
    %swap3A = arith.constant 0 : index
    %swap3A_58 = arith.constant 0 : index
    %swap3A_59 = vector.load %arg7[%swap3A, %swap3A_58] : memref<10000x128xf32, #tpu.memory_space<vmem>>, vector<10000x128xf32>
    tpu.vector_store %arg7[%swap3A, %swap3A_58], %add3A_57 {strides = array<i32>} : memref<10000x128xf32, #tpu.memory_space<vmem>>, vector<10000x128xf32>,
    return
  }
}

</mosaic_0001>

<sc_bundles>
// kernel: kernel.13.cloned.1.call-start
scs
__scs_entry_jumppad:
0x0: {  	(pc) =	sbr.rel $0x88, $3  }
0x1: {  	(tag) =	ssettag $0x0;
	lr =	simm.s32 $0x1  }
0x2: {  	[smem:$0x3F99] =	sst lr;
	_ =	strace $0xD0000000  }
0x3: {  	_ = 	snop  }
0x4: {  	_ = 	snop  }
0x5: {  	_ = 	snop  }
0x6: {  	_ = 	snop  }
0x7: {  	_ = 	snop  }
__scs_overlays_trampoline_lowered:
0x8: {  	[smem:$0x3FA8] =	sst s0  }
0x9: {  	[smem:$0x3FA9] =	sst s1  }
0xa: {  	[smem:$0x3FAA] =	sst s2  }
0xb: {  	[smem:$0x3FAB] =	sst s3  }
0xc: {  	[smem:$0x3FAC] =	sst s4  }
0xd: {  	[smem:$0x3FAD] =	sst s5  }
0xe: {  	[smem:$0x3FAE] =	sst s6  }
0xf: {  	[smem:$0x3FAF] =	sst s7  }
0x10: {  	[smem:$0x3FB0] =	sst s8  }
0x11: {  	[smem:$0x3FB1] =	sst s9;
	s0 =	simm.s32 @!p0 $0x0  }
0x12: {  	s1 =	sld [smem:$0x3F97];
	s0 =	simm.s32 @p0 $0x1  }
0x13: {  	[smem:$0x3FB2] =	sst s0;
	s0 =	simm.s32 @!p1 $0x0  }
0x14: {  	s2 =	sld [smem:$0x3F96];
	s0 =	simm.s32 @p1 $0x1  }
0x15: {  	[smem:$0x3FB3] =	sst s0;
	s0 =	simm.s32 @!p2 $0x0  }
0x16: {  	s3 =	sld [smem:$0x3FDB];
	s0 =	simm.s32 @p2 $0x1  }
0x17: {  	s4 =	simm.s32 $0x1BF5;
	[smem:$0x3FB5] =	sst s0  }
0x18: {  	s0 =	sld [smem:$0x3F98];
	_ =	swait.ge [sflag:s4], $0x0  }
0x19: {  	s7 =	sld [smem:$0x3F99]  }
0x1a: {  	s8 =	sadd.s32 $0xFFFFE003, lr  }
0x1b: {  	s9 =	sadd.s32 $0xFFFFFEF7, lr;
	s5 =	simm.s32 $0xFFFFFFFF;
	p2 =	slt.u32 s8, $0xFFFFF086  }
0x1c: {  	p1 =	slt.u32 s9, $0xF7A;
	s5 =	simm.s32 @!p2 $0x0  }
0x1d: {  	s5 =	simm.s32 @p1 $0x1;
	p0 =	seq.s32 s7, s2  }
0x1e: {  	s7 =	smul.u32 @!p0 $0xF7A, s2;
	p2 =	seq.s32 @!p0 s5, $0x0  }
0x1f: {  	s9 =	smul.u32 $0xF7A, s1;
	s8 =	simm.s32 @!p0 $0x1BF5;
	p2 =	por !p2, p0  }
0x20: {  	[sflag:s8] =	ssyncset.s32 @!p0 $0xFFFFF086;
	s6 =	sadd.s32 @!p0 s3, s7;
	s7 =	simm.s32 @!p0 $0x108  }
0x21: {  	s3 =	sadd.s32 s3, s9;
	s6 =	sadd.s32 @!p0 $0x88, s6;
	s7 =	simm.s32 @p2 $0x1082  }
0x22: {  	[simem:s7], [sflag:s8] =	dma.local @!p0 [hbm:s6], $0xF7A  }
0x23: {  	s9 =	sor.u32 $0xD0000000, s2;
	s6 =	simm.s32 $0x108;
	_ =	swait.ge @!p0 [sflag:s8], $0x0  }
0x24: {  	s3 =	sadd.s32 $0x88, s3;
	s6 =	simm.s32 @!p1 $0x1082;
	[sflag:s4] =	ssyncset.s32 $0xFFFFF086  }
0x25: {  	[simem:s6], [sflag:s4] =	dma.local [hbm:s3], $0xF7A  }
0x26: {  	[smem:$0x3F99] =	sst s1;
	(tag) =	ssettag s2;
	_ =	strace s9  }
0x27: {  	s1 =	sld [smem:$0x3FA9]  }
0x28: {  	s2 =	sld [smem:$0x3FAA]  }
0x29: {  	s4 =	sld [smem:$0x3FAC]  }
0x2a: {  	p0 =	seq.s32 s5, $0x0;
	s5 =	sld [smem:$0x3FAD]  }
0x2b: {  	s6 =	sld [smem:$0x3FAE]  }
0x2c: {  	s7 =	sld [smem:$0x3FAF]  }
0x2d: {  	s3 =	simm.s32 $0x108;
	s8 =	sld [smem:$0x3FB0]  }
0x2e: {  	s3 =	simm.s32 @!p0 $0x1082;
	s9 =	sld [smem:$0x3FB1]  }
0x2f: {  	lr =	sadd.s32 s0, s3;
	s0 =	sld [smem:$0x3FA8]  }
0x30: {  	s3 =	sld [smem:$0x3FAB]  }
0x31: {  	[smem:$0x3FB4] =	sst s10  }
0x32: {  	s10 =	sld [smem:$0x3FB2];
	_ =	sdelay $0x3  }
0x33: {  	p0 =	seq.s32 s10, $0x1;
	s10 =	sld [smem:$0x3FB4];
	_ =	sdelay $0x3  }
0x34: {  	[smem:$0x3FB4] =	sst s10  }
0x35: {  	s10 =	sld [smem:$0x3FB3];
	_ =	sdelay $0x3  }
0x36: {  	p1 =	seq.s32 s10, $0x1;
	s10 =	sld [smem:$0x3FB4];
	_ =	sdelay $0x3  }
0x37: {  	[smem:$0x3FB4] =	sst s10  }
0x38: {  	s10 =	sld [smem:$0x3FB5]  }
0x39: {  	_ = 	snop;
	(pc) =	sbr.ind lr, $3  }
0x3a: {  	_ = 	snop  }
0x3b: {  	_ = 	snop  }
0x3c: {  	p2 =	seq.s32 s10, $0x1;
	s10 =	sld [smem:$0x3FB4]  }
0x3d: {  	_ =	shalt  }
0x3e: {  	_ =	shalt  }
0x3f: {  	_ =	shalt  }
0x40: {  	_ =	shalt  }
0x41: {  	_ =	shalt  }
0x42: {  	_ =	shalt  }
0x43: {  	_ =	shalt  }
0x44: {  	_ =	shalt  }
0x45: {  	_ =	shalt  }
0x46: {  	_ =	shalt  }
0x47: {  	_ =	shalt  }
0x48: {  	_ =	shalt  }
0x49: {  	_ =	shalt  }
0x4a: {  	_ =	shalt  }
0x4b: {  	_ =	shalt  }
0x4c: {  	_ =	shalt  }
0x4d: {  	_ =	shalt  }
0x4e: {  	_ =	shalt  }
0x4f: {  	_ =	shalt  }
0x50: {  	_ =	shalt  }
0x51: {  	_ =	shalt  }
0x52: {  	_ =	shalt  }
0x53: {  	_ =	shalt  }
0x54: {  	_ =	shalt  }
0x55: {  	_ =	shalt  }
0x56: {  	_ =	shalt  }
0x57: {  	_ =	shalt  }
0x58: {  	_ =	shalt  }
0x59: {  	_ =	shalt  }
0x5a: {  	_ =	shalt  }
0x5b: {  	_ =	shalt  }
0x5c: {  	_ =	shalt  }
0x5d: {  	_ =	shalt  }
0x5e: {  	_ =	shalt  }
0x5f: {  	_ =	shalt  }
0x60: {  	_ =	shalt  }
0x61: {  	_ =	shalt  }
0x62: {  	_ =	shalt  }
0x63: {  	_ =	shalt  }
0x64: {  	_ =	shalt  }
0x65: {  	_ =	shalt  }
0x66: {  	_ =	shalt  }
0x67: {  	_ =	shalt  }
0x68: {  	_ =	shalt  }
0x69: {  	_ =	shalt  }
0x6a: {  	_ =	shalt  }
0x6b: {  	_ =	shalt  }
0x6c: {  	_ =	shalt  }
0x6d: {  	_ =	shalt  }
0x6e: {  	_ =	shalt  }
0x6f: {  	_ =	shalt  }
0x70: {  	_ =	shalt  }
0x71: {  	_ =	shalt  }
0x72: {  	_ =	shalt  }
0x73: {  	_ =	shalt  }
0x74: {  	_ =	shalt  }
0x75: {  	_ =	shalt  }
0x76: {  	_ =	shalt  }
0x77: {  	_ =	shalt  }
0x78: {  	_ =	shalt  }
0x79: {  	_ =	shalt  }
0x7a: {  	_ =	shalt  }
0x7b: {  	_ =	shalt  }
0x7c: {  	_ =	shalt  }
0x7d: {  	_ =	shalt  }
0x7e: {  	_ =	shalt  }
0x7f: {  	_ =	shalt  }
0x80: {  	_ =	shalt  }
0x81: {  	_ =	shalt  }
0x82: {  	_ =	shalt  }
0x83: {  	_ =	shalt  }
0x84: {  	_ =	shalt  }
0x85: {  	_ =	shalt  }
0x86: {  	_ =	shalt  }
0x87: {  	_ =	shalt  }
.Lfunc_end0:
.L_simem_size_0:
called_computation_lowered:
.L_overlay_start_0:
0x88: {  	s2 =	sld [smem:$0x3FD9]  }
0x89: {  	s3 =	sld [smem:$0x3FFE];
	_ =	sdelay $0x1  }
0x8a: {  	s1 =	srdreg.scid  }
0x8b: {  	s0 =	sand.u32 $0x1, s1  }
0x8c: {  	s17 =	sshll.u32 s0, $0xA;
	s2 =	sadd.s32 s3, s2  }
0x8d: {  	s2 =	sadd.s32 s2, s17  }
0x8e: {  	[smem:$0x3FC0] =	sst s2  }
0x8f: {  	_ = 	snop  }
0x90: {  	s2 =	sld [smem:$0x3FD0];
	(tm) =	ssettm $0x1  }
0x91: {  	s18 =	sld [smem:$0x3FFB];
	_ =	sdelay $0x3  }
0x92: {  	_ =	strace s18  }
0x93: {  	s3 =	sld [smem:$0x3FFC];
	_ =	sdelay $0x3  }
0x94: {  	_ =	strace s3  }
0x95: {  	s3 =	sld [smem:$0x3FFD];
	_ =	sdelay $0x3  }
0x96: {  	_ =	strace s3  }
0x97: {  	_ =	strace $0x8FFFFFFF  }
0x98: {  	s19 =	sld [smem:$0x3FDB];
	_ =	sdelay $0x1  }
0x99: {  	s4 =	simm.s32 $_scs_section_size  }
0x9a: {  	s5 =	simm.s32 $_size__tile_overlayer_lowered;
	s6 =	simm.s32 $_tile_overlayer_lowered  }
0x9b: {  	s22 =	simm.s32 $0x1BFF;
	s21 =	sshll.u32 s6, $0x1;
	s3 =	sadd.s32 s4, s19  }
0x9c: {  	s7 =	simm.s32 $0x0;
	s20 =	sshll.u32 s5, $0x1;
	s5 =	sadd.s32 s21, s3  }
0x9d: {  	[timem:s7], [sflag:s22] =	dma.local [hbm:s5], s20  }
0x9e: {  	_ =	swait.ge [sflag:s22], s20  }
0x9f: {  	s4 =	ssub.s32 $0x0, s20;
	[sflag:s22] =	ssyncset.done $0x0  }
0xa0: {  	[sflag:s22] =	ssyncadd.s32 s4;
	_ =	sdelay $0x1  }
0xa1: {  	s23 =	simm.s32 $0x1B8B  }
0xa2: {  	_ =	swait.ge [sflag:s23], $0x1  }
0xa3: {  	[sflag:s23] =	ssyncset.done $0x0  }
0xa4: {  	s25 =	simm.s32 $0x1B8E;
	s24 =	sld [smem:$0x3FFE];
	[sflag:s23] =	ssyncadd.s32 $0xFFFFFFFF  }
0xa5: {  	s26 =	simm.s32 $execute0_lowered;
	[smem:$0x3FD2] =	sst s25  }
0xa6: {  	s5 =	sshll.u32 s26, $0x1;
	_ =	strace $0x80000046;
	[dreg:$0x1] =	wrdreg $0xFFFFFFFF  }
0xa7: {  	s28 =	simm.s32 $_size_execute0_lowered;
	s3 =	sadd.s32 s3, s5;
	[dreg:$0x0] =	wrdreg $0x0  }
0xa8: {  	s5 =	sshll.u32 s28, $0x1;
	[dreg:$0x2] =	wrdreg s3  }
0xa9: {  	[dreg:$0x3] =	wrdreg s5  }
0xaa: {  	[dreg:$0x4] =	wrdreg $0xC0  }
0xab: {  	_ =	task [dreg:s7], $0x5FFFF  }
0xac: {  	[dreg:$0x1] =	wrdreg $0xFFFFFFFF  }
0xad: {  	[dreg:$0x0] =	wrdreg $0x60  }
0xae: {  	[dreg:$0x2] =	wrdreg s24  }
0xaf: {  	[dreg:$0x3] =	wrdreg s2  }
0xb0: {  	[dreg:$0x4] =	wrdreg $0x6D800  }
0xb1: {  	[dreg:$0x5] =	wrdreg $0x9  }
0xb2: {  	_ =	task.clear_ibuf [dreg:s7], $0x6FFFF;
	_ =	strace $0x90000046  }
0xb3: {  	s29 =	simm.s32 $0x9;
	_ =	strace $0x80000048  }
0xb4: {  	_ =	swait.ge [sflag:s29], $0x1  }
0xb5: {  	[sflag:s29] =	ssyncadd.s32 $0xFFFFFFFF  }
0xb6: {  	_ =	strace $0x90000048  }
0xb7: {  	_ =	sfence  }
0xb8: {  	s30 =	sld [smem:$0x0];
	_ =	sdelay $0x2  }
0xb9: {  	s31 =	sshll.u32 s1, $0xD;
	s1 =	sshrl.u32 s1, $0x2  }
0xba: {  	s3 =	sand.u32 $0x4000, s31;
	s1 =	sadd.s32 s1, s30  }
0xbb: {  	s0 =	sor.u32 s3, s0;
	s1 =	sshll.u32 s1, $0x11  }
0xbc: {  	s0 =	sor.u32 s1, s0  }
0xbd: {  	s0 =	sadd.s32 $0x8F2B, s0  }
0xbe: {  	[sflag:s0] =	ssyncadd.remote.s32 $0x1  }
0xbf: {  	_ =	sfence.sel $0xFFFF  }
0xc0: {  	[dreg:$0x0] =	wrdreg $0xFFFFFFFF;
	(pc) =	sbr.abs _section_cstart, $3  }
0xc1: {  	[dreg:$0x1] =	wrdreg $0xFFFFFFFF  }
0xc2: {  	_ =	task.clear_ibuf [dreg:s7], $0x2FFFF;
	_ =	strace $0x9FFFFFFF  }
0xc3: {  	(tm) =	ssettm $0x7FFFFFFF  }
tec
execute0_lowered:
.L_overlay_start_1:
0x0: {  	(tag) =	ssettag $0x1  }
0x1: {  	s6 =	rddreg [dreg:$0x0]  }
0x2: {  	s0 =	srdreg.scid;
	s2 =	rddreg [dreg:$0x1]  }
0x3: {  	s3 =	rddreg [dreg:$0x2];
	s4 =	simm.s32 $0x0;
	s13 =	simm.s32 $0x80  }
0x4: {  	s14 =	simm.s32 $0x2C80;
	s15 =	simm.s32 $0x2D00;
	s16 =	simm.s32 $0x1  }
0x5: {  	s17 =	simm.s32 $0x2;
	s5 =	sand.u32 $0x1, s0;
	s0 =	stileid.u32  }
0x6: {  	s18 =	simm.s32 $0x0;
	[smem:$0x7FF] =	sst s4;
	s8 =	smul.u32 $0x13C00, s0  }
0x7: {  	s1 =	sshll.u32 s5, $0x4;
	s9 =	smul.u32 $0x13C000, s5;
	s5 =	ssub.s32 $0x2, s5  }
0x8: {  	s28 =	smul.u32 $0x4F000, s0;
	s31 =	sshll.u32 s0, $0x6;
	s1 =	sor.u32 s0, s1  }
0x9: {  	s29 =	sshrl.u32 s5, $0x1;
	s7 =	smul.u32 $0x580, s1;
	s1 =	rddreg [dreg:$0x3]  }
0xa: {  	_ =	strace $0x80000047;
	s10 =	sshrl.u32 s8, $0x3;
	s8 =	sadd.s32 s8, s9  }
0xb: {  	s11 =	ssub.s32 s5, s29;
	s30 =	sshrl.u32 s28, $0x2;
	s8 =	sshrl.u32 s8, $0x3  }
0xc: {  	s10 =	sadd.s32 s10, s6;
	s12 =	sadd.s32 s30, s3;
	s9 =	smax.u32 s11, $0x1  }
0xd: {  	s11 =	simm.s32 $0x3;
	s7 =	sadd.s32 s7, s6;
	s8 =	sadd.s32 s8, s6  }
0xe: {  	s5 =	sadd.s32 $0xF800, s10;
	s6 =	sor.u32 $0x1C03, s31;
	s10 =	sshrl.u32 s12, $0x3  }
0xf: {  	s12 =	simm.s32 $0x2D80;
	s7 =	sadd.s32 $0x4800, s7;
	s8 =	sadd.s32 $0x37000, s8  }
.LBB2_1:
0x10: {  	[spmem:s10], [sflag:s6] =	dma.local [hbm:s5], $0x2780  }
0x11: {  	_ =	swait.ge [sflag:s11], $0x2780  }
0x12: {  	[sflag:s11] =	ssyncset.done $0x0  }
0x13: {  	[sflag:s11] =	ssyncadd.s32 $0xFFFFD880  }
0x14: {  	[tilespmem:s4], [sflag:$0x3] =	stream.linear.gather [hbm4b:s7+s4], $0x2900, $0x38;
	[tilespmem:$0x1A980] =	vst v63  }
0x15: {  	_ =	swait.ge [sflag:s11], $0x2900  }
0x16: {  	[sflag:s11] =	ssyncset.done $0x0  }
0x17: {  	[sflag:s11] =	ssyncadd.s32 $0xFFFFD700  }
0x18: {  	[tilespmem:s12], [sflag:$0x3] =	stream.linear.gather [hbm4b:s2+s4], $0x4000, $0x38;
	[tilespmem:$0x1A980] =	vst v63  }
0x19: {  	_ =	swait.ge [sflag:s11], $0x4000  }
0x1a: {  	[sflag:s11] =	ssyncset.done $0x0  }
0x1b: {  	[sflag:s11] =	ssyncadd.s32 $0xFFFFC000  }
0x1c: {  	[bflag:$0x0] =	sbarrier.arrive $0xFFFF  }
0x1d: {  	v0 =	vld [tilespmem:$0x0];
	_ =	sdelay $0x1  }
0x1e: {  	v1 =	vld [tilespmem:$0x10];
	_ =	sdelay $0x1  }
0x1f: {  	v2 =	vld [tilespmem:$0x20]  }
0x20: {  	v3 =	vshrl.u32 v0, $0xE  }
0x21: {  	v6 =	vld [tilespmem:$0x30];
	v0 =	vand.u32 $0x3FFF, v0;
	[tilespmem:$0x2C00] =	vst v3  }
0x22: {  	v7 =	vshrl.u32 v1, $0xE;
	[tilespmem:$0x2C80] =	vst v0  }
0x23: {  	v9 =	vld [tilespmem:$0x40];
	v8 =	vand.u32 $0x3FFF, v1;
	[tilespmem:$0x2C10] =	vst v7  }
0x24: {  	v10 =	vshrl.u32 v2, $0xE;
	[tilespmem:$0x2C90] =	vst v8  }
0x25: {  	v12 =	vld [tilespmem:$0x50];
	v11 =	vand.u32 $0x3FFF, v2;
	[tilespmem:$0x2C20] =	vst v10  }
0x26: {  	v13 =	vshrl.u32 v6, $0xE;
	[tilespmem:$0x2CA0] =	vst v11  }
0x27: {  	v15 =	vld [tilespmem:$0x60];
	v14 =	vand.u32 $0x3FFF, v6;
	[tilespmem:$0x2C30] =	vst v13  }
0x28: {  	v16 =	vshrl.u32 v9, $0xE;
	[tilespmem:$0x2CB0] =	vst v14  }
0x29: {  	v18 =	vld [tilespmem:$0x70];
	v17 =	vand.u32 $0x3FFF, v9;
	[tilespmem:$0x2C40] =	vst v16  }
0x2a: {  	v19 =	vshrl.u32 v12, $0xE;
	[tilespmem:$0x2CC0] =	vst v17  }
0x2b: {  	v20 =	vand.u32 $0x3FFF, v12;
	[tilespmem:$0x2C50] =	vst v19  }
0x2c: {  	v21 =	vshrl.u32 v15, $0xE;
	[tilespmem:$0x2CD0] =	vst v20  }
0x2d: {  	v22 =	vand.u32 $0x3FFF, v15;
	[tilespmem:$0x2C60] =	vst v21  }
0x2e: {  	v23 =	vshrl.u32 v18, $0xE;
	[tilespmem:$0x2CE0] =	vst v22  }
0x2f: {  	v24 =	vand.u32 $0x3FFF, v18;
	[tilespmem:$0x2C70] =	vst v23  }
0x30: {  	[tilespmem:$0x2CF0] =	vst v24  }
0x31: {  	[spmem:s3] =	stream.indirect.scatter.add.f32 [tilespmem:s12], [sflag:$0x1], $0x80, s14, s13, $0xb8;
	[tilespmem:$0x1A980] =	vst v63  }
0x32: {  	v25 =	vld [tilespmem:$0x80];
	_ =	sdelay $0x1  }
0x33: {  	v26 =	vld [tilespmem:$0x90];
	_ =	sdelay $0x1  }
0x34: {  	v27 =	vld [tilespmem:$0xA0]  }
0x35: {  	v28 =	vshrl.u32 v25, $0xE  }
0x36: {  	v29 =	vld [tilespmem:$0xB0];
	v0 =	vand.u32 $0x3FFF, v25;
	[tilespmem:$0x2C00] =	vst v28  }
0x37: {  	v30 =	vshrl.u32 v26, $0xE;
	[tilespmem:$0x2D00] =	vst v0  }
0x38: {  	v32 =	vld [tilespmem:$0xC0];
	v31 =	vand.u32 $0x3FFF, v26;
	[tilespmem:$0x2C10] =	vst v30  }
0x39: {  	v33 =	vshrl.u32 v27, $0xE;
	[tilespmem:$0x2D10] =	vst v31  }
0x3a: {  	v35 =	vld [tilespmem:$0xD0];
	v34 =	vand.u32 $0x3FFF, v27;
	[tilespmem:$0x2C20] =	vst v33  }
0x3b: {  	v36 =	vshrl.u32 v29, $0xE;
	[tilespmem:$0x2D20] =	vst v34  }
0x3c: {  	v38 =	vld [tilespmem:$0xE0];
	v37 =	vand.u32 $0x3FFF, v29;
	[tilespmem:$0x2C30] =	vst v36  }
0x3d: {  	v39 =	vshrl.u32 v32, $0xE;
	[tilespmem:$0x2D30] =	vst v37  }
0x3e: {  	v41 =	vld [tilespmem:$0xF0];
	v40 =	vand.u32 $0x3FFF, v32;
	[tilespmem:$0x2C40] =	vst v39  }
0x3f: {  	v42 =	vshrl.u32 v35, $0xE;
	[tilespmem:$0x2D40] =	vst v40  }
0x40: {  	v43 =	vand.u32 $0x3FFF, v35;
	[tilespmem:$0x2C50] =	vst v42  }
0x41: {  	v44 =	vshrl.u32 v38, $0xE;
	[tilespmem:$0x2D50] =	vst v43  }
0x42: {  	v45 =	vand.u32 $0x3FFF, v38;
	[tilespmem:$0x2C60] =	vst v44  }
0x43: {  	v46 =	vshrl.u32 v41, $0xE;
	[tilespmem:$0x2D60] =	vst v45  }
0x44: {  	v47 =	vand.u32 $0x3FFF, v41;
	[tilespmem:$0x2C70] =	vst v46  }
0x45: {  	[tilespmem:$0x2D70] =	vst v47  }
0x46: {  	[spmem:s3] =	stream.indirect.scatter.add.f32 [tilespmem:s12], [sflag:$0x2], $0x80, s15, s13, $0xb8;
	[tilespmem:$0x1A980] =	vst v63  }
0x47: {  	_ =	swait.ge [sflag:s16], $0x4000  }
0x48: {  	[sflag:s16] =	ssyncset.done $0x0  }
0x49: {  	s19 =	simm.s32 $0x1F0;
	[sflag:s16] =	ssyncadd.s32 $0xFFFFC000  }
0x4a: {  	v48 =	vld [tilespmem:s19+$0xFFFFFF10];
	_ =	sdelay $0x4  }
0x4b: {  	v49 =	vshrl.u32 v48, $0xE  }
0x4c: {  	v0 =	vand.u32 $0x3FFF, v48;
	[tilespmem:$0x2C00] =	vst v49  }
0x4d: {  	[tilespmem:$0x2C80] =	vst v0  }
0x4e: {  	v0 =	vld [tilespmem:s19+$0xFFFFFF20];
	_ =	sdelay $0x4  }
0x4f: {  	v50 =	vshrl.u32 v0, $0xE  }
0x50: {  	v0 =	vand.u32 $0x3FFF, v0;
	[tilespmem:$0x2C10] =	vst v50  }
0x51: {  	[tilespmem:$0x2C90] =	vst v0  }
0x52: {  	v0 =	vld [tilespmem:s19+$0xFFFFFF30];
	_ =	sdelay $0x4  }
0x53: {  	v51 =	vshrl.u32 v0, $0xE  }
0x54: {  	v0 =	vand.u32 $0x3FFF, v0;
	[tilespmem:$0x2C20] =	vst v51  }
0x55: {  	[tilespmem:$0x2CA0] =	vst v0  }
0x56: {  	v0 =	vld [tilespmem:s19+$0xFFFFFF40];
	_ =	sdelay $0x4  }
0x57: {  	v52 =	vshrl.u32 v0, $0xE  }
0x58: {  	v0 =	vand.u32 $0x3FFF, v0;
	[tilespmem:$0x2C30] =	vst v52  }
0x59: {  	[tilespmem:$0x2CB0] =	vst v0  }
0x5a: {  	v0 =	vld [tilespmem:s19+$0xFFFFFF50];
	_ =	sdelay $0x4  }
0x5b: {  	v53 =	vshrl.u32 v0, $0xE  }
0x5c: {  	v0 =	vand.u32 $0x3FFF, v0;
	[tilespmem:$0x2C40] =	vst v53  }
0x5d: {  	[tilespmem:$0x2CC0] =	vst v0  }
0x5e: {  	v0 =	vld [tilespmem:s19+$0xFFFFFF60];
	_ =	sdelay $0x4  }
0x5f: {  	v54 =	vshrl.u32 v0, $0xE  }
0x60: {  	v0 =	vand.u32 $0x3FFF, v0;
	[tilespmem:$0x2C50] =	vst v54  }
0x61: {  	[tilespmem:$0x2CD0] =	vst v0  }
0x62: {  	v0 =	vld [tilespmem:s19+$0xFFFFFF70];
	_ =	sdelay $0x4  }
0x63: {  	v55 =	vshrl.u32 v0, $0xE  }
0x64: {  	v0 =	vand.u32 $0x3FFF, v0;
	[tilespmem:$0x2C60] =	vst v55  }
0x65: {  	[tilespmem:$0x2CE0] =	vst v0  }
0x66: {  	v0 =	vld [tilespmem:s19+$0xFFFFFF80];
	_ =	sdelay $0x4  }
0x67: {  	v56 =	vshrl.u32 v0, $0xE  }
0x68: {  	v0 =	vand.u32 $0x3FFF, v0;
	[tilespmem:$0x2C70] =	vst v56  }
0x69: {  	[tilespmem:$0x2CF0] =	vst v0  }
0x6a: {  	[spmem:s3] =	stream.indirect.scatter.add.f32 [tilespmem:s12], [sflag:$0x1], $0x80, s14, s13, $0xb8;
	[tilespmem:$0x1A980] =	vst v63  }
0x6b: {  	_ =	swait.ge [sflag:s17], $0x4000  }
0x6c: {  	[sflag:s17] =	ssyncset.done $0x0  }
0x6d: {  	[sflag:s17] =	ssyncadd.s32 $0xFFFFC000  }
0x6e: {  	v57 =	vld [tilespmem:s19+$0xFFFFFF90];
	_ =	sdelay $0x4  }
0x6f: {  	v58 =	vshrl.u32 v57, $0xE  }
0x70: {  	v0 =	vand.u32 $0x3FFF, v57;
	[tilespmem:$0x2C00] =	vst v58  }
0x71: {  	[tilespmem:$0x2D00] =	vst v0  }
0x72: {  	v0 =	vld [tilespmem:s19+$0xFFFFFFA0];
	_ =	sdelay $0x4  }
0x73: {  	v59 =	vshrl.u32 v0, $0xE  }
0x74: {  	v0 =	vand.u32 $0x3FFF, v0;
	[tilespmem:$0x2C10] =	vst v59  }
0x75: {  	[tilespmem:$0x2D10] =	vst v0  }
0x76: {  	v0 =	vld [tilespmem:s19+$0xFFFFFFB0];
	_ =	sdelay $0x4  }
0x77: {  	v60 =	vshrl.u32 v0, $0xE  }
0x78: {  	v0 =	vand.u32 $0x3FFF, v0;
	[tilespmem:$0x2C20] =	vst v60  }
0x79: {  	[tilespmem:$0x2D20] =	vst v0  }
0x7a: {  	v0 =	vld [tilespmem:s19+$0xFFFFFFC0];
	_ =	sdelay $0x4  }
0x7b: {  	v61 =	vshrl.u32 v0, $0xE  }
0x7c: {  	v0 =	vand.u32 $0x3FFF, v0;
	[tilespmem:$0x2C30] =	vst v61  }
0x7d: {  	[tilespmem:$0x2D30] =	vst v0  }
0x7e: {  	v0 =	vld [tilespmem:s19+$0xFFFFFFD0];
	_ =	sdelay $0x4  }
0x7f: {  	v62 =	vshrl.u32 v0, $0xE  }
0x80: {  	v0 =	vand.u32 $0x3FFF, v0;
	[tilespmem:$0x2C40] =	vst v62  }
0x81: {  	[tilespmem:$0x2D40] =	vst v0  }
0x82: {  	v0 =	vld [tilespmem:s19+$0xFFFFFFE0];
	_ =	sdelay $0x4  }
0x83: {  	v63 =	vshrl.u32 v0, $0xE  }
0x84: {  	v0 =	vand.u32 $0x3FFF, v0;
	[tilespmem:$0x2C50] =	vst v63  }
0x85: {  	s20 =	simm.s32 $0xBC0;
	[tilespmem:$0x2D50] =	vst v0  }
.LBB2_2:
0x86: {  	p0 =	sne.s32 s20, $0x9FC0;
	v0 =	vld [tilespmem:s19+$0xFFFFFFF0];
	s21 =	smov.u32 s20;
	s20 =	sadd.s32 $0x400, s20  }
0x87: {  	_ =	sdelay $0x3  }
0x88: {  	v1 =	vshrl.u32 v0, $0xE;
	v0 =	vand.u32 $0x3FFF, v0  }
0x89: {  	[tilespmem:$0x2C60] =	vst v1  }
0x8a: {  	[tilespmem:$0x2D60] =	vst v0  }
0x8b: {  	v0 =	vld [tilespmem:s19+$0x0];
	_ =	sdelay $0x4  }
0x8c: {  	v1 =	vshrl.u32 v0, $0xE;
	v0 =	vand.u32 $0x3FFF, v0  }
0x8d: {  	[tilespmem:$0x2C70] =	vst v1  }
0x8e: {  	[tilespmem:$0x2D70] =	vst v0  }
0x8f: {  	[spmem:s3] =	stream.indirect.scatter.add.f32 [tilespmem:s12], [sflag:$0x2], $0x80, s15, s13, $0xb8;
	[tilespmem:$0x1A980] =	vst v63  }
0x90: {  	_ =	swait.ge [sflag:s16], $0x4000  }
0x91: {  	[sflag:s16] =	ssyncset.done $0x0  }
0x92: {  	s19 =	sshra.s32 s21, $0x2;
	[sflag:s16] =	ssyncadd.s32 $0xFFFFC000  }
0x93: {  	v0 =	vld [tilespmem:s19+$0xFFFFFF10];
	_ =	sdelay $0x4  }
0x94: {  	v1 =	vshrl.u32 v0, $0xE;
	v0 =	vand.u32 $0x3FFF, v0  }
0x95: {  	[tilespmem:$0x2C00] =	vst v1  }
0x96: {  	[tilespmem:$0x2C80] =	vst v0  }
0x97: {  	v0 =	vld [tilespmem:s19+$0xFFFFFF20];
	_ =	sdelay $0x4  }
0x98: {  	v1 =	vshrl.u32 v0, $0xE;
	v0 =	vand.u32 $0x3FFF, v0  }
0x99: {  	[tilespmem:$0x2C10] =	vst v1  }
0x9a: {  	[tilespmem:$0x2C90] =	vst v0  }
0x9b: {  	v0 =	vld [tilespmem:s19+$0xFFFFFF30];
	_ =	sdelay $0x4  }
0x9c: {  	v1 =	vshrl.u32 v0, $0xE;
	v0 =	vand.u32 $0x3FFF, v0  }
0x9d: {  	[tilespmem:$0x2C20] =	vst v1  }
0x9e: {  	[tilespmem:$0x2CA0] =	vst v0  }
0x9f: {  	v0 =	vld [tilespmem:s19+$0xFFFFFF40];
	_ =	sdelay $0x4  }
0xa0: {  	v1 =	vshrl.u32 v0, $0xE;
	v0 =	vand.u32 $0x3FFF, v0  }
0xa1: {  	[tilespmem:$0x2C30] =	vst v1  }
0xa2: {  	[tilespmem:$0x2CB0] =	vst v0  }
0xa3: {  	v0 =	vld [tilespmem:s19+$0xFFFFFF50];
	_ =	sdelay $0x4  }
0xa4: {  	v1 =	vshrl.u32 v0, $0xE;
	v0 =	vand.u32 $0x3FFF, v0  }
0xa5: {  	[tilespmem:$0x2C40] =	vst v1  }
0xa6: {  	[tilespmem:$0x2CC0] =	vst v0  }
0xa7: {  	v0 =	vld [tilespmem:s19+$0xFFFFFF60];
	_ =	sdelay $0x4  }
0xa8: {  	v1 =	vshrl.u32 v0, $0xE;
	v0 =	vand.u32 $0x3FFF, v0  }
0xa9: {  	[tilespmem:$0x2C50] =	vst v1  }
0xaa: {  	[tilespmem:$0x2CD0] =	vst v0  }
0xab: {  	v0 =	vld [tilespmem:s19+$0xFFFFFF70];
	_ =	sdelay $0x4  }
0xac: {  	v1 =	vshrl.u32 v0, $0xE;
	v0 =	vand.u32 $0x3FFF, v0  }
0xad: {  	[tilespmem:$0x2C60] =	vst v1  }
0xae: {  	[tilespmem:$0x2CE0] =	vst v0  }
0xaf: {  	v0 =	vld [tilespmem:s19+$0xFFFFFF80];
	_ =	sdelay $0x4  }
0xb0: {  	v1 =	vshrl.u32 v0, $0xE;
	v0 =	vand.u32 $0x3FFF, v0  }
0xb1: {  	[tilespmem:$0x2C70] =	vst v1  }
0xb2: {  	[tilespmem:$0x2CF0] =	vst v0  }
0xb3: {  	[spmem:s3] =	stream.indirect.scatter.add.f32 [tilespmem:s12], [sflag:$0x1], $0x80, s14, s13, $0xb8;
	[tilespmem:$0x1A980] =	vst v63  }
0xb4: {  	_ =	swait.ge [sflag:s17], $0x4000  }
0xb5: {  	[sflag:s17] =	ssyncset.done $0x0  }
0xb6: {  	[sflag:s17] =	ssyncadd.s32 $0xFFFFC000  }
0xb7: {  	v0 =	vld [tilespmem:s19+$0xFFFFFF90];
	_ =	sdelay $0x4  }
0xb8: {  	v1 =	vshrl.u32 v0, $0xE;
	v0 =	vand.u32 $0x3FFF, v0  }
0xb9: {  	[tilespmem:$0x2C00] =	vst v1  }
0xba: {  	[tilespmem:$0x2D00] =	vst v0  }
0xbb: {  	v0 =	vld [tilespmem:s19+$0xFFFFFFA0];
	_ =	sdelay $0x4  }
0xbc: {  	v1 =	vshrl.u32 v0, $0xE;
	v0 =	vand.u32 $0x3FFF, v0  }
0xbd: {  	[tilespmem:$0x2C10] =	vst v1  }
0xbe: {  	[tilespmem:$0x2D10] =	vst v0  }
0xbf: {  	v0 =	vld [tilespmem:s19+$0xFFFFFFB0];
	_ =	sdelay $0x4  }
0xc0: {  	v1 =	vshrl.u32 v0, $0xE;
	v0 =	vand.u32 $0x3FFF, v0  }
0xc1: {  	[tilespmem:$0x2C20] =	vst v1  }
0xc2: {  	[tilespmem:$0x2D20] =	vst v0  }
0xc3: {  	v0 =	vld [tilespmem:s19+$0xFFFFFFC0];
	_ =	sdelay $0x4  }
0xc4: {  	v1 =	vshrl.u32 v0, $0xE;
	v0 =	vand.u32 $0x3FFF, v0  }
0xc5: {  	[tilespmem:$0x2C30] =	vst v1  }
0xc6: {  	[tilespmem:$0x2D30] =	vst v0  }
0xc7: {  	v0 =	vld [tilespmem:s19+$0xFFFFFFD0];
	_ =	sdelay $0x4  }
0xc8: {  	v1 =	vshrl.u32 v0, $0xE;
	v0 =	vand.u32 $0x3FFF, v0  }
0xc9: {  	[tilespmem:$0x2C40] =	vst v1  }
0xca: {  	[tilespmem:$0x2D40] =	vst v0  }
0xcb: {  	v0 =	vld [tilespmem:s19+$0xFFFFFFE0];
	_ =	sdelay $0x2  }
.Ltmp0:
0xcc: {  	(pc) =	sbr.rel @p0 .LBB2_2-.Ltmp0, $4  }
0xcd: {  	_ = 	snop  }
0xce: {  	v1 =	vshrl.u32 v0, $0xE;
	v0 =	vand.u32 $0x3FFF, v0  }
0xcf: {  	[tilespmem:$0x2C50] =	vst v1  }
0xd0: {  	[tilespmem:$0x2D50] =	vst v0  }
0xd1: {  	v0 =	vld [tilespmem:s19+$0xFFFFFFF0];
	_ =	sdelay $0x4  }
0xd2: {  	v1 =	vshrl.u32 v0, $0xE  }
0xd3: {  	v0 =	vand.u32 $0x3FFF, v0;
	[tilespmem:$0x2C60] =	vst v1  }
0xd4: {  	[tilespmem:$0x2D60] =	vst v0  }
0xd5: {  	v0 =	vld [tilespmem:s19+$0x0];
	_ =	sdelay $0x4  }
0xd6: {  	v63 =	vshrl.u32 v0, $0xE  }
0xd7: {  	v0 =	vand.u32 $0x3FFF, v0;
	[tilespmem:$0x2C70] =	vst v63  }
0xd8: {  	[tilespmem:$0x2D70] =	vst v0  }
0xd9: {  	[spmem:s3] =	stream.indirect.scatter.add.f32 [tilespmem:s12], [sflag:$0x2], $0x80, s15, s13, $0xb8;
	[tilespmem:$0x1A980] =	vst v63  }
0xda: {  	_ =	swait.ge [sflag:s16], $0x4000  }
0xdb: {  	[sflag:s16] =	ssyncset.done $0x0  }
0xdc: {  	[sflag:s16] =	ssyncadd.s32 $0xFFFFC000  }
0xdd: {  	_ =	swait.ge [sflag:s17], $0x4000  }
0xde: {  	s18 =	sadd.s32 $0x1, s18;
	[sflag:s17] =	ssyncset.done $0x0  }
0xdf: {  	p0 =	sne.s32 s18, s9;
	[sflag:s17] =	ssyncadd.s32 $0xFFFFC000  }
.Ltmp1:
0xe0: {  	[bflag:$0x0] =	sbarrier.arrive $0xFFFF;
	(pc) =	sbr.rel @p0 .LBB2_1-.Ltmp1, $4  }
0xe1: {  	[hbm:s8], [sflag:s6] =	dma.local [spmem:s10], $0x2780  }
0xe2: {  	_ =	swait.ge [sflag:s11], $0x2780  }
0xe3: {  	[sflag:s11] =	ssyncset.done $0x0  }
0xe4: {  	[sflag:s11] =	ssyncadd.s32 $0xFFFFD880  }
0xe5: {  	_ =	sfence.sel $0x180000  }
0xe6: {  	[bflag:$0x0] =	sbarrier.arrive $0xFFFF  }
0xe7: {  	p0 =	sne.s32 s0, $0x0;
	_ =	strace $0x90000047  }
0xe8: {  	s0 =	sadd.s32 @!p0 $0x100000, s1;
	[bflag:$0x2] =	sbarrier.arrive $0xFFFF  }
0xe9: {  	[sflag:s0] =	ssyncadd.tile.s32 @!p0 $0x1;
	_ =	shalt  }
.Lfunc_end2:
_tile_overlayer_lowered:
.L_overlay_start_2:
0xea: {  	(tag) =	ssettag $0x2  }
0xeb: {  	s0 =	rddreg [dreg:$0x0];
	s2 =	stileid.u32  }
0xec: {  	s1 =	rddreg [dreg:$0x1];
	p0 =	sne.s32 s2, $0x0  }
0xed: {  	s3 =	rddreg [dreg:$0x2];
	[bflag:$0x3] =	sbarrier.arrive $0xFFFF;
	s2 =	simm.s32 @!p0 $0x1C03  }
0xee: {  	[timem:s3], [sflag:s2] =	dma.local @!p0 [hbm:s0], s1  }
0xef: {  	s0 =	simm.s32 @!p0 $0x3  }
0xf0: {  	_ =	swait.ge @!p0 [sflag:s0], s1  }
0xf1: {  	s1 =	ssub.s32 @!p0 $0x0, s1;
	[sflag:s0] =	ssyncset.done @!p0 $0x0  }
0xf2: {  	[sflag:s0] =	ssyncadd.s32 @!p0 s1  }
0xf3: {  	[bflag:$0x3] =	sbarrier.arrive $0xFFFF  }
0xf4: {  	_ =	shalt  }

// kernel: kernel.16.cloned.1.call-start
scs
__scs_entry_jumppad:
0x0: {  	(pc) =	sbr.rel $0x88, $3  }
0x1: {  	(tag) =	ssettag $0x0;
	lr =	simm.s32 $0x1  }
0x2: {  	[smem:$0x3F99] =	sst lr;
	_ =	strace $0xD0000000  }
0x3: {  	_ = 	snop  }
0x4: {  	_ = 	snop  }
0x5: {  	_ = 	snop  }
0x6: {  	_ = 	snop  }
0x7: {  	_ = 	snop  }
__scs_overlays_trampoline_lowered:
0x8: {  	[smem:$0x3FA8] =	sst s0  }
0x9: {  	[smem:$0x3FA9] =	sst s1  }
0xa: {  	[smem:$0x3FAA] =	sst s2  }
0xb: {  	[smem:$0x3FAB] =	sst s3  }
0xc: {  	[smem:$0x3FAC] =	sst s4  }
0xd: {  	[smem:$0x3FAD] =	sst s5  }
0xe: {  	[smem:$0x3FAE] =	sst s6  }
0xf: {  	[smem:$0x3FAF] =	sst s7  }
0x10: {  	[smem:$0x3FB0] =	sst s8  }
0x11: {  	[smem:$0x3FB1] =	sst s9;
	s0 =	simm.s32 @!p0 $0x0  }
0x12: {  	s1 =	sld [smem:$0x3F97];
	s0 =	simm.s32 @p0 $0x1  }
0x13: {  	[smem:$0x3FB2] =	sst s0;
	s0 =	simm.s32 @!p1 $0x0  }
0x14: {  	s2 =	sld [smem:$0x3F96];
	s0 =	simm.s32 @p1 $0x1  }
0x15: {  	[smem:$0x3FB3] =	sst s0;
	s0 =	simm.s32 @!p2 $0x0  }
0x16: {  	s3 =	sld [smem:$0x3FDB];
	s0 =	simm.s32 @p2 $0x1  }
0x17: {  	s4 =	simm.s32 $0x1BF5;
	[smem:$0x3FB5] =	sst s0  }
0x18: {  	s0 =	sld [smem:$0x3F98];
	_ =	swait.ge [sflag:s4], $0x0  }
0x19: {  	s7 =	sld [smem:$0x3F99]  }
0x1a: {  	s8 =	sadd.s32 $0xFFFFE003, lr  }
0x1b: {  	s9 =	sadd.s32 $0xFFFFFEF7, lr;
	s5 =	simm.s32 $0xFFFFFFFF;
	p2 =	slt.u32 s8, $0xFFFFF086  }
0x1c: {  	p1 =	slt.u32 s9, $0xF7A;
	s5 =	simm.s32 @!p2 $0x0  }
0x1d: {  	s5 =	simm.s32 @p1 $0x1;
	p0 =	seq.s32 s7, s2  }
0x1e: {  	s7 =	smul.u32 @!p0 $0xF7A, s2;
	p2 =	seq.s32 @!p0 s5, $0x0  }
0x1f: {  	s9 =	smul.u32 $0xF7A, s1;
	s8 =	simm.s32 @!p0 $0x1BF5;
	p2 =	por !p2, p0  }
0x20: {  	[sflag:s8] =	ssyncset.s32 @!p0 $0xFFFFF086;
	s6 =	sadd.s32 @!p0 s3, s7;
	s7 =	simm.s32 @!p0 $0x108  }
0x21: {  	s3 =	sadd.s32 s3, s9;
	s6 =	sadd.s32 @!p0 $0x88, s6;
	s7 =	simm.s32 @p2 $0x1082  }
0x22: {  	[simem:s7], [sflag:s8] =	dma.local @!p0 [hbm:s6], $0xF7A  }
0x23: {  	s9 =	sor.u32 $0xD0000000, s2;
	s6 =	simm.s32 $0x108;
	_ =	swait.ge @!p0 [sflag:s8], $0x0  }
0x24: {  	s3 =	sadd.s32 $0x88, s3;
	s6 =	simm.s32 @!p1 $0x1082;
	[sflag:s4] =	ssyncset.s32 $0xFFFFF086  }
0x25: {  	[simem:s6], [sflag:s4] =	dma.local [hbm:s3], $0xF7A  }
0x26: {  	[smem:$0x3F99] =	sst s1;
	(tag) =	ssettag s2;
	_ =	strace s9  }
0x27: {  	s1 =	sld [smem:$0x3FA9]  }
0x28: {  	s2 =	sld [smem:$0x3FAA]  }
0x29: {  	s4 =	sld [smem:$0x3FAC]  }
0x2a: {  	p0 =	seq.s32 s5, $0x0;
	s5 =	sld [smem:$0x3FAD]  }
0x2b: {  	s6 =	sld [smem:$0x3FAE]  }
0x2c: {  	s7 =	sld [smem:$0x3FAF]  }
0x2d: {  	s3 =	simm.s32 $0x108;
	s8 =	sld [smem:$0x3FB0]  }
0x2e: {  	s3 =	simm.s32 @!p0 $0x1082;
	s9 =	sld [smem:$0x3FB1]  }
0x2f: {  	lr =	sadd.s32 s0, s3;
	s0 =	sld [smem:$0x3FA8]  }
0x30: {  	s3 =	sld [smem:$0x3FAB]  }
0x31: {  	[smem:$0x3FB4] =	sst s10  }
0x32: {  	s10 =	sld [smem:$0x3FB2];
	_ =	sdelay $0x3  }
0x33: {  	p0 =	seq.s32 s10, $0x1;
	s10 =	sld [smem:$0x3FB4];
	_ =	sdelay $0x3  }
0x34: {  	[smem:$0x3FB4] =	sst s10  }
0x35: {  	s10 =	sld [smem:$0x3FB3];
	_ =	sdelay $0x3  }
0x36: {  	p1 =	seq.s32 s10, $0x1;
	s10 =	sld [smem:$0x3FB4];
	_ =	sdelay $0x3  }
0x37: {  	[smem:$0x3FB4] =	sst s10  }
0x38: {  	s10 =	sld [smem:$0x3FB5]  }
0x39: {  	_ = 	snop;
	(pc) =	sbr.ind lr, $3  }
0x3a: {  	_ = 	snop  }
0x3b: {  	_ = 	snop  }
0x3c: {  	p2 =	seq.s32 s10, $0x1;
	s10 =	sld [smem:$0x3FB4]  }
0x3d: {  	_ =	shalt  }
0x3e: {  	_ =	shalt  }
0x3f: {  	_ =	shalt  }
0x40: {  	_ =	shalt  }
0x41: {  	_ =	shalt  }
0x42: {  	_ =	shalt  }
0x43: {  	_ =	shalt  }
0x44: {  	_ =	shalt  }
0x45: {  	_ =	shalt  }
0x46: {  	_ =	shalt  }
0x47: {  	_ =	shalt  }
0x48: {  	_ =	shalt  }
0x49: {  	_ =	shalt  }
0x4a: {  	_ =	shalt  }
0x4b: {  	_ =	shalt  }
0x4c: {  	_ =	shalt  }
0x4d: {  	_ =	shalt  }
0x4e: {  	_ =	shalt  }
0x4f: {  	_ =	shalt  }
0x50: {  	_ =	shalt  }
0x51: {  	_ =	shalt  }
0x52: {  	_ =	shalt  }
0x53: {  	_ =	shalt  }
0x54: {  	_ =	shalt  }
0x55: {  	_ =	shalt  }
0x56: {  	_ =	shalt  }
0x57: {  	_ =	shalt  }
0x58: {  	_ =	shalt  }
0x59: {  	_ =	shalt  }
0x5a: {  	_ =	shalt  }
0x5b: {  	_ =	shalt  }
0x5c: {  	_ =	shalt  }
0x5d: {  	_ =	shalt  }
0x5e: {  	_ =	shalt  }
0x5f: {  	_ =	shalt  }
0x60: {  	_ =	shalt  }
0x61: {  	_ =	shalt  }
0x62: {  	_ =	shalt  }
0x63: {  	_ =	shalt  }
0x64: {  	_ =	shalt  }
0x65: {  	_ =	shalt  }
0x66: {  	_ =	shalt  }
0x67: {  	_ =	shalt  }
0x68: {  	_ =	shalt  }
0x69: {  	_ =	shalt  }
0x6a: {  	_ =	shalt  }
0x6b: {  	_ =	shalt  }
0x6c: {  	_ =	shalt  }
0x6d: {  	_ =	shalt  }
0x6e: {  	_ =	shalt  }
0x6f: {  	_ =	shalt  }
0x70: {  	_ =	shalt  }
0x71: {  	_ =	shalt  }
0x72: {  	_ =	shalt  }
0x73: {  	_ =	shalt  }
0x74: {  	_ =	shalt  }
0x75: {  	_ =	shalt  }
0x76: {  	_ =	shalt  }
0x77: {  	_ =	shalt  }
0x78: {  	_ =	shalt  }
0x79: {  	_ =	shalt  }
0x7a: {  	_ =	shalt  }
0x7b: {  	_ =	shalt  }
0x7c: {  	_ =	shalt  }
0x7d: {  	_ =	shalt  }
0x7e: {  	_ =	shalt  }
0x7f: {  	_ =	shalt  }
0x80: {  	_ =	shalt  }
0x81: {  	_ =	shalt  }
0x82: {  	_ =	shalt  }
0x83: {  	_ =	shalt  }
0x84: {  	_ =	shalt  }
0x85: {  	_ =	shalt  }
0x86: {  	_ =	shalt  }
0x87: {  	_ =	shalt  }
.Lfunc_end0:
.L_simem_size_0:
called_computation.1_lowered:
.L_overlay_start_0:
0x88: {  	s2 =	sld [smem:$0x3FD9]  }
0x89: {  	s3 =	sld [smem:$0x3FFE];
	_ =	sdelay $0x1  }
0x8a: {  	s1 =	srdreg.scid  }
0x8b: {  	s0 =	sand.u32 $0x1, s1  }
0x8c: {  	s17 =	sshll.u32 s0, $0xA;
	s2 =	sadd.s32 s3, s2  }
0x8d: {  	s2 =	sadd.s32 s2, s17  }
0x8e: {  	[smem:$0x3FC0] =	sst s2  }
0x8f: {  	_ = 	snop  }
0x90: {  	s2 =	sld [smem:$0x3FD0];
	(tm) =	ssettm $0x1  }
0x91: {  	s18 =	sld [smem:$0x3FFB];
	_ =	sdelay $0x3  }
0x92: {  	_ =	strace s18  }
0x93: {  	s3 =	sld [smem:$0x3FFC];
	_ =	sdelay $0x3  }
0x94: {  	_ =	strace s3  }
0x95: {  	s3 =	sld [smem:$0x3FFD];
	_ =	sdelay $0x3  }
0x96: {  	_ =	strace s3  }
0x97: {  	_ =	strace $0x8FFFFFFF  }
0x98: {  	s19 =	sld [smem:$0x3FDB];
	_ =	sdelay $0x1  }
0x99: {  	s4 =	simm.s32 $_scs_section_size  }
0x9a: {  	s5 =	simm.s32 $_size__tile_overlayer_lowered;
	s6 =	simm.s32 $_tile_overlayer_lowered  }
0x9b: {  	s22 =	simm.s32 $0x1BFF;
	s21 =	sshll.u32 s6, $0x1;
	s3 =	sadd.s32 s4, s19  }
0x9c: {  	s7 =	simm.s32 $0x0;
	s20 =	sshll.u32 s5, $0x1;
	s5 =	sadd.s32 s21, s3  }
0x9d: {  	[timem:s7], [sflag:s22] =	dma.local [hbm:s5], s20  }
0x9e: {  	_ =	swait.ge [sflag:s22], s20  }
0x9f: {  	s4 =	ssub.s32 $0x0, s20;
	[sflag:s22] =	ssyncset.done $0x0  }
0xa0: {  	[sflag:s22] =	ssyncadd.s32 s4;
	_ =	sdelay $0x1  }
0xa1: {  	s23 =	simm.s32 $0x1B8B  }
0xa2: {  	_ =	swait.ge [sflag:s23], $0x1  }
0xa3: {  	[sflag:s23] =	ssyncset.done $0x0  }
0xa4: {  	s25 =	simm.s32 $0x1B8E;
	s24 =	sld [smem:$0x3FFE];
	[sflag:s23] =	ssyncadd.s32 $0xFFFFFFFF  }
0xa5: {  	s26 =	simm.s32 $execute0_lowered;
	[smem:$0x3FD2] =	sst s25  }
0xa6: {  	s5 =	sshll.u32 s26, $0x1;
	_ =	strace $0x80000049;
	[dreg:$0x1] =	wrdreg $0xFFFFFFFF  }
0xa7: {  	s28 =	simm.s32 $_size_execute0_lowered;
	s3 =	sadd.s32 s3, s5;
	[dreg:$0x0] =	wrdreg $0x0  }
0xa8: {  	s5 =	sshll.u32 s28, $0x1;
	[dreg:$0x2] =	wrdreg s3  }
0xa9: {  	[dreg:$0x3] =	wrdreg s5  }
0xaa: {  	[dreg:$0x4] =	wrdreg $0xC0  }
0xab: {  	_ =	task [dreg:s7], $0x5FFFF  }
0xac: {  	[dreg:$0x1] =	wrdreg $0xFFFFFFFF  }
0xad: {  	[dreg:$0x0] =	wrdreg $0x60  }
0xae: {  	[dreg:$0x2] =	wrdreg s2  }
0xaf: {  	[dreg:$0x3] =	wrdreg s24  }
0xb0: {  	[dreg:$0x4] =	wrdreg $0xAE000  }
0xb1: {  	[dreg:$0x5] =	wrdreg $0x9  }
0xb2: {  	_ =	task.clear_ibuf [dreg:s7], $0x6FFFF;
	_ =	strace $0x90000049  }
0xb3: {  	s29 =	simm.s32 $0x9;
	_ =	strace $0x8000004B  }
0xb4: {  	_ =	swait.ge [sflag:s29], $0x1  }
0xb5: {  	[sflag:s29] =	ssyncadd.s32 $0xFFFFFFFF  }
0xb6: {  	_ =	strace $0x9000004B  }
0xb7: {  	_ =	sfence  }
0xb8: {  	s30 =	sld [smem:$0x0];
	_ =	sdelay $0x2  }
0xb9: {  	s31 =	sshll.u32 s1, $0xD;
	s1 =	sshrl.u32 s1, $0x2  }
0xba: {  	s3 =	sand.u32 $0x4000, s31;
	s1 =	sadd.s32 s1, s30  }
0xbb: {  	s0 =	sor.u32 s3, s0;
	s1 =	sshll.u32 s1, $0x11  }
0xbc: {  	s0 =	sor.u32 s1, s0  }
0xbd: {  	s0 =	sadd.s32 $0x8F2B, s0  }
0xbe: {  	[sflag:s0] =	ssyncadd.remote.s32 $0x1  }
0xbf: {  	_ =	sfence.sel $0xFFFF  }
0xc0: {  	[dreg:$0x0] =	wrdreg $0xFFFFFFFF;
	(pc) =	sbr.abs _section_cstart, $3  }
0xc1: {  	[dreg:$0x1] =	wrdreg $0xFFFFFFFF  }
0xc2: {  	_ =	task.clear_ibuf [dreg:s7], $0x2FFFF;
	_ =	strace $0x9FFFFFFF  }
0xc3: {  	(tm) =	ssettm $0x7FFFFFFF  }
tec
execute0_lowered:
.L_overlay_start_1:
0x0: {  	(tag) =	ssettag $0x1  }
0x1: {  	s1 =	rddreg [dreg:$0x0]  }
0x2: {  	s0 =	srdreg.scid;
	s6 =	rddreg [dreg:$0x1]  }
0x3: {  	s3 =	rddreg [dreg:$0x2];
	s4 =	simm.s32 $0x0;
	s13 =	simm.s32 $0x2C00  }
0x4: {  	s14 =	simm.s32 $0x2E00;
	s15 =	simm.s32 $0x2D00;
	s16 =	simm.s32 $0x6E00  }
0x5: {  	s17 =	simm.s32 $0x1;
	s18 =	simm.s32 $0x2C80;
	s19 =	simm.s32 $0x2  }
0x6: {  	s20 =	simm.s32 $0x2D80;
	s5 =	sand.u32 $0x1, s0;
	s0 =	stileid.u32  }
0x7: {  	s21 =	simm.s32 $0x0;
	[smem:$0x7FF] =	sst s4;
	s8 =	smul.u32 $0x13C00, s0  }
0x8: {  	s2 =	sshll.u32 s5, $0x4;
	s9 =	smul.u32 $0x13C000, s5;
	s5 =	ssub.s32 $0x2, s5  }
0x9: {  	s28 =	smul.u32 $0x4F000, s0;
	s31 =	sshll.u32 s0, $0x6;
	s2 =	sor.u32 s0, s2  }
0xa: {  	s29 =	sshrl.u32 s5, $0x1;
	s7 =	smul.u32 $0x580, s2;
	s2 =	rddreg [dreg:$0x3]  }
0xb: {  	_ =	strace $0x8000004A;
	s10 =	sshrl.u32 s8, $0x3;
	s8 =	sadd.s32 s8, s9  }
0xc: {  	s11 =	ssub.s32 s5, s29;
	s30 =	sshrl.u32 s28, $0x2;
	s8 =	sshrl.u32 s8, $0x3  }
0xd: {  	s10 =	sadd.s32 s10, s6;
	s12 =	sadd.s32 s30, s3;
	s9 =	smax.u32 s11, $0x1  }
0xe: {  	s11 =	simm.s32 $0x3;
	s7 =	sadd.s32 s7, s6;
	s8 =	sadd.s32 s8, s6  }
0xf: {  	s5 =	sadd.s32 $0xF800, s10;
	s6 =	sor.u32 $0x1C03, s31;
	s10 =	sshrl.u32 s12, $0x3  }
0x10: {  	s12 =	simm.s32 $0x80;
	s7 =	sadd.s32 $0x4800, s7;
	s8 =	sadd.s32 $0xAD200, s8  }
.LBB2_1:
0x11: {  	[spmem:s10], [sflag:s6] =	dma.local [hbm:s5], $0x2780  }
0x12: {  	_ =	swait.ge [sflag:s11], $0x2780  }
0x13: {  	[sflag:s11] =	ssyncset.done $0x0  }
0x14: {  	[sflag:s11] =	ssyncadd.s32 $0xFFFFD880  }
0x15: {  	[tilespmem:s4], [sflag:$0x3] =	stream.linear.gather [hbm4b:s7+s4], $0x2900, $0x38;
	[tilespmem:$0x1EA00] =	vst v63  }
0x16: {  	_ =	swait.ge [sflag:s11], $0x2900  }
0x17: {  	[sflag:s11] =	ssyncset.done $0x0  }
0x18: {  	[sflag:s11] =	ssyncadd.s32 $0xFFFFD700  }
0x19: {  	[bflag:$0x0] =	sbarrier.arrive $0xFFFF  }
0x1a: {  	v0 =	vld [tilespmem:$0x0];
	_ =	sdelay $0x1  }
0x1b: {  	v1 =	vld [tilespmem:$0x10];
	_ =	sdelay $0x1  }
0x1c: {  	v2 =	vld [tilespmem:$0x20]  }
0x1d: {  	v3 =	vshrl.u32 v0, $0xE  }
0x1e: {  	v0 =	vand.u32 $0x3FFF, v0;
	[tilespmem:$0x2C00] =	vst v3;
	v3 =	vld [tilespmem:$0x30]  }
0x1f: {  	[tilespmem:$0x2C80] =	vst v0;
	v0 =	vshrl.u32 v1, $0xE  }
0x20: {  	[tilespmem:$0x2C10] =	vst v0;
	v0 =	vand.u32 $0x3FFF, v1;
	v1 =	vld [tilespmem:$0x40]  }
0x21: {  	[tilespmem:$0x2C90] =	vst v0;
	v0 =	vshrl.u32 v2, $0xE  }
0x22: {  	[tilespmem:$0x2C20] =	vst v0;
	v0 =	vand.u32 $0x3FFF, v2;
	v2 =	vld [tilespmem:$0x50]  }
0x23: {  	[tilespmem:$0x2CA0] =	vst v0;
	v0 =	vshrl.u32 v3, $0xE  }
0x24: {  	[tilespmem:$0x2C30] =	vst v0;
	v0 =	vand.u32 $0x3FFF, v3;
	v3 =	vld [tilespmem:$0x60]  }
0x25: {  	[tilespmem:$0x2CB0] =	vst v0;
	v0 =	vshrl.u32 v1, $0xE  }
0x26: {  	[tilespmem:$0x2C40] =	vst v0;
	v0 =	vand.u32 $0x3FFF, v1;
	v1 =	vld [tilespmem:$0x70]  }
0x27: {  	[tilespmem:$0x2CC0] =	vst v0;
	v0 =	vshrl.u32 v2, $0xE  }
0x28: {  	[tilespmem:$0x2C50] =	vst v0;
	v0 =	vand.u32 $0x3FFF, v2  }
0x29: {  	[tilespmem:$0x2CD0] =	vst v0;
	v0 =	vshrl.u32 v3, $0xE  }
0x2a: {  	[tilespmem:$0x2C60] =	vst v0;
	v0 =	vand.u32 $0x3FFF, v3  }
0x2b: {  	[tilespmem:$0x2CE0] =	vst v0;
	v0 =	vshrl.u32 v1, $0xE  }
0x2c: {  	[tilespmem:$0x2C70] =	vst v0;
	v0 =	vand.u32 $0x3FFF, v1  }
0x2d: {  	s22 =	simm.s32 $0x0;
	[tilespmem:$0x2CF0] =	vst v0  }
0x2e: {  	[tilespmem:s14], [sflag:$0x1] =	stream.indirect.gather [hbm4b:s1+s12], $0x80, s13, s12, $0xb8;
	[tilespmem:$0x1EA00] =	vst v63  }
0x2f: {  	v0 =	vld [tilespmem:s22+$0x80];
	_ =	sdelay $0x4  }
0x30: {  	v1 =	vshrl.u32 v0, $0xE  }
0x31: {  	v0 =	vand.u32 $0x3FFF, v0;
	[tilespmem:$0x2D00] =	vst v1  }
0x32: {  	[tilespmem:$0x2D80] =	vst v0  }
0x33: {  	v0 =	vld [tilespmem:s22+$0x90];
	_ =	sdelay $0x4  }
0x34: {  	v1 =	vshrl.u32 v0, $0xE  }
0x35: {  	v0 =	vand.u32 $0x3FFF, v0;
	[tilespmem:$0x2D10] =	vst v1  }
0x36: {  	[tilespmem:$0x2D90] =	vst v0  }
0x37: {  	v0 =	vld [tilespmem:s22+$0xA0];
	_ =	sdelay $0x4  }
0x38: {  	v1 =	vshrl.u32 v0, $0xE  }
0x39: {  	v0 =	vand.u32 $0x3FFF, v0;
	[tilespmem:$0x2D20] =	vst v1  }
0x3a: {  	[tilespmem:$0x2DA0] =	vst v0  }
0x3b: {  	v0 =	vld [tilespmem:s22+$0xB0];
	_ =	sdelay $0x4  }
0x3c: {  	v1 =	vshrl.u32 v0, $0xE  }
0x3d: {  	v0 =	vand.u32 $0x3FFF, v0;
	[tilespmem:$0x2D30] =	vst v1  }
0x3e: {  	[tilespmem:$0x2DB0] =	vst v0  }
0x3f: {  	v0 =	vld [tilespmem:s22+$0xC0];
	_ =	sdelay $0x4  }
0x40: {  	v1 =	vshrl.u32 v0, $0xE  }
0x41: {  	v0 =	vand.u32 $0x3FFF, v0;
	[tilespmem:$0x2D40] =	vst v1  }
0x42: {  	[tilespmem:$0x2DC0] =	vst v0  }
0x43: {  	v0 =	vld [tilespmem:s22+$0xD0];
	_ =	sdelay $0x4  }
0x44: {  	v1 =	vshrl.u32 v0, $0xE  }
0x45: {  	v0 =	vand.u32 $0x3FFF, v0;
	[tilespmem:$0x2D50] =	vst v1  }
0x46: {  	[tilespmem:$0x2DD0] =	vst v0  }
0x47: {  	v0 =	vld [tilespmem:s22+$0xE0];
	_ =	sdelay $0x4  }
0x48: {  	v1 =	vshrl.u32 v0, $0xE  }
0x49: {  	v0 =	vand.u32 $0x3FFF, v0;
	[tilespmem:$0x2D60] =	vst v1  }
0x4a: {  	[tilespmem:$0x2DE0] =	vst v0  }
0x4b: {  	v0 =	vld [tilespmem:s22+$0xF0];
	_ =	sdelay $0x4  }
0x4c: {  	v1 =	vshrl.u32 v0, $0xE  }
0x4d: {  	v0 =	vand.u32 $0x3FFF, v0;
	[tilespmem:$0x2D70] =	vst v1  }
0x4e: {  	[tilespmem:$0x2DF0] =	vst v0  }
0x4f: {  	[tilespmem:s16], [sflag:$0x2] =	stream.indirect.gather [hbm4b:s1+s12], $0x80, s15, s12, $0xb8;
	[tilespmem:$0x1EA00] =	vst v63  }
0x50: {  	_ =	swait.ge [sflag:s17], $0x4000  }
0x51: {  	[sflag:s17] =	ssyncset.done $0x0  }
0x52: {  	[sflag:s17] =	ssyncadd.s32 $0xFFFFC000  }
0x53: {  	[spmem:s3] =	stream.indirect.scatter.add.f32 [tilespmem:s14], [sflag:$0x3], $0x80, s18, s12, $0xb8;
	[tilespmem:$0x1EA00] =	vst v63  }
0x54: {  	_ =	swait.ge [sflag:s11], $0x4000  }
0x55: {  	[sflag:s11] =	ssyncset.done $0x0  }
0x56: {  	[sflag:s11] =	ssyncadd.s32 $0xFFFFC000  }
0x57: {  	v0 =	vld [tilespmem:s22+$0x100];
	_ =	sdelay $0x4  }
0x58: {  	v1 =	vshrl.u32 v0, $0xE  }
0x59: {  	v0 =	vand.u32 $0x3FFF, v0;
	[tilespmem:$0x2C00] =	vst v1  }
0x5a: {  	[tilespmem:$0x2C80] =	vst v0  }
0x5b: {  	v0 =	vld [tilespmem:s22+$0x110];
	_ =	sdelay $0x4  }
0x5c: {  	v1 =	vshrl.u32 v0, $0xE  }
0x5d: {  	v0 =	vand.u32 $0x3FFF, v0;
	[tilespmem:$0x2C10] =	vst v1  }
0x5e: {  	[tilespmem:$0x2C90] =	vst v0  }
0x5f: {  	v0 =	vld [tilespmem:s22+$0x120];
	_ =	sdelay $0x4  }
0x60: {  	v1 =	vshrl.u32 v0, $0xE  }
0x61: {  	v0 =	vand.u32 $0x3FFF, v0;
	[tilespmem:$0x2C20] =	vst v1  }
0x62: {  	[tilespmem:$0x2CA0] =	vst v0  }
0x63: {  	v0 =	vld [tilespmem:s22+$0x130];
	_ =	sdelay $0x4  }
0x64: {  	v1 =	vshrl.u32 v0, $0xE  }
0x65: {  	v0 =	vand.u32 $0x3FFF, v0;
	[tilespmem:$0x2C30] =	vst v1  }
0x66: {  	[tilespmem:$0x2CB0] =	vst v0  }
0x67: {  	v0 =	vld [tilespmem:s22+$0x140];
	_ =	sdelay $0x4  }
0x68: {  	v1 =	vshrl.u32 v0, $0xE  }
0x69: {  	v0 =	vand.u32 $0x3FFF, v0;
	[tilespmem:$0x2C40] =	vst v1  }
0x6a: {  	[tilespmem:$0x2CC0] =	vst v0  }
0x6b: {  	v0 =	vld [tilespmem:s22+$0x150];
	_ =	sdelay $0x4  }
0x6c: {  	v1 =	vshrl.u32 v0, $0xE  }
0x6d: {  	v0 =	vand.u32 $0x3FFF, v0;
	[tilespmem:$0x2C50] =	vst v1  }
0x6e: {  	[tilespmem:$0x2CD0] =	vst v0  }
0x6f: {  	v0 =	vld [tilespmem:s22+$0x160];
	_ =	sdelay $0x4  }
0x70: {  	v1 =	vshrl.u32 v0, $0xE  }
0x71: {  	s23 =	simm.s32 $0x400;
	v0 =	vand.u32 $0x3FFF, v0;
	[tilespmem:$0x2C60] =	vst v1  }
.LBB2_2:
0x72: {  	p0 =	sne.s32 s23, $0x9C00;
	[tilespmem:$0x2CE0] =	vst v0;
	s24 =	smov.u32 s23;
	s23 =	sadd.s32 $0x400, s23  }
0x73: {  	v0 =	vld [tilespmem:s22+$0x170];
	_ =	sdelay $0x4  }
0x74: {  	v1 =	vshrl.u32 v0, $0xE;
	v0 =	vand.u32 $0x3FFF, v0  }
0x75: {  	[tilespmem:$0x2C70] =	vst v1  }
0x76: {  	[tilespmem:$0x2CF0] =	vst v0  }
0x77: {  	[tilespmem:s14], [sflag:$0x1] =	stream.indirect.gather [hbm4b:s1+s12], $0x80, s13, s12, $0xb8;
	[tilespmem:$0x1EA00] =	vst v63  }
0x78: {  	_ =	swait.ge [sflag:s19], $0x4000  }
0x79: {  	[sflag:s19] =	ssyncset.done $0x0  }
0x7a: {  	[sflag:s19] =	ssyncadd.s32 $0xFFFFC000  }
0x7b: {  	[spmem:s3] =	stream.indirect.scatter.add.f32 [tilespmem:s16], [sflag:$0x3], $0x80, s20, s12, $0xb8;
	[tilespmem:$0x1EA00] =	vst v63  }
0x7c: {  	_ =	swait.ge [sflag:s11], $0x4000  }
0x7d: {  	[sflag:s11] =	ssyncset.done $0x0  }
0x7e: {  	s22 =	sshra.s32 s24, $0x2;
	[sflag:s11] =	ssyncadd.s32 $0xFFFFC000  }
0x7f: {  	v0 =	vld [tilespmem:s22+$0x80];
	_ =	sdelay $0x4  }
0x80: {  	v1 =	vshrl.u32 v0, $0xE;
	v0 =	vand.u32 $0x3FFF, v0  }
0x81: {  	[tilespmem:$0x2D00] =	vst v1  }
0x82: {  	[tilespmem:$0x2D80] =	vst v0  }
0x83: {  	v0 =	vld [tilespmem:s22+$0x90];
	_ =	sdelay $0x4  }
0x84: {  	v1 =	vshrl.u32 v0, $0xE;
	v0 =	vand.u32 $0x3FFF, v0  }
0x85: {  	[tilespmem:$0x2D10] =	vst v1  }
0x86: {  	[tilespmem:$0x2D90] =	vst v0  }
0x87: {  	v0 =	vld [tilespmem:s22+$0xA0];
	_ =	sdelay $0x4  }
0x88: {  	v1 =	vshrl.u32 v0, $0xE;
	v0 =	vand.u32 $0x3FFF, v0  }
0x89: {  	[tilespmem:$0x2D20] =	vst v1  }
0x8a: {  	[tilespmem:$0x2DA0] =	vst v0  }
0x8b: {  	v0 =	vld [tilespmem:s22+$0xB0];
	_ =	sdelay $0x4  }
0x8c: {  	v1 =	vshrl.u32 v0, $0xE;
	v0 =	vand.u32 $0x3FFF, v0  }
0x8d: {  	[tilespmem:$0x2D30] =	vst v1  }
0x8e: {  	[tilespmem:$0x2DB0] =	vst v0  }
0x8f: {  	v0 =	vld [tilespmem:s22+$0xC0];
	_ =	sdelay $0x4  }
0x90: {  	v1 =	vshrl.u32 v0, $0xE;
	v0 =	vand.u32 $0x3FFF, v0  }
0x91: {  	[tilespmem:$0x2D40] =	vst v1  }
0x92: {  	[tilespmem:$0x2DC0] =	vst v0  }
0x93: {  	v0 =	vld [tilespmem:s22+$0xD0];
	_ =	sdelay $0x4  }
0x94: {  	v1 =	vshrl.u32 v0, $0xE;
	v0 =	vand.u32 $0x3FFF, v0  }
0x95: {  	[tilespmem:$0x2D50] =	vst v1  }
0x96: {  	[tilespmem:$0x2DD0] =	vst v0  }
0x97: {  	v0 =	vld [tilespmem:s22+$0xE0];
	_ =	sdelay $0x4  }
0x98: {  	v1 =	vshrl.u32 v0, $0xE;
	v0 =	vand.u32 $0x3FFF, v0  }
0x99: {  	[tilespmem:$0x2D60] =	vst v1  }
0x9a: {  	[tilespmem:$0x2DE0] =	vst v0  }
0x9b: {  	v0 =	vld [tilespmem:s22+$0xF0];
	_ =	sdelay $0x4  }
0x9c: {  	v1 =	vshrl.u32 v0, $0xE;
	v0 =	vand.u32 $0x3FFF, v0  }
0x9d: {  	[tilespmem:$0x2D70] =	vst v1  }
0x9e: {  	[tilespmem:$0x2DF0] =	vst v0  }
0x9f: {  	[tilespmem:s16], [sflag:$0x2] =	stream.indirect.gather [hbm4b:s1+s12], $0x80, s15, s12, $0xb8;
	[tilespmem:$0x1EA00] =	vst v63  }
0xa0: {  	_ =	swait.ge [sflag:s17], $0x4000  }
0xa1: {  	[sflag:s17] =	ssyncset.done $0x0  }
0xa2: {  	[sflag:s17] =	ssyncadd.s32 $0xFFFFC000  }
0xa3: {  	[spmem:s3] =	stream.indirect.scatter.add.f32 [tilespmem:s14], [sflag:$0x3], $0x80, s18, s12, $0xb8;
	[tilespmem:$0x1EA00] =	vst v63  }
0xa4: {  	_ =	swait.ge [sflag:s11], $0x4000  }
0xa5: {  	[sflag:s11] =	ssyncset.done $0x0  }
0xa6: {  	[sflag:s11] =	ssyncadd.s32 $0xFFFFC000  }
0xa7: {  	v0 =	vld [tilespmem:s22+$0x100];
	_ =	sdelay $0x4  }
0xa8: {  	v1 =	vshrl.u32 v0, $0xE;
	v0 =	vand.u32 $0x3FFF, v0  }
0xa9: {  	[tilespmem:$0x2C00] =	vst v1  }
0xaa: {  	[tilespmem:$0x2C80] =	vst v0  }
0xab: {  	v0 =	vld [tilespmem:s22+$0x110];
	_ =	sdelay $0x4  }
0xac: {  	v1 =	vshrl.u32 v0, $0xE;
	v0 =	vand.u32 $0x3FFF, v0  }
0xad: {  	[tilespmem:$0x2C10] =	vst v1  }
0xae: {  	[tilespmem:$0x2C90] =	vst v0  }
0xaf: {  	v0 =	vld [tilespmem:s22+$0x120];
	_ =	sdelay $0x4  }
0xb0: {  	v1 =	vshrl.u32 v0, $0xE;
	v0 =	vand.u32 $0x3FFF, v0  }
0xb1: {  	[tilespmem:$0x2C20] =	vst v1  }
0xb2: {  	[tilespmem:$0x2CA0] =	vst v0  }
0xb3: {  	v0 =	vld [tilespmem:s22+$0x130];
	_ =	sdelay $0x4  }
0xb4: {  	v1 =	vshrl.u32 v0, $0xE;
	v0 =	vand.u32 $0x3FFF, v0  }
0xb5: {  	[tilespmem:$0x2C30] =	vst v1  }
0xb6: {  	[tilespmem:$0x2CB0] =	vst v0  }
0xb7: {  	v0 =	vld [tilespmem:s22+$0x140];
	_ =	sdelay $0x4  }
0xb8: {  	v1 =	vshrl.u32 v0, $0xE;
	v0 =	vand.u32 $0x3FFF, v0  }
0xb9: {  	[tilespmem:$0x2C40] =	vst v1  }
0xba: {  	[tilespmem:$0x2CC0] =	vst v0  }
0xbb: {  	v0 =	vld [tilespmem:s22+$0x150];
	_ =	sdelay $0x4  }
0xbc: {  	v1 =	vshrl.u32 v0, $0xE;
	v0 =	vand.u32 $0x3FFF, v0  }
0xbd: {  	[tilespmem:$0x2C50] =	vst v1  }
0xbe: {  	[tilespmem:$0x2CD0] =	vst v0  }
0xbf: {  	v0 =	vld [tilespmem:s22+$0x160];
	_ =	sdelay $0x1  }
.Ltmp0:
0xc0: {  	(pc) =	sbr.rel @p0 .LBB2_2-.Ltmp0, $3  }
0xc1: {  	_ =	sdelay $0x1  }
0xc2: {  	v1 =	vshrl.u32 v0, $0xE;
	v0 =	vand.u32 $0x3FFF, v0  }
0xc3: {  	[tilespmem:$0x2C60] =	vst v1  }
0xc4: {  	[tilespmem:$0x2CE0] =	vst v0  }
0xc5: {  	v0 =	vld [tilespmem:s22+$0x170];
	_ =	sdelay $0x4  }
0xc6: {  	v1 =	vshrl.u32 v0, $0xE  }
0xc7: {  	v0 =	vand.u32 $0x3FFF, v0;
	[tilespmem:$0x2C70] =	vst v1  }
0xc8: {  	[tilespmem:$0x2CF0] =	vst v0  }
0xc9: {  	[tilespmem:s14], [sflag:$0x1] =	stream.indirect.gather [hbm4b:s1+s12], $0x80, s13, s12, $0xb8;
	[tilespmem:$0x1EA00] =	vst v63  }
0xca: {  	_ =	swait.ge [sflag:s19], $0x4000  }
0xcb: {  	[sflag:s19] =	ssyncset.done $0x0  }
0xcc: {  	[sflag:s19] =	ssyncadd.s32 $0xFFFFC000  }
0xcd: {  	[spmem:s3] =	stream.indirect.scatter.add.f32 [tilespmem:s16], [sflag:$0x3], $0x80, s20, s12, $0xb8;
	[tilespmem:$0x1EA00] =	vst v63  }
0xce: {  	_ =	swait.ge [sflag:s11], $0x4000  }
0xcf: {  	[sflag:s11] =	ssyncset.done $0x0  }
0xd0: {  	[sflag:s11] =	ssyncadd.s32 $0xFFFFC000  }
0xd1: {  	_ =	swait.ge [sflag:s17], $0x4000  }
0xd2: {  	s21 =	sadd.s32 $0x1, s21;
	[sflag:s17] =	ssyncset.done $0x0  }
0xd3: {  	p0 =	sne.s32 s21, s9;
	[sflag:s17] =	ssyncadd.s32 $0xFFFFC000  }
.Ltmp1:
0xd4: {  	[bflag:$0x0] =	sbarrier.arrive $0xFFFF;
	(pc) =	sbr.rel @p0 .LBB2_1-.Ltmp1, $4  }
0xd5: {  	[hbm:s8], [sflag:s6] =	dma.local [spmem:s10], $0x2780  }
0xd6: {  	_ =	swait.ge [sflag:s11], $0x2780  }
0xd7: {  	[sflag:s11] =	ssyncset.done $0x0  }
0xd8: {  	[sflag:s11] =	ssyncadd.s32 $0xFFFFD880  }
0xd9: {  	_ =	sfence.sel $0x180000  }
0xda: {  	[bflag:$0x0] =	sbarrier.arrive $0xFFFF  }
0xdb: {  	p0 =	sne.s32 s0, $0x0;
	_ =	strace $0x9000004A  }
0xdc: {  	s0 =	sadd.s32 @!p0 $0x100000, s2;
	[bflag:$0x2] =	sbarrier.arrive $0xFFFF  }
0xdd: {  	[sflag:s0] =	ssyncadd.tile.s32 @!p0 $0x1;
	_ =	shalt  }
.Lfunc_end2:
_tile_overlayer_lowered:
.L_overlay_start_2:
0xde: {  	(tag) =	ssettag $0x2  }
0xdf: {  	s0 =	rddreg [dreg:$0x0];
	s2 =	stileid.u32  }
0xe0: {  	s1 =	rddreg [dreg:$0x1];
	p0 =	sne.s32 s2, $0x0  }
0xe1: {  	s3 =	rddreg [dreg:$0x2];
	[bflag:$0x3] =	sbarrier.arrive $0xFFFF;
	s2 =	simm.s32 @!p0 $0x1C03  }
0xe2: {  	[timem:s3], [sflag:s2] =	dma.local @!p0 [hbm:s0], s1  }
0xe3: {  	s0 =	simm.s32 @!p0 $0x3  }
0xe4: {  	_ =	swait.ge @!p0 [sflag:s0], s1  }
0xe5: {  	s1 =	ssub.s32 @!p0 $0x0, s1;
	[sflag:s0] =	ssyncset.done @!p0 $0x0  }
0xe6: {  	[sflag:s0] =	ssyncadd.s32 @!p0 s1  }
0xe7: {  	[bflag:$0x3] =	sbarrier.arrive $0xFFFF  }
0xe8: {  	_ =	shalt  }

// kernel: kernel.19.cloned.1.call-start
scs
__scs_entry_jumppad:
0x0: {  	(pc) =	sbr.rel $0x88, $3  }
0x1: {  	(tag) =	ssettag $0x0;
	lr =	simm.s32 $0x1  }
0x2: {  	[smem:$0x3F99] =	sst lr;
	_ =	strace $0xD0000000  }
0x3: {  	_ = 	snop  }
0x4: {  	_ = 	snop  }
0x5: {  	_ = 	snop  }
0x6: {  	_ = 	snop  }
0x7: {  	_ = 	snop  }
__scs_overlays_trampoline_lowered:
0x8: {  	[smem:$0x3FA8] =	sst s0  }
0x9: {  	[smem:$0x3FA9] =	sst s1  }
0xa: {  	[smem:$0x3FAA] =	sst s2  }
0xb: {  	[smem:$0x3FAB] =	sst s3  }
0xc: {  	[smem:$0x3FAC] =	sst s4  }
0xd: {  	[smem:$0x3FAD] =	sst s5  }
0xe: {  	[smem:$0x3FAE] =	sst s6  }
0xf: {  	[smem:$0x3FAF] =	sst s7  }
0x10: {  	[smem:$0x3FB0] =	sst s8  }
0x11: {  	[smem:$0x3FB1] =	sst s9;
	s0 =	simm.s32 @!p0 $0x0  }
0x12: {  	s1 =	sld [smem:$0x3F97];
	s0 =	simm.s32 @p0 $0x1  }
0x13: {  	[smem:$0x3FB2] =	sst s0;
	s0 =	simm.s32 @!p1 $0x0  }
0x14: {  	s2 =	sld [smem:$0x3F96];
	s0 =	simm.s32 @p1 $0x1  }
0x15: {  	[smem:$0x3FB3] =	sst s0;
	s0 =	simm.s32 @!p2 $0x0  }
0x16: {  	s3 =	sld [smem:$0x3FDB];
	s0 =	simm.s32 @p2 $0x1  }
0x17: {  	s4 =	simm.s32 $0x1BF5;
	[smem:$0x3FB5] =	sst s0  }
0x18: {  	s0 =	sld [smem:$0x3F98];
	_ =	swait.ge [sflag:s4], $0x0  }
0x19: {  	s7 =	sld [smem:$0x3F99]  }
0x1a: {  	s8 =	sadd.s32 $0xFFFFE003, lr  }
0x1b: {  	s9 =	sadd.s32 $0xFFFFFEF7, lr;
	s5 =	simm.s32 $0xFFFFFFFF;
	p2 =	slt.u32 s8, $0xFFFFF086  }
0x1c: {  	p1 =	slt.u32 s9, $0xF7A;
	s5 =	simm.s32 @!p2 $0x0  }
0x1d: {  	s5 =	simm.s32 @p1 $0x1;
	p0 =	seq.s32 s7, s2  }
0x1e: {  	s7 =	smul.u32 @!p0 $0xF7A, s2;
	p2 =	seq.s32 @!p0 s5, $0x0  }
0x1f: {  	s9 =	smul.u32 $0xF7A, s1;
	s8 =	simm.s32 @!p0 $0x1BF5;
	p2 =	por !p2, p0  }
0x20: {  	[sflag:s8] =	ssyncset.s32 @!p0 $0xFFFFF086;
	s6 =	sadd.s32 @!p0 s3, s7;
	s7 =	simm.s32 @!p0 $0x108  }
0x21: {  	s3 =	sadd.s32 s3, s9;
	s6 =	sadd.s32 @!p0 $0x88, s6;
	s7 =	simm.s32 @p2 $0x1082  }
0x22: {  	[simem:s7], [sflag:s8] =	dma.local @!p0 [hbm:s6], $0xF7A  }
0x23: {  	s9 =	sor.u32 $0xD0000000, s2;
	s6 =	simm.s32 $0x108;
	_ =	swait.ge @!p0 [sflag:s8], $0x0  }
0x24: {  	s3 =	sadd.s32 $0x88, s3;
	s6 =	simm.s32 @!p1 $0x1082;
	[sflag:s4] =	ssyncset.s32 $0xFFFFF086  }
0x25: {  	[simem:s6], [sflag:s4] =	dma.local [hbm:s3], $0xF7A  }
0x26: {  	[smem:$0x3F99] =	sst s1;
	(tag) =	ssettag s2;
	_ =	strace s9  }
0x27: {  	s1 =	sld [smem:$0x3FA9]  }
0x28: {  	s2 =	sld [smem:$0x3FAA]  }
0x29: {  	s4 =	sld [smem:$0x3FAC]  }
0x2a: {  	p0 =	seq.s32 s5, $0x0;
	s5 =	sld [smem:$0x3FAD]  }
0x2b: {  	s6 =	sld [smem:$0x3FAE]  }
0x2c: {  	s7 =	sld [smem:$0x3FAF]  }
0x2d: {  	s3 =	simm.s32 $0x108;
	s8 =	sld [smem:$0x3FB0]  }
0x2e: {  	s3 =	simm.s32 @!p0 $0x1082;
	s9 =	sld [smem:$0x3FB1]  }
0x2f: {  	lr =	sadd.s32 s0, s3;
	s0 =	sld [smem:$0x3FA8]  }
0x30: {  	s3 =	sld [smem:$0x3FAB]  }
0x31: {  	[smem:$0x3FB4] =	sst s10  }
0x32: {  	s10 =	sld [smem:$0x3FB2];
	_ =	sdelay $0x3  }
0x33: {  	p0 =	seq.s32 s10, $0x1;
	s10 =	sld [smem:$0x3FB4];
	_ =	sdelay $0x3  }
0x34: {  	[smem:$0x3FB4] =	sst s10  }
0x35: {  	s10 =	sld [smem:$0x3FB3];
	_ =	sdelay $0x3  }
0x36: {  	p1 =	seq.s32 s10, $0x1;
	s10 =	sld [smem:$0x3FB4];
	_ =	sdelay $0x3  }
0x37: {  	[smem:$0x3FB4] =	sst s10  }
0x38: {  	s10 =	sld [smem:$0x3FB5]  }
0x39: {  	_ = 	snop;
	(pc) =	sbr.ind lr, $3  }
0x3a: {  	_ = 	snop  }
0x3b: {  	_ = 	snop  }
0x3c: {  	p2 =	seq.s32 s10, $0x1;
	s10 =	sld [smem:$0x3FB4]  }
0x3d: {  	_ =	shalt  }
0x3e: {  	_ =	shalt  }
0x3f: {  	_ =	shalt  }
0x40: {  	_ =	shalt  }
0x41: {  	_ =	shalt  }
0x42: {  	_ =	shalt  }
0x43: {  	_ =	shalt  }
0x44: {  	_ =	shalt  }
0x45: {  	_ =	shalt  }
0x46: {  	_ =	shalt  }
0x47: {  	_ =	shalt  }
0x48: {  	_ =	shalt  }
0x49: {  	_ =	shalt  }
0x4a: {  	_ =	shalt  }
0x4b: {  	_ =	shalt  }
0x4c: {  	_ =	shalt  }
0x4d: {  	_ =	shalt  }
0x4e: {  	_ =	shalt  }
0x4f: {  	_ =	shalt  }
0x50: {  	_ =	shalt  }
0x51: {  	_ =	shalt  }
0x52: {  	_ =	shalt  }
0x53: {  	_ =	shalt  }
0x54: {  	_ =	shalt  }
0x55: {  	_ =	shalt  }
0x56: {  	_ =	shalt  }
0x57: {  	_ =	shalt  }
0x58: {  	_ =	shalt  }
0x59: {  	_ =	shalt  }
0x5a: {  	_ =	shalt  }
0x5b: {  	_ =	shalt  }
0x5c: {  	_ =	shalt  }
0x5d: {  	_ =	shalt  }
0x5e: {  	_ =	shalt  }
0x5f: {  	_ =	shalt  }
0x60: {  	_ =	shalt  }
0x61: {  	_ =	shalt  }
0x62: {  	_ =	shalt  }
0x63: {  	_ =	shalt  }
0x64: {  	_ =	shalt  }
0x65: {  	_ =	shalt  }
0x66: {  	_ =	shalt  }
0x67: {  	_ =	shalt  }
0x68: {  	_ =	shalt  }
0x69: {  	_ =	shalt  }
0x6a: {  	_ =	shalt  }
0x6b: {  	_ =	shalt  }
0x6c: {  	_ =	shalt  }
0x6d: {  	_ =	shalt  }
0x6e: {  	_ =	shalt  }
0x6f: {  	_ =	shalt  }
0x70: {  	_ =	shalt  }
0x71: {  	_ =	shalt  }
0x72: {  	_ =	shalt  }
0x73: {  	_ =	shalt  }
0x74: {  	_ =	shalt  }
0x75: {  	_ =	shalt  }
0x76: {  	_ =	shalt  }
0x77: {  	_ =	shalt  }
0x78: {  	_ =	shalt  }
0x79: {  	_ =	shalt  }
0x7a: {  	_ =	shalt  }
0x7b: {  	_ =	shalt  }
0x7c: {  	_ =	shalt  }
0x7d: {  	_ =	shalt  }
0x7e: {  	_ =	shalt  }
0x7f: {  	_ =	shalt  }
0x80: {  	_ =	shalt  }
0x81: {  	_ =	shalt  }
0x82: {  	_ =	shalt  }
0x83: {  	_ =	shalt  }
0x84: {  	_ =	shalt  }
0x85: {  	_ =	shalt  }
0x86: {  	_ =	shalt  }
0x87: {  	_ =	shalt  }
.Lfunc_end0:
.L_simem_size_0:
called_computation.2_lowered:
.L_overlay_start_0:
0x88: {  	s2 =	sld [smem:$0x3FD9]  }
0x89: {  	s3 =	sld [smem:$0x3FFE];
	_ =	sdelay $0x1  }
0x8a: {  	s1 =	srdreg.scid  }
0x8b: {  	s0 =	sand.u32 $0x1, s1  }
0x8c: {  	s17 =	sshll.u32 s0, $0xA;
	s2 =	sadd.s32 s3, s2  }
0x8d: {  	s2 =	sadd.s32 s2, s17  }
0x8e: {  	[smem:$0x3FC0] =	sst s2  }
0x8f: {  	_ = 	snop  }
0x90: {  	s2 =	sld [smem:$0x3FD0];
	(tm) =	ssettm $0x1  }
0x91: {  	s18 =	sld [smem:$0x3FFB];
	_ =	sdelay $0x3  }
0x92: {  	_ =	strace s18  }
0x93: {  	s3 =	sld [smem:$0x3FFC];
	_ =	sdelay $0x3  }
0x94: {  	_ =	strace s3  }
0x95: {  	s3 =	sld [smem:$0x3FFD];
	_ =	sdelay $0x3  }
0x96: {  	_ =	strace s3  }
0x97: {  	_ =	strace $0x8FFFFFFF  }
0x98: {  	s19 =	sld [smem:$0x3FDB];
	_ =	sdelay $0x1  }
0x99: {  	s4 =	simm.s32 $_scs_section_size  }
0x9a: {  	s5 =	simm.s32 $_size__tile_overlayer_lowered;
	s6 =	simm.s32 $_tile_overlayer_lowered  }
0x9b: {  	s22 =	simm.s32 $0x1BFF;
	s21 =	sshll.u32 s6, $0x1;
	s3 =	sadd.s32 s4, s19  }
0x9c: {  	s7 =	simm.s32 $0x0;
	s20 =	sshll.u32 s5, $0x1;
	s5 =	sadd.s32 s21, s3  }
0x9d: {  	[timem:s7], [sflag:s22] =	dma.local [hbm:s5], s20  }
0x9e: {  	_ =	swait.ge [sflag:s22], s20  }
0x9f: {  	s4 =	ssub.s32 $0x0, s20;
	[sflag:s22] =	ssyncset.done $0x0  }
0xa0: {  	[sflag:s22] =	ssyncadd.s32 s4;
	_ =	sdelay $0x1  }
0xa1: {  	s23 =	simm.s32 $0x1B8B  }
0xa2: {  	_ =	swait.ge [sflag:s23], $0x1  }
0xa3: {  	[sflag:s23] =	ssyncset.done $0x0  }
0xa4: {  	s25 =	simm.s32 $0x1B8E;
	s24 =	sld [smem:$0x3FFE];
	[sflag:s23] =	ssyncadd.s32 $0xFFFFFFFF  }
0xa5: {  	s26 =	simm.s32 $execute0_lowered;
	[smem:$0x3FD2] =	sst s25  }
0xa6: {  	s5 =	sshll.u32 s26, $0x1;
	_ =	strace $0x8000004C;
	[dreg:$0x1] =	wrdreg $0xFFFFFFFF  }
0xa7: {  	s28 =	simm.s32 $_size_execute0_lowered;
	s3 =	sadd.s32 s3, s5;
	[dreg:$0x0] =	wrdreg $0x0  }
0xa8: {  	s5 =	sshll.u32 s28, $0x1;
	[dreg:$0x2] =	wrdreg s3  }
0xa9: {  	[dreg:$0x3] =	wrdreg s5  }
0xaa: {  	[dreg:$0x4] =	wrdreg $0xC0  }
0xab: {  	_ =	task [dreg:s7], $0x5FFFF  }
0xac: {  	[dreg:$0x1] =	wrdreg $0xFFFFFFFF  }
0xad: {  	[dreg:$0x0] =	wrdreg $0x60  }
0xae: {  	[dreg:$0x2] =	wrdreg s2  }
0xaf: {  	[dreg:$0x3] =	wrdreg s24  }
0xb0: {  	[dreg:$0x4] =	wrdreg $0xAE000  }
0xb1: {  	[dreg:$0x5] =	wrdreg $0x9  }
0xb2: {  	_ =	task.clear_ibuf [dreg:s7], $0x6FFFF;
	_ =	strace $0x9000004C  }
0xb3: {  	s29 =	simm.s32 $0x9;
	_ =	strace $0x8000004E  }
0xb4: {  	_ =	swait.ge [sflag:s29], $0x1  }
0xb5: {  	[sflag:s29] =	ssyncadd.s32 $0xFFFFFFFF  }
0xb6: {  	_ =	strace $0x9000004E  }
0xb7: {  	_ =	sfence  }
0xb8: {  	s30 =	sld [smem:$0x0];
	_ =	sdelay $0x2  }
0xb9: {  	s31 =	sshll.u32 s1, $0xD;
	s1 =	sshrl.u32 s1, $0x2  }
0xba: {  	s3 =	sand.u32 $0x4000, s31;
	s1 =	sadd.s32 s1, s30  }
0xbb: {  	s0 =	sor.u32 s3, s0;
	s1 =	sshll.u32 s1, $0x11  }
0xbc: {  	s0 =	sor.u32 s1, s0  }
0xbd: {  	s0 =	sadd.s32 $0x8F2B, s0  }
0xbe: {  	[sflag:s0] =	ssyncadd.remote.s32 $0x1  }
0xbf: {  	_ =	sfence.sel $0xFFFF  }
0xc0: {  	[dreg:$0x0] =	wrdreg $0xFFFFFFFF;
	(pc) =	sbr.abs _section_cstart, $3  }
0xc1: {  	[dreg:$0x1] =	wrdreg $0xFFFFFFFF  }
0xc2: {  	_ =	task.clear_ibuf [dreg:s7], $0x2FFFF;
	_ =	strace $0x9FFFFFFF  }
0xc3: {  	(tm) =	ssettm $0x7FFFFFFF  }
tec
execute0_lowered:
.L_overlay_start_1:
0x0: {  	(tag) =	ssettag $0x1  }
0x1: {  	s1 =	rddreg [dreg:$0x0]  }
0x2: {  	s0 =	srdreg.scid;
	s6 =	rddreg [dreg:$0x1]  }
0x3: {  	s3 =	rddreg [dreg:$0x2];
	s4 =	simm.s32 $0x0;
	s13 =	simm.s32 $0x2C00  }
0x4: {  	s14 =	simm.s32 $0x2E00;
	s15 =	simm.s32 $0x2D00;
	s16 =	simm.s32 $0x6E00  }
0x5: {  	s17 =	simm.s32 $0x1;
	s18 =	simm.s32 $0x2C80;
	s19 =	simm.s32 $0x2  }
0x6: {  	s20 =	simm.s32 $0x2D80;
	s5 =	sand.u32 $0x1, s0;
	s0 =	stileid.u32  }
0x7: {  	s21 =	simm.s32 $0x0;
	[smem:$0x7FF] =	sst s4;
	s8 =	smul.u32 $0x13C00, s0  }
0x8: {  	s2 =	sshll.u32 s5, $0x4;
	s9 =	smul.u32 $0x13C000, s5;
	s5 =	ssub.s32 $0x2, s5  }
0x9: {  	s28 =	smul.u32 $0x4F000, s0;
	s31 =	sshll.u32 s0, $0x6;
	s2 =	sor.u32 s0, s2  }
0xa: {  	s29 =	sshrl.u32 s5, $0x1;
	s7 =	smul.u32 $0x580, s2;
	s2 =	rddreg [dreg:$0x3]  }
0xb: {  	_ =	strace $0x8000004D;
	s10 =	sshrl.u32 s8, $0x3;
	s8 =	sadd.s32 s8, s9  }
0xc: {  	s11 =	ssub.s32 s5, s29;
	s30 =	sshrl.u32 s28, $0x2;
	s8 =	sshrl.u32 s8, $0x3  }
0xd: {  	s10 =	sadd.s32 s10, s6;
	s12 =	sadd.s32 s30, s3;
	s9 =	smax.u32 s11, $0x1  }
0xe: {  	s11 =	simm.s32 $0x3;
	s7 =	sadd.s32 s7, s6;
	s8 =	sadd.s32 s8, s6  }
0xf: {  	s5 =	sadd.s32 $0xF800, s10;
	s6 =	sor.u32 $0x1C03, s31;
	s10 =	sshrl.u32 s12, $0x3  }
0x10: {  	s12 =	simm.s32 $0x80;
	s7 =	sadd.s32 $0x4800, s7;
	s8 =	sadd.s32 $0x85400, s8  }
.LBB2_1:
0x11: {  	[spmem:s10], [sflag:s6] =	dma.local [hbm:s5], $0x2780  }
0x12: {  	_ =	swait.ge [sflag:s11], $0x2780  }
0x13: {  	[sflag:s11] =	ssyncset.done $0x0  }
0x14: {  	[sflag:s11] =	ssyncadd.s32 $0xFFFFD880  }
0x15: {  	[tilespmem:s4], [sflag:$0x3] =	stream.linear.gather [hbm4b:s7+s4], $0x2900, $0x38;
	[tilespmem:$0x1EA00] =	vst v63  }
0x16: {  	_ =	swait.ge [sflag:s11], $0x2900  }
0x17: {  	[sflag:s11] =	ssyncset.done $0x0  }
0x18: {  	[sflag:s11] =	ssyncadd.s32 $0xFFFFD700  }
0x19: {  	[bflag:$0x0] =	sbarrier.arrive $0xFFFF  }
0x1a: {  	v0 =	vld [tilespmem:$0x0];
	_ =	sdelay $0x1  }
0x1b: {  	v1 =	vld [tilespmem:$0x10];
	_ =	sdelay $0x1  }
0x1c: {  	v2 =	vld [tilespmem:$0x20]  }
0x1d: {  	v3 =	vshrl.u32 v0, $0xE  }
0x1e: {  	v0 =	vand.u32 $0x3FFF, v0;
	[tilespmem:$0x2C00] =	vst v3;
	v3 =	vld [tilespmem:$0x30]  }
0x1f: {  	[tilespmem:$0x2C80] =	vst v0;
	v0 =	vshrl.u32 v1, $0xE  }
0x20: {  	[tilespmem:$0x2C10] =	vst v0;
	v0 =	vand.u32 $0x3FFF, v1;
	v1 =	vld [tilespmem:$0x40]  }
0x21: {  	[tilespmem:$0x2C90] =	vst v0;
	v0 =	vshrl.u32 v2, $0xE  }
0x22: {  	[tilespmem:$0x2C20] =	vst v0;
	v0 =	vand.u32 $0x3FFF, v2;
	v2 =	vld [tilespmem:$0x50]  }
0x23: {  	[tilespmem:$0x2CA0] =	vst v0;
	v0 =	vshrl.u32 v3, $0xE  }
0x24: {  	[tilespmem:$0x2C30] =	vst v0;
	v0 =	vand.u32 $0x3FFF, v3;
	v3 =	vld [tilespmem:$0x60]  }
0x25: {  	[tilespmem:$0x2CB0] =	vst v0;
	v0 =	vshrl.u32 v1, $0xE  }
0x26: {  	[tilespmem:$0x2C40] =	vst v0;
	v0 =	vand.u32 $0x3FFF, v1;
	v1 =	vld [tilespmem:$0x70]  }
0x27: {  	[tilespmem:$0x2CC0] =	vst v0;
	v0 =	vshrl.u32 v2, $0xE  }
0x28: {  	[tilespmem:$0x2C50] =	vst v0;
	v0 =	vand.u32 $0x3FFF, v2  }
0x29: {  	[tilespmem:$0x2CD0] =	vst v0;
	v0 =	vshrl.u32 v3, $0xE  }
0x2a: {  	[tilespmem:$0x2C60] =	vst v0;
	v0 =	vand.u32 $0x3FFF, v3  }
0x2b: {  	[tilespmem:$0x2CE0] =	vst v0;
	v0 =	vshrl.u32 v1, $0xE  }
0x2c: {  	[tilespmem:$0x2C70] =	vst v0;
	v0 =	vand.u32 $0x3FFF, v1  }
0x2d: {  	s22 =	simm.s32 $0x0;
	[tilespmem:$0x2CF0] =	vst v0  }
0x2e: {  	[tilespmem:s14], [sflag:$0x1] =	stream.indirect.gather [hbm4b:s1+s12], $0x80, s13, s12, $0xb8;
	[tilespmem:$0x1EA00] =	vst v63  }
0x2f: {  	v0 =	vld [tilespmem:s22+$0x80];
	_ =	sdelay $0x4  }
0x30: {  	v1 =	vshrl.u32 v0, $0xE  }
0x31: {  	v0 =	vand.u32 $0x3FFF, v0;
	[tilespmem:$0x2D00] =	vst v1  }
0x32: {  	[tilespmem:$0x2D80] =	vst v0  }
0x33: {  	v0 =	vld [tilespmem:s22+$0x90];
	_ =	sdelay $0x4  }
0x34: {  	v1 =	vshrl.u32 v0, $0xE  }
0x35: {  	v0 =	vand.u32 $0x3FFF, v0;
	[tilespmem:$0x2D10] =	vst v1  }
0x36: {  	[tilespmem:$0x2D90] =	vst v0  }
0x37: {  	v0 =	vld [tilespmem:s22+$0xA0];
	_ =	sdelay $0x4  }
0x38: {  	v1 =	vshrl.u32 v0, $0xE  }
0x39: {  	v0 =	vand.u32 $0x3FFF, v0;
	[tilespmem:$0x2D20] =	vst v1  }
0x3a: {  	[tilespmem:$0x2DA0] =	vst v0  }
0x3b: {  	v0 =	vld [tilespmem:s22+$0xB0];
	_ =	sdelay $0x4  }
0x3c: {  	v1 =	vshrl.u32 v0, $0xE  }
0x3d: {  	v0 =	vand.u32 $0x3FFF, v0;
	[tilespmem:$0x2D30] =	vst v1  }
0x3e: {  	[tilespmem:$0x2DB0] =	vst v0  }
0x3f: {  	v0 =	vld [tilespmem:s22+$0xC0];
	_ =	sdelay $0x4  }
0x40: {  	v1 =	vshrl.u32 v0, $0xE  }
0x41: {  	v0 =	vand.u32 $0x3FFF, v0;
	[tilespmem:$0x2D40] =	vst v1  }
0x42: {  	[tilespmem:$0x2DC0] =	vst v0  }
0x43: {  	v0 =	vld [tilespmem:s22+$0xD0];
	_ =	sdelay $0x4  }
0x44: {  	v1 =	vshrl.u32 v0, $0xE  }
0x45: {  	v0 =	vand.u32 $0x3FFF, v0;
	[tilespmem:$0x2D50] =	vst v1  }
0x46: {  	[tilespmem:$0x2DD0] =	vst v0  }
0x47: {  	v0 =	vld [tilespmem:s22+$0xE0];
	_ =	sdelay $0x4  }
0x48: {  	v1 =	vshrl.u32 v0, $0xE  }
0x49: {  	v0 =	vand.u32 $0x3FFF, v0;
	[tilespmem:$0x2D60] =	vst v1  }
0x4a: {  	[tilespmem:$0x2DE0] =	vst v0  }
0x4b: {  	v0 =	vld [tilespmem:s22+$0xF0];
	_ =	sdelay $0x4  }
0x4c: {  	v1 =	vshrl.u32 v0, $0xE  }
0x4d: {  	v0 =	vand.u32 $0x3FFF, v0;
	[tilespmem:$0x2D70] =	vst v1  }
0x4e: {  	[tilespmem:$0x2DF0] =	vst v0  }
0x4f: {  	[tilespmem:s16], [sflag:$0x2] =	stream.indirect.gather [hbm4b:s1+s12], $0x80, s15, s12, $0xb8;
	[tilespmem:$0x1EA00] =	vst v63  }
0x50: {  	_ =	swait.ge [sflag:s17], $0x4000  }
0x51: {  	[sflag:s17] =	ssyncset.done $0x0  }
0x52: {  	[sflag:s17] =	ssyncadd.s32 $0xFFFFC000  }
0x53: {  	[spmem:s3] =	stream.indirect.scatter.add.f32 [tilespmem:s14], [sflag:$0x3], $0x80, s18, s12, $0xb8;
	[tilespmem:$0x1EA00] =	vst v63  }
0x54: {  	_ =	swait.ge [sflag:s11], $0x4000  }
0x55: {  	[sflag:s11] =	ssyncset.done $0x0  }
0x56: {  	[sflag:s11] =	ssyncadd.s32 $0xFFFFC000  }
0x57: {  	v0 =	vld [tilespmem:s22+$0x100];
	_ =	sdelay $0x4  }
0x58: {  	v1 =	vshrl.u32 v0, $0xE  }
0x59: {  	v0 =	vand.u32 $0x3FFF, v0;
	[tilespmem:$0x2C00] =	vst v1  }
0x5a: {  	[tilespmem:$0x2C80] =	vst v0  }
0x5b: {  	v0 =	vld [tilespmem:s22+$0x110];
	_ =	sdelay $0x4  }
0x5c: {  	v1 =	vshrl.u32 v0, $0xE  }
0x5d: {  	v0 =	vand.u32 $0x3FFF, v0;
	[tilespmem:$0x2C10] =	vst v1  }
0x5e: {  	[tilespmem:$0x2C90] =	vst v0  }
0x5f: {  	v0 =	vld [tilespmem:s22+$0x120];
	_ =	sdelay $0x4  }
0x60: {  	v1 =	vshrl.u32 v0, $0xE  }
0x61: {  	v0 =	vand.u32 $0x3FFF, v0;
	[tilespmem:$0x2C20] =	vst v1  }
0x62: {  	[tilespmem:$0x2CA0] =	vst v0  }
0x63: {  	v0 =	vld [tilespmem:s22+$0x130];
	_ =	sdelay $0x4  }
0x64: {  	v1 =	vshrl.u32 v0, $0xE  }
0x65: {  	v0 =	vand.u32 $0x3FFF, v0;
	[tilespmem:$0x2C30] =	vst v1  }
0x66: {  	[tilespmem:$0x2CB0] =	vst v0  }
0x67: {  	v0 =	vld [tilespmem:s22+$0x140];
	_ =	sdelay $0x4  }
0x68: {  	v1 =	vshrl.u32 v0, $0xE  }
0x69: {  	v0 =	vand.u32 $0x3FFF, v0;
	[tilespmem:$0x2C40] =	vst v1  }
0x6a: {  	[tilespmem:$0x2CC0] =	vst v0  }
0x6b: {  	v0 =	vld [tilespmem:s22+$0x150];
	_ =	sdelay $0x4  }
0x6c: {  	v1 =	vshrl.u32 v0, $0xE  }
0x6d: {  	v0 =	vand.u32 $0x3FFF, v0;
	[tilespmem:$0x2C50] =	vst v1  }
0x6e: {  	[tilespmem:$0x2CD0] =	vst v0  }
0x6f: {  	v0 =	vld [tilespmem:s22+$0x160];
	_ =	sdelay $0x4  }
0x70: {  	v1 =	vshrl.u32 v0, $0xE  }
0x71: {  	s23 =	simm.s32 $0x400;
	v0 =	vand.u32 $0x3FFF, v0;
	[tilespmem:$0x2C60] =	vst v1  }
.LBB2_2:
0x72: {  	p0 =	sne.s32 s23, $0x9C00;
	[tilespmem:$0x2CE0] =	vst v0;
	s24 =	smov.u32 s23;
	s23 =	sadd.s32 $0x400, s23  }
0x73: {  	v0 =	vld [tilespmem:s22+$0x170];
	_ =	sdelay $0x4  }
0x74: {  	v1 =	vshrl.u32 v0, $0xE;
	v0 =	vand.u32 $0x3FFF, v0  }
0x75: {  	[tilespmem:$0x2C70] =	vst v1  }
0x76: {  	[tilespmem:$0x2CF0] =	vst v0  }
0x77: {  	[tilespmem:s14], [sflag:$0x1] =	stream.indirect.gather [hbm4b:s1+s12], $0x80, s13, s12, $0xb8;
	[tilespmem:$0x1EA00] =	vst v63  }
0x78: {  	_ =	swait.ge [sflag:s19], $0x4000  }
0x79: {  	[sflag:s19] =	ssyncset.done $0x0  }
0x7a: {  	[sflag:s19] =	ssyncadd.s32 $0xFFFFC000  }
0x7b: {  	[spmem:s3] =	stream.indirect.scatter.add.f32 [tilespmem:s16], [sflag:$0x3], $0x80, s20, s12, $0xb8;
	[tilespmem:$0x1EA00] =	vst v63  }
0x7c: {  	_ =	swait.ge [sflag:s11], $0x4000  }
0x7d: {  	[sflag:s11] =	ssyncset.done $0x0  }
0x7e: {  	s22 =	sshra.s32 s24, $0x2;
	[sflag:s11] =	ssyncadd.s32 $0xFFFFC000  }
0x7f: {  	v0 =	vld [tilespmem:s22+$0x80];
	_ =	sdelay $0x4  }
0x80: {  	v1 =	vshrl.u32 v0, $0xE;
	v0 =	vand.u32 $0x3FFF, v0  }
0x81: {  	[tilespmem:$0x2D00] =	vst v1  }
0x82: {  	[tilespmem:$0x2D80] =	vst v0  }
0x83: {  	v0 =	vld [tilespmem:s22+$0x90];
	_ =	sdelay $0x4  }
0x84: {  	v1 =	vshrl.u32 v0, $0xE;
	v0 =	vand.u32 $0x3FFF, v0  }
0x85: {  	[tilespmem:$0x2D10] =	vst v1  }
0x86: {  	[tilespmem:$0x2D90] =	vst v0  }
0x87: {  	v0 =	vld [tilespmem:s22+$0xA0];
	_ =	sdelay $0x4  }
0x88: {  	v1 =	vshrl.u32 v0, $0xE;
	v0 =	vand.u32 $0x3FFF, v0  }
0x89: {  	[tilespmem:$0x2D20] =	vst v1  }
0x8a: {  	[tilespmem:$0x2DA0] =	vst v0  }
0x8b: {  	v0 =	vld [tilespmem:s22+$0xB0];
	_ =	sdelay $0x4  }
0x8c: {  	v1 =	vshrl.u32 v0, $0xE;
	v0 =	vand.u32 $0x3FFF, v0  }
0x8d: {  	[tilespmem:$0x2D30] =	vst v1  }
0x8e: {  	[tilespmem:$0x2DB0] =	vst v0  }
0x8f: {  	v0 =	vld [tilespmem:s22+$0xC0];
	_ =	sdelay $0x4  }
0x90: {  	v1 =	vshrl.u32 v0, $0xE;
	v0 =	vand.u32 $0x3FFF, v0  }
0x91: {  	[tilespmem:$0x2D40] =	vst v1  }
0x92: {  	[tilespmem:$0x2DC0] =	vst v0  }
0x93: {  	v0 =	vld [tilespmem:s22+$0xD0];
	_ =	sdelay $0x4  }
0x94: {  	v1 =	vshrl.u32 v0, $0xE;
	v0 =	vand.u32 $0x3FFF, v0  }
0x95: {  	[tilespmem:$0x2D50] =	vst v1  }
0x96: {  	[tilespmem:$0x2DD0] =	vst v0  }
0x97: {  	v0 =	vld [tilespmem:s22+$0xE0];
	_ =	sdelay $0x4  }
0x98: {  	v1 =	vshrl.u32 v0, $0xE;
	v0 =	vand.u32 $0x3FFF, v0  }
0x99: {  	[tilespmem:$0x2D60] =	vst v1  }
0x9a: {  	[tilespmem:$0x2DE0] =	vst v0  }
0x9b: {  	v0 =	vld [tilespmem:s22+$0xF0];
	_ =	sdelay $0x4  }
0x9c: {  	v1 =	vshrl.u32 v0, $0xE;
	v0 =	vand.u32 $0x3FFF, v0  }
0x9d: {  	[tilespmem:$0x2D70] =	vst v1  }
0x9e: {  	[tilespmem:$0x2DF0] =	vst v0  }
0x9f: {  	[tilespmem:s16], [sflag:$0x2] =	stream.indirect.gather [hbm4b:s1+s12], $0x80, s15, s12, $0xb8;
	[tilespmem:$0x1EA00] =	vst v63  }
0xa0: {  	_ =	swait.ge [sflag:s17], $0x4000  }
0xa1: {  	[sflag:s17] =	ssyncset.done $0x0  }
0xa2: {  	[sflag:s17] =	ssyncadd.s32 $0xFFFFC000  }
0xa3: {  	[spmem:s3] =	stream.indirect.scatter.add.f32 [tilespmem:s14], [sflag:$0x3], $0x80, s18, s12, $0xb8;
	[tilespmem:$0x1EA00] =	vst v63  }
0xa4: {  	_ =	swait.ge [sflag:s11], $0x4000  }
0xa5: {  	[sflag:s11] =	ssyncset.done $0x0  }
0xa6: {  	[sflag:s11] =	ssyncadd.s32 $0xFFFFC000  }
0xa7: {  	v0 =	vld [tilespmem:s22+$0x100];
	_ =	sdelay $0x4  }
0xa8: {  	v1 =	vshrl.u32 v0, $0xE;
	v0 =	vand.u32 $0x3FFF, v0  }
0xa9: {  	[tilespmem:$0x2C00] =	vst v1  }
0xaa: {  	[tilespmem:$0x2C80] =	vst v0  }
0xab: {  	v0 =	vld [tilespmem:s22+$0x110];
	_ =	sdelay $0x4  }
0xac: {  	v1 =	vshrl.u32 v0, $0xE;
	v0 =	vand.u32 $0x3FFF, v0  }
0xad: {  	[tilespmem:$0x2C10] =	vst v1  }
0xae: {  	[tilespmem:$0x2C90] =	vst v0  }
0xaf: {  	v0 =	vld [tilespmem:s22+$0x120];
	_ =	sdelay $0x4  }
0xb0: {  	v1 =	vshrl.u32 v0, $0xE;
	v0 =	vand.u32 $0x3FFF, v0  }
0xb1: {  	[tilespmem:$0x2C20] =	vst v1  }
0xb2: {  	[tilespmem:$0x2CA0] =	vst v0  }
0xb3: {  	v0 =	vld [tilespmem:s22+$0x130];
	_ =	sdelay $0x4  }
0xb4: {  	v1 =	vshrl.u32 v0, $0xE;
	v0 =	vand.u32 $0x3FFF, v0  }
0xb5: {  	[tilespmem:$0x2C30] =	vst v1  }
0xb6: {  	[tilespmem:$0x2CB0] =	vst v0  }
0xb7: {  	v0 =	vld [tilespmem:s22+$0x140];
	_ =	sdelay $0x4  }
0xb8: {  	v1 =	vshrl.u32 v0, $0xE;
	v0 =	vand.u32 $0x3FFF, v0  }
0xb9: {  	[tilespmem:$0x2C40] =	vst v1  }
0xba: {  	[tilespmem:$0x2CC0] =	vst v0  }
0xbb: {  	v0 =	vld [tilespmem:s22+$0x150];
	_ =	sdelay $0x4  }
0xbc: {  	v1 =	vshrl.u32 v0, $0xE;
	v0 =	vand.u32 $0x3FFF, v0  }
0xbd: {  	[tilespmem:$0x2C50] =	vst v1  }
0xbe: {  	[tilespmem:$0x2CD0] =	vst v0  }
0xbf: {  	v0 =	vld [tilespmem:s22+$0x160];
	_ =	sdelay $0x1  }
.Ltmp0:
0xc0: {  	(pc) =	sbr.rel @p0 .LBB2_2-.Ltmp0, $3  }
0xc1: {  	_ =	sdelay $0x1  }
0xc2: {  	v1 =	vshrl.u32 v0, $0xE;
	v0 =	vand.u32 $0x3FFF, v0  }
0xc3: {  	[tilespmem:$0x2C60] =	vst v1  }
0xc4: {  	[tilespmem:$0x2CE0] =	vst v0  }
0xc5: {  	v0 =	vld [tilespmem:s22+$0x170];
	_ =	sdelay $0x4  }
0xc6: {  	v1 =	vshrl.u32 v0, $0xE  }
0xc7: {  	v0 =	vand.u32 $0x3FFF, v0;
	[tilespmem:$0x2C70] =	vst v1  }
0xc8: {  	[tilespmem:$0x2CF0] =	vst v0  }
0xc9: {  	[tilespmem:s14], [sflag:$0x1] =	stream.indirect.gather [hbm4b:s1+s12], $0x80, s13, s12, $0xb8;
	[tilespmem:$0x1EA00] =	vst v63  }
0xca: {  	_ =	swait.ge [sflag:s19], $0x4000  }
0xcb: {  	[sflag:s19] =	ssyncset.done $0x0  }
0xcc: {  	[sflag:s19] =	ssyncadd.s32 $0xFFFFC000  }
0xcd: {  	[spmem:s3] =	stream.indirect.scatter.add.f32 [tilespmem:s16], [sflag:$0x3], $0x80, s20, s12, $0xb8;
	[tilespmem:$0x1EA00] =	vst v63  }
0xce: {  	_ =	swait.ge [sflag:s11], $0x4000  }
0xcf: {  	[sflag:s11] =	ssyncset.done $0x0  }
0xd0: {  	[sflag:s11] =	ssyncadd.s32 $0xFFFFC000  }
0xd1: {  	_ =	swait.ge [sflag:s17], $0x4000  }
0xd2: {  	s21 =	sadd.s32 $0x1, s21;
	[sflag:s17] =	ssyncset.done $0x0  }
0xd3: {  	p0 =	sne.s32 s21, s9;
	[sflag:s17] =	ssyncadd.s32 $0xFFFFC000  }
.Ltmp1:
0xd4: {  	[bflag:$0x0] =	sbarrier.arrive $0xFFFF;
	(pc) =	sbr.rel @p0 .LBB2_1-.Ltmp1, $4  }
0xd5: {  	[hbm:s8], [sflag:s6] =	dma.local [spmem:s10], $0x2780  }
0xd6: {  	_ =	swait.ge [sflag:s11], $0x2780  }
0xd7: {  	[sflag:s11] =	ssyncset.done $0x0  }
0xd8: {  	[sflag:s11] =	ssyncadd.s32 $0xFFFFD880  }
0xd9: {  	_ =	sfence.sel $0x180000  }
0xda: {  	[bflag:$0x0] =	sbarrier.arrive $0xFFFF  }
0xdb: {  	p0 =	sne.s32 s0, $0x0;
	_ =	strace $0x9000004D  }
0xdc: {  	s0 =	sadd.s32 @!p0 $0x100000, s2;
	[bflag:$0x2] =	sbarrier.arrive $0xFFFF  }
0xdd: {  	[sflag:s0] =	ssyncadd.tile.s32 @!p0 $0x1;
	_ =	shalt  }
.Lfunc_end2:
_tile_overlayer_lowered:
.L_overlay_start_2:
0xde: {  	(tag) =	ssettag $0x2  }
0xdf: {  	s0 =	rddreg [dreg:$0x0];
	s2 =	stileid.u32  }
0xe0: {  	s1 =	rddreg [dreg:$0x1];
	p0 =	sne.s32 s2, $0x0  }
0xe1: {  	s3 =	rddreg [dreg:$0x2];
	[bflag:$0x3] =	sbarrier.arrive $0xFFFF;
	s2 =	simm.s32 @!p0 $0x1C03  }
0xe2: {  	[timem:s3], [sflag:s2] =	dma.local @!p0 [hbm:s0], s1  }
0xe3: {  	s0 =	simm.s32 @!p0 $0x3  }
0xe4: {  	_ =	swait.ge @!p0 [sflag:s0], s1  }
0xe5: {  	s1 =	ssub.s32 @!p0 $0x0, s1;
	[sflag:s0] =	ssyncset.done @!p0 $0x0  }
0xe6: {  	[sflag:s0] =	ssyncadd.s32 @!p0 s1  }
0xe7: {  	[bflag:$0x3] =	sbarrier.arrive $0xFFFF  }
0xe8: {  	_ =	shalt  }

// kernel: kernel.22.cloned.1.call-start
scs
__scs_entry_jumppad:
0x0: {  	(pc) =	sbr.rel $0x88, $3  }
0x1: {  	(tag) =	ssettag $0x0;
	lr =	simm.s32 $0x1  }
0x2: {  	[smem:$0x3F99] =	sst lr;
	_ =	strace $0xD0000000  }
0x3: {  	_ = 	snop  }
0x4: {  	_ = 	snop  }
0x5: {  	_ = 	snop  }
0x6: {  	_ = 	snop  }
0x7: {  	_ = 	snop  }
__scs_overlays_trampoline_lowered:
0x8: {  	[smem:$0x3FA8] =	sst s0  }
0x9: {  	[smem:$0x3FA9] =	sst s1  }
0xa: {  	[smem:$0x3FAA] =	sst s2  }
0xb: {  	[smem:$0x3FAB] =	sst s3  }
0xc: {  	[smem:$0x3FAC] =	sst s4  }
0xd: {  	[smem:$0x3FAD] =	sst s5  }
0xe: {  	[smem:$0x3FAE] =	sst s6  }
0xf: {  	[smem:$0x3FAF] =	sst s7  }
0x10: {  	[smem:$0x3FB0] =	sst s8  }
0x11: {  	[smem:$0x3FB1] =	sst s9;
	s0 =	simm.s32 @!p0 $0x0  }
0x12: {  	s1 =	sld [smem:$0x3F97];
	s0 =	simm.s32 @p0 $0x1  }
0x13: {  	[smem:$0x3FB2] =	sst s0;
	s0 =	simm.s32 @!p1 $0x0  }
0x14: {  	s2 =	sld [smem:$0x3F96];
	s0 =	simm.s32 @p1 $0x1  }
0x15: {  	[smem:$0x3FB3] =	sst s0;
	s0 =	simm.s32 @!p2 $0x0  }
0x16: {  	s3 =	sld [smem:$0x3FDB];
	s0 =	simm.s32 @p2 $0x1  }
0x17: {  	s4 =	simm.s32 $0x1BF5;
	[smem:$0x3FB5] =	sst s0  }
0x18: {  	s0 =	sld [smem:$0x3F98];
	_ =	swait.ge [sflag:s4], $0x0  }
0x19: {  	s7 =	sld [smem:$0x3F99]  }
0x1a: {  	s8 =	sadd.s32 $0xFFFFE003, lr  }
0x1b: {  	s9 =	sadd.s32 $0xFFFFFEF7, lr;
	s5 =	simm.s32 $0xFFFFFFFF;
	p2 =	slt.u32 s8, $0xFFFFF086  }
0x1c: {  	p1 =	slt.u32 s9, $0xF7A;
	s5 =	simm.s32 @!p2 $0x0  }
0x1d: {  	s5 =	simm.s32 @p1 $0x1;
	p0 =	seq.s32 s7, s2  }
0x1e: {  	s7 =	smul.u32 @!p0 $0xF7A, s2;
	p2 =	seq.s32 @!p0 s5, $0x0  }
0x1f: {  	s9 =	smul.u32 $0xF7A, s1;
	s8 =	simm.s32 @!p0 $0x1BF5;
	p2 =	por !p2, p0  }
0x20: {  	[sflag:s8] =	ssyncset.s32 @!p0 $0xFFFFF086;
	s6 =	sadd.s32 @!p0 s3, s7;
	s7 =	simm.s32 @!p0 $0x108  }
0x21: {  	s3 =	sadd.s32 s3, s9;
	s6 =	sadd.s32 @!p0 $0x88, s6;
	s7 =	simm.s32 @p2 $0x1082  }
0x22: {  	[simem:s7], [sflag:s8] =	dma.local @!p0 [hbm:s6], $0xF7A  }
0x23: {  	s9 =	sor.u32 $0xD0000000, s2;
	s6 =	simm.s32 $0x108;
	_ =	swait.ge @!p0 [sflag:s8], $0x0  }
0x24: {  	s3 =	sadd.s32 $0x88, s3;
	s6 =	simm.s32 @!p1 $0x1082;
	[sflag:s4] =	ssyncset.s32 $0xFFFFF086  }
0x25: {  	[simem:s6], [sflag:s4] =	dma.local [hbm:s3], $0xF7A  }
0x26: {  	[smem:$0x3F99] =	sst s1;
	(tag) =	ssettag s2;
	_ =	strace s9  }
0x27: {  	s1 =	sld [smem:$0x3FA9]  }
0x28: {  	s2 =	sld [smem:$0x3FAA]  }
0x29: {  	s4 =	sld [smem:$0x3FAC]  }
0x2a: {  	p0 =	seq.s32 s5, $0x0;
	s5 =	sld [smem:$0x3FAD]  }
0x2b: {  	s6 =	sld [smem:$0x3FAE]  }
0x2c: {  	s7 =	sld [smem:$0x3FAF]  }
0x2d: {  	s3 =	simm.s32 $0x108;
	s8 =	sld [smem:$0x3FB0]  }
0x2e: {  	s3 =	simm.s32 @!p0 $0x1082;
	s9 =	sld [smem:$0x3FB1]  }
0x2f: {  	lr =	sadd.s32 s0, s3;
	s0 =	sld [smem:$0x3FA8]  }
0x30: {  	s3 =	sld [smem:$0x3FAB]  }
0x31: {  	[smem:$0x3FB4] =	sst s10  }
0x32: {  	s10 =	sld [smem:$0x3FB2];
	_ =	sdelay $0x3  }
0x33: {  	p0 =	seq.s32 s10, $0x1;
	s10 =	sld [smem:$0x3FB4];
	_ =	sdelay $0x3  }
0x34: {  	[smem:$0x3FB4] =	sst s10  }
0x35: {  	s10 =	sld [smem:$0x3FB3];
	_ =	sdelay $0x3  }
0x36: {  	p1 =	seq.s32 s10, $0x1;
	s10 =	sld [smem:$0x3FB4];
	_ =	sdelay $0x3  }
0x37: {  	[smem:$0x3FB4] =	sst s10  }
0x38: {  	s10 =	sld [smem:$0x3FB5]  }
0x39: {  	_ = 	snop;
	(pc) =	sbr.ind lr, $3  }
0x3a: {  	_ = 	snop  }
0x3b: {  	_ = 	snop  }
0x3c: {  	p2 =	seq.s32 s10, $0x1;
	s10 =	sld [smem:$0x3FB4]  }
0x3d: {  	_ =	shalt  }
0x3e: {  	_ =	shalt  }
0x3f: {  	_ =	shalt  }
0x40: {  	_ =	shalt  }
0x41: {  	_ =	shalt  }
0x42: {  	_ =	shalt  }
0x43: {  	_ =	shalt  }
0x44: {  	_ =	shalt  }
0x45: {  	_ =	shalt  }
0x46: {  	_ =	shalt  }
0x47: {  	_ =	shalt  }
0x48: {  	_ =	shalt  }
0x49: {  	_ =	shalt  }
0x4a: {  	_ =	shalt  }
0x4b: {  	_ =	shalt  }
0x4c: {  	_ =	shalt  }
0x4d: {  	_ =	shalt  }
0x4e: {  	_ =	shalt  }
0x4f: {  	_ =	shalt  }
0x50: {  	_ =	shalt  }
0x51: {  	_ =	shalt  }
0x52: {  	_ =	shalt  }
0x53: {  	_ =	shalt  }
0x54: {  	_ =	shalt  }
0x55: {  	_ =	shalt  }
0x56: {  	_ =	shalt  }
0x57: {  	_ =	shalt  }
0x58: {  	_ =	shalt  }
0x59: {  	_ =	shalt  }
0x5a: {  	_ =	shalt  }
0x5b: {  	_ =	shalt  }
0x5c: {  	_ =	shalt  }
0x5d: {  	_ =	shalt  }
0x5e: {  	_ =	shalt  }
0x5f: {  	_ =	shalt  }
0x60: {  	_ =	shalt  }
0x61: {  	_ =	shalt  }
0x62: {  	_ =	shalt  }
0x63: {  	_ =	shalt  }
0x64: {  	_ =	shalt  }
0x65: {  	_ =	shalt  }
0x66: {  	_ =	shalt  }
0x67: {  	_ =	shalt  }
0x68: {  	_ =	shalt  }
0x69: {  	_ =	shalt  }
0x6a: {  	_ =	shalt  }
0x6b: {  	_ =	shalt  }
0x6c: {  	_ =	shalt  }
0x6d: {  	_ =	shalt  }
0x6e: {  	_ =	shalt  }
0x6f: {  	_ =	shalt  }
0x70: {  	_ =	shalt  }
0x71: {  	_ =	shalt  }
0x72: {  	_ =	shalt  }
0x73: {  	_ =	shalt  }
0x74: {  	_ =	shalt  }
0x75: {  	_ =	shalt  }
0x76: {  	_ =	shalt  }
0x77: {  	_ =	shalt  }
0x78: {  	_ =	shalt  }
0x79: {  	_ =	shalt  }
0x7a: {  	_ =	shalt  }
0x7b: {  	_ =	shalt  }
0x7c: {  	_ =	shalt  }
0x7d: {  	_ =	shalt  }
0x7e: {  	_ =	shalt  }
0x7f: {  	_ =	shalt  }
0x80: {  	_ =	shalt  }
0x81: {  	_ =	shalt  }
0x82: {  	_ =	shalt  }
0x83: {  	_ =	shalt  }
0x84: {  	_ =	shalt  }
0x85: {  	_ =	shalt  }
0x86: {  	_ =	shalt  }
0x87: {  	_ =	shalt  }
.Lfunc_end0:
.L_simem_size_0:
called_computation.3_lowered:
.L_overlay_start_0:
0x88: {  	s2 =	sld [smem:$0x3FD9]  }
0x89: {  	s3 =	sld [smem:$0x3FFE];
	_ =	sdelay $0x1  }
0x8a: {  	s1 =	srdreg.scid  }
0x8b: {  	s0 =	sand.u32 $0x1, s1  }
0x8c: {  	s17 =	sshll.u32 s0, $0xA;
	s2 =	sadd.s32 s3, s2  }
0x8d: {  	s2 =	sadd.s32 s2, s17  }
0x8e: {  	[smem:$0x3FC0] =	sst s2  }
0x8f: {  	_ = 	snop  }
0x90: {  	s2 =	sld [smem:$0x3FD0];
	(tm) =	ssettm $0x1  }
0x91: {  	s18 =	sld [smem:$0x3FFB];
	_ =	sdelay $0x3  }
0x92: {  	_ =	strace s18  }
0x93: {  	s3 =	sld [smem:$0x3FFC];
	_ =	sdelay $0x3  }
0x94: {  	_ =	strace s3  }
0x95: {  	s3 =	sld [smem:$0x3FFD];
	_ =	sdelay $0x3  }
0x96: {  	_ =	strace s3  }
0x97: {  	_ =	strace $0x8FFFFFFF  }
0x98: {  	s19 =	sld [smem:$0x3FDB];
	_ =	sdelay $0x1  }
0x99: {  	s4 =	simm.s32 $_scs_section_size  }
0x9a: {  	s5 =	simm.s32 $_size__tile_overlayer_lowered;
	s6 =	simm.s32 $_tile_overlayer_lowered  }
0x9b: {  	s22 =	simm.s32 $0x1BFF;
	s21 =	sshll.u32 s6, $0x1;
	s3 =	sadd.s32 s4, s19  }
0x9c: {  	s7 =	simm.s32 $0x0;
	s20 =	sshll.u32 s5, $0x1;
	s5 =	sadd.s32 s21, s3  }
0x9d: {  	[timem:s7], [sflag:s22] =	dma.local [hbm:s5], s20  }
0x9e: {  	_ =	swait.ge [sflag:s22], s20  }
0x9f: {  	s4 =	ssub.s32 $0x0, s20;
	[sflag:s22] =	ssyncset.done $0x0  }
0xa0: {  	[sflag:s22] =	ssyncadd.s32 s4;
	_ =	sdelay $0x1  }
0xa1: {  	s23 =	simm.s32 $0x1B8B  }
0xa2: {  	_ =	swait.ge [sflag:s23], $0x1  }
0xa3: {  	[sflag:s23] =	ssyncset.done $0x0  }
0xa4: {  	s25 =	simm.s32 $0x1B8E;
	s24 =	sld [smem:$0x3FFE];
	[sflag:s23] =	ssyncadd.s32 $0xFFFFFFFF  }
0xa5: {  	s26 =	simm.s32 $execute0_lowered;
	[smem:$0x3FD2] =	sst s25  }
0xa6: {  	s5 =	sshll.u32 s26, $0x1;
	_ =	strace $0x8000004F;
	[dreg:$0x1] =	wrdreg $0xFFFFFFFF  }
0xa7: {  	s28 =	simm.s32 $_size_execute0_lowered;
	s3 =	sadd.s32 s3, s5;
	[dreg:$0x0] =	wrdreg $0x0  }
0xa8: {  	s5 =	sshll.u32 s28, $0x1;
	[dreg:$0x2] =	wrdreg s3  }
0xa9: {  	[dreg:$0x3] =	wrdreg s5  }
0xaa: {  	[dreg:$0x4] =	wrdreg $0xC0  }
0xab: {  	_ =	task [dreg:s7], $0x5FFFF  }
0xac: {  	[dreg:$0x1] =	wrdreg $0xFFFFFFFF  }
0xad: {  	[dreg:$0x0] =	wrdreg $0x60  }
0xae: {  	[dreg:$0x2] =	wrdreg s2  }
0xaf: {  	[dreg:$0x3] =	wrdreg s24  }
0xb0: {  	[dreg:$0x4] =	wrdreg $0xAE000  }
0xb1: {  	[dreg:$0x5] =	wrdreg $0x9  }
0xb2: {  	_ =	task.clear_ibuf [dreg:s7], $0x6FFFF;
	_ =	strace $0x9000004F  }
0xb3: {  	s29 =	simm.s32 $0x9;
	_ =	strace $0x80000051  }
0xb4: {  	_ =	swait.ge [sflag:s29], $0x1  }
0xb5: {  	[sflag:s29] =	ssyncadd.s32 $0xFFFFFFFF  }
0xb6: {  	_ =	strace $0x90000051  }
0xb7: {  	_ =	sfence  }
0xb8: {  	s30 =	sld [smem:$0x0];
	_ =	sdelay $0x2  }
0xb9: {  	s31 =	sshll.u32 s1, $0xD;
	s1 =	sshrl.u32 s1, $0x2  }
0xba: {  	s3 =	sand.u32 $0x4000, s31;
	s1 =	sadd.s32 s1, s30  }
0xbb: {  	s0 =	sor.u32 s3, s0;
	s1 =	sshll.u32 s1, $0x11  }
0xbc: {  	s0 =	sor.u32 s1, s0  }
0xbd: {  	s0 =	sadd.s32 $0x8F2B, s0  }
0xbe: {  	[sflag:s0] =	ssyncadd.remote.s32 $0x1  }
0xbf: {  	_ =	sfence.sel $0xFFFF  }
0xc0: {  	[dreg:$0x0] =	wrdreg $0xFFFFFFFF;
	(pc) =	sbr.abs _section_cstart, $3  }
0xc1: {  	[dreg:$0x1] =	wrdreg $0xFFFFFFFF  }
0xc2: {  	_ =	task.clear_ibuf [dreg:s7], $0x2FFFF;
	_ =	strace $0x9FFFFFFF  }
0xc3: {  	(tm) =	ssettm $0x7FFFFFFF  }
tec
execute0_lowered:
.L_overlay_start_1:
0x0: {  	(tag) =	ssettag $0x1  }
0x1: {  	s1 =	rddreg [dreg:$0x0]  }
0x2: {  	s0 =	srdreg.scid;
	s6 =	rddreg [dreg:$0x1]  }
0x3: {  	s3 =	rddreg [dreg:$0x2];
	s4 =	simm.s32 $0x0;
	s13 =	simm.s32 $0x2C00  }
0x4: {  	s14 =	simm.s32 $0x2E00;
	s15 =	simm.s32 $0x2D00;
	s16 =	simm.s32 $0x6E00  }
0x5: {  	s17 =	simm.s32 $0x1;
	s18 =	simm.s32 $0x2C80;
	s19 =	simm.s32 $0x2  }
0x6: {  	s20 =	simm.s32 $0x2D80;
	s5 =	sand.u32 $0x1, s0;
	s0 =	stileid.u32  }
0x7: {  	s21 =	simm.s32 $0x0;
	[smem:$0x7FF] =	sst s4;
	s8 =	smul.u32 $0x13C00, s0  }
0x8: {  	s2 =	sshll.u32 s5, $0x4;
	s9 =	smul.u32 $0x13C000, s5;
	s5 =	ssub.s32 $0x2, s5  }
0x9: {  	s28 =	smul.u32 $0x4F000, s0;
	s31 =	sshll.u32 s0, $0x6;
	s2 =	sor.u32 s0, s2  }
0xa: {  	s29 =	sshrl.u32 s5, $0x1;
	s7 =	smul.u32 $0x580, s2;
	s2 =	rddreg [dreg:$0x3]  }
0xb: {  	_ =	strace $0x80000050;
	s10 =	sshrl.u32 s8, $0x3;
	s8 =	sadd.s32 s8, s9  }
0xc: {  	s11 =	ssub.s32 s5, s29;
	s30 =	sshrl.u32 s28, $0x2;
	s8 =	sshrl.u32 s8, $0x3  }
0xd: {  	s10 =	sadd.s32 s10, s6;
	s12 =	sadd.s32 s30, s3;
	s9 =	smax.u32 s11, $0x1  }
0xe: {  	s11 =	simm.s32 $0x3;
	s7 =	sadd.s32 s7, s6;
	s8 =	sadd.s32 s8, s6  }
0xf: {  	s5 =	sadd.s32 $0xF800, s10;
	s6 =	sor.u32 $0x1C03, s31;
	s10 =	sshrl.u32 s12, $0x3  }
0x10: {  	s12 =	simm.s32 $0x80;
	s7 =	sadd.s32 $0x4800, s7;
	s8 =	sadd.s32 $0x85400, s8  }
.LBB2_1:
0x11: {  	[spmem:s10], [sflag:s6] =	dma.local [hbm:s5], $0x2780  }
0x12: {  	_ =	swait.ge [sflag:s11], $0x2780  }
0x13: {  	[sflag:s11] =	ssyncset.done $0x0  }
0x14: {  	[sflag:s11] =	ssyncadd.s32 $0xFFFFD880  }
0x15: {  	[tilespmem:s4], [sflag:$0x3] =	stream.linear.gather [hbm4b:s7+s4], $0x2900, $0x38;
	[tilespmem:$0x1EA00] =	vst v63  }
0x16: {  	_ =	swait.ge [sflag:s11], $0x2900  }
0x17: {  	[sflag:s11] =	ssyncset.done $0x0  }
0x18: {  	[sflag:s11] =	ssyncadd.s32 $0xFFFFD700  }
0x19: {  	[bflag:$0x0] =	sbarrier.arrive $0xFFFF  }
0x1a: {  	v0 =	vld [tilespmem:$0x0];
	_ =	sdelay $0x1  }
0x1b: {  	v1 =	vld [tilespmem:$0x10];
	_ =	sdelay $0x1  }
0x1c: {  	v2 =	vld [tilespmem:$0x20]  }
0x1d: {  	v3 =	vshrl.u32 v0, $0xE  }
0x1e: {  	v0 =	vand.u32 $0x3FFF, v0;
	[tilespmem:$0x2C00] =	vst v3;
	v3 =	vld [tilespmem:$0x30]  }
0x1f: {  	[tilespmem:$0x2C80] =	vst v0;
	v0 =	vshrl.u32 v1, $0xE  }
0x20: {  	[tilespmem:$0x2C10] =	vst v0;
	v0 =	vand.u32 $0x3FFF, v1;
	v1 =	vld [tilespmem:$0x40]  }
0x21: {  	[tilespmem:$0x2C90] =	vst v0;
	v0 =	vshrl.u32 v2, $0xE  }
0x22: {  	[tilespmem:$0x2C20] =	vst v0;
	v0 =	vand.u32 $0x3FFF, v2;
	v2 =	vld [tilespmem:$0x50]  }
0x23: {  	[tilespmem:$0x2CA0] =	vst v0;
	v0 =	vshrl.u32 v3, $0xE  }
0x24: {  	[tilespmem:$0x2C30] =	vst v0;
	v0 =	vand.u32 $0x3FFF, v3;
	v3 =	vld [tilespmem:$0x60]  }
0x25: {  	[tilespmem:$0x2CB0] =	vst v0;
	v0 =	vshrl.u32 v1, $0xE  }
0x26: {  	[tilespmem:$0x2C40] =	vst v0;
	v0 =	vand.u32 $0x3FFF, v1;
	v1 =	vld [tilespmem:$0x70]  }
0x27: {  	[tilespmem:$0x2CC0] =	vst v0;
	v0 =	vshrl.u32 v2, $0xE  }
0x28: {  	[tilespmem:$0x2C50] =	vst v0;
	v0 =	vand.u32 $0x3FFF, v2  }
0x29: {  	[tilespmem:$0x2CD0] =	vst v0;
	v0 =	vshrl.u32 v3, $0xE  }
0x2a: {  	[tilespmem:$0x2C60] =	vst v0;
	v0 =	vand.u32 $0x3FFF, v3  }
0x2b: {  	[tilespmem:$0x2CE0] =	vst v0;
	v0 =	vshrl.u32 v1, $0xE  }
0x2c: {  	[tilespmem:$0x2C70] =	vst v0;
	v0 =	vand.u32 $0x3FFF, v1  }
0x2d: {  	s22 =	simm.s32 $0x0;
	[tilespmem:$0x2CF0] =	vst v0  }
0x2e: {  	[tilespmem:s14], [sflag:$0x1] =	stream.indirect.gather [hbm4b:s1+s12], $0x80, s13, s12, $0xb8;
	[tilespmem:$0x1EA00] =	vst v63  }
0x2f: {  	v0 =	vld [tilespmem:s22+$0x80];
	_ =	sdelay $0x4  }
0x30: {  	v1 =	vshrl.u32 v0, $0xE  }
0x31: {  	v0 =	vand.u32 $0x3FFF, v0;
	[tilespmem:$0x2D00] =	vst v1  }
0x32: {  	[tilespmem:$0x2D80] =	vst v0  }
0x33: {  	v0 =	vld [tilespmem:s22+$0x90];
	_ =	sdelay $0x4  }
0x34: {  	v1 =	vshrl.u32 v0, $0xE  }
0x35: {  	v0 =	vand.u32 $0x3FFF, v0;
	[tilespmem:$0x2D10] =	vst v1  }
0x36: {  	[tilespmem:$0x2D90] =	vst v0  }
0x37: {  	v0 =	vld [tilespmem:s22+$0xA0];
	_ =	sdelay $0x4  }
0x38: {  	v1 =	vshrl.u32 v0, $0xE  }
0x39: {  	v0 =	vand.u32 $0x3FFF, v0;
	[tilespmem:$0x2D20] =	vst v1  }
0x3a: {  	[tilespmem:$0x2DA0] =	vst v0  }
0x3b: {  	v0 =	vld [tilespmem:s22+$0xB0];
	_ =	sdelay $0x4  }
0x3c: {  	v1 =	vshrl.u32 v0, $0xE  }
0x3d: {  	v0 =	vand.u32 $0x3FFF, v0;
	[tilespmem:$0x2D30] =	vst v1  }
0x3e: {  	[tilespmem:$0x2DB0] =	vst v0  }
0x3f: {  	v0 =	vld [tilespmem:s22+$0xC0];
	_ =	sdelay $0x4  }
0x40: {  	v1 =	vshrl.u32 v0, $0xE  }
0x41: {  	v0 =	vand.u32 $0x3FFF, v0;
	[tilespmem:$0x2D40] =	vst v1  }
0x42: {  	[tilespmem:$0x2DC0] =	vst v0  }
0x43: {  	v0 =	vld [tilespmem:s22+$0xD0];
	_ =	sdelay $0x4  }
0x44: {  	v1 =	vshrl.u32 v0, $0xE  }
0x45: {  	v0 =	vand.u32 $0x3FFF, v0;
	[tilespmem:$0x2D50] =	vst v1  }
0x46: {  	[tilespmem:$0x2DD0] =	vst v0  }
0x47: {  	v0 =	vld [tilespmem:s22+$0xE0];
	_ =	sdelay $0x4  }
0x48: {  	v1 =	vshrl.u32 v0, $0xE  }
0x49: {  	v0 =	vand.u32 $0x3FFF, v0;
	[tilespmem:$0x2D60] =	vst v1  }
0x4a: {  	[tilespmem:$0x2DE0] =	vst v0  }
0x4b: {  	v0 =	vld [tilespmem:s22+$0xF0];
	_ =	sdelay $0x4  }
0x4c: {  	v1 =	vshrl.u32 v0, $0xE  }
0x4d: {  	v0 =	vand.u32 $0x3FFF, v0;
	[tilespmem:$0x2D70] =	vst v1  }
0x4e: {  	[tilespmem:$0x2DF0] =	vst v0  }
0x4f: {  	[tilespmem:s16], [sflag:$0x2] =	stream.indirect.gather [hbm4b:s1+s12], $0x80, s15, s12, $0xb8;
	[tilespmem:$0x1EA00] =	vst v63  }
0x50: {  	_ =	swait.ge [sflag:s17], $0x4000  }
0x51: {  	[sflag:s17] =	ssyncset.done $0x0  }
0x52: {  	[sflag:s17] =	ssyncadd.s32 $0xFFFFC000  }
0x53: {  	[spmem:s3] =	stream.indirect.scatter.add.f32 [tilespmem:s14], [sflag:$0x3], $0x80, s18, s12, $0xb8;
	[tilespmem:$0x1EA00] =	vst v63  }
0x54: {  	_ =	swait.ge [sflag:s11], $0x4000  }
0x55: {  	[sflag:s11] =	ssyncset.done $0x0  }
0x56: {  	[sflag:s11] =	ssyncadd.s32 $0xFFFFC000  }
0x57: {  	v0 =	vld [tilespmem:s22+$0x100];
	_ =	sdelay $0x4  }
0x58: {  	v1 =	vshrl.u32 v0, $0xE  }
0x59: {  	v0 =	vand.u32 $0x3FFF, v0;
	[tilespmem:$0x2C00] =	vst v1  }
0x5a: {  	[tilespmem:$0x2C80] =	vst v0  }
0x5b: {  	v0 =	vld [tilespmem:s22+$0x110];
	_ =	sdelay $0x4  }
0x5c: {  	v1 =	vshrl.u32 v0, $0xE  }
0x5d: {  	v0 =	vand.u32 $0x3FFF, v0;
	[tilespmem:$0x2C10] =	vst v1  }
0x5e: {  	[tilespmem:$0x2C90] =	vst v0  }
0x5f: {  	v0 =	vld [tilespmem:s22+$0x120];
	_ =	sdelay $0x4  }
0x60: {  	v1 =	vshrl.u32 v0, $0xE  }
0x61: {  	v0 =	vand.u32 $0x3FFF, v0;
	[tilespmem:$0x2C20] =	vst v1  }
0x62: {  	[tilespmem:$0x2CA0] =	vst v0  }
0x63: {  	v0 =	vld [tilespmem:s22+$0x130];
	_ =	sdelay $0x4  }
0x64: {  	v1 =	vshrl.u32 v0, $0xE  }
0x65: {  	v0 =	vand.u32 $0x3FFF, v0;
	[tilespmem:$0x2C30] =	vst v1  }
0x66: {  	[tilespmem:$0x2CB0] =	vst v0  }
0x67: {  	v0 =	vld [tilespmem:s22+$0x140];
	_ =	sdelay $0x4  }
0x68: {  	v1 =	vshrl.u32 v0, $0xE  }
0x69: {  	v0 =	vand.u32 $0x3FFF, v0;
	[tilespmem:$0x2C40] =	vst v1  }
0x6a: {  	[tilespmem:$0x2CC0] =	vst v0  }
0x6b: {  	v0 =	vld [tilespmem:s22+$0x150];
	_ =	sdelay $0x4  }
0x6c: {  	v1 =	vshrl.u32 v0, $0xE  }
0x6d: {  	v0 =	vand.u32 $0x3FFF, v0;
	[tilespmem:$0x2C50] =	vst v1  }
0x6e: {  	[tilespmem:$0x2CD0] =	vst v0  }
0x6f: {  	v0 =	vld [tilespmem:s22+$0x160];
	_ =	sdelay $0x4  }
0x70: {  	v1 =	vshrl.u32 v0, $0xE  }
0x71: {  	s23 =	simm.s32 $0x400;
	v0 =	vand.u32 $0x3FFF, v0;
	[tilespmem:$0x2C60] =	vst v1  }
.LBB2_2:
0x72: {  	p0 =	sne.s32 s23, $0x9C00;
	[tilespmem:$0x2CE0] =	vst v0;
	s24 =	smov.u32 s23;
	s23 =	sadd.s32 $0x400, s23  }
0x73: {  	v0 =	vld [tilespmem:s22+$0x170];
	_ =	sdelay $0x4  }
0x74: {  	v1 =	vshrl.u32 v0, $0xE;
	v0 =	vand.u32 $0x3FFF, v0  }
0x75: {  	[tilespmem:$0x2C70] =	vst v1  }
0x76: {  	[tilespmem:$0x2CF0] =	vst v0  }
0x77: {  	[tilespmem:s14], [sflag:$0x1] =	stream.indirect.gather [hbm4b:s1+s12], $0x80, s13, s12, $0xb8;
	[tilespmem:$0x1EA00] =	vst v63  }
0x78: {  	_ =	swait.ge [sflag:s19], $0x4000  }
0x79: {  	[sflag:s19] =	ssyncset.done $0x0  }
0x7a: {  	[sflag:s19] =	ssyncadd.s32 $0xFFFFC000  }
0x7b: {  	[spmem:s3] =	stream.indirect.scatter.add.f32 [tilespmem:s16], [sflag:$0x3], $0x80, s20, s12, $0xb8;
	[tilespmem:$0x1EA00] =	vst v63  }
0x7c: {  	_ =	swait.ge [sflag:s11], $0x4000  }
0x7d: {  	[sflag:s11] =	ssyncset.done $0x0  }
0x7e: {  	s22 =	sshra.s32 s24, $0x2;
	[sflag:s11] =	ssyncadd.s32 $0xFFFFC000  }
0x7f: {  	v0 =	vld [tilespmem:s22+$0x80];
	_ =	sdelay $0x4  }
0x80: {  	v1 =	vshrl.u32 v0, $0xE;
	v0 =	vand.u32 $0x3FFF, v0  }
0x81: {  	[tilespmem:$0x2D00] =	vst v1  }
0x82: {  	[tilespmem:$0x2D80] =	vst v0  }
0x83: {  	v0 =	vld [tilespmem:s22+$0x90];
	_ =	sdelay $0x4  }
0x84: {  	v1 =	vshrl.u32 v0, $0xE;
	v0 =	vand.u32 $0x3FFF, v0  }
0x85: {  	[tilespmem:$0x2D10] =	vst v1  }
0x86: {  	[tilespmem:$0x2D90] =	vst v0  }
0x87: {  	v0 =	vld [tilespmem:s22+$0xA0];
	_ =	sdelay $0x4  }
0x88: {  	v1 =	vshrl.u32 v0, $0xE;
	v0 =	vand.u32 $0x3FFF, v0  }
0x89: {  	[tilespmem:$0x2D20] =	vst v1  }
0x8a: {  	[tilespmem:$0x2DA0] =	vst v0  }
0x8b: {  	v0 =	vld [tilespmem:s22+$0xB0];
	_ =	sdelay $0x4  }
0x8c: {  	v1 =	vshrl.u32 v0, $0xE;
	v0 =	vand.u32 $0x3FFF, v0  }
0x8d: {  	[tilespmem:$0x2D30] =	vst v1  }
0x8e: {  	[tilespmem:$0x2DB0] =	vst v0  }
0x8f: {  	v0 =	vld [tilespmem:s22+$0xC0];
	_ =	sdelay $0x4  }
0x90: {  	v1 =	vshrl.u32 v0, $0xE;
	v0 =	vand.u32 $0x3FFF, v0  }
0x91: {  	[tilespmem:$0x2D40] =	vst v1  }
0x92: {  	[tilespmem:$0x2DC0] =	vst v0  }
0x93: {  	v0 =	vld [tilespmem:s22+$0xD0];
	_ =	sdelay $0x4  }
0x94: {  	v1 =	vshrl.u32 v0, $0xE;
	v0 =	vand.u32 $0x3FFF, v0  }
0x95: {  	[tilespmem:$0x2D50] =	vst v1  }
0x96: {  	[tilespmem:$0x2DD0] =	vst v0  }
0x97: {  	v0 =	vld [tilespmem:s22+$0xE0];
	_ =	sdelay $0x4  }
0x98: {  	v1 =	vshrl.u32 v0, $0xE;
	v0 =	vand.u32 $0x3FFF, v0  }
0x99: {  	[tilespmem:$0x2D60] =	vst v1  }
0x9a: {  	[tilespmem:$0x2DE0] =	vst v0  }
0x9b: {  	v0 =	vld [tilespmem:s22+$0xF0];
	_ =	sdelay $0x4  }
0x9c: {  	v1 =	vshrl.u32 v0, $0xE;
	v0 =	vand.u32 $0x3FFF, v0  }
0x9d: {  	[tilespmem:$0x2D70] =	vst v1  }
0x9e: {  	[tilespmem:$0x2DF0] =	vst v0  }
0x9f: {  	[tilespmem:s16], [sflag:$0x2] =	stream.indirect.gather [hbm4b:s1+s12], $0x80, s15, s12, $0xb8;
	[tilespmem:$0x1EA00] =	vst v63  }
0xa0: {  	_ =	swait.ge [sflag:s17], $0x4000  }
0xa1: {  	[sflag:s17] =	ssyncset.done $0x0  }
0xa2: {  	[sflag:s17] =	ssyncadd.s32 $0xFFFFC000  }
0xa3: {  	[spmem:s3] =	stream.indirect.scatter.add.f32 [tilespmem:s14], [sflag:$0x3], $0x80, s18, s12, $0xb8;
	[tilespmem:$0x1EA00] =	vst v63  }
0xa4: {  	_ =	swait.ge [sflag:s11], $0x4000  }
0xa5: {  	[sflag:s11] =	ssyncset.done $0x0  }
0xa6: {  	[sflag:s11] =	ssyncadd.s32 $0xFFFFC000  }
0xa7: {  	v0 =	vld [tilespmem:s22+$0x100];
	_ =	sdelay $0x4  }
0xa8: {  	v1 =	vshrl.u32 v0, $0xE;
	v0 =	vand.u32 $0x3FFF, v0  }
0xa9: {  	[tilespmem:$0x2C00] =	vst v1  }
0xaa: {  	[tilespmem:$0x2C80] =	vst v0  }
0xab: {  	v0 =	vld [tilespmem:s22+$0x110];
	_ =	sdelay $0x4  }
0xac: {  	v1 =	vshrl.u32 v0, $0xE;
	v0 =	vand.u32 $0x3FFF, v0  }
0xad: {  	[tilespmem:$0x2C10] =	vst v1  }
0xae: {  	[tilespmem:$0x2C90] =	vst v0  }
0xaf: {  	v0 =	vld [tilespmem:s22+$0x120];
	_ =	sdelay $0x4  }
0xb0: {  	v1 =	vshrl.u32 v0, $0xE;
	v0 =	vand.u32 $0x3FFF, v0  }
0xb1: {  	[tilespmem:$0x2C20] =	vst v1  }
0xb2: {  	[tilespmem:$0x2CA0] =	vst v0  }
0xb3: {  	v0 =	vld [tilespmem:s22+$0x130];
	_ =	sdelay $0x4  }
0xb4: {  	v1 =	vshrl.u32 v0, $0xE;
	v0 =	vand.u32 $0x3FFF, v0  }
0xb5: {  	[tilespmem:$0x2C30] =	vst v1  }
0xb6: {  	[tilespmem:$0x2CB0] =	vst v0  }
0xb7: {  	v0 =	vld [tilespmem:s22+$0x140];
	_ =	sdelay $0x4  }
0xb8: {  	v1 =	vshrl.u32 v0, $0xE;
	v0 =	vand.u32 $0x3FFF, v0  }
0xb9: {  	[tilespmem:$0x2C40] =	vst v1  }
0xba: {  	[tilespmem:$0x2CC0] =	vst v0  }
0xbb: {  	v0 =	vld [tilespmem:s22+$0x150];
	_ =	sdelay $0x4  }
0xbc: {  	v1 =	vshrl.u32 v0, $0xE;
	v0 =	vand.u32 $0x3FFF, v0  }
0xbd: {  	[tilespmem:$0x2C50] =	vst v1  }
0xbe: {  	[tilespmem:$0x2CD0] =	vst v0  }
0xbf: {  	v0 =	vld [tilespmem:s22+$0x160];
	_ =	sdelay $0x1  }
.Ltmp0:
0xc0: {  	(pc) =	sbr.rel @p0 .LBB2_2-.Ltmp0, $3  }
0xc1: {  	_ =	sdelay $0x1  }
0xc2: {  	v1 =	vshrl.u32 v0, $0xE;
	v0 =	vand.u32 $0x3FFF, v0  }
0xc3: {  	[tilespmem:$0x2C60] =	vst v1  }
0xc4: {  	[tilespmem:$0x2CE0] =	vst v0  }
0xc5: {  	v0 =	vld [tilespmem:s22+$0x170];
	_ =	sdelay $0x4  }
0xc6: {  	v1 =	vshrl.u32 v0, $0xE  }
0xc7: {  	v0 =	vand.u32 $0x3FFF, v0;
	[tilespmem:$0x2C70] =	vst v1  }
0xc8: {  	[tilespmem:$0x2CF0] =	vst v0  }
0xc9: {  	[tilespmem:s14], [sflag:$0x1] =	stream.indirect.gather [hbm4b:s1+s12], $0x80, s13, s12, $0xb8;
	[tilespmem:$0x1EA00] =	vst v63  }
0xca: {  	_ =	swait.ge [sflag:s19], $0x4000  }
0xcb: {  	[sflag:s19] =	ssyncset.done $0x0  }
0xcc: {  	[sflag:s19] =	ssyncadd.s32 $0xFFFFC000  }
0xcd: {  	[spmem:s3] =	stream.indirect.scatter.add.f32 [tilespmem:s16], [sflag:$0x3], $0x80, s20, s12, $0xb8;
	[tilespmem:$0x1EA00] =	vst v63  }
0xce: {  	_ =	swait.ge [sflag:s11], $0x4000  }
0xcf: {  	[sflag:s11] =	ssyncset.done $0x0  }
0xd0: {  	[sflag:s11] =	ssyncadd.s32 $0xFFFFC000  }
0xd1: {  	_ =	swait.ge [sflag:s17], $0x4000  }
0xd2: {  	s21 =	sadd.s32 $0x1, s21;
	[sflag:s17] =	ssyncset.done $0x0  }
0xd3: {  	p0 =	sne.s32 s21, s9;
	[sflag:s17] =	ssyncadd.s32 $0xFFFFC000  }
.Ltmp1:
0xd4: {  	[bflag:$0x0] =	sbarrier.arrive $0xFFFF;
	(pc) =	sbr.rel @p0 .LBB2_1-.Ltmp1, $4  }
0xd5: {  	[hbm:s8], [sflag:s6] =	dma.local [spmem:s10], $0x2780  }
0xd6: {  	_ =	swait.ge [sflag:s11], $0x2780  }
0xd7: {  	[sflag:s11] =	ssyncset.done $0x0  }
0xd8: {  	[sflag:s11] =	ssyncadd.s32 $0xFFFFD880  }
0xd9: {  	_ =	sfence.sel $0x180000  }
0xda: {  	[bflag:$0x0] =	sbarrier.arrive $0xFFFF  }
0xdb: {  	p0 =	sne.s32 s0, $0x0;
	_ =	strace $0x90000050  }
0xdc: {  	s0 =	sadd.s32 @!p0 $0x100000, s2;
	[bflag:$0x2] =	sbarrier.arrive $0xFFFF  }
0xdd: {  	[sflag:s0] =	ssyncadd.tile.s32 @!p0 $0x1;
	_ =	shalt  }
.Lfunc_end2:
_tile_overlayer_lowered:
.L_overlay_start_2:
0xde: {  	(tag) =	ssettag $0x2  }
0xdf: {  	s0 =	rddreg [dreg:$0x0];
	s2 =	stileid.u32  }
0xe0: {  	s1 =	rddreg [dreg:$0x1];
	p0 =	sne.s32 s2, $0x0  }
0xe1: {  	s3 =	rddreg [dreg:$0x2];
	[bflag:$0x3] =	sbarrier.arrive $0xFFFF;
	s2 =	simm.s32 @!p0 $0x1C03  }
0xe2: {  	[timem:s3], [sflag:s2] =	dma.local @!p0 [hbm:s0], s1  }
0xe3: {  	s0 =	simm.s32 @!p0 $0x3  }
0xe4: {  	_ =	swait.ge @!p0 [sflag:s0], s1  }
0xe5: {  	s1 =	ssub.s32 @!p0 $0x0, s1;
	[sflag:s0] =	ssyncset.done @!p0 $0x0  }
0xe6: {  	[sflag:s0] =	ssyncadd.s32 @!p0 s1  }
0xe7: {  	[bflag:$0x3] =	sbarrier.arrive $0xFFFF  }
0xe8: {  	_ =	shalt  }

// kernel: kernel.25.cloned.1.call-start
scs
__scs_entry_jumppad:
0x0: {  	(pc) =	sbr.rel $0x88, $3  }
0x1: {  	(tag) =	ssettag $0x0;
	lr =	simm.s32 $0x1  }
0x2: {  	[smem:$0x3F99] =	sst lr;
	_ =	strace $0xD0000000  }
0x3: {  	_ = 	snop  }
0x4: {  	_ = 	snop  }
0x5: {  	_ = 	snop  }
0x6: {  	_ = 	snop  }
0x7: {  	_ = 	snop  }
__scs_overlays_trampoline_lowered:
0x8: {  	[smem:$0x3FA8] =	sst s0  }
0x9: {  	[smem:$0x3FA9] =	sst s1  }
0xa: {  	[smem:$0x3FAA] =	sst s2  }
0xb: {  	[smem:$0x3FAB] =	sst s3  }
0xc: {  	[smem:$0x3FAC] =	sst s4  }
0xd: {  	[smem:$0x3FAD] =	sst s5  }
0xe: {  	[smem:$0x3FAE] =	sst s6  }
0xf: {  	[smem:$0x3FAF] =	sst s7  }
0x10: {  	[smem:$0x3FB0] =	sst s8  }
0x11: {  	[smem:$0x3FB1] =	sst s9;
	s0 =	simm.s32 @!p0 $0x0  }
0x12: {  	s1 =	sld [smem:$0x3F97];
	s0 =	simm.s32 @p0 $0x1  }
0x13: {  	[smem:$0x3FB2] =	sst s0;
	s0 =	simm.s32 @!p1 $0x0  }
0x14: {  	s2 =	sld [smem:$0x3F96];
	s0 =	simm.s32 @p1 $0x1  }
0x15: {  	[smem:$0x3FB3] =	sst s0;
	s0 =	simm.s32 @!p2 $0x0  }
0x16: {  	s3 =	sld [smem:$0x3FDB];
	s0 =	simm.s32 @p2 $0x1  }
0x17: {  	s4 =	simm.s32 $0x1BF5;
	[smem:$0x3FB5] =	sst s0  }
0x18: {  	s0 =	sld [smem:$0x3F98];
	_ =	swait.ge [sflag:s4], $0x0  }
0x19: {  	s7 =	sld [smem:$0x3F99]  }
0x1a: {  	s8 =	sadd.s32 $0xFFFFE003, lr  }
0x1b: {  	s9 =	sadd.s32 $0xFFFFFEF7, lr;
	s5 =	simm.s32 $0xFFFFFFFF;
	p2 =	slt.u32 s8, $0xFFFFF086  }
0x1c: {  	p1 =	slt.u32 s9, $0xF7A;
	s5 =	simm.s32 @!p2 $0x0  }
0x1d: {  	s5 =	simm.s32 @p1 $0x1;
	p0 =	seq.s32 s7, s2  }
0x1e: {  	s7 =	smul.u32 @!p0 $0xF7A, s2;
	p2 =	seq.s32 @!p0 s5, $0x0  }
0x1f: {  	s9 =	smul.u32 $0xF7A, s1;
	s8 =	simm.s32 @!p0 $0x1BF5;
	p2 =	por !p2, p0  }
0x20: {  	[sflag:s8] =	ssyncset.s32 @!p0 $0xFFFFF086;
	s6 =	sadd.s32 @!p0 s3, s7;
	s7 =	simm.s32 @!p0 $0x108  }
0x21: {  	s3 =	sadd.s32 s3, s9;
	s6 =	sadd.s32 @!p0 $0x88, s6;
	s7 =	simm.s32 @p2 $0x1082  }
0x22: {  	[simem:s7], [sflag:s8] =	dma.local @!p0 [hbm:s6], $0xF7A  }
0x23: {  	s9 =	sor.u32 $0xD0000000, s2;
	s6 =	simm.s32 $0x108;
	_ =	swait.ge @!p0 [sflag:s8], $0x0  }
0x24: {  	s3 =	sadd.s32 $0x88, s3;
	s6 =	simm.s32 @!p1 $0x1082;
	[sflag:s4] =	ssyncset.s32 $0xFFFFF086  }
0x25: {  	[simem:s6], [sflag:s4] =	dma.local [hbm:s3], $0xF7A  }
0x26: {  	[smem:$0x3F99] =	sst s1;
	(tag) =	ssettag s2;
	_ =	strace s9  }
0x27: {  	s1 =	sld [smem:$0x3FA9]  }
0x28: {  	s2 =	sld [smem:$0x3FAA]  }
0x29: {  	s4 =	sld [smem:$0x3FAC]  }
0x2a: {  	p0 =	seq.s32 s5, $0x0;
	s5 =	sld [smem:$0x3FAD]  }
0x2b: {  	s6 =	sld [smem:$0x3FAE]  }
0x2c: {  	s7 =	sld [smem:$0x3FAF]  }
0x2d: {  	s3 =	simm.s32 $0x108;
	s8 =	sld [smem:$0x3FB0]  }
0x2e: {  	s3 =	simm.s32 @!p0 $0x1082;
	s9 =	sld [smem:$0x3FB1]  }
0x2f: {  	lr =	sadd.s32 s0, s3;
	s0 =	sld [smem:$0x3FA8]  }
0x30: {  	s3 =	sld [smem:$0x3FAB]  }
0x31: {  	[smem:$0x3FB4] =	sst s10  }
0x32: {  	s10 =	sld [smem:$0x3FB2];
	_ =	sdelay $0x3  }
0x33: {  	p0 =	seq.s32 s10, $0x1;
	s10 =	sld [smem:$0x3FB4];
	_ =	sdelay $0x3  }
0x34: {  	[smem:$0x3FB4] =	sst s10  }
0x35: {  	s10 =	sld [smem:$0x3FB3];
	_ =	sdelay $0x3  }
0x36: {  	p1 =	seq.s32 s10, $0x1;
	s10 =	sld [smem:$0x3FB4];
	_ =	sdelay $0x3  }
0x37: {  	[smem:$0x3FB4] =	sst s10  }
0x38: {  	s10 =	sld [smem:$0x3FB5]  }
0x39: {  	_ = 	snop;
	(pc) =	sbr.ind lr, $3  }
0x3a: {  	_ = 	snop  }
0x3b: {  	_ = 	snop  }
0x3c: {  	p2 =	seq.s32 s10, $0x1;
	s10 =	sld [smem:$0x3FB4]  }
0x3d: {  	_ =	shalt  }
0x3e: {  	_ =	shalt  }
0x3f: {  	_ =	shalt  }
0x40: {  	_ =	shalt  }
0x41: {  	_ =	shalt  }
0x42: {  	_ =	shalt  }
0x43: {  	_ =	shalt  }
0x44: {  	_ =	shalt  }
0x45: {  	_ =	shalt  }
0x46: {  	_ =	shalt  }
0x47: {  	_ =	shalt  }
0x48: {  	_ =	shalt  }
0x49: {  	_ =	shalt  }
0x4a: {  	_ =	shalt  }
0x4b: {  	_ =	shalt  }
0x4c: {  	_ =	shalt  }
0x4d: {  	_ =	shalt  }
0x4e: {  	_ =	shalt  }
0x4f: {  	_ =	shalt  }
0x50: {  	_ =	shalt  }
0x51: {  	_ =	shalt  }
0x52: {  	_ =	shalt  }
0x53: {  	_ =	shalt  }
0x54: {  	_ =	shalt  }
0x55: {  	_ =	shalt  }
0x56: {  	_ =	shalt  }
0x57: {  	_ =	shalt  }
0x58: {  	_ =	shalt  }
0x59: {  	_ =	shalt  }
0x5a: {  	_ =	shalt  }
0x5b: {  	_ =	shalt  }
0x5c: {  	_ =	shalt  }
0x5d: {  	_ =	shalt  }
0x5e: {  	_ =	shalt  }
0x5f: {  	_ =	shalt  }
0x60: {  	_ =	shalt  }
0x61: {  	_ =	shalt  }
0x62: {  	_ =	shalt  }
0x63: {  	_ =	shalt  }
0x64: {  	_ =	shalt  }
0x65: {  	_ =	shalt  }
0x66: {  	_ =	shalt  }
0x67: {  	_ =	shalt  }
0x68: {  	_ =	shalt  }
0x69: {  	_ =	shalt  }
0x6a: {  	_ =	shalt  }
0x6b: {  	_ =	shalt  }
0x6c: {  	_ =	shalt  }
0x6d: {  	_ =	shalt  }
0x6e: {  	_ =	shalt  }
0x6f: {  	_ =	shalt  }
0x70: {  	_ =	shalt  }
0x71: {  	_ =	shalt  }
0x72: {  	_ =	shalt  }
0x73: {  	_ =	shalt  }
0x74: {  	_ =	shalt  }
0x75: {  	_ =	shalt  }
0x76: {  	_ =	shalt  }
0x77: {  	_ =	shalt  }
0x78: {  	_ =	shalt  }
0x79: {  	_ =	shalt  }
0x7a: {  	_ =	shalt  }
0x7b: {  	_ =	shalt  }
0x7c: {  	_ =	shalt  }
0x7d: {  	_ =	shalt  }
0x7e: {  	_ =	shalt  }
0x7f: {  	_ =	shalt  }
0x80: {  	_ =	shalt  }
0x81: {  	_ =	shalt  }
0x82: {  	_ =	shalt  }
0x83: {  	_ =	shalt  }
0x84: {  	_ =	shalt  }
0x85: {  	_ =	shalt  }
0x86: {  	_ =	shalt  }
0x87: {  	_ =	shalt  }
.Lfunc_end0:
.L_simem_size_0:
called_computation.4_lowered:
.L_overlay_start_0:
0x88: {  	s2 =	sld [smem:$0x3FD9]  }
0x89: {  	s3 =	sld [smem:$0x3FFE];
	_ =	sdelay $0x1  }
0x8a: {  	s1 =	srdreg.scid  }
0x8b: {  	s0 =	sand.u32 $0x1, s1  }
0x8c: {  	s17 =	sshll.u32 s0, $0xA;
	s2 =	sadd.s32 s3, s2  }
0x8d: {  	s2 =	sadd.s32 s2, s17  }
0x8e: {  	[smem:$0x3FC0] =	sst s2  }
0x8f: {  	_ = 	snop  }
0x90: {  	s2 =	sld [smem:$0x3FD0];
	(tm) =	ssettm $0x1  }
0x91: {  	s18 =	sld [smem:$0x3FFB];
	_ =	sdelay $0x3  }
0x92: {  	_ =	strace s18  }
0x93: {  	s3 =	sld [smem:$0x3FFC];
	_ =	sdelay $0x3  }
0x94: {  	_ =	strace s3  }
0x95: {  	s3 =	sld [smem:$0x3FFD];
	_ =	sdelay $0x3  }
0x96: {  	_ =	strace s3  }
0x97: {  	_ =	strace $0x8FFFFFFF  }
0x98: {  	s19 =	sld [smem:$0x3FDB];
	_ =	sdelay $0x1  }
0x99: {  	s4 =	simm.s32 $_scs_section_size  }
0x9a: {  	s5 =	simm.s32 $_size__tile_overlayer_lowered;
	s6 =	simm.s32 $_tile_overlayer_lowered  }
0x9b: {  	s22 =	simm.s32 $0x1BFF;
	s21 =	sshll.u32 s6, $0x1;
	s3 =	sadd.s32 s4, s19  }
0x9c: {  	s7 =	simm.s32 $0x0;
	s20 =	sshll.u32 s5, $0x1;
	s5 =	sadd.s32 s21, s3  }
0x9d: {  	[timem:s7], [sflag:s22] =	dma.local [hbm:s5], s20  }
0x9e: {  	_ =	swait.ge [sflag:s22], s20  }
0x9f: {  	s4 =	ssub.s32 $0x0, s20;
	[sflag:s22] =	ssyncset.done $0x0  }
0xa0: {  	[sflag:s22] =	ssyncadd.s32 s4;
	_ =	sdelay $0x1  }
0xa1: {  	s23 =	simm.s32 $0x1B8B  }
0xa2: {  	_ =	swait.ge [sflag:s23], $0x1  }
0xa3: {  	[sflag:s23] =	ssyncset.done $0x0  }
0xa4: {  	s25 =	simm.s32 $0x1B8E;
	s24 =	sld [smem:$0x3FFE];
	[sflag:s23] =	ssyncadd.s32 $0xFFFFFFFF  }
0xa5: {  	s26 =	simm.s32 $execute0_lowered;
	[smem:$0x3FD2] =	sst s25  }
0xa6: {  	s5 =	sshll.u32 s26, $0x1;
	_ =	strace $0x80000052;
	[dreg:$0x1] =	wrdreg $0xFFFFFFFF  }
0xa7: {  	s28 =	simm.s32 $_size_execute0_lowered;
	s3 =	sadd.s32 s3, s5;
	[dreg:$0x0] =	wrdreg $0x0  }
0xa8: {  	s5 =	sshll.u32 s28, $0x1;
	[dreg:$0x2] =	wrdreg s3  }
0xa9: {  	[dreg:$0x3] =	wrdreg s5  }
0xaa: {  	[dreg:$0x4] =	wrdreg $0xC0  }
0xab: {  	_ =	task [dreg:s7], $0x5FFFF  }
0xac: {  	[dreg:$0x1] =	wrdreg $0xFFFFFFFF  }
0xad: {  	[dreg:$0x0] =	wrdreg $0x60  }
0xae: {  	[dreg:$0x2] =	wrdreg s2  }
0xaf: {  	[dreg:$0x3] =	wrdreg s24  }
0xb0: {  	[dreg:$0x4] =	wrdreg $0xAE000  }
0xb1: {  	[dreg:$0x5] =	wrdreg $0x9  }
0xb2: {  	_ =	task.clear_ibuf [dreg:s7], $0x6FFFF;
	_ =	strace $0x90000052  }
0xb3: {  	s29 =	simm.s32 $0x9;
	_ =	strace $0x80000054  }
0xb4: {  	_ =	swait.ge [sflag:s29], $0x1  }
0xb5: {  	[sflag:s29] =	ssyncadd.s32 $0xFFFFFFFF  }
0xb6: {  	_ =	strace $0x90000054  }
0xb7: {  	_ =	sfence  }
0xb8: {  	s30 =	sld [smem:$0x0];
	_ =	sdelay $0x2  }
0xb9: {  	s31 =	sshll.u32 s1, $0xD;
	s1 =	sshrl.u32 s1, $0x2  }
0xba: {  	s3 =	sand.u32 $0x4000, s31;
	s1 =	sadd.s32 s1, s30  }
0xbb: {  	s0 =	sor.u32 s3, s0;
	s1 =	sshll.u32 s1, $0x11  }
0xbc: {  	s0 =	sor.u32 s1, s0  }
0xbd: {  	s0 =	sadd.s32 $0x8F2B, s0  }
0xbe: {  	[sflag:s0] =	ssyncadd.remote.s32 $0x1  }
0xbf: {  	_ =	sfence.sel $0xFFFF  }
0xc0: {  	[dreg:$0x0] =	wrdreg $0xFFFFFFFF;
	(pc) =	sbr.abs _section_cstart, $3  }
0xc1: {  	[dreg:$0x1] =	wrdreg $0xFFFFFFFF  }
0xc2: {  	_ =	task.clear_ibuf [dreg:s7], $0x2FFFF;
	_ =	strace $0x9FFFFFFF  }
0xc3: {  	(tm) =	ssettm $0x7FFFFFFF  }
tec
execute0_lowered:
.L_overlay_start_1:
0x0: {  	(tag) =	ssettag $0x1  }
0x1: {  	s1 =	rddreg [dreg:$0x0]  }
0x2: {  	s0 =	srdreg.scid;
	s6 =	rddreg [dreg:$0x1]  }
0x3: {  	s3 =	rddreg [dreg:$0x2];
	s4 =	simm.s32 $0x0;
	s13 =	simm.s32 $0x2C00  }
0x4: {  	s14 =	simm.s32 $0x2E00;
	s15 =	simm.s32 $0x2D00;
	s16 =	simm.s32 $0x6E00  }
0x5: {  	s17 =	simm.s32 $0x1;
	s18 =	simm.s32 $0x2C80;
	s19 =	simm.s32 $0x2  }
0x6: {  	s20 =	simm.s32 $0x2D80;
	s5 =	sand.u32 $0x1, s0;
	s0 =	stileid.u32  }
0x7: {  	s21 =	simm.s32 $0x0;
	[smem:$0x7FF] =	sst s4;
	s8 =	smul.u32 $0x13C00, s0  }
0x8: {  	s2 =	sshll.u32 s5, $0x4;
	s9 =	smul.u32 $0x13C000, s5;
	s5 =	ssub.s32 $0x2, s5  }
0x9: {  	s28 =	smul.u32 $0x4F000, s0;
	s31 =	sshll.u32 s0, $0x6;
	s2 =	sor.u32 s0, s2  }
0xa: {  	s29 =	sshrl.u32 s5, $0x1;
	s7 =	smul.u32 $0x580, s2;
	s2 =	rddreg [dreg:$0x3]  }
0xb: {  	_ =	strace $0x80000053;
	s10 =	sshrl.u32 s8, $0x3;
	s8 =	sadd.s32 s8, s9  }
0xc: {  	s11 =	ssub.s32 s5, s29;
	s30 =	sshrl.u32 s28, $0x2;
	s8 =	sshrl.u32 s8, $0x3  }
0xd: {  	s10 =	sadd.s32 s10, s6;
	s12 =	sadd.s32 s30, s3;
	s9 =	smax.u32 s11, $0x1  }
0xe: {  	s11 =	simm.s32 $0x3;
	s7 =	sadd.s32 s7, s6;
	s8 =	sadd.s32 s8, s6  }
0xf: {  	s5 =	sadd.s32 $0xF800, s10;
	s6 =	sor.u32 $0x1C03, s31;
	s10 =	sshrl.u32 s12, $0x3  }
0x10: {  	s12 =	simm.s32 $0x80;
	s7 =	sadd.s32 $0x4800, s7;
	s8 =	sadd.s32 $0x5E200, s8  }
.LBB2_1:
0x11: {  	[spmem:s10], [sflag:s6] =	dma.local [hbm:s5], $0x2780  }
0x12: {  	_ =	swait.ge [sflag:s11], $0x2780  }
0x13: {  	[sflag:s11] =	ssyncset.done $0x0  }
0x14: {  	[sflag:s11] =	ssyncadd.s32 $0xFFFFD880  }
0x15: {  	[tilespmem:s4], [sflag:$0x3] =	stream.linear.gather [hbm4b:s7+s4], $0x2900, $0x38;
	[tilespmem:$0x1EA00] =	vst v63  }
0x16: {  	_ =	swait.ge [sflag:s11], $0x2900  }
0x17: {  	[sflag:s11] =	ssyncset.done $0x0  }
0x18: {  	[sflag:s11] =	ssyncadd.s32 $0xFFFFD700  }
0x19: {  	[bflag:$0x0] =	sbarrier.arrive $0xFFFF  }
0x1a: {  	v0 =	vld [tilespmem:$0x0];
	_ =	sdelay $0x1  }
0x1b: {  	v1 =	vld [tilespmem:$0x10];
	_ =	sdelay $0x1  }
0x1c: {  	v2 =	vld [tilespmem:$0x20]  }
0x1d: {  	v3 =	vshrl.u32 v0, $0xE  }
0x1e: {  	v0 =	vand.u32 $0x3FFF, v0;
	[tilespmem:$0x2C00] =	vst v3;
	v3 =	vld [tilespmem:$0x30]  }
0x1f: {  	[tilespmem:$0x2C80] =	vst v0;
	v0 =	vshrl.u32 v1, $0xE  }
0x20: {  	[tilespmem:$0x2C10] =	vst v0;
	v0 =	vand.u32 $0x3FFF, v1;
	v1 =	vld [tilespmem:$0x40]  }
0x21: {  	[tilespmem:$0x2C90] =	vst v0;
	v0 =	vshrl.u32 v2, $0xE  }
0x22: {  	[tilespmem:$0x2C20] =	vst v0;
	v0 =	vand.u32 $0x3FFF, v2;
	v2 =	vld [tilespmem:$0x50]  }
0x23: {  	[tilespmem:$0x2CA0] =	vst v0;
	v0 =	vshrl.u32 v3, $0xE  }
0x24: {  	[tilespmem:$0x2C30] =	vst v0;
	v0 =	vand.u32 $0x3FFF, v3;
	v3 =	vld [tilespmem:$0x60]  }
0x25: {  	[tilespmem:$0x2CB0] =	vst v0;
	v0 =	vshrl.u32 v1, $0xE  }
0x26: {  	[tilespmem:$0x2C40] =	vst v0;
	v0 =	vand.u32 $0x3FFF, v1;
	v1 =	vld [tilespmem:$0x70]  }
0x27: {  	[tilespmem:$0x2CC0] =	vst v0;
	v0 =	vshrl.u32 v2, $0xE  }
0x28: {  	[tilespmem:$0x2C50] =	vst v0;
	v0 =	vand.u32 $0x3FFF, v2  }
0x29: {  	[tilespmem:$0x2CD0] =	vst v0;
	v0 =	vshrl.u32 v3, $0xE  }
0x2a: {  	[tilespmem:$0x2C60] =	vst v0;
	v0 =	vand.u32 $0x3FFF, v3  }
0x2b: {  	[tilespmem:$0x2CE0] =	vst v0;
	v0 =	vshrl.u32 v1, $0xE  }
0x2c: {  	[tilespmem:$0x2C70] =	vst v0;
	v0 =	vand.u32 $0x3FFF, v1  }
0x2d: {  	s22 =	simm.s32 $0x0;
	[tilespmem:$0x2CF0] =	vst v0  }
0x2e: {  	[tilespmem:s14], [sflag:$0x1] =	stream.indirect.gather [hbm4b:s1+s12], $0x80, s13, s12, $0xb8;
	[tilespmem:$0x1EA00] =	vst v63  }
0x2f: {  	v0 =	vld [tilespmem:s22+$0x80];
	_ =	sdelay $0x4  }
0x30: {  	v1 =	vshrl.u32 v0, $0xE  }
0x31: {  	v0 =	vand.u32 $0x3FFF, v0;
	[tilespmem:$0x2D00] =	vst v1  }
0x32: {  	[tilespmem:$0x2D80] =	vst v0  }
0x33: {  	v0 =	vld [tilespmem:s22+$0x90];
	_ =	sdelay $0x4  }
0x34: {  	v1 =	vshrl.u32 v0, $0xE  }
0x35: {  	v0 =	vand.u32 $0x3FFF, v0;
	[tilespmem:$0x2D10] =	vst v1  }
0x36: {  	[tilespmem:$0x2D90] =	vst v0  }
0x37: {  	v0 =	vld [tilespmem:s22+$0xA0];
	_ =	sdelay $0x4  }
0x38: {  	v1 =	vshrl.u32 v0, $0xE  }
0x39: {  	v0 =	vand.u32 $0x3FFF, v0;
	[tilespmem:$0x2D20] =	vst v1  }
0x3a: {  	[tilespmem:$0x2DA0] =	vst v0  }
0x3b: {  	v0 =	vld [tilespmem:s22+$0xB0];
	_ =	sdelay $0x4  }
0x3c: {  	v1 =	vshrl.u32 v0, $0xE  }
0x3d: {  	v0 =	vand.u32 $0x3FFF, v0;
	[tilespmem:$0x2D30] =	vst v1  }
0x3e: {  	[tilespmem:$0x2DB0] =	vst v0  }
0x3f: {  	v0 =	vld [tilespmem:s22+$0xC0];
	_ =	sdelay $0x4  }
0x40: {  	v1 =	vshrl.u32 v0, $0xE  }
0x41: {  	v0 =	vand.u32 $0x3FFF, v0;
	[tilespmem:$0x2D40] =	vst v1  }
0x42: {  	[tilespmem:$0x2DC0] =	vst v0  }
0x43: {  	v0 =	vld [tilespmem:s22+$0xD0];
	_ =	sdelay $0x4  }
0x44: {  	v1 =	vshrl.u32 v0, $0xE  }
0x45: {  	v0 =	vand.u32 $0x3FFF, v0;
	[tilespmem:$0x2D50] =	vst v1  }
0x46: {  	[tilespmem:$0x2DD0] =	vst v0  }
0x47: {  	v0 =	vld [tilespmem:s22+$0xE0];
	_ =	sdelay $0x4  }
0x48: {  	v1 =	vshrl.u32 v0, $0xE  }
0x49: {  	v0 =	vand.u32 $0x3FFF, v0;
	[tilespmem:$0x2D60] =	vst v1  }
0x4a: {  	[tilespmem:$0x2DE0] =	vst v0  }
0x4b: {  	v0 =	vld [tilespmem:s22+$0xF0];
	_ =	sdelay $0x4  }
0x4c: {  	v1 =	vshrl.u32 v0, $0xE  }
0x4d: {  	v0 =	vand.u32 $0x3FFF, v0;
	[tilespmem:$0x2D70] =	vst v1  }
0x4e: {  	[tilespmem:$0x2DF0] =	vst v0  }
0x4f: {  	[tilespmem:s16], [sflag:$0x2] =	stream.indirect.gather [hbm4b:s1+s12], $0x80, s15, s12, $0xb8;
	[tilespmem:$0x1EA00] =	vst v63  }
0x50: {  	_ =	swait.ge [sflag:s17], $0x4000  }
0x51: {  	[sflag:s17] =	ssyncset.done $0x0  }
0x52: {  	[sflag:s17] =	ssyncadd.s32 $0xFFFFC000  }
0x53: {  	[spmem:s3] =	stream.indirect.scatter.add.f32 [tilespmem:s14], [sflag:$0x3], $0x80, s18, s12, $0xb8;
	[tilespmem:$0x1EA00] =	vst v63  }
0x54: {  	_ =	swait.ge [sflag:s11], $0x4000  }
0x55: {  	[sflag:s11] =	ssyncset.done $0x0  }
0x56: {  	[sflag:s11] =	ssyncadd.s32 $0xFFFFC000  }
0x57: {  	v0 =	vld [tilespmem:s22+$0x100];
	_ =	sdelay $0x4  }
0x58: {  	v1 =	vshrl.u32 v0, $0xE  }
0x59: {  	v0 =	vand.u32 $0x3FFF, v0;
	[tilespmem:$0x2C00] =	vst v1  }
0x5a: {  	[tilespmem:$0x2C80] =	vst v0  }
0x5b: {  	v0 =	vld [tilespmem:s22+$0x110];
	_ =	sdelay $0x4  }
0x5c: {  	v1 =	vshrl.u32 v0, $0xE  }
0x5d: {  	v0 =	vand.u32 $0x3FFF, v0;
	[tilespmem:$0x2C10] =	vst v1  }
0x5e: {  	[tilespmem:$0x2C90] =	vst v0  }
0x5f: {  	v0 =	vld [tilespmem:s22+$0x120];
	_ =	sdelay $0x4  }
0x60: {  	v1 =	vshrl.u32 v0, $0xE  }
0x61: {  	v0 =	vand.u32 $0x3FFF, v0;
	[tilespmem:$0x2C20] =	vst v1  }
0x62: {  	[tilespmem:$0x2CA0] =	vst v0  }
0x63: {  	v0 =	vld [tilespmem:s22+$0x130];
	_ =	sdelay $0x4  }
0x64: {  	v1 =	vshrl.u32 v0, $0xE  }
0x65: {  	v0 =	vand.u32 $0x3FFF, v0;
	[tilespmem:$0x2C30] =	vst v1  }
0x66: {  	[tilespmem:$0x2CB0] =	vst v0  }
0x67: {  	v0 =	vld [tilespmem:s22+$0x140];
	_ =	sdelay $0x4  }
0x68: {  	v1 =	vshrl.u32 v0, $0xE  }
0x69: {  	v0 =	vand.u32 $0x3FFF, v0;
	[tilespmem:$0x2C40] =	vst v1  }
0x6a: {  	[tilespmem:$0x2CC0] =	vst v0  }
0x6b: {  	v0 =	vld [tilespmem:s22+$0x150];
	_ =	sdelay $0x4  }
0x6c: {  	v1 =	vshrl.u32 v0, $0xE  }
0x6d: {  	v0 =	vand.u32 $0x3FFF, v0;
	[tilespmem:$0x2C50] =	vst v1  }
0x6e: {  	[tilespmem:$0x2CD0] =	vst v0  }
0x6f: {  	v0 =	vld [tilespmem:s22+$0x160];
	_ =	sdelay $0x4  }
0x70: {  	v1 =	vshrl.u32 v0, $0xE  }
0x71: {  	s23 =	simm.s32 $0x400;
	v0 =	vand.u32 $0x3FFF, v0;
	[tilespmem:$0x2C60] =	vst v1  }
.LBB2_2:
0x72: {  	p0 =	sne.s32 s23, $0x9C00;
	[tilespmem:$0x2CE0] =	vst v0;
	s24 =	smov.u32 s23;
	s23 =	sadd.s32 $0x400, s23  }
0x73: {  	v0 =	vld [tilespmem:s22+$0x170];
	_ =	sdelay $0x4  }
0x74: {  	v1 =	vshrl.u32 v0, $0xE;
	v0 =	vand.u32 $0x3FFF, v0  }
0x75: {  	[tilespmem:$0x2C70] =	vst v1  }
0x76: {  	[tilespmem:$0x2CF0] =	vst v0  }
0x77: {  	[tilespmem:s14], [sflag:$0x1] =	stream.indirect.gather [hbm4b:s1+s12], $0x80, s13, s12, $0xb8;
	[tilespmem:$0x1EA00] =	vst v63  }
0x78: {  	_ =	swait.ge [sflag:s19], $0x4000  }
0x79: {  	[sflag:s19] =	ssyncset.done $0x0  }
0x7a: {  	[sflag:s19] =	ssyncadd.s32 $0xFFFFC000  }
0x7b: {  	[spmem:s3] =	stream.indirect.scatter.add.f32 [tilespmem:s16], [sflag:$0x3], $0x80, s20, s12, $0xb8;
	[tilespmem:$0x1EA00] =	vst v63  }
0x7c: {  	_ =	swait.ge [sflag:s11], $0x4000  }
0x7d: {  	[sflag:s11] =	ssyncset.done $0x0  }
0x7e: {  	s22 =	sshra.s32 s24, $0x2;
	[sflag:s11] =	ssyncadd.s32 $0xFFFFC000  }
0x7f: {  	v0 =	vld [tilespmem:s22+$0x80];
	_ =	sdelay $0x4  }
0x80: {  	v1 =	vshrl.u32 v0, $0xE;
	v0 =	vand.u32 $0x3FFF, v0  }
0x81: {  	[tilespmem:$0x2D00] =	vst v1  }
0x82: {  	[tilespmem:$0x2D80] =	vst v0  }
0x83: {  	v0 =	vld [tilespmem:s22+$0x90];
	_ =	sdelay $0x4  }
0x84: {  	v1 =	vshrl.u32 v0, $0xE;
	v0 =	vand.u32 $0x3FFF, v0  }
0x85: {  	[tilespmem:$0x2D10] =	vst v1  }
0x86: {  	[tilespmem:$0x2D90] =	vst v0  }
0x87: {  	v0 =	vld [tilespmem:s22+$0xA0];
	_ =	sdelay $0x4  }
0x88: {  	v1 =	vshrl.u32 v0, $0xE;
	v0 =	vand.u32 $0x3FFF, v0  }
0x89: {  	[tilespmem:$0x2D20] =	vst v1  }
0x8a: {  	[tilespmem:$0x2DA0] =	vst v0  }
0x8b: {  	v0 =	vld [tilespmem:s22+$0xB0];
	_ =	sdelay $0x4  }
0x8c: {  	v1 =	vshrl.u32 v0, $0xE;
	v0 =	vand.u32 $0x3FFF, v0  }
0x8d: {  	[tilespmem:$0x2D30] =	vst v1  }
0x8e: {  	[tilespmem:$0x2DB0] =	vst v0  }
0x8f: {  	v0 =	vld [tilespmem:s22+$0xC0];
	_ =	sdelay $0x4  }
0x90: {  	v1 =	vshrl.u32 v0, $0xE;
	v0 =	vand.u32 $0x3FFF, v0  }
0x91: {  	[tilespmem:$0x2D40] =	vst v1  }
0x92: {  	[tilespmem:$0x2DC0] =	vst v0  }
0x93: {  	v0 =	vld [tilespmem:s22+$0xD0];
	_ =	sdelay $0x4  }
0x94: {  	v1 =	vshrl.u32 v0, $0xE;
	v0 =	vand.u32 $0x3FFF, v0  }
0x95: {  	[tilespmem:$0x2D50] =	vst v1  }
0x96: {  	[tilespmem:$0x2DD0] =	vst v0  }
0x97: {  	v0 =	vld [tilespmem:s22+$0xE0];
	_ =	sdelay $0x4  }
0x98: {  	v1 =	vshrl.u32 v0, $0xE;
	v0 =	vand.u32 $0x3FFF, v0  }
0x99: {  	[tilespmem:$0x2D60] =	vst v1  }
0x9a: {  	[tilespmem:$0x2DE0] =	vst v0  }
0x9b: {  	v0 =	vld [tilespmem:s22+$0xF0];
	_ =	sdelay $0x4  }
0x9c: {  	v1 =	vshrl.u32 v0, $0xE;
	v0 =	vand.u32 $0x3FFF, v0  }
0x9d: {  	[tilespmem:$0x2D70] =	vst v1  }
0x9e: {  	[tilespmem:$0x2DF0] =	vst v0  }
0x9f: {  	[tilespmem:s16], [sflag:$0x2] =	stream.indirect.gather [hbm4b:s1+s12], $0x80, s15, s12, $0xb8;
	[tilespmem:$0x1EA00] =	vst v63  }
0xa0: {  	_ =	swait.ge [sflag:s17], $0x4000  }
0xa1: {  	[sflag:s17] =	ssyncset.done $0x0  }
0xa2: {  	[sflag:s17] =	ssyncadd.s32 $0xFFFFC000  }
0xa3: {  	[spmem:s3] =	stream.indirect.scatter.add.f32 [tilespmem:s14], [sflag:$0x3], $0x80, s18, s12, $0xb8;
	[tilespmem:$0x1EA00] =	vst v63  }
0xa4: {  	_ =	swait.ge [sflag:s11], $0x4000  }
0xa5: {  	[sflag:s11] =	ssyncset.done $0x0  }
0xa6: {  	[sflag:s11] =	ssyncadd.s32 $0xFFFFC000  }
0xa7: {  	v0 =	vld [tilespmem:s22+$0x100];
	_ =	sdelay $0x4  }
0xa8: {  	v1 =	vshrl.u32 v0, $0xE;
	v0 =	vand.u32 $0x3FFF, v0  }
0xa9: {  	[tilespmem:$0x2C00] =	vst v1  }
0xaa: {  	[tilespmem:$0x2C80] =	vst v0  }
0xab: {  	v0 =	vld [tilespmem:s22+$0x110];
	_ =	sdelay $0x4  }
0xac: {  	v1 =	vshrl.u32 v0, $0xE;
	v0 =	vand.u32 $0x3FFF, v0  }
0xad: {  	[tilespmem:$0x2C10] =	vst v1  }
0xae: {  	[tilespmem:$0x2C90] =	vst v0  }
0xaf: {  	v0 =	vld [tilespmem:s22+$0x120];
	_ =	sdelay $0x4  }
0xb0: {  	v1 =	vshrl.u32 v0, $0xE;
	v0 =	vand.u32 $0x3FFF, v0  }
0xb1: {  	[tilespmem:$0x2C20] =	vst v1  }
0xb2: {  	[tilespmem:$0x2CA0] =	vst v0  }
0xb3: {  	v0 =	vld [tilespmem:s22+$0x130];
	_ =	sdelay $0x4  }
0xb4: {  	v1 =	vshrl.u32 v0, $0xE;
	v0 =	vand.u32 $0x3FFF, v0  }
0xb5: {  	[tilespmem:$0x2C30] =	vst v1  }
0xb6: {  	[tilespmem:$0x2CB0] =	vst v0  }
0xb7: {  	v0 =	vld [tilespmem:s22+$0x140];
	_ =	sdelay $0x4  }
0xb8: {  	v1 =	vshrl.u32 v0, $0xE;
	v0 =	vand.u32 $0x3FFF, v0  }
0xb9: {  	[tilespmem:$0x2C40] =	vst v1  }
0xba: {  	[tilespmem:$0x2CC0] =	vst v0  }
0xbb: {  	v0 =	vld [tilespmem:s22+$0x150];
	_ =	sdelay $0x4  }
0xbc: {  	v1 =	vshrl.u32 v0, $0xE;
	v0 =	vand.u32 $0x3FFF, v0  }
0xbd: {  	[tilespmem:$0x2C50] =	vst v1  }
0xbe: {  	[tilespmem:$0x2CD0] =	vst v0  }
0xbf: {  	v0 =	vld [tilespmem:s22+$0x160];
	_ =	sdelay $0x1  }
.Ltmp0:
0xc0: {  	(pc) =	sbr.rel @p0 .LBB2_2-.Ltmp0, $3  }
0xc1: {  	_ =	sdelay $0x1  }
0xc2: {  	v1 =	vshrl.u32 v0, $0xE;
	v0 =	vand.u32 $0x3FFF, v0  }
0xc3: {  	[tilespmem:$0x2C60] =	vst v1  }
0xc4: {  	[tilespmem:$0x2CE0] =	vst v0  }
0xc5: {  	v0 =	vld [tilespmem:s22+$0x170];
	_ =	sdelay $0x4  }
0xc6: {  	v1 =	vshrl.u32 v0, $0xE  }
0xc7: {  	v0 =	vand.u32 $0x3FFF, v0;
	[tilespmem:$0x2C70] =	vst v1  }
0xc8: {  	[tilespmem:$0x2CF0] =	vst v0  }
0xc9: {  	[tilespmem:s14], [sflag:$0x1] =	stream.indirect.gather [hbm4b:s1+s12], $0x80, s13, s12, $0xb8;
	[tilespmem:$0x1EA00] =	vst v63  }
0xca: {  	_ =	swait.ge [sflag:s19], $0x4000  }
0xcb: {  	[sflag:s19] =	ssyncset.done $0x0  }
0xcc: {  	[sflag:s19] =	ssyncadd.s32 $0xFFFFC000  }
0xcd: {  	[spmem:s3] =	stream.indirect.scatter.add.f32 [tilespmem:s16], [sflag:$0x3], $0x80, s20, s12, $0xb8;
	[tilespmem:$0x1EA00] =	vst v63  }
0xce: {  	_ =	swait.ge [sflag:s11], $0x4000  }
0xcf: {  	[sflag:s11] =	ssyncset.done $0x0  }
0xd0: {  	[sflag:s11] =	ssyncadd.s32 $0xFFFFC000  }
0xd1: {  	_ =	swait.ge [sflag:s17], $0x4000  }
0xd2: {  	s21 =	sadd.s32 $0x1, s21;
	[sflag:s17] =	ssyncset.done $0x0  }
0xd3: {  	p0 =	sne.s32 s21, s9;
	[sflag:s17] =	ssyncadd.s32 $0xFFFFC000  }
.Ltmp1:
0xd4: {  	[bflag:$0x0] =	sbarrier.arrive $0xFFFF;
	(pc) =	sbr.rel @p0 .LBB2_1-.Ltmp1, $4  }
0xd5: {  	[hbm:s8], [sflag:s6] =	dma.local [spmem:s10], $0x2780  }
0xd6: {  	_ =	swait.ge [sflag:s11], $0x2780  }
0xd7: {  	[sflag:s11] =	ssyncset.done $0x0  }
0xd8: {  	[sflag:s11] =	ssyncadd.s32 $0xFFFFD880  }
0xd9: {  	_ =	sfence.sel $0x180000  }
0xda: {  	[bflag:$0x0] =	sbarrier.arrive $0xFFFF  }
0xdb: {  	p0 =	sne.s32 s0, $0x0;
	_ =	strace $0x90000053  }
0xdc: {  	s0 =	sadd.s32 @!p0 $0x100000, s2;
	[bflag:$0x2] =	sbarrier.arrive $0xFFFF  }
0xdd: {  	[sflag:s0] =	ssyncadd.tile.s32 @!p0 $0x1;
	_ =	shalt  }
.Lfunc_end2:
_tile_overlayer_lowered:
.L_overlay_start_2:
0xde: {  	(tag) =	ssettag $0x2  }
0xdf: {  	s0 =	rddreg [dreg:$0x0];
	s2 =	stileid.u32  }
0xe0: {  	s1 =	rddreg [dreg:$0x1];
	p0 =	sne.s32 s2, $0x0  }
0xe1: {  	s3 =	rddreg [dreg:$0x2];
	[bflag:$0x3] =	sbarrier.arrive $0xFFFF;
	s2 =	simm.s32 @!p0 $0x1C03  }
0xe2: {  	[timem:s3], [sflag:s2] =	dma.local @!p0 [hbm:s0], s1  }
0xe3: {  	s0 =	simm.s32 @!p0 $0x3  }
0xe4: {  	_ =	swait.ge @!p0 [sflag:s0], s1  }
0xe5: {  	s1 =	ssub.s32 @!p0 $0x0, s1;
	[sflag:s0] =	ssyncset.done @!p0 $0x0  }
0xe6: {  	[sflag:s0] =	ssyncadd.s32 @!p0 s1  }
0xe7: {  	[bflag:$0x3] =	sbarrier.arrive $0xFFFF  }
0xe8: {  	_ =	shalt  }

</sc_bundles>
